<compile_context>
chip_gen: v7x
topology: tpu7x:2x2x1
jax: 0.10.2.dev20260603
libtpu: 0.0.44.dev20260713+nightly
codegen_flags: <defaults>
</compile_context>

<pallas_src>
import functools
import math

import jax
import jax.numpy as jnp
from jax import lax
from jax.experimental import pallas as pl
from jax.experimental.pallas import tpu as pltpu
from jax.experimental.pallas import tpu_sc as plsc

N_TOK = [6, 143, 46, 130, 13, 33]
NTOT = sum(N_TOK)
NPAD = 384
OFFS = [0]
for _n in N_TOK[:-1]:
    OFFS.append(OFFS[-1] + _n)

B, S, D, H = 4, 2048, 512, 8
DH = D // H
FF = 2048
NF = 6
NFP = 8

BLK = 256
BQ = 256
BK = 256

_SC = 2
_SS = 16


def _sc_compact_body(hard_hbm, tok_hbm, ctok_hbm, lens_hbm,
                     hard_v, tok_v, out_v, lens_v):
    wid = lax.axis_index("s") * _SC + lax.axis_index("c")

    SP = S + 16

    @pl.when(wid < B)
    def _():
        pltpu.sync_copy(hard_hbm.at[wid], hard_v)
        pltpu.sync_copy(tok_hbm.at[wid], tok_v)

        def zero(j, c):
            out_v[pl.ds(j * 16, 16)] = jnp.zeros((16,), jnp.int32)
            return c
        lax.fori_loop(0, NF * SP // 16, zero, 0)

        one16 = jnp.full((16,), 1, jnp.int32)
        zero16 = jnp.full((16,), 0, jnp.int32)
        half16 = jnp.full((16,), 0.5, jnp.float32)

        def chunk(i, ptr):
            h16 = hard_v[pl.ds(i * 16, 16)]
            m = h16 > half16
            cum = plsc.cumsum(jnp.where(m, one16, zero16))
            dst = ptr + cum - 1
            for f in range(NF):
                t16 = tok_v[pl.ds(f * S + i * 16, 16)]
                plsc.store_scatter(out_v, [dst + f * SP], t16, mask=m)
            return ptr + jnp.sum(jnp.where(m, one16, zero16))
        ln = lax.fori_loop(0, S // 16, chunk, jnp.int32(0))

        lens_v[...] = jnp.full((16,), ln, jnp.int32)
        for f in range(NF):
            pltpu.sync_copy(out_v.at[pl.ds(f * SP, S)], ctok_hbm.at[wid, f])
        pltpu.sync_copy(lens_v, lens_hbm.at[wid])


def _sc_compact(hard, tokT):
    mesh = plsc.VectorSubcoreMesh(core_axis_name="c", subcore_axis_name="s")
    f = pl.kernel(
        _sc_compact_body,
        out_type=(
            jax.ShapeDtypeStruct((B, NFP, S), jnp.int32),
            jax.ShapeDtypeStruct((B, 16), jnp.int32),
        ),
        mesh=mesh,
        compiler_params=pltpu.CompilerParams(
            use_tc_tiling_on_sc=False, needs_layout_passes=False),
        scratch_types=[
            pltpu.VMEM((S,), jnp.float32),
            pltpu.VMEM((NF * S,), jnp.int32),
            pltpu.VMEM((NF * (S + 16),), jnp.int32),
            pltpu.VMEM((16,), jnp.int32),
        ],
    )
    return f(hard, tokT)


def _k1_body(lens_ref, ctok_ref, emb_ref, pos_ref, g_ref, bt_ref,
             wq_ref, wk_ref, wv_ref, x_ref, q_ref, k_ref, v_ref):
    b = pl.program_id(0)
    i = pl.program_id(1)
    lens_b = lens_ref[b, 0]

    rowc = lax.broadcasted_iota(jnp.int32, (NPAD, BLK), 0)
    ohT = jnp.zeros((NPAD, BLK), jnp.float32)
    for f in range(NF):
        tf = ctok_ref[0, f:f + 1, :] + OFFS[f]
        ohT = ohT + (rowc == tf).astype(jnp.float32)
    x = lax.dot_general(ohT, emb_ref[...], (((0,), (0,)), ((), ())),
                        preferred_element_type=jnp.float32)

    rows = lax.broadcasted_iota(jnp.int32, (BLK, 1), 0) + i * BLK
    rmask = (rows < lens_b).astype(jnp.float32)
    x = (x + pos_ref[...]) * rmask
    x_ref[0] = x

    mu = jnp.mean(x, axis=1, keepdims=True)
    xc = x - mu
    var = jnp.mean(xc * xc, axis=1, keepdims=True)
    h = xc / jnp.sqrt(var + 1e-5) * g_ref[...] + bt_ref[...]
    q_ref[0] = (jnp.dot(h, wq_ref[...], preferred_element_type=jnp.float32)
                * (1.0 / math.sqrt(DH))).astype(jnp.bfloat16)
    k_ref[0] = jnp.dot(h, wk_ref[...],
                       preferred_element_type=jnp.float32).astype(jnp.bfloat16)
    v_ref[0] = jnp.dot(h, wv_ref[...],
                       preferred_element_type=jnp.float32).astype(jnp.bfloat16)


def _k1(lens2d, ctok, embcat, pos, g, bt, wq, wk, wv):
    full = lambda shape: pl.BlockSpec(shape, lambda b, i: tuple(0 for _ in shape))
    outf = jax.ShapeDtypeStruct((B, S, D), jnp.float32)
    outb = jax.ShapeDtypeStruct((B, S, D), jnp.bfloat16)
    return pl.pallas_call(
        _k1_body,
        grid=(B, S // BLK),
        in_specs=[
            pl.BlockSpec(memory_space=pltpu.SMEM),
            pl.BlockSpec((1, NFP, BLK), lambda b, i: (b, 0, i)),
            full((NPAD, D)),
            pl.BlockSpec((BLK, D), lambda b, i: (i, 0)),
            full((1, D)), full((1, D)),
            full((D, D)), full((D, D)), full((D, D)),
        ],
        out_specs=[pl.BlockSpec((1, BLK, D), lambda b, i: (b, i, 0))] * 4,
        out_shape=[outf, outb, outb, outb],
    )(lens2d, ctok, embcat, pos, g, bt, wq, wk, wv)


def _k2_body(lens_ref, q_ref, k_ref, v_ref, o_ref, acc_ref, l_ref):
    b = pl.program_id(0)
    lens_b = lens_ref[b, 0]
    acc_ref[...] = jnp.zeros((8, BQ, DH), jnp.float32)
    l_ref[...] = jnp.zeros((8, BQ, 128), jnp.float32)

    for j in range(S // BK):
        @pl.when(j * BK < lens_b)
        def _(j=j):
            kidx = j * BK + lax.broadcasted_iota(jnp.int32, (1, BK), 1)
            vmask = kidx < lens_b
            for h in range(8):
                q = q_ref[0, h]
                kc = k_ref[0, h, :, j * BK:(j + 1) * BK]
                s = jnp.dot(q, kc, preferred_element_type=jnp.float32)
                p = jnp.where(vmask, jnp.exp(s), 0.0)
                vc = v_ref[0, h, j * BK:(j + 1) * BK, :]
                acc_ref[h] += jnp.dot(p.astype(jnp.bfloat16), vc,
                                      preferred_element_type=jnp.float32)
                l_ref[h, :, 0:1] += jnp.sum(p, axis=1, keepdims=True)

    for h in range(8):
        o_ref[0, h] = acc_ref[h] / jnp.maximum(l_ref[h, :, 0:1], 1e-30)


def _k2(lens2d, q4, k4, v4):
    return pl.pallas_call(
        _k2_body,
        grid=(B, H // 8, S // BQ),
        in_specs=[
            pl.BlockSpec(memory_space=pltpu.SMEM),
            pl.BlockSpec((1, 8, BQ, DH), lambda b, g, qi: (b, g, qi, 0)),
            pl.BlockSpec((1, 8, DH, S), lambda b, g, qi: (b, g, 0, 0)),
            pl.BlockSpec((1, 8, S, DH), lambda b, g, qi: (b, g, 0, 0)),
        ],
        out_specs=pl.BlockSpec((1, 8, BQ, DH), lambda b, g, qi: (b, g, qi, 0)),
        out_shape=jax.ShapeDtypeStruct((B, H, S, DH), jnp.float32),
        scratch_shapes=[pltpu.VMEM((8, BQ, DH), jnp.float32),
                        pltpu.VMEM((8, BQ, 128), jnp.float32)],
    )(lens2d, q4, k4, v4)


def _k3_body(x_ref, o_ref, wo_ref, g2_ref, b2g_ref, w1_ref, b1_ref,
             w2_ref, b2_ref, gf_ref, bf_ref, wl_ref, bl_ref, out_ref):
    def ln(t, g, bt):
        mu = jnp.mean(t, axis=1, keepdims=True)
        tc = t - mu
        var = jnp.mean(tc * tc, axis=1, keepdims=True)
        return tc / jnp.sqrt(var + 1e-5) * g + bt

    xo = x_ref[0] + jnp.dot(o_ref[0], wo_ref[...],
                            preferred_element_type=jnp.float32)
    h2 = ln(xo, g2_ref[...], b2g_ref[...])
    ff = jnp.maximum(jnp.dot(h2, w1_ref[...],
                             preferred_element_type=jnp.float32) + b1_ref[...], 0.0)
    x3 = xo + jnp.dot(ff, w2_ref[...],
                      preferred_element_type=jnp.float32) + b2_ref[...]
    xf = ln(x3, gf_ref[...], bf_ref[...])
    out_ref[0] = jnp.dot(xf, wl_ref[...],
                         preferred_element_type=jnp.float32) + bl_ref[...]


def _k3(x, o, wo, g2, b2g, w1, b1, w2, b2, gf, bf, wlc, blc):
    full = lambda shape: pl.BlockSpec(shape, lambda b, i: tuple(0 for _ in shape))
    return pl.pallas_call(
        _k3_body,
        grid=(B, S // BLK),
        in_specs=[
            pl.BlockSpec((1, BLK, D), lambda b, i: (b, i, 0)),
            pl.BlockSpec((1, BLK, D), lambda b, i: (b, i, 0)),
            full((D, D)), full((1, D)), full((1, D)),
            full((D, FF)), full((1, FF)),
            full((FF, D)), full((1, D)),
            full((1, D)), full((1, D)),
            full((D, NPAD)), full((1, NPAD)),
        ],
        out_specs=pl.BlockSpec((1, BLK, NPAD), lambda b, i: (b, i, 0)),
        out_shape=jax.ShapeDtypeStruct((B, S, NPAD), jnp.float32),
    )(x, o, wo, g2, b2g, w1, b1, w2, b2, gf, bf, wlc, blc)


def kernel(tokens, hard, params):
    tokT = tokens.astype(jnp.int32).transpose(0, 2, 1).reshape(B, NF * S)
    ctok, lens2d = _sc_compact(hard, tokT)

    embcat = jnp.concatenate(params['emb'], axis=0)
    embcat = jnp.pad(embcat, ((0, NPAD - NTOT), (0, 0)))
    wlc = jnp.concatenate(params['Wl'], axis=1)
    wlc = jnp.pad(wlc, ((0, 0), (0, NPAD - NTOT)))
    blc = jnp.concatenate(params['bl'], axis=0)
    blc = jnp.pad(blc, (0, NPAD - NTOT)).reshape(1, NPAD)
    row = lambda p: params[p].reshape(1, -1)

    x, q, k, v = _k1(lens2d, ctok, embcat, params['pos'],
                     row('ln1_g'), row('ln1_b'),
                     params['Wq'], params['Wk'], params['Wv'])

    to4 = lambda t: t.reshape(B, S, H, DH).transpose(0, 2, 1, 3)
    kT = k.reshape(B, S, H, DH).transpose(0, 2, 3, 1)
    o4 = _k2(lens2d, to4(q), kT, to4(v))
    o = o4.transpose(0, 2, 1, 3).reshape(B, S, D)

    logits = _k3(x, o, params['Wo'], row('ln2_g'), row('ln2_b'),
                 params['W1'], row('b1'), params['W2'], row('b2'),
                 row('lnf_g'), row('lnf_b'), wlc, blc)

    return tuple(logits[:, :, OFFS[f]:OFFS[f] + N_TOK[f]] for f in range(NF))

# --- scband reference (transcript-rebuilt; emitter-appended) ---
"""Pipeline reference for scband-music-xlead-ae-4002909520704 (READ-ONLY COPY).

The authoritative reference and input builder live on the scoring server;
editing this copy changes nothing except your own understanding.
"""

import jax, jax.numpy as jnp
import numpy as np

N_TOKENS = [6, 143, 46, 130, 13, 33]
B, S, D, H = 4, 2048, 512, 8
DH = D // H
FF = 2048


def layer_norm(x, g, b):
    m = jnp.mean(x, axis=-1, keepdims=True)
    v = jnp.var(x, axis=-1, keepdims=True)
    return (x - m) / jnp.sqrt(v + 1e-5) * g + b


def setup_inputs(seed: int = 0):
    key = jax.random.key(seed)
    ks = jax.random.split(key, 32)
    tokens = jax.random.randint(ks[0], (B, S, 6), 0, 6)
    hard = jax.random.uniform(ks[1], (B, S), dtype=jnp.float32)
    params = {
        'emb': [0.02 * jax.random.normal(ks[2 + i], (n, D), dtype=jnp.float32) for i, n in enumerate(N_TOKENS)],
        'pos': 0.02 * jax.random.normal(ks[8], (S, D), dtype=jnp.float32),
        'ln1_g': jnp.ones((D,), jnp.float32), 'ln1_b': jnp.zeros((D,), jnp.float32),
        'Wq': 0.02 * jax.random.normal(ks[9], (D, D), dtype=jnp.float32),
        'Wk': 0.02 * jax.random.normal(ks[10], (D, D), dtype=jnp.float32),
        'Wv': 0.02 * jax.random.normal(ks[11], (D, D), dtype=jnp.float32),
        'Wo': 0.02 * jax.random.normal(ks[12], (D, D), dtype=jnp.float32),
        'ln2_g': jnp.ones((D,), jnp.float32), 'ln2_b': jnp.zeros((D,), jnp.float32),
        'W1': 0.02 * jax.random.normal(ks[13], (D, FF), dtype=jnp.float32),
        'b1': jnp.zeros((FF,), jnp.float32),
        'W2': 0.02 * jax.random.normal(ks[14], (FF, D), dtype=jnp.float32),
        'b2': jnp.zeros((D,), jnp.float32),
        'lnf_g': jnp.ones((D,), jnp.float32), 'lnf_b': jnp.zeros((D,), jnp.float32),
        'Wl': [0.02 * jax.random.normal(ks[15 + i], (D, n), dtype=jnp.float32) for i, n in enumerate(N_TOKENS)],
        'bl': [jnp.zeros((n,), jnp.float32) for n in N_TOKENS],
    }
    return {'tokens': tokens, 'hard': hard, 'params': params}


def reference(tokens, hard, params):
    # diff_mask_src: ragged compaction of kept tokens to the front of each row
    hb = hard > 0.5
    order = jnp.argsort(jnp.logical_not(hb).astype(jnp.int32), axis=1)
    tok = jnp.take_along_axis(tokens, order[:, :, None], axis=1)
    lens = jnp.sum(hb.astype(jnp.int32), axis=1)
    mask = jnp.arange(S)[None, :] < lens[:, None]
    # MusicTransformerWrapper: sum of per-field token embeddings + abs pos emb
    x = sum(jnp.take(params['emb'][i], tok[..., i], axis=0) for i in range(6))
    x = x + params['pos'][None, :, :]
    x = x * mask[:, :, None].astype(x.dtype)
    # attn_layers (one pre-norm transformer encoder block, key-masked)
    h = layer_norm(x, params['ln1_g'], params['ln1_b'])
    q = (h @ params['Wq']).reshape(B, S, H, DH).transpose(0, 2, 1, 3)
    k = (h @ params['Wk']).reshape(B, S, H, DH).transpose(0, 2, 1, 3)
    v = (h @ params['Wv']).reshape(B, S, H, DH).transpose(0, 2, 1, 3)
    att = jnp.einsum('bhqd,bhkd->bhqk', q, k) / np.sqrt(DH)
    att = jnp.where(mask[:, None, None, :], att, -1e9)
    att = jax.nn.softmax(att, axis=-1)
    o = jnp.einsum('bhqk,bhkd->bhqd', att, v).transpose(0, 2, 1, 3).reshape(B, S, D)
    x = x + o @ params['Wo']
    h2 = layer_norm(x, params['ln2_g'], params['ln2_b'])
    x = x + jax.nn.relu(h2 @ params['W1'] + params['b1']) @ params['W2'] + params['b2']
    x = layer_norm(x, params['lnf_g'], params['lnf_b'])
    # to_logits: per-field output heads
    return tuple(x @ params['Wl'][i] + params['bl'][i] for i in range(6))

if __name__ == "__main__":
    import jax
    _d = setup_inputs()
    print(jax.jit(kernel)(*tuple(_d.values())))

</pallas_src>

<mosaic_0001>
#map = affine_map<(d0, d1) -> (0, 0)>
#map1 = affine_map<(d0, d1) -> (0, 0, 0)>
module attributes {stable_mosaic.version = 14 : i64} {
  func.func @_sc_compact_body(%arg0: i32, %arg1: i32, %arg2: memref<4x2048xf32, #tpu.memory_space<hbm>>, %arg3: memref<4x12288xi32, #tpu.memory_space<hbm>>, %arg4: memref<4x8x2048xi32, #tpu.memory_space<hbm>>, %arg5: memref<4x16xi32, #tpu.memory_space<hbm>>, %arg6: memref<2048xf32, #tpu.memory_space<vmem>>, %arg7: memref<12288xi32, #tpu.memory_space<vmem>>, %arg8: memref<12384xi32, #tpu.memory_space<vmem>>, %arg9: memref<16xi32, #tpu.memory_space<vmem>>) attributes {dimension_semantics = [#tpu.dimension_semantics<core_parallel>, #tpu.dimension_semantics<subcore_parallel>], iteration_bounds = array<i64: 2, 16>, scalar_prefetch = 0 : i64, scratch_operands = 4 : i64, tpu.core_type = #tpu.core_type<sc_vector_subcore>, window_params = [{transform_indices = #map}, {transform_indices = #map}, {transform_indices = #map1}, {transform_indices = #map}]} {
    %mul3A = arith.constant 2 : i32
    %mul3A_0 = arith.muli %arg1, %mul3A : i32
    %add3A = arith.addi %mul3A_0, %arg0 : i32
    %lt3A = arith.constant 4 : i32
    %lt3A_1 = arith.cmpi slt, %add3A, %lt3A : i32
    %convert_element_type3A = arith.extui %lt3A_1 : i1 to i32
    %cond3A = arith.constant 0 : i32
    %cond3A_2 = arith.cmpi ne, %convert_element_type3A, %cond3A : i32
    scf.if %cond3A_2 {
      "tpu.region"() ({
        %run_scoped3A_27 = tpu.sem_alloc : memref<!tpu.dma_semaphore, #tpu.memory_space<semaphore_mem>>
        %dma_start3A = arith.constant 0 : i32
        %dma_start3A_28 = tpu.memref_slice %arg2[%add3A, %dma_start3A] : memref<4x2048xf32, #tpu.memory_space<hbm>> -> memref<1x2048xf32, #tpu.memory_space<hbm>>
        %dma_start3A_29 = tpu.memref_squeeze %dma_start3A_28 : memref<1x2048xf32, #tpu.memory_space<hbm>> -> memref<2048xf32, #tpu.memory_space<hbm>>
        %dma_start3A_30 = arith.constant 0 : i32
        %dma_start3A_31 = tpu.memref_slice %arg2[%add3A, %dma_start3A_30] : memref<4x2048xf32, #tpu.memory_space<hbm>> -> memref<1x2048xf32, #tpu.memory_space<hbm>>
        %dma_start3A_32 = tpu.memref_squeeze %dma_start3A_31 : memref<1x2048xf32, #tpu.memory_space<hbm>> -> memref<2048xf32, #tpu.memory_space<hbm>>
        tpu.enqueue_dma source(%dma_start3A_32 : memref<2048xf32, #tpu.memory_space<hbm>>) target(%arg6 : memref<2048xf32, #tpu.memory_space<vmem>>) target_semaphore(%run_scoped3A_27 : memref<!tpu.dma_semaphore, #tpu.memory_space<semaphore_mem>>)
        %dma_wait3A = arith.constant 0 : i32
        %dma_wait3A_33 = tpu.memref_slice %arg2[%add3A, %dma_wait3A] : memref<4x2048xf32, #tpu.memory_space<hbm>> -> memref<1x2048xf32, #tpu.memory_space<hbm>>
        %dma_wait3A_34 = tpu.memref_squeeze %dma_wait3A_33 : memref<1x2048xf32, #tpu.memory_space<hbm>> -> memref<2048xf32, #tpu.memory_space<hbm>>
        %dma_wait3A_35 = arith.constant 0 : i32
        %dma_wait3A_36 = tpu.memref_slice %arg2[%add3A, %dma_wait3A_35] : memref<4x2048xf32, #tpu.memory_space<hbm>> -> memref<1x2048xf32, #tpu.memory_space<hbm>>
        %dma_wait3A_37 = tpu.memref_squeeze %dma_wait3A_36 : memref<1x2048xf32, #tpu.memory_space<hbm>> -> memref<2048xf32, #tpu.memory_space<hbm>>
        tpu.wait_dma2 semaphore(%run_scoped3A_27 : memref<!tpu.dma_semaphore, #tpu.memory_space<semaphore_mem>>) src(%dma_wait3A_37 : memref<2048xf32, #tpu.memory_space<hbm>>) dst(%arg6 : memref<2048xf32, #tpu.memory_space<vmem>>)
        tpu.yield
      }) : () -> ()
      "tpu.region"() ({
        %run_scoped3A_27 = tpu.sem_alloc : memref<!tpu.dma_semaphore, #tpu.memory_space<semaphore_mem>>
        %dma_start3A = arith.constant 0 : i32
        %dma_start3A_28 = tpu.memref_slice %arg3[%add3A, %dma_start3A] : memref<4x12288xi32, #tpu.memory_space<hbm>> -> memref<1x12288xi32, #tpu.memory_space<hbm>>
        %dma_start3A_29 = tpu.memref_squeeze %dma_start3A_28 : memref<1x12288xi32, #tpu.memory_space<hbm>> -> memref<12288xi32, #tpu.memory_space<hbm>>
        %dma_start3A_30 = arith.constant 0 : i32
        %dma_start3A_31 = tpu.memref_slice %arg3[%add3A, %dma_start3A_30] : memref<4x12288xi32, #tpu.memory_space<hbm>> -> memref<1x12288xi32, #tpu.memory_space<hbm>>
        %dma_start3A_32 = tpu.memref_squeeze %dma_start3A_31 : memref<1x12288xi32, #tpu.memory_space<hbm>> -> memref<12288xi32, #tpu.memory_space<hbm>>
        tpu.enqueue_dma source(%dma_start3A_32 : memref<12288xi32, #tpu.memory_space<hbm>>) target(%arg7 : memref<12288xi32, #tpu.memory_space<vmem>>) target_semaphore(%run_scoped3A_27 : memref<!tpu.dma_semaphore, #tpu.memory_space<semaphore_mem>>)
        %dma_wait3A = arith.constant 0 : i32
        %dma_wait3A_33 = tpu.memref_slice %arg3[%add3A, %dma_wait3A] : memref<4x12288xi32, #tpu.memory_space<hbm>> -> memref<1x12288xi32, #tpu.memory_space<hbm>>
        %dma_wait3A_34 = tpu.memref_squeeze %dma_wait3A_33 : memref<1x12288xi32, #tpu.memory_space<hbm>> -> memref<12288xi32, #tpu.memory_space<hbm>>
        %dma_wait3A_35 = arith.constant 0 : i32
        %dma_wait3A_36 = tpu.memref_slice %arg3[%add3A, %dma_wait3A_35] : memref<4x12288xi32, #tpu.memory_space<hbm>> -> memref<1x12288xi32, #tpu.memory_space<hbm>>
        %dma_wait3A_37 = tpu.memref_squeeze %dma_wait3A_36 : memref<1x12288xi32, #tpu.memory_space<hbm>> -> memref<12288xi32, #tpu.memory_space<hbm>>
        tpu.wait_dma2 semaphore(%run_scoped3A_27 : memref<!tpu.dma_semaphore, #tpu.memory_space<semaphore_mem>>) src(%dma_wait3A_37 : memref<12288xi32, #tpu.memory_space<hbm>>) dst(%arg7 : memref<12288xi32, #tpu.memory_space<vmem>>)
        tpu.yield
      }) : () -> ()
      %scan3A = arith.constant 0 : i32
      %scan3A_3 = arith.constant 0 : i32
      %scan3A_4 = arith.constant 774 : i32
      %scan3A_5 = arith.addi %scan3A_3, %scan3A_4 : i32
      %scan3A_6 = arith.constant 1 : i32
      scf.for %scan3A_27 = %scan3A_3 to %scan3A_5 step %scan3A_6  : i32 {
        %broadcast_in_dim3A_28 = arith.constant 0 : i32
        %broadcast_in_dim3A_29 = vector.broadcast %broadcast_in_dim3A_28 : i32 to vector<16xi32>
        %mul3A_30 = arith.constant 16 : i32
        %mul3A_31 = arith.muli %scan3A_27, %mul3A_30 : i32
        %swap3A_32 = arith.index_cast %mul3A_31 : i32 to index
        %swap3A_33 = tpu.vector_load %arg8[%swap3A_32] {strides = array<i32>} : memref<12384xi32, #tpu.memory_space<vmem>>, vector<16xi32>,
        tpu.vector_store %arg8[%swap3A_32], %broadcast_in_dim3A_29 {strides = array<i32>} : memref<12384xi32, #tpu.memory_space<vmem>>, vector<16xi32>,
      }
      %scan3A_7 = arith.constant 774 : i32
      %broadcast_in_dim3A = arith.constant 1 : i32
      %broadcast_in_dim3A_8 = vector.broadcast %broadcast_in_dim3A : i32 to vector<16xi32>
      %broadcast_in_dim3A_9 = arith.constant 0 : i32
      %broadcast_in_dim3A_10 = vector.broadcast %broadcast_in_dim3A_9 : i32 to vector<16xi32>
      %broadcast_in_dim3A_11 = arith.constant 5.000000e-01 : f32
      %broadcast_in_dim3A_12 = vector.broadcast %broadcast_in_dim3A_11 : f32 to vector<16xf32>
      %scan3A_13 = arith.constant 0 : i32
      %scan3A_14 = arith.constant 0 : i32
      %scan3A_15 = arith.constant 128 : i32
      %scan3A_16 = arith.addi %scan3A_14, %scan3A_15 : i32
      %scan3A_17 = arith.constant 1 : i32
      %scan3A_18 = scf.for %scan3A_27 = %scan3A_14 to %scan3A_16 step %scan3A_17 iter_args(%scan3A_28 = %scan3A_13) -> (i32)  : i32 {
        %mul3A_29 = arith.constant 16 : i32
        %mul3A_30 = arith.muli %scan3A_27, %mul3A_29 : i32
        %get3A = arith.index_cast %mul3A_30 : i32 to index
        %get3A_31 = tpu.vector_load %arg6[%get3A] {strides = array<i32>} : memref<2048xf32, #tpu.memory_space<vmem>>, vector<16xf32>,
        %gt3A = arith.cmpf ogt, %get3A_31, %broadcast_in_dim3A_12 : vector<16xf32>
        %select_n3A = arith.select %gt3A, %broadcast_in_dim3A_8, %broadcast_in_dim3A_10 : vector<16xi1>, vector<16xi32>
        %broadcast_in_dim3A_32 = arith.constant true
        %broadcast_in_dim3A_33 = vector.broadcast %broadcast_in_dim3A_32 : i1 to vector<16xi1>
        %masked_cumsum3A = tpu.scan <sum>, %select_n3A masked %broadcast_in_dim3A_33 : vector<16xi32>, vector<16xi1> -> vector<16xi32>
        %add3A_34 = vector.broadcast %scan3A_28 : i32 to vector<16xi32>
        %add3A_35 = arith.addi %add3A_34, %masked_cumsum3A : vector<16xi32>
        %sub3A = arith.constant 1 : i32
        %sub3A_36 = vector.broadcast %sub3A : i32 to vector<16xi32>
        %sub3A_37 = arith.subi %add3A_35, %sub3A_36 : vector<16xi32>
        %mul3A_38 = arith.constant 16 : i32
        %mul3A_39 = arith.muli %scan3A_27, %mul3A_38 : i32
        %add3A_40 = arith.constant 0 : i32
        %add3A_41 = arith.addi %add3A_40, %mul3A_39 : i32
        %get3A_42 = arith.index_cast %add3A_41 : i32 to index
        %get3A_43 = tpu.vector_load %arg7[%get3A_42] {strides = array<i32>} : memref<12288xi32, #tpu.memory_space<vmem>>, vector<16xi32>,
        %add3A_44 = arith.constant 0 : i32
        %add3A_45 = vector.broadcast %add3A_44 : i32 to vector<16xi32>
        %add3A_46 = arith.addi %sub3A_37, %add3A_45 : vector<16xi32>
        tpu.vector_store_idx %arg8[%add3A_46], %get3A_43 masked %gt3A : memref<12384xi32, #tpu.memory_space<vmem>>[vector<16xi32>], vector<16xi32>, vector<16xi1>
        %mul3A_47 = arith.constant 16 : i32
        %mul3A_48 = arith.muli %scan3A_27, %mul3A_47 : i32
        %add3A_49 = arith.constant 2048 : i32
        %add3A_50 = arith.addi %add3A_49, %mul3A_48 : i32
        %get3A_51 = arith.index_cast %add3A_50 : i32 to index
        %get3A_52 = tpu.vector_load %arg7[%get3A_51] {strides = array<i32>} : memref<12288xi32, #tpu.memory_space<vmem>>, vector<16xi32>,
        %add3A_53 = arith.constant 2064 : i32
        %add3A_54 = vector.broadcast %add3A_53 : i32 to vector<16xi32>
        %add3A_55 = arith.addi %sub3A_37, %add3A_54 : vector<16xi32>
        tpu.vector_store_idx %arg8[%add3A_55], %get3A_52 masked %gt3A : memref<12384xi32, #tpu.memory_space<vmem>>[vector<16xi32>], vector<16xi32>, vector<16xi1>
        %mul3A_56 = arith.constant 16 : i32
        %mul3A_57 = arith.muli %scan3A_27, %mul3A_56 : i32
        %add3A_58 = arith.constant 4096 : i32
        %add3A_59 = arith.addi %add3A_58, %mul3A_57 : i32
        %get3A_60 = arith.index_cast %add3A_59 : i32 to index
        %get3A_61 = tpu.vector_load %arg7[%get3A_60] {strides = array<i32>} : memref<12288xi32, #tpu.memory_space<vmem>>, vector<16xi32>,
        %add3A_62 = arith.constant 4128 : i32
        %add3A_63 = vector.broadcast %add3A_62 : i32 to vector<16xi32>
        %add3A_64 = arith.addi %sub3A_37, %add3A_63 : vector<16xi32>
        tpu.vector_store_idx %arg8[%add3A_64], %get3A_61 masked %gt3A : memref<12384xi32, #tpu.memory_space<vmem>>[vector<16xi32>], vector<16xi32>, vector<16xi1>
        %mul3A_65 = arith.constant 16 : i32
        %mul3A_66 = arith.muli %scan3A_27, %mul3A_65 : i32
        %add3A_67 = arith.constant 6144 : i32
        %add3A_68 = arith.addi %add3A_67, %mul3A_66 : i32
        %get3A_69 = arith.index_cast %add3A_68 : i32 to index
        %get3A_70 = tpu.vector_load %arg7[%get3A_69] {strides = array<i32>} : memref<12288xi32, #tpu.memory_space<vmem>>, vector<16xi32>,
        %add3A_71 = arith.constant 6192 : i32
        %add3A_72 = vector.broadcast %add3A_71 : i32 to vector<16xi32>
        %add3A_73 = arith.addi %sub3A_37, %add3A_72 : vector<16xi32>
        tpu.vector_store_idx %arg8[%add3A_73], %get3A_70 masked %gt3A : memref<12384xi32, #tpu.memory_space<vmem>>[vector<16xi32>], vector<16xi32>, vector<16xi1>
        %mul3A_74 = arith.constant 16 : i32
        %mul3A_75 = arith.muli %scan3A_27, %mul3A_74 : i32
        %add3A_76 = arith.constant 8192 : i32
        %add3A_77 = arith.addi %add3A_76, %mul3A_75 : i32
        %get3A_78 = arith.index_cast %add3A_77 : i32 to index
        %get3A_79 = tpu.vector_load %arg7[%get3A_78] {strides = array<i32>} : memref<12288xi32, #tpu.memory_space<vmem>>, vector<16xi32>,
        %add3A_80 = arith.constant 8256 : i32
        %add3A_81 = vector.broadcast %add3A_80 : i32 to vector<16xi32>
        %add3A_82 = arith.addi %sub3A_37, %add3A_81 : vector<16xi32>
        tpu.vector_store_idx %arg8[%add3A_82], %get3A_79 masked %gt3A : memref<12384xi32, #tpu.memory_space<vmem>>[vector<16xi32>], vector<16xi32>, vector<16xi1>
        %mul3A_83 = arith.constant 16 : i32
        %mul3A_84 = arith.muli %scan3A_27, %mul3A_83 : i32
        %add3A_85 = arith.constant 10240 : i32
        %add3A_86 = arith.addi %add3A_85, %mul3A_84 : i32
        %get3A_87 = arith.index_cast %add3A_86 : i32 to index
        %get3A_88 = tpu.vector_load %arg7[%get3A_87] {strides = array<i32>} : memref<12288xi32, #tpu.memory_space<vmem>>, vector<16xi32>,
        %add3A_89 = arith.constant 10320 : i32
        %add3A_90 = vector.broadcast %add3A_89 : i32 to vector<16xi32>
        %add3A_91 = arith.addi %sub3A_37, %add3A_90 : vector<16xi32>
        tpu.vector_store_idx %arg8[%add3A_91], %get3A_88 masked %gt3A : memref<12384xi32, #tpu.memory_space<vmem>>[vector<16xi32>], vector<16xi32>, vector<16xi1>
        %select_n3A_92 = arith.select %gt3A, %broadcast_in_dim3A_8, %broadcast_in_dim3A_10 : vector<16xi1>, vector<16xi32>
        %reduce_sum3A = arith.constant true
        %reduce_sum3A_93 = vector.broadcast %reduce_sum3A : i1 to vector<16xi1>
        %reduce_sum3A_94 = tpu.scan <sum>, %select_n3A_92 masked %reduce_sum3A_93 : vector<16xi32>, vector<16xi1> -> vector<16xi32>
        %reduce_sum3A_95 = vector.extract %reduce_sum3A_94[15] : i32 from vector<16xi32>
        %add3A_96 = arith.addi %scan3A_28, %reduce_sum3A_95 : i32
        scf.yield %add3A_96 : i32
      }
      %scan3A_19 = arith.constant 128 : i32
      %broadcast_in_dim3A_20 = vector.broadcast %scan3A_18 : i32 to vector<16xi32>
      %swap3A = arith.constant 0 : index
      %swap3A_21 = tpu.vector_load %arg9[%swap3A] {strides = array<i32>} : memref<16xi32, #tpu.memory_space<vmem>>, vector<16xi32>,
      tpu.vector_store %arg9[%swap3A], %broadcast_in_dim3A_20 {strides = array<i32>} : memref<16xi32, #tpu.memory_space<vmem>>, vector<16xi32>,
      %run_scoped3A = arith.constant 0 : i32
      "tpu.region"() ({
        %run_scoped3A_27 = tpu.sem_alloc : memref<!tpu.dma_semaphore, #tpu.memory_space<semaphore_mem>>
        %dma_start3A = arith.constant 0 : i32
        %dma_start3A_28 = tpu.memref_slice %arg8[%dma_start3A] : memref<12384xi32, #tpu.memory_space<vmem>> -> memref<2048xi32, #tpu.memory_space<vmem>>
        %dma_start3A_29 = arith.constant 0 : i32
        %dma_start3A_30 = tpu.memref_slice %arg4[%add3A, %run_scoped3A, %dma_start3A_29] : memref<4x8x2048xi32, #tpu.memory_space<hbm>> -> memref<1x1x2048xi32, #tpu.memory_space<hbm>>
        %dma_start3A_31 = tpu.memref_squeeze %dma_start3A_30 : memref<1x1x2048xi32, #tpu.memory_space<hbm>> -> memref<2048xi32, #tpu.memory_space<hbm>>
        %dma_start3A_32 = arith.constant 0 : i32
        %dma_start3A_33 = tpu.memref_slice %arg4[%add3A, %run_scoped3A, %dma_start3A_32] : memref<4x8x2048xi32, #tpu.memory_space<hbm>> -> memref<1x1x2048xi32, #tpu.memory_space<hbm>>
        %dma_start3A_34 = tpu.memref_squeeze %dma_start3A_33 : memref<1x1x2048xi32, #tpu.memory_space<hbm>> -> memref<2048xi32, #tpu.memory_space<hbm>>
        %dma_start3A_35 = arith.constant 0 : i32
        %dma_start3A_36 = tpu.memref_slice %arg8[%dma_start3A_35] : memref<12384xi32, #tpu.memory_space<vmem>> -> memref<2048xi32, #tpu.memory_space<vmem>>
        tpu.enqueue_dma source(%dma_start3A_36 : memref<2048xi32, #tpu.memory_space<vmem>>) target(%dma_start3A_34 : memref<2048xi32, #tpu.memory_space<hbm>>) target_semaphore(%run_scoped3A_27 : memref<!tpu.dma_semaphore, #tpu.memory_space<semaphore_mem>>)
        %dma_wait3A = arith.constant 0 : i32
        %dma_wait3A_37 = tpu.memref_slice %arg8[%dma_wait3A] : memref<12384xi32, #tpu.memory_space<vmem>> -> memref<2048xi32, #tpu.memory_space<vmem>>
        %dma_wait3A_38 = arith.constant 0 : i32
        %dma_wait3A_39 = tpu.memref_slice %arg4[%add3A, %run_scoped3A, %dma_wait3A_38] : memref<4x8x2048xi32, #tpu.memory_space<hbm>> -> memref<1x1x2048xi32, #tpu.memory_space<hbm>>
        %dma_wait3A_40 = tpu.memref_squeeze %dma_wait3A_39 : memref<1x1x2048xi32, #tpu.memory_space<hbm>> -> memref<2048xi32, #tpu.memory_space<hbm>>
        %dma_wait3A_41 = arith.constant 0 : i32
        %dma_wait3A_42 = tpu.memref_slice %arg4[%add3A, %run_scoped3A, %dma_wait3A_41] : memref<4x8x2048xi32, #tpu.memory_space<hbm>> -> memref<1x1x2048xi32, #tpu.memory_space<hbm>>
        %dma_wait3A_43 = tpu.memref_squeeze %dma_wait3A_42 : memref<1x1x2048xi32, #tpu.memory_space<hbm>> -> memref<2048xi32, #tpu.memory_space<hbm>>
        %dma_wait3A_44 = arith.constant 0 : i32
        %dma_wait3A_45 = tpu.memref_slice %arg8[%dma_wait3A_44] : memref<12384xi32, #tpu.memory_space<vmem>> -> memref<2048xi32, #tpu.memory_space<vmem>>
        tpu.wait_dma2 semaphore(%run_scoped3A_27 : memref<!tpu.dma_semaphore, #tpu.memory_space<semaphore_mem>>) src(%dma_wait3A_45 : memref<2048xi32, #tpu.memory_space<vmem>>) dst(%dma_wait3A_43 : memref<2048xi32, #tpu.memory_space<hbm>>)
        tpu.yield
      }) : () -> ()
      %run_scoped3A_22 = arith.constant 1 : i32
      "tpu.region"() ({
        %run_scoped3A_27 = tpu.sem_alloc : memref<!tpu.dma_semaphore, #tpu.memory_space<semaphore_mem>>
        %dma_start3A = arith.constant 2064 : i32
        %dma_start3A_28 = tpu.memref_slice %arg8[%dma_start3A] : memref<12384xi32, #tpu.memory_space<vmem>> -> memref<2048xi32, #tpu.memory_space<vmem>>
        %dma_start3A_29 = arith.constant 0 : i32
        %dma_start3A_30 = tpu.memref_slice %arg4[%add3A, %run_scoped3A_22, %dma_start3A_29] : memref<4x8x2048xi32, #tpu.memory_space<hbm>> -> memref<1x1x2048xi32, #tpu.memory_space<hbm>>
        %dma_start3A_31 = tpu.memref_squeeze %dma_start3A_30 : memref<1x1x2048xi32, #tpu.memory_space<hbm>> -> memref<2048xi32, #tpu.memory_space<hbm>>
        %dma_start3A_32 = arith.constant 0 : i32
        %dma_start3A_33 = tpu.memref_slice %arg4[%add3A, %run_scoped3A_22, %dma_start3A_32] : memref<4x8x2048xi32, #tpu.memory_space<hbm>> -> memref<1x1x2048xi32, #tpu.memory_space<hbm>>
        %dma_start3A_34 = tpu.memref_squeeze %dma_start3A_33 : memref<1x1x2048xi32, #tpu.memory_space<hbm>> -> memref<2048xi32, #tpu.memory_space<hbm>>
        %dma_start3A_35 = arith.constant 2064 : i32
        %dma_start3A_36 = tpu.memref_slice %arg8[%dma_start3A_35] : memref<12384xi32, #tpu.memory_space<vmem>> -> memref<2048xi32, #tpu.memory_space<vmem>>
        tpu.enqueue_dma source(%dma_start3A_36 : memref<2048xi32, #tpu.memory_space<vmem>>) target(%dma_start3A_34 : memref<2048xi32, #tpu.memory_space<hbm>>) target_semaphore(%run_scoped3A_27 : memref<!tpu.dma_semaphore, #tpu.memory_space<semaphore_mem>>)
        %dma_wait3A = arith.constant 2064 : i32
        %dma_wait3A_37 = tpu.memref_slice %arg8[%dma_wait3A] : memref<12384xi32, #tpu.memory_space<vmem>> -> memref<2048xi32, #tpu.memory_space<vmem>>
        %dma_wait3A_38 = arith.constant 0 : i32
        %dma_wait3A_39 = tpu.memref_slice %arg4[%add3A, %run_scoped3A_22, %dma_wait3A_38] : memref<4x8x2048xi32, #tpu.memory_space<hbm>> -> memref<1x1x2048xi32, #tpu.memory_space<hbm>>
        %dma_wait3A_40 = tpu.memref_squeeze %dma_wait3A_39 : memref<1x1x2048xi32, #tpu.memory_space<hbm>> -> memref<2048xi32, #tpu.memory_space<hbm>>
        %dma_wait3A_41 = arith.constant 0 : i32
        %dma_wait3A_42 = tpu.memref_slice %arg4[%add3A, %run_scoped3A_22, %dma_wait3A_41] : memref<4x8x2048xi32, #tpu.memory_space<hbm>> -> memref<1x1x2048xi32, #tpu.memory_space<hbm>>
        %dma_wait3A_43 = tpu.memref_squeeze %dma_wait3A_42 : memref<1x1x2048xi32, #tpu.memory_space<hbm>> -> memref<2048xi32, #tpu.memory_space<hbm>>
        %dma_wait3A_44 = arith.constant 2064 : i32
        %dma_wait3A_45 = tpu.memref_slice %arg8[%dma_wait3A_44] : memref<12384xi32, #tpu.memory_space<vmem>> -> memref<2048xi32, #tpu.memory_space<vmem>>
        tpu.wait_dma2 semaphore(%run_scoped3A_27 : memref<!tpu.dma_semaphore, #tpu.memory_space<semaphore_mem>>) src(%dma_wait3A_45 : memref<2048xi32, #tpu.memory_space<vmem>>) dst(%dma_wait3A_43 : memref<2048xi32, #tpu.memory_space<hbm>>)
        tpu.yield
      }) : () -> ()
      %run_scoped3A_23 = arith.constant 2 : i32
      "tpu.region"() ({
        %run_scoped3A_27 = tpu.sem_alloc : memref<!tpu.dma_semaphore, #tpu.memory_space<semaphore_mem>>
        %dma_start3A = arith.constant 4128 : i32
        %dma_start3A_28 = tpu.memref_slice %arg8[%dma_start3A] : memref<12384xi32, #tpu.memory_space<vmem>> -> memref<2048xi32, #tpu.memory_space<vmem>>
        %dma_start3A_29 = arith.constant 0 : i32
        %dma_start3A_30 = tpu.memref_slice %arg4[%add3A, %run_scoped3A_23, %dma_start3A_29] : memref<4x8x2048xi32, #tpu.memory_space<hbm>> -> memref<1x1x2048xi32, #tpu.memory_space<hbm>>
        %dma_start3A_31 = tpu.memref_squeeze %dma_start3A_30 : memref<1x1x2048xi32, #tpu.memory_space<hbm>> -> memref<2048xi32, #tpu.memory_space<hbm>>
        %dma_start3A_32 = arith.constant 0 : i32
        %dma_start3A_33 = tpu.memref_slice %arg4[%add3A, %run_scoped3A_23, %dma_start3A_32] : memref<4x8x2048xi32, #tpu.memory_space<hbm>> -> memref<1x1x2048xi32, #tpu.memory_space<hbm>>
        %dma_start3A_34 = tpu.memref_squeeze %dma_start3A_33 : memref<1x1x2048xi32, #tpu.memory_space<hbm>> -> memref<2048xi32, #tpu.memory_space<hbm>>
        %dma_start3A_35 = arith.constant 4128 : i32
        %dma_start3A_36 = tpu.memref_slice %arg8[%dma_start3A_35] : memref<12384xi32, #tpu.memory_space<vmem>> -> memref<2048xi32, #tpu.memory_space<vmem>>
        tpu.enqueue_dma source(%dma_start3A_36 : memref<2048xi32, #tpu.memory_space<vmem>>) target(%dma_start3A_34 : memref<2048xi32, #tpu.memory_space<hbm>>) target_semaphore(%run_scoped3A_27 : memref<!tpu.dma_semaphore, #tpu.memory_space<semaphore_mem>>)
        %dma_wait3A = arith.constant 4128 : i32
        %dma_wait3A_37 = tpu.memref_slice %arg8[%dma_wait3A] : memref<12384xi32, #tpu.memory_space<vmem>> -> memref<2048xi32, #tpu.memory_space<vmem>>
        %dma_wait3A_38 = arith.constant 0 : i32
        %dma_wait3A_39 = tpu.memref_slice %arg4[%add3A, %run_scoped3A_23, %dma_wait3A_38] : memref<4x8x2048xi32, #tpu.memory_space<hbm>> -> memref<1x1x2048xi32, #tpu.memory_space<hbm>>
        %dma_wait3A_40 = tpu.memref_squeeze %dma_wait3A_39 : memref<1x1x2048xi32, #tpu.memory_space<hbm>> -> memref<2048xi32, #tpu.memory_space<hbm>>
        %dma_wait3A_41 = arith.constant 0 : i32
        %dma_wait3A_42 = tpu.memref_slice %arg4[%add3A, %run_scoped3A_23, %dma_wait3A_41] : memref<4x8x2048xi32, #tpu.memory_space<hbm>> -> memref<1x1x2048xi32, #tpu.memory_space<hbm>>
        %dma_wait3A_43 = tpu.memref_squeeze %dma_wait3A_42 : memref<1x1x2048xi32, #tpu.memory_space<hbm>> -> memref<2048xi32, #tpu.memory_space<hbm>>
        %dma_wait3A_44 = arith.constant 4128 : i32
        %dma_wait3A_45 = tpu.memref_slice %arg8[%dma_wait3A_44] : memref<12384xi32, #tpu.memory_space<vmem>> -> memref<2048xi32, #tpu.memory_space<vmem>>
        tpu.wait_dma2 semaphore(%run_scoped3A_27 : memref<!tpu.dma_semaphore, #tpu.memory_space<semaphore_mem>>) src(%dma_wait3A_45 : memref<2048xi32, #tpu.memory_space<vmem>>) dst(%dma_wait3A_43 : memref<2048xi32, #tpu.memory_space<hbm>>)
        tpu.yield
      }) : () -> ()
      %run_scoped3A_24 = arith.constant 3 : i32
      "tpu.region"() ({
        %run_scoped3A_27 = tpu.sem_alloc : memref<!tpu.dma_semaphore, #tpu.memory_space<semaphore_mem>>
        %dma_start3A = arith.constant 6192 : i32
        %dma_start3A_28 = tpu.memref_slice %arg8[%dma_start3A] : memref<12384xi32, #tpu.memory_space<vmem>> -> memref<2048xi32, #tpu.memory_space<vmem>>
        %dma_start3A_29 = arith.constant 0 : i32
        %dma_start3A_30 = tpu.memref_slice %arg4[%add3A, %run_scoped3A_24, %dma_start3A_29] : memref<4x8x2048xi32, #tpu.memory_space<hbm>> -> memref<1x1x2048xi32, #tpu.memory_space<hbm>>
        %dma_start3A_31 = tpu.memref_squeeze %dma_start3A_30 : memref<1x1x2048xi32, #tpu.memory_space<hbm>> -> memref<2048xi32, #tpu.memory_space<hbm>>
        %dma_start3A_32 = arith.constant 0 : i32
        %dma_start3A_33 = tpu.memref_slice %arg4[%add3A, %run_scoped3A_24, %dma_start3A_32] : memref<4x8x2048xi32, #tpu.memory_space<hbm>> -> memref<1x1x2048xi32, #tpu.memory_space<hbm>>
        %dma_start3A_34 = tpu.memref_squeeze %dma_start3A_33 : memref<1x1x2048xi32, #tpu.memory_space<hbm>> -> memref<2048xi32, #tpu.memory_space<hbm>>
        %dma_start3A_35 = arith.constant 6192 : i32
        %dma_start3A_36 = tpu.memref_slice %arg8[%dma_start3A_35] : memref<12384xi32, #tpu.memory_space<vmem>> -> memref<2048xi32, #tpu.memory_space<vmem>>
        tpu.enqueue_dma source(%dma_start3A_36 : memref<2048xi32, #tpu.memory_space<vmem>>) target(%dma_start3A_34 : memref<2048xi32, #tpu.memory_space<hbm>>) target_semaphore(%run_scoped3A_27 : memref<!tpu.dma_semaphore, #tpu.memory_space<semaphore_mem>>)
        %dma_wait3A = arith.constant 6192 : i32
        %dma_wait3A_37 = tpu.memref_slice %arg8[%dma_wait3A] : memref<12384xi32, #tpu.memory_space<vmem>> -> memref<2048xi32, #tpu.memory_space<vmem>>
        %dma_wait3A_38 = arith.constant 0 : i32
        %dma_wait3A_39 = tpu.memref_slice %arg4[%add3A, %run_scoped3A_24, %dma_wait3A_38] : memref<4x8x2048xi32, #tpu.memory_space<hbm>> -> memref<1x1x2048xi32, #tpu.memory_space<hbm>>
        %dma_wait3A_40 = tpu.memref_squeeze %dma_wait3A_39 : memref<1x1x2048xi32, #tpu.memory_space<hbm>> -> memref<2048xi32, #tpu.memory_space<hbm>>
        %dma_wait3A_41 = arith.constant 0 : i32
        %dma_wait3A_42 = tpu.memref_slice %arg4[%add3A, %run_scoped3A_24, %dma_wait3A_41] : memref<4x8x2048xi32, #tpu.memory_space<hbm>> -> memref<1x1x2048xi32, #tpu.memory_space<hbm>>
        %dma_wait3A_43 = tpu.memref_squeeze %dma_wait3A_42 : memref<1x1x2048xi32, #tpu.memory_space<hbm>> -> memref<2048xi32, #tpu.memory_space<hbm>>
        %dma_wait3A_44 = arith.constant 6192 : i32
        %dma_wait3A_45 = tpu.memref_slice %arg8[%dma_wait3A_44] : memref<12384xi32, #tpu.memory_space<vmem>> -> memref<2048xi32, #tpu.memory_space<vmem>>
        tpu.wait_dma2 semaphore(%run_scoped3A_27 : memref<!tpu.dma_semaphore, #tpu.memory_space<semaphore_mem>>) src(%dma_wait3A_45 : memref<2048xi32, #tpu.memory_space<vmem>>) dst(%dma_wait3A_43 : memref<2048xi32, #tpu.memory_space<hbm>>)
        tpu.yield
      }) : () -> ()
      %run_scoped3A_25 = arith.constant 4 : i32
      "tpu.region"() ({
        %run_scoped3A_27 = tpu.sem_alloc : memref<!tpu.dma_semaphore, #tpu.memory_space<semaphore_mem>>
        %dma_start3A = arith.constant 8256 : i32
        %dma_start3A_28 = tpu.memref_slice %arg8[%dma_start3A] : memref<12384xi32, #tpu.memory_space<vmem>> -> memref<2048xi32, #tpu.memory_space<vmem>>
        %dma_start3A_29 = arith.constant 0 : i32
        %dma_start3A_30 = tpu.memref_slice %arg4[%add3A, %run_scoped3A_25, %dma_start3A_29] : memref<4x8x2048xi32, #tpu.memory_space<hbm>> -> memref<1x1x2048xi32, #tpu.memory_space<hbm>>
        %dma_start3A_31 = tpu.memref_squeeze %dma_start3A_30 : memref<1x1x2048xi32, #tpu.memory_space<hbm>> -> memref<2048xi32, #tpu.memory_space<hbm>>
        %dma_start3A_32 = arith.constant 0 : i32
        %dma_start3A_33 = tpu.memref_slice %arg4[%add3A, %run_scoped3A_25, %dma_start3A_32] : memref<4x8x2048xi32, #tpu.memory_space<hbm>> -> memref<1x1x2048xi32, #tpu.memory_space<hbm>>
        %dma_start3A_34 = tpu.memref_squeeze %dma_start3A_33 : memref<1x1x2048xi32, #tpu.memory_space<hbm>> -> memref<2048xi32, #tpu.memory_space<hbm>>
        %dma_start3A_35 = arith.constant 8256 : i32
        %dma_start3A_36 = tpu.memref_slice %arg8[%dma_start3A_35] : memref<12384xi32, #tpu.memory_space<vmem>> -> memref<2048xi32, #tpu.memory_space<vmem>>
        tpu.enqueue_dma source(%dma_start3A_36 : memref<2048xi32, #tpu.memory_space<vmem>>) target(%dma_start3A_34 : memref<2048xi32, #tpu.memory_space<hbm>>) target_semaphore(%run_scoped3A_27 : memref<!tpu.dma_semaphore, #tpu.memory_space<semaphore_mem>>)
        %dma_wait3A = arith.constant 8256 : i32
        %dma_wait3A_37 = tpu.memref_slice %arg8[%dma_wait3A] : memref<12384xi32, #tpu.memory_space<vmem>> -> memref<2048xi32, #tpu.memory_space<vmem>>
        %dma_wait3A_38 = arith.constant 0 : i32
        %dma_wait3A_39 = tpu.memref_slice %arg4[%add3A, %run_scoped3A_25, %dma_wait3A_38] : memref<4x8x2048xi32, #tpu.memory_space<hbm>> -> memref<1x1x2048xi32, #tpu.memory_space<hbm>>
        %dma_wait3A_40 = tpu.memref_squeeze %dma_wait3A_39 : memref<1x1x2048xi32, #tpu.memory_space<hbm>> -> memref<2048xi32, #tpu.memory_space<hbm>>
        %dma_wait3A_41 = arith.constant 0 : i32
        %dma_wait3A_42 = tpu.memref_slice %arg4[%add3A, %run_scoped3A_25, %dma_wait3A_41] : memref<4x8x2048xi32, #tpu.memory_space<hbm>> -> memref<1x1x2048xi32, #tpu.memory_space<hbm>>
        %dma_wait3A_43 = tpu.memref_squeeze %dma_wait3A_42 : memref<1x1x2048xi32, #tpu.memory_space<hbm>> -> memref<2048xi32, #tpu.memory_space<hbm>>
        %dma_wait3A_44 = arith.constant 8256 : i32
        %dma_wait3A_45 = tpu.memref_slice %arg8[%dma_wait3A_44] : memref<12384xi32, #tpu.memory_space<vmem>> -> memref<2048xi32, #tpu.memory_space<vmem>>
        tpu.wait_dma2 semaphore(%run_scoped3A_27 : memref<!tpu.dma_semaphore, #tpu.memory_space<semaphore_mem>>) src(%dma_wait3A_45 : memref<2048xi32, #tpu.memory_space<vmem>>) dst(%dma_wait3A_43 : memref<2048xi32, #tpu.memory_space<hbm>>)
        tpu.yield
      }) : () -> ()
      %run_scoped3A_26 = arith.constant 5 : i32
      "tpu.region"() ({
        %run_scoped3A_27 = tpu.sem_alloc : memref<!tpu.dma_semaphore, #tpu.memory_space<semaphore_mem>>
        %dma_start3A = arith.constant 10320 : i32
        %dma_start3A_28 = tpu.memref_slice %arg8[%dma_start3A] : memref<12384xi32, #tpu.memory_space<vmem>> -> memref<2048xi32, #tpu.memory_space<vmem>>
        %dma_start3A_29 = arith.constant 0 : i32
        %dma_start3A_30 = tpu.memref_slice %arg4[%add3A, %run_scoped3A_26, %dma_start3A_29] : memref<4x8x2048xi32, #tpu.memory_space<hbm>> -> memref<1x1x2048xi32, #tpu.memory_space<hbm>>
        %dma_start3A_31 = tpu.memref_squeeze %dma_start3A_30 : memref<1x1x2048xi32, #tpu.memory_space<hbm>> -> memref<2048xi32, #tpu.memory_space<hbm>>
        %dma_start3A_32 = arith.constant 0 : i32
        %dma_start3A_33 = tpu.memref_slice %arg4[%add3A, %run_scoped3A_26, %dma_start3A_32] : memref<4x8x2048xi32, #tpu.memory_space<hbm>> -> memref<1x1x2048xi32, #tpu.memory_space<hbm>>
        %dma_start3A_34 = tpu.memref_squeeze %dma_start3A_33 : memref<1x1x2048xi32, #tpu.memory_space<hbm>> -> memref<2048xi32, #tpu.memory_space<hbm>>
        %dma_start3A_35 = arith.constant 10320 : i32
        %dma_start3A_36 = tpu.memref_slice %arg8[%dma_start3A_35] : memref<12384xi32, #tpu.memory_space<vmem>> -> memref<2048xi32, #tpu.memory_space<vmem>>
        tpu.enqueue_dma source(%dma_start3A_36 : memref<2048xi32, #tpu.memory_space<vmem>>) target(%dma_start3A_34 : memref<2048xi32, #tpu.memory_space<hbm>>) target_semaphore(%run_scoped3A_27 : memref<!tpu.dma_semaphore, #tpu.memory_space<semaphore_mem>>)
        %dma_wait3A = arith.constant 10320 : i32
        %dma_wait3A_37 = tpu.memref_slice %arg8[%dma_wait3A] : memref<12384xi32, #tpu.memory_space<vmem>> -> memref<2048xi32, #tpu.memory_space<vmem>>
        %dma_wait3A_38 = arith.constant 0 : i32
        %dma_wait3A_39 = tpu.memref_slice %arg4[%add3A, %run_scoped3A_26, %dma_wait3A_38] : memref<4x8x2048xi32, #tpu.memory_space<hbm>> -> memref<1x1x2048xi32, #tpu.memory_space<hbm>>
        %dma_wait3A_40 = tpu.memref_squeeze %dma_wait3A_39 : memref<1x1x2048xi32, #tpu.memory_space<hbm>> -> memref<2048xi32, #tpu.memory_space<hbm>>
        %dma_wait3A_41 = arith.constant 0 : i32
        %dma_wait3A_42 = tpu.memref_slice %arg4[%add3A, %run_scoped3A_26, %dma_wait3A_41] : memref<4x8x2048xi32, #tpu.memory_space<hbm>> -> memref<1x1x2048xi32, #tpu.memory_space<hbm>>
        %dma_wait3A_43 = tpu.memref_squeeze %dma_wait3A_42 : memref<1x1x2048xi32, #tpu.memory_space<hbm>> -> memref<2048xi32, #tpu.memory_space<hbm>>
        %dma_wait3A_44 = arith.constant 10320 : i32
        %dma_wait3A_45 = tpu.memref_slice %arg8[%dma_wait3A_44] : memref<12384xi32, #tpu.memory_space<vmem>> -> memref<2048xi32, #tpu.memory_space<vmem>>
        tpu.wait_dma2 semaphore(%run_scoped3A_27 : memref<!tpu.dma_semaphore, #tpu.memory_space<semaphore_mem>>) src(%dma_wait3A_45 : memref<2048xi32, #tpu.memory_space<vmem>>) dst(%dma_wait3A_43 : memref<2048xi32, #tpu.memory_space<hbm>>)
        tpu.yield
      }) : () -> ()
      "tpu.region"() ({
        %run_scoped3A_27 = tpu.sem_alloc : memref<!tpu.dma_semaphore, #tpu.memory_space<semaphore_mem>>
        %dma_start3A = arith.constant 0 : i32
        %dma_start3A_28 = tpu.memref_slice %arg5[%add3A, %dma_start3A] : memref<4x16xi32, #tpu.memory_space<hbm>> -> memref<1x16xi32, #tpu.memory_space<hbm>>
        %dma_start3A_29 = tpu.memref_squeeze %dma_start3A_28 : memref<1x16xi32, #tpu.memory_space<hbm>> -> memref<16xi32, #tpu.memory_space<hbm>>
        %dma_start3A_30 = arith.constant 0 : i32
        %dma_start3A_31 = tpu.memref_slice %arg5[%add3A, %dma_start3A_30] : memref<4x16xi32, #tpu.memory_space<hbm>> -> memref<1x16xi32, #tpu.memory_space<hbm>>
        %dma_start3A_32 = tpu.memref_squeeze %dma_start3A_31 : memref<1x16xi32, #tpu.memory_space<hbm>> -> memref<16xi32, #tpu.memory_space<hbm>>
        tpu.enqueue_dma source(%arg9 : memref<16xi32, #tpu.memory_space<vmem>>) target(%dma_start3A_32 : memref<16xi32, #tpu.memory_space<hbm>>) target_semaphore(%run_scoped3A_27 : memref<!tpu.dma_semaphore, #tpu.memory_space<semaphore_mem>>)
        %dma_wait3A = arith.constant 0 : i32
        %dma_wait3A_33 = tpu.memref_slice %arg5[%add3A, %dma_wait3A] : memref<4x16xi32, #tpu.memory_space<hbm>> -> memref<1x16xi32, #tpu.memory_space<hbm>>
        %dma_wait3A_34 = tpu.memref_squeeze %dma_wait3A_33 : memref<1x16xi32, #tpu.memory_space<hbm>> -> memref<16xi32, #tpu.memory_space<hbm>>
        %dma_wait3A_35 = arith.constant 0 : i32
        %dma_wait3A_36 = tpu.memref_slice %arg5[%add3A, %dma_wait3A_35] : memref<4x16xi32, #tpu.memory_space<hbm>> -> memref<1x16xi32, #tpu.memory_space<hbm>>
        %dma_wait3A_37 = tpu.memref_squeeze %dma_wait3A_36 : memref<1x16xi32, #tpu.memory_space<hbm>> -> memref<16xi32, #tpu.memory_space<hbm>>
        tpu.wait_dma2 semaphore(%run_scoped3A_27 : memref<!tpu.dma_semaphore, #tpu.memory_space<semaphore_mem>>) src(%arg9 : memref<16xi32, #tpu.memory_space<vmem>>) dst(%dma_wait3A_37 : memref<16xi32, #tpu.memory_space<hbm>>)
        tpu.yield
      }) : () -> ()
    } else {
    }
    return
  }
}

module attributes {stable_mosaic.version = 14 : i64} {
  func.func @_k1_body(%arg0: i32, %arg1: i32, %arg2: memref<4x16xi32, #tpu.memory_space<smem>>, %arg3: memref<1x8x256xi32, #tpu.memory_space<vmem>>, %arg4: memref<384x512xf32, #tpu.memory_space<vmem>>, %arg5: memref<256x512xf32, #tpu.memory_space<vmem>>, %arg6: memref<1x512xf32, #tpu.memory_space<vmem>>, %arg7: memref<1x512xf32, #tpu.memory_space<vmem>>, %arg8: memref<512x512xf32, #tpu.memory_space<vmem>>, %arg9: memref<512x512xf32, #tpu.memory_space<vmem>>, %arg10: memref<512x512xf32, #tpu.memory_space<vmem>>, %arg11: memref<1x256x512xf32, #tpu.memory_space<vmem>>, %arg12: memref<1x256x512xbf16, #tpu.memory_space<vmem>>, %arg13: memref<1x256x512xbf16, #tpu.memory_space<vmem>>, %arg14: memref<1x256x512xbf16, #tpu.memory_space<vmem>>) attributes {dimension_semantics = [#tpu.dimension_semantics<arbitrary>, #tpu.dimension_semantics<arbitrary>], iteration_bounds = array<i64: 4, 8>, scalar_prefetch = 0 : i64, scratch_operands = 0 : i64, tpu.core_type = #tpu.core_type<tc>, window_params = [{transform_indices = @transform_0, window_bounds = array<i64: 4, 16>}, {transform_indices = @transform_1, window_bounds = array<i64: 1, 8, 256>}, {pipeline_mode = #tpu.pipeline_mode<synchronous>, transform_indices = @transform_2, window_bounds = array<i64: 384, 512>}, {transform_indices = @transform_3, window_bounds = array<i64: 256, 512>}, {pipeline_mode = #tpu.pipeline_mode<synchronous>, transform_indices = @transform_4, window_bounds = array<i64: 1, 512>}, {pipeline_mode = #tpu.pipeline_mode<synchronous>, transform_indices = @transform_5, window_bounds = array<i64: 1, 512>}, {pipeline_mode = #tpu.pipeline_mode<synchronous>, transform_indices = @transform_6, window_bounds = array<i64: 512, 512>}, {pipeline_mode = #tpu.pipeline_mode<synchronous>, transform_indices = @transform_7, window_bounds = array<i64: 512, 512>}, {pipeline_mode = #tpu.pipeline_mode<synchronous>, transform_indices = @transform_8, window_bounds = array<i64: 512, 512>}, {transform_indices = @transform_9, window_bounds = array<i64: 1, 256, 512>}, {transform_indices = @transform_10, window_bounds = array<i64: 1, 256, 512>}, {transform_indices = @transform_11, window_bounds = array<i64: 1, 256, 512>}, {transform_indices = @transform_12, window_bounds = array<i64: 1, 256, 512>}]} {
    %get3A = arith.index_cast %arg0 : i32 to index
    %get3A_0 = arith.constant 0 : index
    %get3A_1 = memref.load %arg2[%get3A, %get3A_0] : memref<4x16xi32, #tpu.memory_space<smem>>
    %iota3A = tpu.iota {dimensions = array<i32: 0>} : vector<384x256xi32>
    %broadcast_in_dim3A = arith.constant 0.000000e+00 : f32
    %broadcast_in_dim3A_2 = vector.broadcast %broadcast_in_dim3A : f32 to vector<384x256xf32>
    %get3A_3 = arith.constant 0 : index
    %get3A_4 = arith.constant 0 : index
    %get3A_5 = arith.constant 0 : index
    %get3A_6 = vector.load %arg3[%get3A_3, %get3A_4, %get3A_5] : memref<1x8x256xi32, #tpu.memory_space<vmem>>, vector<1x1x256xi32>
    %get3A_7 = vector.shape_cast %get3A_6 : vector<1x1x256xi32> to vector<1x256xi32>
    %add3A = arith.constant 0 : i32
    %add3A_8 = vector.broadcast %add3A : i32 to vector<1x256xi32>
    %add3A_9 = arith.addi %get3A_7, %add3A_8 : vector<1x256xi32>
    %eq3A = vector.broadcast %add3A_9 : vector<1x256xi32> to vector<384x256xi32>
    %eq3A_10 = arith.cmpi eq, %iota3A, %eq3A : vector<384x256xi32>
    %convert_element_type3A = arith.extui %eq3A_10 : vector<384x256xi1> to vector<384x256xi32>
    %convert_element_type3A_11 = arith.sitofp %convert_element_type3A : vector<384x256xi32> to vector<384x256xf32>
    %add3A_12 = arith.addf %broadcast_in_dim3A_2, %convert_element_type3A_11 : vector<384x256xf32>
    %get3A_13 = arith.constant 0 : index
    %get3A_14 = arith.constant 1 : index
    %get3A_15 = arith.constant 0 : index
    %get3A_16 = vector.load %arg3[%get3A_13, %get3A_14, %get3A_15] : memref<1x8x256xi32, #tpu.memory_space<vmem>>, vector<1x1x256xi32>
    %get3A_17 = vector.shape_cast %get3A_16 : vector<1x1x256xi32> to vector<1x256xi32>
    %add3A_18 = arith.constant 6 : i32
    %add3A_19 = vector.broadcast %add3A_18 : i32 to vector<1x256xi32>
    %add3A_20 = arith.addi %get3A_17, %add3A_19 : vector<1x256xi32>
    %eq3A_21 = vector.broadcast %add3A_20 : vector<1x256xi32> to vector<384x256xi32>
    %eq3A_22 = arith.cmpi eq, %iota3A, %eq3A_21 : vector<384x256xi32>
    %convert_element_type3A_23 = arith.extui %eq3A_22 : vector<384x256xi1> to vector<384x256xi32>
    %convert_element_type3A_24 = arith.sitofp %convert_element_type3A_23 : vector<384x256xi32> to vector<384x256xf32>
    %add3A_25 = arith.addf %add3A_12, %convert_element_type3A_24 : vector<384x256xf32>
    %get3A_26 = arith.constant 0 : index
    %get3A_27 = arith.constant 2 : index
    %get3A_28 = arith.constant 0 : index
    %get3A_29 = vector.load %arg3[%get3A_26, %get3A_27, %get3A_28] : memref<1x8x256xi32, #tpu.memory_space<vmem>>, vector<1x1x256xi32>
    %get3A_30 = vector.shape_cast %get3A_29 : vector<1x1x256xi32> to vector<1x256xi32>
    %add3A_31 = arith.constant 149 : i32
    %add3A_32 = vector.broadcast %add3A_31 : i32 to vector<1x256xi32>
    %add3A_33 = arith.addi %get3A_30, %add3A_32 : vector<1x256xi32>
    %eq3A_34 = vector.broadcast %add3A_33 : vector<1x256xi32> to vector<384x256xi32>
    %eq3A_35 = arith.cmpi eq, %iota3A, %eq3A_34 : vector<384x256xi32>
    %convert_element_type3A_36 = arith.extui %eq3A_35 : vector<384x256xi1> to vector<384x256xi32>
    %convert_element_type3A_37 = arith.sitofp %convert_element_type3A_36 : vector<384x256xi32> to vector<384x256xf32>
    %add3A_38 = arith.addf %add3A_25, %convert_element_type3A_37 : vector<384x256xf32>
    %get3A_39 = arith.constant 0 : index
    %get3A_40 = arith.constant 3 : index
    %get3A_41 = arith.constant 0 : index
    %get3A_42 = vector.load %arg3[%get3A_39, %get3A_40, %get3A_41] : memref<1x8x256xi32, #tpu.memory_space<vmem>>, vector<1x1x256xi32>
    %get3A_43 = vector.shape_cast %get3A_42 : vector<1x1x256xi32> to vector<1x256xi32>
    %add3A_44 = arith.constant 195 : i32
    %add3A_45 = vector.broadcast %add3A_44 : i32 to vector<1x256xi32>
    %add3A_46 = arith.addi %get3A_43, %add3A_45 : vector<1x256xi32>
    %eq3A_47 = vector.broadcast %add3A_46 : vector<1x256xi32> to vector<384x256xi32>
    %eq3A_48 = arith.cmpi eq, %iota3A, %eq3A_47 : vector<384x256xi32>
    %convert_element_type3A_49 = arith.extui %eq3A_48 : vector<384x256xi1> to vector<384x256xi32>
    %convert_element_type3A_50 = arith.sitofp %convert_element_type3A_49 : vector<384x256xi32> to vector<384x256xf32>
    %add3A_51 = arith.addf %add3A_38, %convert_element_type3A_50 : vector<384x256xf32>
    %get3A_52 = arith.constant 0 : index
    %get3A_53 = arith.constant 4 : index
    %get3A_54 = arith.constant 0 : index
    %get3A_55 = vector.load %arg3[%get3A_52, %get3A_53, %get3A_54] : memref<1x8x256xi32, #tpu.memory_space<vmem>>, vector<1x1x256xi32>
    %get3A_56 = vector.shape_cast %get3A_55 : vector<1x1x256xi32> to vector<1x256xi32>
    %add3A_57 = arith.constant 325 : i32
    %add3A_58 = vector.broadcast %add3A_57 : i32 to vector<1x256xi32>
    %add3A_59 = arith.addi %get3A_56, %add3A_58 : vector<1x256xi32>
    %eq3A_60 = vector.broadcast %add3A_59 : vector<1x256xi32> to vector<384x256xi32>
    %eq3A_61 = arith.cmpi eq, %iota3A, %eq3A_60 : vector<384x256xi32>
    %convert_element_type3A_62 = arith.extui %eq3A_61 : vector<384x256xi1> to vector<384x256xi32>
    %convert_element_type3A_63 = arith.sitofp %convert_element_type3A_62 : vector<384x256xi32> to vector<384x256xf32>
    %add3A_64 = arith.addf %add3A_51, %convert_element_type3A_63 : vector<384x256xf32>
    %get3A_65 = arith.constant 0 : index
    %get3A_66 = arith.constant 5 : index
    %get3A_67 = arith.constant 0 : index
    %get3A_68 = vector.load %arg3[%get3A_65, %get3A_66, %get3A_67] : memref<1x8x256xi32, #tpu.memory_space<vmem>>, vector<1x1x256xi32>
    %get3A_69 = vector.shape_cast %get3A_68 : vector<1x1x256xi32> to vector<1x256xi32>
    %add3A_70 = arith.constant 338 : i32
    %add3A_71 = vector.broadcast %add3A_70 : i32 to vector<1x256xi32>
    %add3A_72 = arith.addi %get3A_69, %add3A_71 : vector<1x256xi32>
    %eq3A_73 = vector.broadcast %add3A_72 : vector<1x256xi32> to vector<384x256xi32>
    %eq3A_74 = arith.cmpi eq, %iota3A, %eq3A_73 : vector<384x256xi32>
    %convert_element_type3A_75 = arith.extui %eq3A_74 : vector<384x256xi1> to vector<384x256xi32>
    %convert_element_type3A_76 = arith.sitofp %convert_element_type3A_75 : vector<384x256xi32> to vector<384x256xf32>
    %add3A_77 = arith.addf %add3A_64, %convert_element_type3A_76 : vector<384x256xf32>
    %get3A_78 = arith.constant 0 : index
    %get3A_79 = arith.constant 0 : index
    %get3A_80 = vector.load %arg4[%get3A_78, %get3A_79] : memref<384x512xf32, #tpu.memory_space<vmem>>, vector<384x512xf32>
    %dot_general3A = arith.constant dense<0.000000e+00> : vector<256x512xf32>
    %dot_general3A_81 = tpu.matmul %add3A_77, %get3A_80, %dot_general3A {dimension_numbers = #tpu.dot_dimension_numbers<[0], [0], [1], [1], [0, 1, 1, 1], [], []>, transpose_lhs_hint = false} : vector<384x256xf32>, vector<384x512xf32>, vector<256x512xf32> -> vector<256x512xf32>
    %iota3A_82 = tpu.iota {dimensions = array<i32: 0>} : vector<256x1xi32>
    %mul3A = arith.constant 256 : i32
    %mul3A_83 = arith.muli %arg1, %mul3A : i32
    %add3A_84 = vector.broadcast %mul3A_83 : i32 to vector<256x1xi32>
    %add3A_85 = arith.addi %iota3A_82, %add3A_84 : vector<256x1xi32>
    %lt3A = vector.broadcast %get3A_1 : i32 to vector<256x1xi32>
    %lt3A_86 = arith.cmpi slt, %add3A_85, %lt3A : vector<256x1xi32>
    %convert_element_type3A_87 = arith.extui %lt3A_86 : vector<256x1xi1> to vector<256x1xi32>
    %convert_element_type3A_88 = arith.sitofp %convert_element_type3A_87 : vector<256x1xi32> to vector<256x1xf32>
    %get3A_89 = arith.constant 0 : index
    %get3A_90 = arith.constant 0 : index
    %get3A_91 = vector.load %arg5[%get3A_89, %get3A_90] : memref<256x512xf32, #tpu.memory_space<vmem>>, vector<256x512xf32>
    %add3A_92 = arith.addf %dot_general3A_81, %get3A_91 : vector<256x512xf32>
    %mul3A_93 = vector.broadcast %convert_element_type3A_88 : vector<256x1xf32> to vector<256x512xf32>
    %mul3A_94 = arith.mulf %add3A_92, %mul3A_93 : vector<256x512xf32>
    %swap3A = arith.constant 0 : index
    %swap3A_95 = arith.constant 0 : index
    %swap3A_96 = arith.constant 0 : index
    %swap3A_97 = vector.load %arg11[%swap3A, %swap3A_95, %swap3A_96] : memref<1x256x512xf32, #tpu.memory_space<vmem>>, vector<1x256x512xf32>
    %swap3A_98 = vector.shape_cast %swap3A_97 : vector<1x256x512xf32> to vector<256x512xf32>
    %swap3A_99 = vector.shape_cast %mul3A_94 : vector<256x512xf32> to vector<1x256x512xf32>
    tpu.vector_store %arg11[%swap3A, %swap3A_95, %swap3A_96], %swap3A_99 {strides = array<i32>} : memref<1x256x512xf32, #tpu.memory_space<vmem>>, vector<1x256x512xf32>,
    %reduce_sum3A = arith.constant dense<0.000000e+00> : vector<256xf32>
    %reduce_sum3A_100 = vector.multi_reduction <add>, %mul3A_94, %reduce_sum3A [1] : vector<256x512xf32> to vector<256xf32>
    %broadcast_in_dim3A_101 = vector.shape_cast %reduce_sum3A_100 : vector<256xf32> to vector<256x1xf32>
    %div3A = arith.constant 5.120000e+02 : f32
    %div3A_102 = vector.broadcast %div3A : f32 to vector<256x1xf32>
    %div3A_103 = arith.divf %broadcast_in_dim3A_101, %div3A_102 : vector<256x1xf32>
    %sub3A = vector.broadcast %div3A_103 : vector<256x1xf32> to vector<256x512xf32>
    %sub3A_104 = arith.subf %mul3A_94, %sub3A : vector<256x512xf32>
    %mul3A_105 = arith.mulf %sub3A_104, %sub3A_104 : vector<256x512xf32>
    %reduce_sum3A_106 = arith.constant dense<0.000000e+00> : vector<256xf32>
    %reduce_sum3A_107 = vector.multi_reduction <add>, %mul3A_105, %reduce_sum3A_106 [1] : vector<256x512xf32> to vector<256xf32>
    %broadcast_in_dim3A_108 = vector.shape_cast %reduce_sum3A_107 : vector<256xf32> to vector<256x1xf32>
    %div3A_109 = arith.constant 5.120000e+02 : f32
    %div3A_110 = vector.broadcast %div3A_109 : f32 to vector<256x1xf32>
    %div3A_111 = arith.divf %broadcast_in_dim3A_108, %div3A_110 : vector<256x1xf32>
    %add3A_112 = arith.constant 9.99999974E-6 : f32
    %add3A_113 = vector.broadcast %add3A_112 : f32 to vector<256x1xf32>
    %add3A_114 = arith.addf %div3A_111, %add3A_113 : vector<256x1xf32>
    %sqrt3A = math.sqrt %add3A_114 : vector<256x1xf32>
    %div3A_115 = vector.broadcast %sqrt3A : vector<256x1xf32> to vector<256x512xf32>
    %div3A_116 = arith.divf %sub3A_104, %div3A_115 : vector<256x512xf32>
    %get3A_117 = arith.constant 0 : index
    %get3A_118 = arith.constant 0 : index
    %get3A_119 = vector.load %arg6[%get3A_117, %get3A_118] : memref<1x512xf32, #tpu.memory_space<vmem>>, vector<1x512xf32>
    %mul3A_120 = vector.broadcast %get3A_119 : vector<1x512xf32> to vector<256x512xf32>
    %mul3A_121 = arith.mulf %div3A_116, %mul3A_120 : vector<256x512xf32>
    %get3A_122 = arith.constant 0 : index
    %get3A_123 = arith.constant 0 : index
    %get3A_124 = vector.load %arg7[%get3A_122, %get3A_123] : memref<1x512xf32, #tpu.memory_space<vmem>>, vector<1x512xf32>
    %add3A_125 = vector.broadcast %get3A_124 : vector<1x512xf32> to vector<256x512xf32>
    %add3A_126 = arith.addf %mul3A_121, %add3A_125 : vector<256x512xf32>
    %get3A_127 = arith.constant 0 : index
    %get3A_128 = arith.constant 0 : index
    %get3A_129 = vector.load %arg8[%get3A_127, %get3A_128] : memref<512x512xf32, #tpu.memory_space<vmem>>, vector<512x512xf32>
    %dot_general3A_130 = arith.constant dense<0.000000e+00> : vector<256x512xf32>
    %dot_general3A_131 = tpu.matmul %add3A_126, %get3A_129, %dot_general3A_130 {dimension_numbers = #tpu.dot_dimension_numbers<[1], [0], [0], [1], [0, 0, 1, 1], [], []>, transpose_lhs_hint = false} : vector<256x512xf32>, vector<512x512xf32>, vector<256x512xf32> -> vector<256x512xf32>
    %mul3A_132 = arith.constant 1.250000e-01 : f32
    %mul3A_133 = vector.broadcast %mul3A_132 : f32 to vector<256x512xf32>
    %mul3A_134 = arith.mulf %dot_general3A_131, %mul3A_133 : vector<256x512xf32>
    %convert_element_type3A_135 = arith.truncf %mul3A_134 : vector<256x512xf32> to vector<256x512xbf16>
    %swap3A_136 = arith.constant 0 : index
    %swap3A_137 = arith.constant 0 : index
    %swap3A_138 = arith.constant 0 : index
    %swap3A_139 = vector.load %arg12[%swap3A_136, %swap3A_137, %swap3A_138] : memref<1x256x512xbf16, #tpu.memory_space<vmem>>, vector<1x256x512xbf16>
    %swap3A_140 = vector.shape_cast %swap3A_139 : vector<1x256x512xbf16> to vector<256x512xbf16>
    %swap3A_141 = vector.shape_cast %convert_element_type3A_135 : vector<256x512xbf16> to vector<1x256x512xbf16>
    tpu.vector_store %arg12[%swap3A_136, %swap3A_137, %swap3A_138], %swap3A_141 {strides = array<i32>} : memref<1x256x512xbf16, #tpu.memory_space<vmem>>, vector<1x256x512xbf16>,
    %get3A_142 = arith.constant 0 : index
    %get3A_143 = arith.constant 0 : index
    %get3A_144 = vector.load %arg9[%get3A_142, %get3A_143] : memref<512x512xf32, #tpu.memory_space<vmem>>, vector<512x512xf32>
    %dot_general3A_145 = arith.constant dense<0.000000e+00> : vector<256x512xf32>
    %dot_general3A_146 = tpu.matmul %add3A_126, %get3A_144, %dot_general3A_145 {dimension_numbers = #tpu.dot_dimension_numbers<[1], [0], [0], [1], [0, 0, 1, 1], [], []>, transpose_lhs_hint = false} : vector<256x512xf32>, vector<512x512xf32>, vector<256x512xf32> -> vector<256x512xf32>
    %convert_element_type3A_147 = arith.truncf %dot_general3A_146 : vector<256x512xf32> to vector<256x512xbf16>
    %swap3A_148 = arith.constant 0 : index
    %swap3A_149 = arith.constant 0 : index
    %swap3A_150 = arith.constant 0 : index
    %swap3A_151 = vector.load %arg13[%swap3A_148, %swap3A_149, %swap3A_150] : memref<1x256x512xbf16, #tpu.memory_space<vmem>>, vector<1x256x512xbf16>
    %swap3A_152 = vector.shape_cast %swap3A_151 : vector<1x256x512xbf16> to vector<256x512xbf16>
    %swap3A_153 = vector.shape_cast %convert_element_type3A_147 : vector<256x512xbf16> to vector<1x256x512xbf16>
    tpu.vector_store %arg13[%swap3A_148, %swap3A_149, %swap3A_150], %swap3A_153 {strides = array<i32>} : memref<1x256x512xbf16, #tpu.memory_space<vmem>>, vector<1x256x512xbf16>,
    %get3A_154 = arith.constant 0 : index
    %get3A_155 = arith.constant 0 : index
    %get3A_156 = vector.load %arg10[%get3A_154, %get3A_155] : memref<512x512xf32, #tpu.memory_space<vmem>>, vector<512x512xf32>
    %dot_general3A_157 = arith.constant dense<0.000000e+00> : vector<256x512xf32>
    %dot_general3A_158 = tpu.matmul %add3A_126, %get3A_156, %dot_general3A_157 {dimension_numbers = #tpu.dot_dimension_numbers<[1], [0], [0], [1], [0, 0, 1, 1], [], []>, transpose_lhs_hint = false} : vector<256x512xf32>, vector<512x512xf32>, vector<256x512xf32> -> vector<256x512xf32>
    %convert_element_type3A_159 = arith.truncf %dot_general3A_158 : vector<256x512xf32> to vector<256x512xbf16>
    %swap3A_160 = arith.constant 0 : index
    %swap3A_161 = arith.constant 0 : index
    %swap3A_162 = arith.constant 0 : index
    %swap3A_163 = vector.load %arg14[%swap3A_160, %swap3A_161, %swap3A_162] : memref<1x256x512xbf16, #tpu.memory_space<vmem>>, vector<1x256x512xbf16>
    %swap3A_164 = vector.shape_cast %swap3A_163 : vector<1x256x512xbf16> to vector<256x512xbf16>
    %swap3A_165 = vector.shape_cast %convert_element_type3A_159 : vector<256x512xbf16> to vector<1x256x512xbf16>
    tpu.vector_store %arg14[%swap3A_160, %swap3A_161, %swap3A_162], %swap3A_165 {strides = array<i32>} : memref<1x256x512xbf16, #tpu.memory_space<vmem>>, vector<1x256x512xbf16>,
    return
  }
  func.func @transform_0(%arg0: i32, %arg1: i32) -> (i32, i32) {
    %c0_i32 = arith.constant 0 : i32
    %c0_i32_0 = arith.constant 0 : i32
    %c0_i32_1 = arith.constant 0 : i32
    return %c0_i32, %c0_i32_0 : i32, i32
  }
  func.func @transform_1(%arg0: i32, %arg1: i32) -> (i32, i32, i32) {
    %c0_i32 = arith.constant 0 : i32
    %c0_i32_0 = arith.constant 0 : i32
    return %arg0, %c0_i32, %arg1 : i32, i32, i32
  }
  func.func @transform_2(%arg0: i32, %arg1: i32) -> (i32, i32) {
    %c0_i32 = arith.constant 0 : i32
    %c0_i32_0 = arith.constant 0 : i32
    %c0_i32_1 = arith.constant 0 : i32
    return %c0_i32, %c0_i32_0 : i32, i32
  }
  func.func @transform_3(%arg0: i32, %arg1: i32) -> (i32, i32) {
    %c0_i32 = arith.constant 0 : i32
    %c0_i32_0 = arith.constant 0 : i32
    return %arg1, %c0_i32 : i32, i32
  }
  func.func @transform_4(%arg0: i32, %arg1: i32) -> (i32, i32) {
    %c0_i32 = arith.constant 0 : i32
    %c0_i32_0 = arith.constant 0 : i32
    %c0_i32_1 = arith.constant 0 : i32
    return %c0_i32, %c0_i32_0 : i32, i32
  }
  func.func @transform_5(%arg0: i32, %arg1: i32) -> (i32, i32) {
    %c0_i32 = arith.constant 0 : i32
    %c0_i32_0 = arith.constant 0 : i32
    %c0_i32_1 = arith.constant 0 : i32
    return %c0_i32, %c0_i32_0 : i32, i32
  }
  func.func @transform_6(%arg0: i32, %arg1: i32) -> (i32, i32) {
    %c0_i32 = arith.constant 0 : i32
    %c0_i32_0 = arith.constant 0 : i32
    %c0_i32_1 = arith.constant 0 : i32
    return %c0_i32, %c0_i32_0 : i32, i32
  }
  func.func @transform_7(%arg0: i32, %arg1: i32) -> (i32, i32) {
    %c0_i32 = arith.constant 0 : i32
    %c0_i32_0 = arith.constant 0 : i32
    %c0_i32_1 = arith.constant 0 : i32
    return %c0_i32, %c0_i32_0 : i32, i32
  }
  func.func @transform_8(%arg0: i32, %arg1: i32) -> (i32, i32) {
    %c0_i32 = arith.constant 0 : i32
    %c0_i32_0 = arith.constant 0 : i32
    %c0_i32_1 = arith.constant 0 : i32
    return %c0_i32, %c0_i32_0 : i32, i32
  }
  func.func @transform_9(%arg0: i32, %arg1: i32) -> (i32, i32, i32) {
    %c0_i32 = arith.constant 0 : i32
    %c0_i32_0 = arith.constant 0 : i32
    return %arg0, %arg1, %c0_i32 : i32, i32, i32
  }
  func.func @transform_10(%arg0: i32, %arg1: i32) -> (i32, i32, i32) {
    %c0_i32 = arith.constant 0 : i32
    %c0_i32_0 = arith.constant 0 : i32
    return %arg0, %arg1, %c0_i32 : i32, i32, i32
  }
  func.func @transform_11(%arg0: i32, %arg1: i32) -> (i32, i32, i32) {
    %c0_i32 = arith.constant 0 : i32
    %c0_i32_0 = arith.constant 0 : i32
    return %arg0, %arg1, %c0_i32 : i32, i32, i32
  }
  func.func @transform_12(%arg0: i32, %arg1: i32) -> (i32, i32, i32) {
    %c0_i32 = arith.constant 0 : i32
    %c0_i32_0 = arith.constant 0 : i32
    return %arg0, %arg1, %c0_i32 : i32, i32, i32
  }
}

module attributes {stable_mosaic.version = 14 : i64} {
  func.func @_k2_body(%arg0: i32, %arg1: i32, %arg2: i32, %arg3: memref<4x16xi32, #tpu.memory_space<smem>>, %arg4: memref<1x8x256x64xbf16, #tpu.memory_space<vmem>>, %arg5: memref<1x8x64x2048xbf16, #tpu.memory_space<vmem>>, %arg6: memref<1x8x2048x64xbf16, #tpu.memory_space<vmem>>, %arg7: memref<1x8x256x64xf32, #tpu.memory_space<vmem>>, %arg8: memref<8x256x64xf32, #tpu.memory_space<vmem>>, %arg9: memref<8x256x128xf32, #tpu.memory_space<vmem>>) attributes {dimension_semantics = [#tpu.dimension_semantics<arbitrary>, #tpu.dimension_semantics<arbitrary>, #tpu.dimension_semantics<arbitrary>], iteration_bounds = array<i64: 4, 1, 8>, scalar_prefetch = 0 : i64, scratch_operands = 2 : i64, tpu.core_type = #tpu.core_type<tc>, window_params = [{transform_indices = @transform_0, window_bounds = array<i64: 4, 16>}, {transform_indices = @transform_1, window_bounds = array<i64: 1, 8, 256, 64>}, {transform_indices = @transform_2, window_bounds = array<i64: 1, 8, 64, 2048>}, {transform_indices = @transform_3, window_bounds = array<i64: 1, 8, 2048, 64>}, {transform_indices = @transform_4, window_bounds = array<i64: 1, 8, 256, 64>}]} {
    %get3A = arith.index_cast %arg0 : i32 to index
    %get3A_0 = arith.constant 0 : index
    %get3A_1 = memref.load %arg3[%get3A, %get3A_0] : memref<4x16xi32, #tpu.memory_space<smem>>
    %broadcast_in_dim3A = arith.constant 0.000000e+00 : f32
    %broadcast_in_dim3A_2 = vector.broadcast %broadcast_in_dim3A : f32 to vector<8x256x64xf32>
    %swap3A = arith.constant 0 : index
    %swap3A_3 = arith.constant 0 : index
    %swap3A_4 = arith.constant 0 : index
    %swap3A_5 = vector.load %arg8[%swap3A, %swap3A_3, %swap3A_4] : memref<8x256x64xf32, #tpu.memory_space<vmem>>, vector<8x256x64xf32>
    tpu.vector_store %arg8[%swap3A, %swap3A_3, %swap3A_4], %broadcast_in_dim3A_2 {strides = array<i32>} : memref<8x256x64xf32, #tpu.memory_space<vmem>>, vector<8x256x64xf32>,
    %broadcast_in_dim3A_6 = arith.constant 0.000000e+00 : f32
    %broadcast_in_dim3A_7 = vector.broadcast %broadcast_in_dim3A_6 : f32 to vector<8x256x128xf32>
    %swap3A_8 = arith.constant 0 : index
    %swap3A_9 = arith.constant 0 : index
    %swap3A_10 = arith.constant 0 : index
    %swap3A_11 = vector.load %arg9[%swap3A_8, %swap3A_9, %swap3A_10] : memref<8x256x128xf32, #tpu.memory_space<vmem>>, vector<8x256x128xf32>
    tpu.vector_store %arg9[%swap3A_8, %swap3A_9, %swap3A_10], %broadcast_in_dim3A_7 {strides = array<i32>} : memref<8x256x128xf32, #tpu.memory_space<vmem>>, vector<8x256x128xf32>,
    %gt3A = arith.constant 0 : i32
    %gt3A_12 = arith.cmpi sgt, %get3A_1, %gt3A : i32
    %convert_element_type3A = arith.extui %gt3A_12 : i1 to i32
    %cond3A = arith.constant 0 : i32
    %cond3A_13 = arith.cmpi ne, %convert_element_type3A, %cond3A : i32
    scf.if %cond3A_13 {
      %iota3A = tpu.iota {dimensions = array<i32: 1>} : vector<1x256xi32>
      %add3A = arith.constant 0 : i32
      %add3A_223 = vector.broadcast %add3A : i32 to vector<1x256xi32>
      %add3A_224 = arith.addi %add3A_223, %iota3A : vector<1x256xi32>
      %lt3A = vector.broadcast %get3A_1 : i32 to vector<1x256xi32>
      %lt3A_225 = arith.cmpi slt, %add3A_224, %lt3A : vector<1x256xi32>
      %get3A_226 = arith.constant 0 : index
      %get3A_227 = arith.constant 0 : index
      %get3A_228 = arith.constant 0 : index
      %get3A_229 = arith.constant 0 : index
      %get3A_230 = vector.load %arg4[%get3A_226, %get3A_227, %get3A_228, %get3A_229] : memref<1x8x256x64xbf16, #tpu.memory_space<vmem>>, vector<1x1x256x64xbf16>
      %get3A_231 = vector.shape_cast %get3A_230 : vector<1x1x256x64xbf16> to vector<256x64xbf16>
      %get3A_232 = arith.constant 0 : index
      %get3A_233 = arith.constant 0 : index
      %get3A_234 = arith.constant 0 : index
      %get3A_235 = arith.constant 0 : index
      %get3A_236 = vector.load %arg5[%get3A_232, %get3A_233, %get3A_234, %get3A_235] : memref<1x8x64x2048xbf16, #tpu.memory_space<vmem>>, vector<1x1x64x256xbf16>
      %get3A_237 = vector.shape_cast %get3A_236 : vector<1x1x64x256xbf16> to vector<64x256xbf16>
      %dot_general3A = arith.constant dense<0.000000e+00> : vector<256x256xf32>
      %dot_general3A_238 = tpu.matmul %get3A_231, %get3A_237, %dot_general3A {dimension_numbers = #tpu.dot_dimension_numbers<[1], [0], [0], [1], [0, 0, 1, 1], [], []>, transpose_lhs_hint = false} : vector<256x64xbf16>, vector<64x256xbf16>, vector<256x256xf32> -> vector<256x256xf32>
      %exp3A = math.exp %dot_general3A_238 : vector<256x256xf32>
      %jit3A = arith.constant 0.000000e+00 : f32
      %broadcast_in_dim3A_239 = vector.shape_cast %lt3A_225 : vector<1x256xi1> to vector<1x256xi1>
      %broadcast_in_dim3A_240 = vector.broadcast %broadcast_in_dim3A_239 : vector<1x256xi1> to vector<256x256xi1>
      %broadcast_in_dim3A_241 = vector.broadcast %jit3A : f32 to vector<256x256xf32>
      %select_n3A = arith.select %broadcast_in_dim3A_240, %exp3A, %broadcast_in_dim3A_241 : vector<256x256xi1>, vector<256x256xf32>
      %get3A_242 = arith.constant 0 : index
      %get3A_243 = arith.constant 0 : index
      %get3A_244 = arith.constant 0 : index
      %get3A_245 = arith.constant 0 : index
      %get3A_246 = vector.load %arg6[%get3A_242, %get3A_243, %get3A_244, %get3A_245] : memref<1x8x2048x64xbf16, #tpu.memory_space<vmem>>, vector<1x1x256x64xbf16>
      %get3A_247 = vector.shape_cast %get3A_246 : vector<1x1x256x64xbf16> to vector<256x64xbf16>
      %get3A_248 = arith.constant 0 : index
      %get3A_249 = arith.constant 0 : index
      %get3A_250 = arith.constant 0 : index
      %get3A_251 = vector.load %arg8[%get3A_248, %get3A_249, %get3A_250] : memref<8x256x64xf32, #tpu.memory_space<vmem>>, vector<1x256x64xf32>
      %get3A_252 = vector.shape_cast %get3A_251 : vector<1x256x64xf32> to vector<256x64xf32>
      %convert_element_type3A_253 = arith.truncf %select_n3A : vector<256x256xf32> to vector<256x256xbf16>
      %dot_general3A_254 = arith.constant dense<0.000000e+00> : vector<256x64xf32>
      %dot_general3A_255 = tpu.matmul %convert_element_type3A_253, %get3A_247, %dot_general3A_254 {dimension_numbers = #tpu.dot_dimension_numbers<[1], [0], [0], [1], [0, 0, 1, 1], [], []>, transpose_lhs_hint = false} : vector<256x256xbf16>, vector<256x64xbf16>, vector<256x64xf32> -> vector<256x64xf32>
      %add3A_256 = arith.addf %get3A_252, %dot_general3A_255 : vector<256x64xf32>
      %swap3A_257 = arith.constant 0 : index
      %swap3A_258 = arith.constant 0 : index
      %swap3A_259 = arith.constant 0 : index
      %swap3A_260 = vector.load %arg8[%swap3A_257, %swap3A_258, %swap3A_259] : memref<8x256x64xf32, #tpu.memory_space<vmem>>, vector<1x256x64xf32>
      %swap3A_261 = vector.shape_cast %swap3A_260 : vector<1x256x64xf32> to vector<256x64xf32>
      %swap3A_262 = vector.shape_cast %add3A_256 : vector<256x64xf32> to vector<1x256x64xf32>
      tpu.vector_store %arg8[%swap3A_257, %swap3A_258, %swap3A_259], %swap3A_262 {strides = array<i32>} : memref<8x256x64xf32, #tpu.memory_space<vmem>>, vector<1x256x64xf32>,
      %get3A_263 = arith.constant 0 : index
      %get3A_264 = arith.constant 0 : index
      %get3A_265 = arith.constant 0 : index
      %get3A_266 = vector.load %arg9[%get3A_263, %get3A_264, %get3A_265] : memref<8x256x128xf32, #tpu.memory_space<vmem>>, vector<1x256x1xf32>
      %get3A_267 = vector.shape_cast %get3A_266 : vector<1x256x1xf32> to vector<256x1xf32>
      %reduce_sum3A = arith.constant dense<0.000000e+00> : vector<256xf32>
      %reduce_sum3A_268 = vector.multi_reduction <add>, %select_n3A, %reduce_sum3A [1] : vector<256x256xf32> to vector<256xf32>
      %broadcast_in_dim3A_269 = vector.shape_cast %reduce_sum3A_268 : vector<256xf32> to vector<256x1xf32>
      %add3A_270 = arith.addf %get3A_267, %broadcast_in_dim3A_269 : vector<256x1xf32>
      %swap3A_271 = arith.constant 0 : index
      %swap3A_272 = arith.constant 0 : index
      %swap3A_273 = arith.constant 0 : index
      %swap3A_274 = vector.load %arg9[%swap3A_271, %swap3A_272, %swap3A_273] : memref<8x256x128xf32, #tpu.memory_space<vmem>>, vector<1x256x1xf32>
      %swap3A_275 = vector.shape_cast %swap3A_274 : vector<1x256x1xf32> to vector<256x1xf32>
      %swap3A_276 = vector.shape_cast %add3A_270 : vector<256x1xf32> to vector<1x256x1xf32>
      tpu.vector_store %arg9[%swap3A_271, %swap3A_272, %swap3A_273], %swap3A_276 {strides = array<i32>} : memref<8x256x128xf32, #tpu.memory_space<vmem>>, vector<1x256x1xf32>,
      %get3A_277 = arith.constant 0 : index
      %get3A_278 = arith.constant 1 : index
      %get3A_279 = arith.constant 0 : index
      %get3A_280 = arith.constant 0 : index
      %get3A_281 = vector.load %arg4[%get3A_277, %get3A_278, %get3A_279, %get3A_280] : memref<1x8x256x64xbf16, #tpu.memory_space<vmem>>, vector<1x1x256x64xbf16>
      %get3A_282 = vector.shape_cast %get3A_281 : vector<1x1x256x64xbf16> to vector<256x64xbf16>
      %get3A_283 = arith.constant 0 : index
      %get3A_284 = arith.constant 1 : index
      %get3A_285 = arith.constant 0 : index
      %get3A_286 = arith.constant 0 : index
      %get3A_287 = vector.load %arg5[%get3A_283, %get3A_284, %get3A_285, %get3A_286] : memref<1x8x64x2048xbf16, #tpu.memory_space<vmem>>, vector<1x1x64x256xbf16>
      %get3A_288 = vector.shape_cast %get3A_287 : vector<1x1x64x256xbf16> to vector<64x256xbf16>
      %dot_general3A_289 = arith.constant dense<0.000000e+00> : vector<256x256xf32>
      %dot_general3A_290 = tpu.matmul %get3A_282, %get3A_288, %dot_general3A_289 {dimension_numbers = #tpu.dot_dimension_numbers<[1], [0], [0], [1], [0, 0, 1, 1], [], []>, transpose_lhs_hint = false} : vector<256x64xbf16>, vector<64x256xbf16>, vector<256x256xf32> -> vector<256x256xf32>
      %exp3A_291 = math.exp %dot_general3A_290 : vector<256x256xf32>
      %jit3A_292 = arith.constant 0.000000e+00 : f32
      %broadcast_in_dim3A_293 = vector.shape_cast %lt3A_225 : vector<1x256xi1> to vector<1x256xi1>
      %broadcast_in_dim3A_294 = vector.broadcast %broadcast_in_dim3A_293 : vector<1x256xi1> to vector<256x256xi1>
      %broadcast_in_dim3A_295 = vector.broadcast %jit3A_292 : f32 to vector<256x256xf32>
      %select_n3A_296 = arith.select %broadcast_in_dim3A_294, %exp3A_291, %broadcast_in_dim3A_295 : vector<256x256xi1>, vector<256x256xf32>
      %get3A_297 = arith.constant 0 : index
      %get3A_298 = arith.constant 1 : index
      %get3A_299 = arith.constant 0 : index
      %get3A_300 = arith.constant 0 : index
      %get3A_301 = vector.load %arg6[%get3A_297, %get3A_298, %get3A_299, %get3A_300] : memref<1x8x2048x64xbf16, #tpu.memory_space<vmem>>, vector<1x1x256x64xbf16>
      %get3A_302 = vector.shape_cast %get3A_301 : vector<1x1x256x64xbf16> to vector<256x64xbf16>
      %get3A_303 = arith.constant 1 : index
      %get3A_304 = arith.constant 0 : index
      %get3A_305 = arith.constant 0 : index
      %get3A_306 = vector.load %arg8[%get3A_303, %get3A_304, %get3A_305] : memref<8x256x64xf32, #tpu.memory_space<vmem>>, vector<1x256x64xf32>
      %get3A_307 = vector.shape_cast %get3A_306 : vector<1x256x64xf32> to vector<256x64xf32>
      %convert_element_type3A_308 = arith.truncf %select_n3A_296 : vector<256x256xf32> to vector<256x256xbf16>
      %dot_general3A_309 = arith.constant dense<0.000000e+00> : vector<256x64xf32>
      %dot_general3A_310 = tpu.matmul %convert_element_type3A_308, %get3A_302, %dot_general3A_309 {dimension_numbers = #tpu.dot_dimension_numbers<[1], [0], [0], [1], [0, 0, 1, 1], [], []>, transpose_lhs_hint = false} : vector<256x256xbf16>, vector<256x64xbf16>, vector<256x64xf32> -> vector<256x64xf32>
      %add3A_311 = arith.addf %get3A_307, %dot_general3A_310 : vector<256x64xf32>
      %swap3A_312 = arith.constant 1 : index
      %swap3A_313 = arith.constant 0 : index
      %swap3A_314 = arith.constant 0 : index
      %swap3A_315 = vector.load %arg8[%swap3A_312, %swap3A_313, %swap3A_314] : memref<8x256x64xf32, #tpu.memory_space<vmem>>, vector<1x256x64xf32>
      %swap3A_316 = vector.shape_cast %swap3A_315 : vector<1x256x64xf32> to vector<256x64xf32>
      %swap3A_317 = vector.shape_cast %add3A_311 : vector<256x64xf32> to vector<1x256x64xf32>
      tpu.vector_store %arg8[%swap3A_312, %swap3A_313, %swap3A_314], %swap3A_317 {strides = array<i32>} : memref<8x256x64xf32, #tpu.memory_space<vmem>>, vector<1x256x64xf32>,
      %get3A_318 = arith.constant 1 : index
      %get3A_319 = arith.constant 0 : index
      %get3A_320 = arith.constant 0 : index
      %get3A_321 = vector.load %arg9[%get3A_318, %get3A_319, %get3A_320] : memref<8x256x128xf32, #tpu.memory_space<vmem>>, vector<1x256x1xf32>
      %get3A_322 = vector.shape_cast %get3A_321 : vector<1x256x1xf32> to vector<256x1xf32>
      %reduce_sum3A_323 = arith.constant dense<0.000000e+00> : vector<256xf32>
      %reduce_sum3A_324 = vector.multi_reduction <add>, %select_n3A_296, %reduce_sum3A_323 [1] : vector<256x256xf32> to vector<256xf32>
      %broadcast_in_dim3A_325 = vector.shape_cast %reduce_sum3A_324 : vector<256xf32> to vector<256x1xf32>
      %add3A_326 = arith.addf %get3A_322, %broadcast_in_dim3A_325 : vector<256x1xf32>
      %swap3A_327 = arith.constant 1 : index
      %swap3A_328 = arith.constant 0 : index
      %swap3A_329 = arith.constant 0 : index
      %swap3A_330 = vector.load %arg9[%swap3A_327, %swap3A_328, %swap3A_329] : memref<8x256x128xf32, #tpu.memory_space<vmem>>, vector<1x256x1xf32>
      %swap3A_331 = vector.shape_cast %swap3A_330 : vector<1x256x1xf32> to vector<256x1xf32>
      %swap3A_332 = vector.shape_cast %add3A_326 : vector<256x1xf32> to vector<1x256x1xf32>
      tpu.vector_store %arg9[%swap3A_327, %swap3A_328, %swap3A_329], %swap3A_332 {strides = array<i32>} : memref<8x256x128xf32, #tpu.memory_space<vmem>>, vector<1x256x1xf32>,
      %get3A_333 = arith.constant 0 : index
      %get3A_334 = arith.constant 2 : index
      %get3A_335 = arith.constant 0 : index
      %get3A_336 = arith.constant 0 : index
      %get3A_337 = vector.load %arg4[%get3A_333, %get3A_334, %get3A_335, %get3A_336] : memref<1x8x256x64xbf16, #tpu.memory_space<vmem>>, vector<1x1x256x64xbf16>
      %get3A_338 = vector.shape_cast %get3A_337 : vector<1x1x256x64xbf16> to vector<256x64xbf16>
      %get3A_339 = arith.constant 0 : index
      %get3A_340 = arith.constant 2 : index
      %get3A_341 = arith.constant 0 : index
      %get3A_342 = arith.constant 0 : index
      %get3A_343 = vector.load %arg5[%get3A_339, %get3A_340, %get3A_341, %get3A_342] : memref<1x8x64x2048xbf16, #tpu.memory_space<vmem>>, vector<1x1x64x256xbf16>
      %get3A_344 = vector.shape_cast %get3A_343 : vector<1x1x64x256xbf16> to vector<64x256xbf16>
      %dot_general3A_345 = arith.constant dense<0.000000e+00> : vector<256x256xf32>
      %dot_general3A_346 = tpu.matmul %get3A_338, %get3A_344, %dot_general3A_345 {dimension_numbers = #tpu.dot_dimension_numbers<[1], [0], [0], [1], [0, 0, 1, 1], [], []>, transpose_lhs_hint = false} : vector<256x64xbf16>, vector<64x256xbf16>, vector<256x256xf32> -> vector<256x256xf32>
      %exp3A_347 = math.exp %dot_general3A_346 : vector<256x256xf32>
      %jit3A_348 = arith.constant 0.000000e+00 : f32
      %broadcast_in_dim3A_349 = vector.shape_cast %lt3A_225 : vector<1x256xi1> to vector<1x256xi1>
      %broadcast_in_dim3A_350 = vector.broadcast %broadcast_in_dim3A_349 : vector<1x256xi1> to vector<256x256xi1>
      %broadcast_in_dim3A_351 = vector.broadcast %jit3A_348 : f32 to vector<256x256xf32>
      %select_n3A_352 = arith.select %broadcast_in_dim3A_350, %exp3A_347, %broadcast_in_dim3A_351 : vector<256x256xi1>, vector<256x256xf32>
      %get3A_353 = arith.constant 0 : index
      %get3A_354 = arith.constant 2 : index
      %get3A_355 = arith.constant 0 : index
      %get3A_356 = arith.constant 0 : index
      %get3A_357 = vector.load %arg6[%get3A_353, %get3A_354, %get3A_355, %get3A_356] : memref<1x8x2048x64xbf16, #tpu.memory_space<vmem>>, vector<1x1x256x64xbf16>
      %get3A_358 = vector.shape_cast %get3A_357 : vector<1x1x256x64xbf16> to vector<256x64xbf16>
      %get3A_359 = arith.constant 2 : index
      %get3A_360 = arith.constant 0 : index
      %get3A_361 = arith.constant 0 : index
      %get3A_362 = vector.load %arg8[%get3A_359, %get3A_360, %get3A_361] : memref<8x256x64xf32, #tpu.memory_space<vmem>>, vector<1x256x64xf32>
      %get3A_363 = vector.shape_cast %get3A_362 : vector<1x256x64xf32> to vector<256x64xf32>
      %convert_element_type3A_364 = arith.truncf %select_n3A_352 : vector<256x256xf32> to vector<256x256xbf16>
      %dot_general3A_365 = arith.constant dense<0.000000e+00> : vector<256x64xf32>
      %dot_general3A_366 = tpu.matmul %convert_element_type3A_364, %get3A_358, %dot_general3A_365 {dimension_numbers = #tpu.dot_dimension_numbers<[1], [0], [0], [1], [0, 0, 1, 1], [], []>, transpose_lhs_hint = false} : vector<256x256xbf16>, vector<256x64xbf16>, vector<256x64xf32> -> vector<256x64xf32>
      %add3A_367 = arith.addf %get3A_363, %dot_general3A_366 : vector<256x64xf32>
      %swap3A_368 = arith.constant 2 : index
      %swap3A_369 = arith.constant 0 : index
      %swap3A_370 = arith.constant 0 : index
      %swap3A_371 = vector.load %arg8[%swap3A_368, %swap3A_369, %swap3A_370] : memref<8x256x64xf32, #tpu.memory_space<vmem>>, vector<1x256x64xf32>
      %swap3A_372 = vector.shape_cast %swap3A_371 : vector<1x256x64xf32> to vector<256x64xf32>
      %swap3A_373 = vector.shape_cast %add3A_367 : vector<256x64xf32> to vector<1x256x64xf32>
      tpu.vector_store %arg8[%swap3A_368, %swap3A_369, %swap3A_370], %swap3A_373 {strides = array<i32>} : memref<8x256x64xf32, #tpu.memory_space<vmem>>, vector<1x256x64xf32>,
      %get3A_374 = arith.constant 2 : index
      %get3A_375 = arith.constant 0 : index
      %get3A_376 = arith.constant 0 : index
      %get3A_377 = vector.load %arg9[%get3A_374, %get3A_375, %get3A_376] : memref<8x256x128xf32, #tpu.memory_space<vmem>>, vector<1x256x1xf32>
      %get3A_378 = vector.shape_cast %get3A_377 : vector<1x256x1xf32> to vector<256x1xf32>
      %reduce_sum3A_379 = arith.constant dense<0.000000e+00> : vector<256xf32>
      %reduce_sum3A_380 = vector.multi_reduction <add>, %select_n3A_352, %reduce_sum3A_379 [1] : vector<256x256xf32> to vector<256xf32>
      %broadcast_in_dim3A_381 = vector.shape_cast %reduce_sum3A_380 : vector<256xf32> to vector<256x1xf32>
      %add3A_382 = arith.addf %get3A_378, %broadcast_in_dim3A_381 : vector<256x1xf32>
      %swap3A_383 = arith.constant 2 : index
      %swap3A_384 = arith.constant 0 : index
      %swap3A_385 = arith.constant 0 : index
      %swap3A_386 = vector.load %arg9[%swap3A_383, %swap3A_384, %swap3A_385] : memref<8x256x128xf32, #tpu.memory_space<vmem>>, vector<1x256x1xf32>
      %swap3A_387 = vector.shape_cast %swap3A_386 : vector<1x256x1xf32> to vector<256x1xf32>
      %swap3A_388 = vector.shape_cast %add3A_382 : vector<256x1xf32> to vector<1x256x1xf32>
      tpu.vector_store %arg9[%swap3A_383, %swap3A_384, %swap3A_385], %swap3A_388 {strides = array<i32>} : memref<8x256x128xf32, #tpu.memory_space<vmem>>, vector<1x256x1xf32>,
      %get3A_389 = arith.constant 0 : index
      %get3A_390 = arith.constant 3 : index
      %get3A_391 = arith.constant 0 : index
      %get3A_392 = arith.constant 0 : index
      %get3A_393 = vector.load %arg4[%get3A_389, %get3A_390, %get3A_391, %get3A_392] : memref<1x8x256x64xbf16, #tpu.memory_space<vmem>>, vector<1x1x256x64xbf16>
      %get3A_394 = vector.shape_cast %get3A_393 : vector<1x1x256x64xbf16> to vector<256x64xbf16>
      %get3A_395 = arith.constant 0 : index
      %get3A_396 = arith.constant 3 : index
      %get3A_397 = arith.constant 0 : index
      %get3A_398 = arith.constant 0 : index
      %get3A_399 = vector.load %arg5[%get3A_395, %get3A_396, %get3A_397, %get3A_398] : memref<1x8x64x2048xbf16, #tpu.memory_space<vmem>>, vector<1x1x64x256xbf16>
      %get3A_400 = vector.shape_cast %get3A_399 : vector<1x1x64x256xbf16> to vector<64x256xbf16>
      %dot_general3A_401 = arith.constant dense<0.000000e+00> : vector<256x256xf32>
      %dot_general3A_402 = tpu.matmul %get3A_394, %get3A_400, %dot_general3A_401 {dimension_numbers = #tpu.dot_dimension_numbers<[1], [0], [0], [1], [0, 0, 1, 1], [], []>, transpose_lhs_hint = false} : vector<256x64xbf16>, vector<64x256xbf16>, vector<256x256xf32> -> vector<256x256xf32>
      %exp3A_403 = math.exp %dot_general3A_402 : vector<256x256xf32>
      %jit3A_404 = arith.constant 0.000000e+00 : f32
      %broadcast_in_dim3A_405 = vector.shape_cast %lt3A_225 : vector<1x256xi1> to vector<1x256xi1>
      %broadcast_in_dim3A_406 = vector.broadcast %broadcast_in_dim3A_405 : vector<1x256xi1> to vector<256x256xi1>
      %broadcast_in_dim3A_407 = vector.broadcast %jit3A_404 : f32 to vector<256x256xf32>
      %select_n3A_408 = arith.select %broadcast_in_dim3A_406, %exp3A_403, %broadcast_in_dim3A_407 : vector<256x256xi1>, vector<256x256xf32>
      %get3A_409 = arith.constant 0 : index
      %get3A_410 = arith.constant 3 : index
      %get3A_411 = arith.constant 0 : index
      %get3A_412 = arith.constant 0 : index
      %get3A_413 = vector.load %arg6[%get3A_409, %get3A_410, %get3A_411, %get3A_412] : memref<1x8x2048x64xbf16, #tpu.memory_space<vmem>>, vector<1x1x256x64xbf16>
      %get3A_414 = vector.shape_cast %get3A_413 : vector<1x1x256x64xbf16> to vector<256x64xbf16>
      %get3A_415 = arith.constant 3 : index
      %get3A_416 = arith.constant 0 : index
      %get3A_417 = arith.constant 0 : index
      %get3A_418 = vector.load %arg8[%get3A_415, %get3A_416, %get3A_417] : memref<8x256x64xf32, #tpu.memory_space<vmem>>, vector<1x256x64xf32>
      %get3A_419 = vector.shape_cast %get3A_418 : vector<1x256x64xf32> to vector<256x64xf32>
      %convert_element_type3A_420 = arith.truncf %select_n3A_408 : vector<256x256xf32> to vector<256x256xbf16>
      %dot_general3A_421 = arith.constant dense<0.000000e+00> : vector<256x64xf32>
      %dot_general3A_422 = tpu.matmul %convert_element_type3A_420, %get3A_414, %dot_general3A_421 {dimension_numbers = #tpu.dot_dimension_numbers<[1], [0], [0], [1], [0, 0, 1, 1], [], []>, transpose_lhs_hint = false} : vector<256x256xbf16>, vector<256x64xbf16>, vector<256x64xf32> -> vector<256x64xf32>
      %add3A_423 = arith.addf %get3A_419, %dot_general3A_422 : vector<256x64xf32>
      %swap3A_424 = arith.constant 3 : index
      %swap3A_425 = arith.constant 0 : index
      %swap3A_426 = arith.constant 0 : index
      %swap3A_427 = vector.load %arg8[%swap3A_424, %swap3A_425, %swap3A_426] : memref<8x256x64xf32, #tpu.memory_space<vmem>>, vector<1x256x64xf32>
      %swap3A_428 = vector.shape_cast %swap3A_427 : vector<1x256x64xf32> to vector<256x64xf32>
      %swap3A_429 = vector.shape_cast %add3A_423 : vector<256x64xf32> to vector<1x256x64xf32>
      tpu.vector_store %arg8[%swap3A_424, %swap3A_425, %swap3A_426], %swap3A_429 {strides = array<i32>} : memref<8x256x64xf32, #tpu.memory_space<vmem>>, vector<1x256x64xf32>,
      %get3A_430 = arith.constant 3 : index
      %get3A_431 = arith.constant 0 : index
      %get3A_432 = arith.constant 0 : index
      %get3A_433 = vector.load %arg9[%get3A_430, %get3A_431, %get3A_432] : memref<8x256x128xf32, #tpu.memory_space<vmem>>, vector<1x256x1xf32>
      %get3A_434 = vector.shape_cast %get3A_433 : vector<1x256x1xf32> to vector<256x1xf32>
      %reduce_sum3A_435 = arith.constant dense<0.000000e+00> : vector<256xf32>
      %reduce_sum3A_436 = vector.multi_reduction <add>, %select_n3A_408, %reduce_sum3A_435 [1] : vector<256x256xf32> to vector<256xf32>
      %broadcast_in_dim3A_437 = vector.shape_cast %reduce_sum3A_436 : vector<256xf32> to vector<256x1xf32>
      %add3A_438 = arith.addf %get3A_434, %broadcast_in_dim3A_437 : vector<256x1xf32>
      %swap3A_439 = arith.constant 3 : index
      %swap3A_440 = arith.constant 0 : index
      %swap3A_441 = arith.constant 0 : index
      %swap3A_442 = vector.load %arg9[%swap3A_439, %swap3A_440, %swap3A_441] : memref<8x256x128xf32, #tpu.memory_space<vmem>>, vector<1x256x1xf32>
      %swap3A_443 = vector.shape_cast %swap3A_442 : vector<1x256x1xf32> to vector<256x1xf32>
      %swap3A_444 = vector.shape_cast %add3A_438 : vector<256x1xf32> to vector<1x256x1xf32>
      tpu.vector_store %arg9[%swap3A_439, %swap3A_440, %swap3A_441], %swap3A_444 {strides = array<i32>} : memref<8x256x128xf32, #tpu.memory_space<vmem>>, vector<1x256x1xf32>,
      %get3A_445 = arith.constant 0 : index
      %get3A_446 = arith.constant 4 : index
      %get3A_447 = arith.constant 0 : index
      %get3A_448 = arith.constant 0 : index
      %get3A_449 = vector.load %arg4[%get3A_445, %get3A_446, %get3A_447, %get3A_448] : memref<1x8x256x64xbf16, #tpu.memory_space<vmem>>, vector<1x1x256x64xbf16>
      %get3A_450 = vector.shape_cast %get3A_449 : vector<1x1x256x64xbf16> to vector<256x64xbf16>
      %get3A_451 = arith.constant 0 : index
      %get3A_452 = arith.constant 4 : index
      %get3A_453 = arith.constant 0 : index
      %get3A_454 = arith.constant 0 : index
      %get3A_455 = vector.load %arg5[%get3A_451, %get3A_452, %get3A_453, %get3A_454] : memref<1x8x64x2048xbf16, #tpu.memory_space<vmem>>, vector<1x1x64x256xbf16>
      %get3A_456 = vector.shape_cast %get3A_455 : vector<1x1x64x256xbf16> to vector<64x256xbf16>
      %dot_general3A_457 = arith.constant dense<0.000000e+00> : vector<256x256xf32>
      %dot_general3A_458 = tpu.matmul %get3A_450, %get3A_456, %dot_general3A_457 {dimension_numbers = #tpu.dot_dimension_numbers<[1], [0], [0], [1], [0, 0, 1, 1], [], []>, transpose_lhs_hint = false} : vector<256x64xbf16>, vector<64x256xbf16>, vector<256x256xf32> -> vector<256x256xf32>
      %exp3A_459 = math.exp %dot_general3A_458 : vector<256x256xf32>
      %jit3A_460 = arith.constant 0.000000e+00 : f32
      %broadcast_in_dim3A_461 = vector.shape_cast %lt3A_225 : vector<1x256xi1> to vector<1x256xi1>
      %broadcast_in_dim3A_462 = vector.broadcast %broadcast_in_dim3A_461 : vector<1x256xi1> to vector<256x256xi1>
      %broadcast_in_dim3A_463 = vector.broadcast %jit3A_460 : f32 to vector<256x256xf32>
      %select_n3A_464 = arith.select %broadcast_in_dim3A_462, %exp3A_459, %broadcast_in_dim3A_463 : vector<256x256xi1>, vector<256x256xf32>
      %get3A_465 = arith.constant 0 : index
      %get3A_466 = arith.constant 4 : index
      %get3A_467 = arith.constant 0 : index
      %get3A_468 = arith.constant 0 : index
      %get3A_469 = vector.load %arg6[%get3A_465, %get3A_466, %get3A_467, %get3A_468] : memref<1x8x2048x64xbf16, #tpu.memory_space<vmem>>, vector<1x1x256x64xbf16>
      %get3A_470 = vector.shape_cast %get3A_469 : vector<1x1x256x64xbf16> to vector<256x64xbf16>
      %get3A_471 = arith.constant 4 : index
      %get3A_472 = arith.constant 0 : index
      %get3A_473 = arith.constant 0 : index
      %get3A_474 = vector.load %arg8[%get3A_471, %get3A_472, %get3A_473] : memref<8x256x64xf32, #tpu.memory_space<vmem>>, vector<1x256x64xf32>
      %get3A_475 = vector.shape_cast %get3A_474 : vector<1x256x64xf32> to vector<256x64xf32>
      %convert_element_type3A_476 = arith.truncf %select_n3A_464 : vector<256x256xf32> to vector<256x256xbf16>
      %dot_general3A_477 = arith.constant dense<0.000000e+00> : vector<256x64xf32>
      %dot_general3A_478 = tpu.matmul %convert_element_type3A_476, %get3A_470, %dot_general3A_477 {dimension_numbers = #tpu.dot_dimension_numbers<[1], [0], [0], [1], [0, 0, 1, 1], [], []>, transpose_lhs_hint = false} : vector<256x256xbf16>, vector<256x64xbf16>, vector<256x64xf32> -> vector<256x64xf32>
      %add3A_479 = arith.addf %get3A_475, %dot_general3A_478 : vector<256x64xf32>
      %swap3A_480 = arith.constant 4 : index
      %swap3A_481 = arith.constant 0 : index
      %swap3A_482 = arith.constant 0 : index
      %swap3A_483 = vector.load %arg8[%swap3A_480, %swap3A_481, %swap3A_482] : memref<8x256x64xf32, #tpu.memory_space<vmem>>, vector<1x256x64xf32>
      %swap3A_484 = vector.shape_cast %swap3A_483 : vector<1x256x64xf32> to vector<256x64xf32>
      %swap3A_485 = vector.shape_cast %add3A_479 : vector<256x64xf32> to vector<1x256x64xf32>
      tpu.vector_store %arg8[%swap3A_480, %swap3A_481, %swap3A_482], %swap3A_485 {strides = array<i32>} : memref<8x256x64xf32, #tpu.memory_space<vmem>>, vector<1x256x64xf32>,
      %get3A_486 = arith.constant 4 : index
      %get3A_487 = arith.constant 0 : index
      %get3A_488 = arith.constant 0 : index
      %get3A_489 = vector.load %arg9[%get3A_486, %get3A_487, %get3A_488] : memref<8x256x128xf32, #tpu.memory_space<vmem>>, vector<1x256x1xf32>
      %get3A_490 = vector.shape_cast %get3A_489 : vector<1x256x1xf32> to vector<256x1xf32>
      %reduce_sum3A_491 = arith.constant dense<0.000000e+00> : vector<256xf32>
      %reduce_sum3A_492 = vector.multi_reduction <add>, %select_n3A_464, %reduce_sum3A_491 [1] : vector<256x256xf32> to vector<256xf32>
      %broadcast_in_dim3A_493 = vector.shape_cast %reduce_sum3A_492 : vector<256xf32> to vector<256x1xf32>
      %add3A_494 = arith.addf %get3A_490, %broadcast_in_dim3A_493 : vector<256x1xf32>
      %swap3A_495 = arith.constant 4 : index
      %swap3A_496 = arith.constant 0 : index
      %swap3A_497 = arith.constant 0 : index
      %swap3A_498 = vector.load %arg9[%swap3A_495, %swap3A_496, %swap3A_497] : memref<8x256x128xf32, #tpu.memory_space<vmem>>, vector<1x256x1xf32>
      %swap3A_499 = vector.shape_cast %swap3A_498 : vector<1x256x1xf32> to vector<256x1xf32>
      %swap3A_500 = vector.shape_cast %add3A_494 : vector<256x1xf32> to vector<1x256x1xf32>
      tpu.vector_store %arg9[%swap3A_495, %swap3A_496, %swap3A_497], %swap3A_500 {strides = array<i32>} : memref<8x256x128xf32, #tpu.memory_space<vmem>>, vector<1x256x1xf32>,
      %get3A_501 = arith.constant 0 : index
      %get3A_502 = arith.constant 5 : index
      %get3A_503 = arith.constant 0 : index
      %get3A_504 = arith.constant 0 : index
      %get3A_505 = vector.load %arg4[%get3A_501, %get3A_502, %get3A_503, %get3A_504] : memref<1x8x256x64xbf16, #tpu.memory_space<vmem>>, vector<1x1x256x64xbf16>
      %get3A_506 = vector.shape_cast %get3A_505 : vector<1x1x256x64xbf16> to vector<256x64xbf16>
      %get3A_507 = arith.constant 0 : index
      %get3A_508 = arith.constant 5 : index
      %get3A_509 = arith.constant 0 : index
      %get3A_510 = arith.constant 0 : index
      %get3A_511 = vector.load %arg5[%get3A_507, %get3A_508, %get3A_509, %get3A_510] : memref<1x8x64x2048xbf16, #tpu.memory_space<vmem>>, vector<1x1x64x256xbf16>
      %get3A_512 = vector.shape_cast %get3A_511 : vector<1x1x64x256xbf16> to vector<64x256xbf16>
      %dot_general3A_513 = arith.constant dense<0.000000e+00> : vector<256x256xf32>
      %dot_general3A_514 = tpu.matmul %get3A_506, %get3A_512, %dot_general3A_513 {dimension_numbers = #tpu.dot_dimension_numbers<[1], [0], [0], [1], [0, 0, 1, 1], [], []>, transpose_lhs_hint = false} : vector<256x64xbf16>, vector<64x256xbf16>, vector<256x256xf32> -> vector<256x256xf32>
      %exp3A_515 = math.exp %dot_general3A_514 : vector<256x256xf32>
      %jit3A_516 = arith.constant 0.000000e+00 : f32
      %broadcast_in_dim3A_517 = vector.shape_cast %lt3A_225 : vector<1x256xi1> to vector<1x256xi1>
      %broadcast_in_dim3A_518 = vector.broadcast %broadcast_in_dim3A_517 : vector<1x256xi1> to vector<256x256xi1>
      %broadcast_in_dim3A_519 = vector.broadcast %jit3A_516 : f32 to vector<256x256xf32>
      %select_n3A_520 = arith.select %broadcast_in_dim3A_518, %exp3A_515, %broadcast_in_dim3A_519 : vector<256x256xi1>, vector<256x256xf32>
      %get3A_521 = arith.constant 0 : index
      %get3A_522 = arith.constant 5 : index
      %get3A_523 = arith.constant 0 : index
      %get3A_524 = arith.constant 0 : index
      %get3A_525 = vector.load %arg6[%get3A_521, %get3A_522, %get3A_523, %get3A_524] : memref<1x8x2048x64xbf16, #tpu.memory_space<vmem>>, vector<1x1x256x64xbf16>
      %get3A_526 = vector.shape_cast %get3A_525 : vector<1x1x256x64xbf16> to vector<256x64xbf16>
      %get3A_527 = arith.constant 5 : index
      %get3A_528 = arith.constant 0 : index
      %get3A_529 = arith.constant 0 : index
      %get3A_530 = vector.load %arg8[%get3A_527, %get3A_528, %get3A_529] : memref<8x256x64xf32, #tpu.memory_space<vmem>>, vector<1x256x64xf32>
      %get3A_531 = vector.shape_cast %get3A_530 : vector<1x256x64xf32> to vector<256x64xf32>
      %convert_element_type3A_532 = arith.truncf %select_n3A_520 : vector<256x256xf32> to vector<256x256xbf16>
      %dot_general3A_533 = arith.constant dense<0.000000e+00> : vector<256x64xf32>
      %dot_general3A_534 = tpu.matmul %convert_element_type3A_532, %get3A_526, %dot_general3A_533 {dimension_numbers = #tpu.dot_dimension_numbers<[1], [0], [0], [1], [0, 0, 1, 1], [], []>, transpose_lhs_hint = false} : vector<256x256xbf16>, vector<256x64xbf16>, vector<256x64xf32> -> vector<256x64xf32>
      %add3A_535 = arith.addf %get3A_531, %dot_general3A_534 : vector<256x64xf32>
      %swap3A_536 = arith.constant 5 : index
      %swap3A_537 = arith.constant 0 : index
      %swap3A_538 = arith.constant 0 : index
      %swap3A_539 = vector.load %arg8[%swap3A_536, %swap3A_537, %swap3A_538] : memref<8x256x64xf32, #tpu.memory_space<vmem>>, vector<1x256x64xf32>
      %swap3A_540 = vector.shape_cast %swap3A_539 : vector<1x256x64xf32> to vector<256x64xf32>
      %swap3A_541 = vector.shape_cast %add3A_535 : vector<256x64xf32> to vector<1x256x64xf32>
      tpu.vector_store %arg8[%swap3A_536, %swap3A_537, %swap3A_538], %swap3A_541 {strides = array<i32>} : memref<8x256x64xf32, #tpu.memory_space<vmem>>, vector<1x256x64xf32>,
      %get3A_542 = arith.constant 5 : index
      %get3A_543 = arith.constant 0 : index
      %get3A_544 = arith.constant 0 : index
      %get3A_545 = vector.load %arg9[%get3A_542, %get3A_543, %get3A_544] : memref<8x256x128xf32, #tpu.memory_space<vmem>>, vector<1x256x1xf32>
      %get3A_546 = vector.shape_cast %get3A_545 : vector<1x256x1xf32> to vector<256x1xf32>
      %reduce_sum3A_547 = arith.constant dense<0.000000e+00> : vector<256xf32>
      %reduce_sum3A_548 = vector.multi_reduction <add>, %select_n3A_520, %reduce_sum3A_547 [1] : vector<256x256xf32> to vector<256xf32>
      %broadcast_in_dim3A_549 = vector.shape_cast %reduce_sum3A_548 : vector<256xf32> to vector<256x1xf32>
      %add3A_550 = arith.addf %get3A_546, %broadcast_in_dim3A_549 : vector<256x1xf32>
      %swap3A_551 = arith.constant 5 : index
      %swap3A_552 = arith.constant 0 : index
      %swap3A_553 = arith.constant 0 : index
      %swap3A_554 = vector.load %arg9[%swap3A_551, %swap3A_552, %swap3A_553] : memref<8x256x128xf32, #tpu.memory_space<vmem>>, vector<1x256x1xf32>
      %swap3A_555 = vector.shape_cast %swap3A_554 : vector<1x256x1xf32> to vector<256x1xf32>
      %swap3A_556 = vector.shape_cast %add3A_550 : vector<256x1xf32> to vector<1x256x1xf32>
      tpu.vector_store %arg9[%swap3A_551, %swap3A_552, %swap3A_553], %swap3A_556 {strides = array<i32>} : memref<8x256x128xf32, #tpu.memory_space<vmem>>, vector<1x256x1xf32>,
      %get3A_557 = arith.constant 0 : index
      %get3A_558 = arith.constant 6 : index
      %get3A_559 = arith.constant 0 : index
      %get3A_560 = arith.constant 0 : index
      %get3A_561 = vector.load %arg4[%get3A_557, %get3A_558, %get3A_559, %get3A_560] : memref<1x8x256x64xbf16, #tpu.memory_space<vmem>>, vector<1x1x256x64xbf16>
      %get3A_562 = vector.shape_cast %get3A_561 : vector<1x1x256x64xbf16> to vector<256x64xbf16>
      %get3A_563 = arith.constant 0 : index
      %get3A_564 = arith.constant 6 : index
      %get3A_565 = arith.constant 0 : index
      %get3A_566 = arith.constant 0 : index
      %get3A_567 = vector.load %arg5[%get3A_563, %get3A_564, %get3A_565, %get3A_566] : memref<1x8x64x2048xbf16, #tpu.memory_space<vmem>>, vector<1x1x64x256xbf16>
      %get3A_568 = vector.shape_cast %get3A_567 : vector<1x1x64x256xbf16> to vector<64x256xbf16>
      %dot_general3A_569 = arith.constant dense<0.000000e+00> : vector<256x256xf32>
      %dot_general3A_570 = tpu.matmul %get3A_562, %get3A_568, %dot_general3A_569 {dimension_numbers = #tpu.dot_dimension_numbers<[1], [0], [0], [1], [0, 0, 1, 1], [], []>, transpose_lhs_hint = false} : vector<256x64xbf16>, vector<64x256xbf16>, vector<256x256xf32> -> vector<256x256xf32>
      %exp3A_571 = math.exp %dot_general3A_570 : vector<256x256xf32>
      %jit3A_572 = arith.constant 0.000000e+00 : f32
      %broadcast_in_dim3A_573 = vector.shape_cast %lt3A_225 : vector<1x256xi1> to vector<1x256xi1>
      %broadcast_in_dim3A_574 = vector.broadcast %broadcast_in_dim3A_573 : vector<1x256xi1> to vector<256x256xi1>
      %broadcast_in_dim3A_575 = vector.broadcast %jit3A_572 : f32 to vector<256x256xf32>
      %select_n3A_576 = arith.select %broadcast_in_dim3A_574, %exp3A_571, %broadcast_in_dim3A_575 : vector<256x256xi1>, vector<256x256xf32>
      %get3A_577 = arith.constant 0 : index
      %get3A_578 = arith.constant 6 : index
      %get3A_579 = arith.constant 0 : index
      %get3A_580 = arith.constant 0 : index
      %get3A_581 = vector.load %arg6[%get3A_577, %get3A_578, %get3A_579, %get3A_580] : memref<1x8x2048x64xbf16, #tpu.memory_space<vmem>>, vector<1x1x256x64xbf16>
      %get3A_582 = vector.shape_cast %get3A_581 : vector<1x1x256x64xbf16> to vector<256x64xbf16>
      %get3A_583 = arith.constant 6 : index
      %get3A_584 = arith.constant 0 : index
      %get3A_585 = arith.constant 0 : index
      %get3A_586 = vector.load %arg8[%get3A_583, %get3A_584, %get3A_585] : memref<8x256x64xf32, #tpu.memory_space<vmem>>, vector<1x256x64xf32>
      %get3A_587 = vector.shape_cast %get3A_586 : vector<1x256x64xf32> to vector<256x64xf32>
      %convert_element_type3A_588 = arith.truncf %select_n3A_576 : vector<256x256xf32> to vector<256x256xbf16>
      %dot_general3A_589 = arith.constant dense<0.000000e+00> : vector<256x64xf32>
      %dot_general3A_590 = tpu.matmul %convert_element_type3A_588, %get3A_582, %dot_general3A_589 {dimension_numbers = #tpu.dot_dimension_numbers<[1], [0], [0], [1], [0, 0, 1, 1], [], []>, transpose_lhs_hint = false} : vector<256x256xbf16>, vector<256x64xbf16>, vector<256x64xf32> -> vector<256x64xf32>
      %add3A_591 = arith.addf %get3A_587, %dot_general3A_590 : vector<256x64xf32>
      %swap3A_592 = arith.constant 6 : index
      %swap3A_593 = arith.constant 0 : index
      %swap3A_594 = arith.constant 0 : index
      %swap3A_595 = vector.load %arg8[%swap3A_592, %swap3A_593, %swap3A_594] : memref<8x256x64xf32, #tpu.memory_space<vmem>>, vector<1x256x64xf32>
      %swap3A_596 = vector.shape_cast %swap3A_595 : vector<1x256x64xf32> to vector<256x64xf32>
      %swap3A_597 = vector.shape_cast %add3A_591 : vector<256x64xf32> to vector<1x256x64xf32>
      tpu.vector_store %arg8[%swap3A_592, %swap3A_593, %swap3A_594], %swap3A_597 {strides = array<i32>} : memref<8x256x64xf32, #tpu.memory_space<vmem>>, vector<1x256x64xf32>,
      %get3A_598 = arith.constant 6 : index
      %get3A_599 = arith.constant 0 : index
      %get3A_600 = arith.constant 0 : index
      %get3A_601 = vector.load %arg9[%get3A_598, %get3A_599, %get3A_600] : memref<8x256x128xf32, #tpu.memory_space<vmem>>, vector<1x256x1xf32>
      %get3A_602 = vector.shape_cast %get3A_601 : vector<1x256x1xf32> to vector<256x1xf32>
      %reduce_sum3A_603 = arith.constant dense<0.000000e+00> : vector<256xf32>
      %reduce_sum3A_604 = vector.multi_reduction <add>, %select_n3A_576, %reduce_sum3A_603 [1] : vector<256x256xf32> to vector<256xf32>
      %broadcast_in_dim3A_605 = vector.shape_cast %reduce_sum3A_604 : vector<256xf32> to vector<256x1xf32>
      %add3A_606 = arith.addf %get3A_602, %broadcast_in_dim3A_605 : vector<256x1xf32>
      %swap3A_607 = arith.constant 6 : index
      %swap3A_608 = arith.constant 0 : index
      %swap3A_609 = arith.constant 0 : index
      %swap3A_610 = vector.load %arg9[%swap3A_607, %swap3A_608, %swap3A_609] : memref<8x256x128xf32, #tpu.memory_space<vmem>>, vector<1x256x1xf32>
      %swap3A_611 = vector.shape_cast %swap3A_610 : vector<1x256x1xf32> to vector<256x1xf32>
      %swap3A_612 = vector.shape_cast %add3A_606 : vector<256x1xf32> to vector<1x256x1xf32>
      tpu.vector_store %arg9[%swap3A_607, %swap3A_608, %swap3A_609], %swap3A_612 {strides = array<i32>} : memref<8x256x128xf32, #tpu.memory_space<vmem>>, vector<1x256x1xf32>,
      %get3A_613 = arith.constant 0 : index
      %get3A_614 = arith.constant 7 : index
      %get3A_615 = arith.constant 0 : index
      %get3A_616 = arith.constant 0 : index
      %get3A_617 = vector.load %arg4[%get3A_613, %get3A_614, %get3A_615, %get3A_616] : memref<1x8x256x64xbf16, #tpu.memory_space<vmem>>, vector<1x1x256x64xbf16>
      %get3A_618 = vector.shape_cast %get3A_617 : vector<1x1x256x64xbf16> to vector<256x64xbf16>
      %get3A_619 = arith.constant 0 : index
      %get3A_620 = arith.constant 7 : index
      %get3A_621 = arith.constant 0 : index
      %get3A_622 = arith.constant 0 : index
      %get3A_623 = vector.load %arg5[%get3A_619, %get3A_620, %get3A_621, %get3A_622] : memref<1x8x64x2048xbf16, #tpu.memory_space<vmem>>, vector<1x1x64x256xbf16>
      %get3A_624 = vector.shape_cast %get3A_623 : vector<1x1x64x256xbf16> to vector<64x256xbf16>
      %dot_general3A_625 = arith.constant dense<0.000000e+00> : vector<256x256xf32>
      %dot_general3A_626 = tpu.matmul %get3A_618, %get3A_624, %dot_general3A_625 {dimension_numbers = #tpu.dot_dimension_numbers<[1], [0], [0], [1], [0, 0, 1, 1], [], []>, transpose_lhs_hint = false} : vector<256x64xbf16>, vector<64x256xbf16>, vector<256x256xf32> -> vector<256x256xf32>
      %exp3A_627 = math.exp %dot_general3A_626 : vector<256x256xf32>
      %jit3A_628 = arith.constant 0.000000e+00 : f32
      %broadcast_in_dim3A_629 = vector.shape_cast %lt3A_225 : vector<1x256xi1> to vector<1x256xi1>
      %broadcast_in_dim3A_630 = vector.broadcast %broadcast_in_dim3A_629 : vector<1x256xi1> to vector<256x256xi1>
      %broadcast_in_dim3A_631 = vector.broadcast %jit3A_628 : f32 to vector<256x256xf32>
      %select_n3A_632 = arith.select %broadcast_in_dim3A_630, %exp3A_627, %broadcast_in_dim3A_631 : vector<256x256xi1>, vector<256x256xf32>
      %get3A_633 = arith.constant 0 : index
      %get3A_634 = arith.constant 7 : index
      %get3A_635 = arith.constant 0 : index
      %get3A_636 = arith.constant 0 : index
      %get3A_637 = vector.load %arg6[%get3A_633, %get3A_634, %get3A_635, %get3A_636] : memref<1x8x2048x64xbf16, #tpu.memory_space<vmem>>, vector<1x1x256x64xbf16>
      %get3A_638 = vector.shape_cast %get3A_637 : vector<1x1x256x64xbf16> to vector<256x64xbf16>
      %get3A_639 = arith.constant 7 : index
      %get3A_640 = arith.constant 0 : index
      %get3A_641 = arith.constant 0 : index
      %get3A_642 = vector.load %arg8[%get3A_639, %get3A_640, %get3A_641] : memref<8x256x64xf32, #tpu.memory_space<vmem>>, vector<1x256x64xf32>
      %get3A_643 = vector.shape_cast %get3A_642 : vector<1x256x64xf32> to vector<256x64xf32>
      %convert_element_type3A_644 = arith.truncf %select_n3A_632 : vector<256x256xf32> to vector<256x256xbf16>
      %dot_general3A_645 = arith.constant dense<0.000000e+00> : vector<256x64xf32>
      %dot_general3A_646 = tpu.matmul %convert_element_type3A_644, %get3A_638, %dot_general3A_645 {dimension_numbers = #tpu.dot_dimension_numbers<[1], [0], [0], [1], [0, 0, 1, 1], [], []>, transpose_lhs_hint = false} : vector<256x256xbf16>, vector<256x64xbf16>, vector<256x64xf32> -> vector<256x64xf32>
      %add3A_647 = arith.addf %get3A_643, %dot_general3A_646 : vector<256x64xf32>
      %swap3A_648 = arith.constant 7 : index
      %swap3A_649 = arith.constant 0 : index
      %swap3A_650 = arith.constant 0 : index
      %swap3A_651 = vector.load %arg8[%swap3A_648, %swap3A_649, %swap3A_650] : memref<8x256x64xf32, #tpu.memory_space<vmem>>, vector<1x256x64xf32>
      %swap3A_652 = vector.shape_cast %swap3A_651 : vector<1x256x64xf32> to vector<256x64xf32>
      %swap3A_653 = vector.shape_cast %add3A_647 : vector<256x64xf32> to vector<1x256x64xf32>
      tpu.vector_store %arg8[%swap3A_648, %swap3A_649, %swap3A_650], %swap3A_653 {strides = array<i32>} : memref<8x256x64xf32, #tpu.memory_space<vmem>>, vector<1x256x64xf32>,
      %get3A_654 = arith.constant 7 : index
      %get3A_655 = arith.constant 0 : index
      %get3A_656 = arith.constant 0 : index
      %get3A_657 = vector.load %arg9[%get3A_654, %get3A_655, %get3A_656] : memref<8x256x128xf32, #tpu.memory_space<vmem>>, vector<1x256x1xf32>
      %get3A_658 = vector.shape_cast %get3A_657 : vector<1x256x1xf32> to vector<256x1xf32>
      %reduce_sum3A_659 = arith.constant dense<0.000000e+00> : vector<256xf32>
      %reduce_sum3A_660 = vector.multi_reduction <add>, %select_n3A_632, %reduce_sum3A_659 [1] : vector<256x256xf32> to vector<256xf32>
      %broadcast_in_dim3A_661 = vector.shape_cast %reduce_sum3A_660 : vector<256xf32> to vector<256x1xf32>
      %add3A_662 = arith.addf %get3A_658, %broadcast_in_dim3A_661 : vector<256x1xf32>
      %swap3A_663 = arith.constant 7 : index
      %swap3A_664 = arith.constant 0 : index
      %swap3A_665 = arith.constant 0 : index
      %swap3A_666 = vector.load %arg9[%swap3A_663, %swap3A_664, %swap3A_665] : memref<8x256x128xf32, #tpu.memory_space<vmem>>, vector<1x256x1xf32>
      %swap3A_667 = vector.shape_cast %swap3A_666 : vector<1x256x1xf32> to vector<256x1xf32>
      %swap3A_668 = vector.shape_cast %add3A_662 : vector<256x1xf32> to vector<1x256x1xf32>
      tpu.vector_store %arg9[%swap3A_663, %swap3A_664, %swap3A_665], %swap3A_668 {strides = array<i32>} : memref<8x256x128xf32, #tpu.memory_space<vmem>>, vector<1x256x1xf32>,
    } else {
    }
    %gt3A_14 = arith.constant 256 : i32
    %gt3A_15 = arith.cmpi sgt, %get3A_1, %gt3A_14 : i32
    %convert_element_type3A_16 = arith.extui %gt3A_15 : i1 to i32
    %cond3A_17 = arith.constant 0 : i32
    %cond3A_18 = arith.cmpi ne, %convert_element_type3A_16, %cond3A_17 : i32
    scf.if %cond3A_18 {
      %iota3A = tpu.iota {dimensions = array<i32: 1>} : vector<1x256xi32>
      %add3A = arith.constant 256 : i32
      %add3A_223 = vector.broadcast %add3A : i32 to vector<1x256xi32>
      %add3A_224 = arith.addi %add3A_223, %iota3A : vector<1x256xi32>
      %lt3A = vector.broadcast %get3A_1 : i32 to vector<1x256xi32>
      %lt3A_225 = arith.cmpi slt, %add3A_224, %lt3A : vector<1x256xi32>
      %get3A_226 = arith.constant 0 : index
      %get3A_227 = arith.constant 0 : index
      %get3A_228 = arith.constant 0 : index
      %get3A_229 = arith.constant 0 : index
      %get3A_230 = vector.load %arg4[%get3A_226, %get3A_227, %get3A_228, %get3A_229] : memref<1x8x256x64xbf16, #tpu.memory_space<vmem>>, vector<1x1x256x64xbf16>
      %get3A_231 = vector.shape_cast %get3A_230 : vector<1x1x256x64xbf16> to vector<256x64xbf16>
      %get3A_232 = arith.constant 0 : index
      %get3A_233 = arith.constant 0 : index
      %get3A_234 = arith.constant 0 : index
      %get3A_235 = arith.constant 256 : index
      %get3A_236 = vector.load %arg5[%get3A_232, %get3A_233, %get3A_234, %get3A_235] : memref<1x8x64x2048xbf16, #tpu.memory_space<vmem>>, vector<1x1x64x256xbf16>
      %get3A_237 = vector.shape_cast %get3A_236 : vector<1x1x64x256xbf16> to vector<64x256xbf16>
      %dot_general3A = arith.constant dense<0.000000e+00> : vector<256x256xf32>
      %dot_general3A_238 = tpu.matmul %get3A_231, %get3A_237, %dot_general3A {dimension_numbers = #tpu.dot_dimension_numbers<[1], [0], [0], [1], [0, 0, 1, 1], [], []>, transpose_lhs_hint = false} : vector<256x64xbf16>, vector<64x256xbf16>, vector<256x256xf32> -> vector<256x256xf32>
      %exp3A = math.exp %dot_general3A_238 : vector<256x256xf32>
      %jit3A = arith.constant 0.000000e+00 : f32
      %broadcast_in_dim3A_239 = vector.shape_cast %lt3A_225 : vector<1x256xi1> to vector<1x256xi1>
      %broadcast_in_dim3A_240 = vector.broadcast %broadcast_in_dim3A_239 : vector<1x256xi1> to vector<256x256xi1>
      %broadcast_in_dim3A_241 = vector.broadcast %jit3A : f32 to vector<256x256xf32>
      %select_n3A = arith.select %broadcast_in_dim3A_240, %exp3A, %broadcast_in_dim3A_241 : vector<256x256xi1>, vector<256x256xf32>
      %get3A_242 = arith.constant 0 : index
      %get3A_243 = arith.constant 0 : index
      %get3A_244 = arith.constant 256 : index
      %get3A_245 = arith.constant 0 : index
      %get3A_246 = vector.load %arg6[%get3A_242, %get3A_243, %get3A_244, %get3A_245] : memref<1x8x2048x64xbf16, #tpu.memory_space<vmem>>, vector<1x1x256x64xbf16>
      %get3A_247 = vector.shape_cast %get3A_246 : vector<1x1x256x64xbf16> to vector<256x64xbf16>
      %get3A_248 = arith.constant 0 : index
      %get3A_249 = arith.constant 0 : index
      %get3A_250 = arith.constant 0 : index
      %get3A_251 = vector.load %arg8[%get3A_248, %get3A_249, %get3A_250] : memref<8x256x64xf32, #tpu.memory_space<vmem>>, vector<1x256x64xf32>
      %get3A_252 = vector.shape_cast %get3A_251 : vector<1x256x64xf32> to vector<256x64xf32>
      %convert_element_type3A_253 = arith.truncf %select_n3A : vector<256x256xf32> to vector<256x256xbf16>
      %dot_general3A_254 = arith.constant dense<0.000000e+00> : vector<256x64xf32>
      %dot_general3A_255 = tpu.matmul %convert_element_type3A_253, %get3A_247, %dot_general3A_254 {dimension_numbers = #tpu.dot_dimension_numbers<[1], [0], [0], [1], [0, 0, 1, 1], [], []>, transpose_lhs_hint = false} : vector<256x256xbf16>, vector<256x64xbf16>, vector<256x64xf32> -> vector<256x64xf32>
      %add3A_256 = arith.addf %get3A_252, %dot_general3A_255 : vector<256x64xf32>
      %swap3A_257 = arith.constant 0 : index
      %swap3A_258 = arith.constant 0 : index
      %swap3A_259 = arith.constant 0 : index
      %swap3A_260 = vector.load %arg8[%swap3A_257, %swap3A_258, %swap3A_259] : memref<8x256x64xf32, #tpu.memory_space<vmem>>, vector<1x256x64xf32>
      %swap3A_261 = vector.shape_cast %swap3A_260 : vector<1x256x64xf32> to vector<256x64xf32>
      %swap3A_262 = vector.shape_cast %add3A_256 : vector<256x64xf32> to vector<1x256x64xf32>
      tpu.vector_store %arg8[%swap3A_257, %swap3A_258, %swap3A_259], %swap3A_262 {strides = array<i32>} : memref<8x256x64xf32, #tpu.memory_space<vmem>>, vector<1x256x64xf32>,
      %get3A_263 = arith.constant 0 : index
      %get3A_264 = arith.constant 0 : index
      %get3A_265 = arith.constant 0 : index
      %get3A_266 = vector.load %arg9[%get3A_263, %get3A_264, %get3A_265] : memref<8x256x128xf32, #tpu.memory_space<vmem>>, vector<1x256x1xf32>
      %get3A_267 = vector.shape_cast %get3A_266 : vector<1x256x1xf32> to vector<256x1xf32>
      %reduce_sum3A = arith.constant dense<0.000000e+00> : vector<256xf32>
      %reduce_sum3A_268 = vector.multi_reduction <add>, %select_n3A, %reduce_sum3A [1] : vector<256x256xf32> to vector<256xf32>
      %broadcast_in_dim3A_269 = vector.shape_cast %reduce_sum3A_268 : vector<256xf32> to vector<256x1xf32>
      %add3A_270 = arith.addf %get3A_267, %broadcast_in_dim3A_269 : vector<256x1xf32>
      %swap3A_271 = arith.constant 0 : index
      %swap3A_272 = arith.constant 0 : index
      %swap3A_273 = arith.constant 0 : index
      %swap3A_274 = vector.load %arg9[%swap3A_271, %swap3A_272, %swap3A_273] : memref<8x256x128xf32, #tpu.memory_space<vmem>>, vector<1x256x1xf32>
      %swap3A_275 = vector.shape_cast %swap3A_274 : vector<1x256x1xf32> to vector<256x1xf32>
      %swap3A_276 = vector.shape_cast %add3A_270 : vector<256x1xf32> to vector<1x256x1xf32>
      tpu.vector_store %arg9[%swap3A_271, %swap3A_272, %swap3A_273], %swap3A_276 {strides = array<i32>} : memref<8x256x128xf32, #tpu.memory_space<vmem>>, vector<1x256x1xf32>,
      %get3A_277 = arith.constant 0 : index
      %get3A_278 = arith.constant 1 : index
      %get3A_279 = arith.constant 0 : index
      %get3A_280 = arith.constant 0 : index
      %get3A_281 = vector.load %arg4[%get3A_277, %get3A_278, %get3A_279, %get3A_280] : memref<1x8x256x64xbf16, #tpu.memory_space<vmem>>, vector<1x1x256x64xbf16>
      %get3A_282 = vector.shape_cast %get3A_281 : vector<1x1x256x64xbf16> to vector<256x64xbf16>
      %get3A_283 = arith.constant 0 : index
      %get3A_284 = arith.constant 1 : index
      %get3A_285 = arith.constant 0 : index
      %get3A_286 = arith.constant 256 : index
      %get3A_287 = vector.load %arg5[%get3A_283, %get3A_284, %get3A_285, %get3A_286] : memref<1x8x64x2048xbf16, #tpu.memory_space<vmem>>, vector<1x1x64x256xbf16>
      %get3A_288 = vector.shape_cast %get3A_287 : vector<1x1x64x256xbf16> to vector<64x256xbf16>
      %dot_general3A_289 = arith.constant dense<0.000000e+00> : vector<256x256xf32>
      %dot_general3A_290 = tpu.matmul %get3A_282, %get3A_288, %dot_general3A_289 {dimension_numbers = #tpu.dot_dimension_numbers<[1], [0], [0], [1], [0, 0, 1, 1], [], []>, transpose_lhs_hint = false} : vector<256x64xbf16>, vector<64x256xbf16>, vector<256x256xf32> -> vector<256x256xf32>
      %exp3A_291 = math.exp %dot_general3A_290 : vector<256x256xf32>
      %jit3A_292 = arith.constant 0.000000e+00 : f32
      %broadcast_in_dim3A_293 = vector.shape_cast %lt3A_225 : vector<1x256xi1> to vector<1x256xi1>
      %broadcast_in_dim3A_294 = vector.broadcast %broadcast_in_dim3A_293 : vector<1x256xi1> to vector<256x256xi1>
      %broadcast_in_dim3A_295 = vector.broadcast %jit3A_292 : f32 to vector<256x256xf32>
      %select_n3A_296 = arith.select %broadcast_in_dim3A_294, %exp3A_291, %broadcast_in_dim3A_295 : vector<256x256xi1>, vector<256x256xf32>
      %get3A_297 = arith.constant 0 : index
      %get3A_298 = arith.constant 1 : index
      %get3A_299 = arith.constant 256 : index
      %get3A_300 = arith.constant 0 : index
      %get3A_301 = vector.load %arg6[%get3A_297, %get3A_298, %get3A_299, %get3A_300] : memref<1x8x2048x64xbf16, #tpu.memory_space<vmem>>, vector<1x1x256x64xbf16>
      %get3A_302 = vector.shape_cast %get3A_301 : vector<1x1x256x64xbf16> to vector<256x64xbf16>
      %get3A_303 = arith.constant 1 : index
      %get3A_304 = arith.constant 0 : index
      %get3A_305 = arith.constant 0 : index
      %get3A_306 = vector.load %arg8[%get3A_303, %get3A_304, %get3A_305] : memref<8x256x64xf32, #tpu.memory_space<vmem>>, vector<1x256x64xf32>
      %get3A_307 = vector.shape_cast %get3A_306 : vector<1x256x64xf32> to vector<256x64xf32>
      %convert_element_type3A_308 = arith.truncf %select_n3A_296 : vector<256x256xf32> to vector<256x256xbf16>
      %dot_general3A_309 = arith.constant dense<0.000000e+00> : vector<256x64xf32>
      %dot_general3A_310 = tpu.matmul %convert_element_type3A_308, %get3A_302, %dot_general3A_309 {dimension_numbers = #tpu.dot_dimension_numbers<[1], [0], [0], [1], [0, 0, 1, 1], [], []>, transpose_lhs_hint = false} : vector<256x256xbf16>, vector<256x64xbf16>, vector<256x64xf32> -> vector<256x64xf32>
      %add3A_311 = arith.addf %get3A_307, %dot_general3A_310 : vector<256x64xf32>
      %swap3A_312 = arith.constant 1 : index
      %swap3A_313 = arith.constant 0 : index
      %swap3A_314 = arith.constant 0 : index
      %swap3A_315 = vector.load %arg8[%swap3A_312, %swap3A_313, %swap3A_314] : memref<8x256x64xf32, #tpu.memory_space<vmem>>, vector<1x256x64xf32>
      %swap3A_316 = vector.shape_cast %swap3A_315 : vector<1x256x64xf32> to vector<256x64xf32>
      %swap3A_317 = vector.shape_cast %add3A_311 : vector<256x64xf32> to vector<1x256x64xf32>
      tpu.vector_store %arg8[%swap3A_312, %swap3A_313, %swap3A_314], %swap3A_317 {strides = array<i32>} : memref<8x256x64xf32, #tpu.memory_space<vmem>>, vector<1x256x64xf32>,
      %get3A_318 = arith.constant 1 : index
      %get3A_319 = arith.constant 0 : index
      %get3A_320 = arith.constant 0 : index
      %get3A_321 = vector.load %arg9[%get3A_318, %get3A_319, %get3A_320] : memref<8x256x128xf32, #tpu.memory_space<vmem>>, vector<1x256x1xf32>
      %get3A_322 = vector.shape_cast %get3A_321 : vector<1x256x1xf32> to vector<256x1xf32>
      %reduce_sum3A_323 = arith.constant dense<0.000000e+00> : vector<256xf32>
      %reduce_sum3A_324 = vector.multi_reduction <add>, %select_n3A_296, %reduce_sum3A_323 [1] : vector<256x256xf32> to vector<256xf32>
      %broadcast_in_dim3A_325 = vector.shape_cast %reduce_sum3A_324 : vector<256xf32> to vector<256x1xf32>
      %add3A_326 = arith.addf %get3A_322, %broadcast_in_dim3A_325 : vector<256x1xf32>
      %swap3A_327 = arith.constant 1 : index
      %swap3A_328 = arith.constant 0 : index
      %swap3A_329 = arith.constant 0 : index
      %swap3A_330 = vector.load %arg9[%swap3A_327, %swap3A_328, %swap3A_329] : memref<8x256x128xf32, #tpu.memory_space<vmem>>, vector<1x256x1xf32>
      %swap3A_331 = vector.shape_cast %swap3A_330 : vector<1x256x1xf32> to vector<256x1xf32>
      %swap3A_332 = vector.shape_cast %add3A_326 : vector<256x1xf32> to vector<1x256x1xf32>
      tpu.vector_store %arg9[%swap3A_327, %swap3A_328, %swap3A_329], %swap3A_332 {strides = array<i32>} : memref<8x256x128xf32, #tpu.memory_space<vmem>>, vector<1x256x1xf32>,
      %get3A_333 = arith.constant 0 : index
      %get3A_334 = arith.constant 2 : index
      %get3A_335 = arith.constant 0 : index
      %get3A_336 = arith.constant 0 : index
      %get3A_337 = vector.load %arg4[%get3A_333, %get3A_334, %get3A_335, %get3A_336] : memref<1x8x256x64xbf16, #tpu.memory_space<vmem>>, vector<1x1x256x64xbf16>
      %get3A_338 = vector.shape_cast %get3A_337 : vector<1x1x256x64xbf16> to vector<256x64xbf16>
      %get3A_339 = arith.constant 0 : index
      %get3A_340 = arith.constant 2 : index
      %get3A_341 = arith.constant 0 : index
      %get3A_342 = arith.constant 256 : index
      %get3A_343 = vector.load %arg5[%get3A_339, %get3A_340, %get3A_341, %get3A_342] : memref<1x8x64x2048xbf16, #tpu.memory_space<vmem>>, vector<1x1x64x256xbf16>
      %get3A_344 = vector.shape_cast %get3A_343 : vector<1x1x64x256xbf16> to vector<64x256xbf16>
      %dot_general3A_345 = arith.constant dense<0.000000e+00> : vector<256x256xf32>
      %dot_general3A_346 = tpu.matmul %get3A_338, %get3A_344, %dot_general3A_345 {dimension_numbers = #tpu.dot_dimension_numbers<[1], [0], [0], [1], [0, 0, 1, 1], [], []>, transpose_lhs_hint = false} : vector<256x64xbf16>, vector<64x256xbf16>, vector<256x256xf32> -> vector<256x256xf32>
      %exp3A_347 = math.exp %dot_general3A_346 : vector<256x256xf32>
      %jit3A_348 = arith.constant 0.000000e+00 : f32
      %broadcast_in_dim3A_349 = vector.shape_cast %lt3A_225 : vector<1x256xi1> to vector<1x256xi1>
      %broadcast_in_dim3A_350 = vector.broadcast %broadcast_in_dim3A_349 : vector<1x256xi1> to vector<256x256xi1>
      %broadcast_in_dim3A_351 = vector.broadcast %jit3A_348 : f32 to vector<256x256xf32>
      %select_n3A_352 = arith.select %broadcast_in_dim3A_350, %exp3A_347, %broadcast_in_dim3A_351 : vector<256x256xi1>, vector<256x256xf32>
      %get3A_353 = arith.constant 0 : index
      %get3A_354 = arith.constant 2 : index
      %get3A_355 = arith.constant 256 : index
      %get3A_356 = arith.constant 0 : index
      %get3A_357 = vector.load %arg6[%get3A_353, %get3A_354, %get3A_355, %get3A_356] : memref<1x8x2048x64xbf16, #tpu.memory_space<vmem>>, vector<1x1x256x64xbf16>
      %get3A_358 = vector.shape_cast %get3A_357 : vector<1x1x256x64xbf16> to vector<256x64xbf16>
      %get3A_359 = arith.constant 2 : index
      %get3A_360 = arith.constant 0 : index
      %get3A_361 = arith.constant 0 : index
      %get3A_362 = vector.load %arg8[%get3A_359, %get3A_360, %get3A_361] : memref<8x256x64xf32, #tpu.memory_space<vmem>>, vector<1x256x64xf32>
      %get3A_363 = vector.shape_cast %get3A_362 : vector<1x256x64xf32> to vector<256x64xf32>
      %convert_element_type3A_364 = arith.truncf %select_n3A_352 : vector<256x256xf32> to vector<256x256xbf16>
      %dot_general3A_365 = arith.constant dense<0.000000e+00> : vector<256x64xf32>
      %dot_general3A_366 = tpu.matmul %convert_element_type3A_364, %get3A_358, %dot_general3A_365 {dimension_numbers = #tpu.dot_dimension_numbers<[1], [0], [0], [1], [0, 0, 1, 1], [], []>, transpose_lhs_hint = false} : vector<256x256xbf16>, vector<256x64xbf16>, vector<256x64xf32> -> vector<256x64xf32>
      %add3A_367 = arith.addf %get3A_363, %dot_general3A_366 : vector<256x64xf32>
      %swap3A_368 = arith.constant 2 : index
      %swap3A_369 = arith.constant 0 : index
      %swap3A_370 = arith.constant 0 : index
      %swap3A_371 = vector.load %arg8[%swap3A_368, %swap3A_369, %swap3A_370] : memref<8x256x64xf32, #tpu.memory_space<vmem>>, vector<1x256x64xf32>
      %swap3A_372 = vector.shape_cast %swap3A_371 : vector<1x256x64xf32> to vector<256x64xf32>
      %swap3A_373 = vector.shape_cast %add3A_367 : vector<256x64xf32> to vector<1x256x64xf32>
      tpu.vector_store %arg8[%swap3A_368, %swap3A_369, %swap3A_370], %swap3A_373 {strides = array<i32>} : memref<8x256x64xf32, #tpu.memory_space<vmem>>, vector<1x256x64xf32>,
      %get3A_374 = arith.constant 2 : index
      %get3A_375 = arith.constant 0 : index
      %get3A_376 = arith.constant 0 : index
      %get3A_377 = vector.load %arg9[%get3A_374, %get3A_375, %get3A_376] : memref<8x256x128xf32, #tpu.memory_space<vmem>>, vector<1x256x1xf32>
      %get3A_378 = vector.shape_cast %get3A_377 : vector<1x256x1xf32> to vector<256x1xf32>
      %reduce_sum3A_379 = arith.constant dense<0.000000e+00> : vector<256xf32>
      %reduce_sum3A_380 = vector.multi_reduction <add>, %select_n3A_352, %reduce_sum3A_379 [1] : vector<256x256xf32> to vector<256xf32>
      %broadcast_in_dim3A_381 = vector.shape_cast %reduce_sum3A_380 : vector<256xf32> to vector<256x1xf32>
      %add3A_382 = arith.addf %get3A_378, %broadcast_in_dim3A_381 : vector<256x1xf32>
      %swap3A_383 = arith.constant 2 : index
      %swap3A_384 = arith.constant 0 : index
      %swap3A_385 = arith.constant 0 : index
      %swap3A_386 = vector.load %arg9[%swap3A_383, %swap3A_384, %swap3A_385] : memref<8x256x128xf32, #tpu.memory_space<vmem>>, vector<1x256x1xf32>
      %swap3A_387 = vector.shape_cast %swap3A_386 : vector<1x256x1xf32> to vector<256x1xf32>
      %swap3A_388 = vector.shape_cast %add3A_382 : vector<256x1xf32> to vector<1x256x1xf32>
      tpu.vector_store %arg9[%swap3A_383, %swap3A_384, %swap3A_385], %swap3A_388 {strides = array<i32>} : memref<8x256x128xf32, #tpu.memory_space<vmem>>, vector<1x256x1xf32>,
      %get3A_389 = arith.constant 0 : index
      %get3A_390 = arith.constant 3 : index
      %get3A_391 = arith.constant 0 : index
      %get3A_392 = arith.constant 0 : index
      %get3A_393 = vector.load %arg4[%get3A_389, %get3A_390, %get3A_391, %get3A_392] : memref<1x8x256x64xbf16, #tpu.memory_space<vmem>>, vector<1x1x256x64xbf16>
      %get3A_394 = vector.shape_cast %get3A_393 : vector<1x1x256x64xbf16> to vector<256x64xbf16>
      %get3A_395 = arith.constant 0 : index
      %get3A_396 = arith.constant 3 : index
      %get3A_397 = arith.constant 0 : index
      %get3A_398 = arith.constant 256 : index
      %get3A_399 = vector.load %arg5[%get3A_395, %get3A_396, %get3A_397, %get3A_398] : memref<1x8x64x2048xbf16, #tpu.memory_space<vmem>>, vector<1x1x64x256xbf16>
      %get3A_400 = vector.shape_cast %get3A_399 : vector<1x1x64x256xbf16> to vector<64x256xbf16>
      %dot_general3A_401 = arith.constant dense<0.000000e+00> : vector<256x256xf32>
      %dot_general3A_402 = tpu.matmul %get3A_394, %get3A_400, %dot_general3A_401 {dimension_numbers = #tpu.dot_dimension_numbers<[1], [0], [0], [1], [0, 0, 1, 1], [], []>, transpose_lhs_hint = false} : vector<256x64xbf16>, vector<64x256xbf16>, vector<256x256xf32> -> vector<256x256xf32>
      %exp3A_403 = math.exp %dot_general3A_402 : vector<256x256xf32>
      %jit3A_404 = arith.constant 0.000000e+00 : f32
      %broadcast_in_dim3A_405 = vector.shape_cast %lt3A_225 : vector<1x256xi1> to vector<1x256xi1>
      %broadcast_in_dim3A_406 = vector.broadcast %broadcast_in_dim3A_405 : vector<1x256xi1> to vector<256x256xi1>
      %broadcast_in_dim3A_407 = vector.broadcast %jit3A_404 : f32 to vector<256x256xf32>
      %select_n3A_408 = arith.select %broadcast_in_dim3A_406, %exp3A_403, %broadcast_in_dim3A_407 : vector<256x256xi1>, vector<256x256xf32>
      %get3A_409 = arith.constant 0 : index
      %get3A_410 = arith.constant 3 : index
      %get3A_411 = arith.constant 256 : index
      %get3A_412 = arith.constant 0 : index
      %get3A_413 = vector.load %arg6[%get3A_409, %get3A_410, %get3A_411, %get3A_412] : memref<1x8x2048x64xbf16, #tpu.memory_space<vmem>>, vector<1x1x256x64xbf16>
      %get3A_414 = vector.shape_cast %get3A_413 : vector<1x1x256x64xbf16> to vector<256x64xbf16>
      %get3A_415 = arith.constant 3 : index
      %get3A_416 = arith.constant 0 : index
      %get3A_417 = arith.constant 0 : index
      %get3A_418 = vector.load %arg8[%get3A_415, %get3A_416, %get3A_417] : memref<8x256x64xf32, #tpu.memory_space<vmem>>, vector<1x256x64xf32>
      %get3A_419 = vector.shape_cast %get3A_418 : vector<1x256x64xf32> to vector<256x64xf32>
      %convert_element_type3A_420 = arith.truncf %select_n3A_408 : vector<256x256xf32> to vector<256x256xbf16>
      %dot_general3A_421 = arith.constant dense<0.000000e+00> : vector<256x64xf32>
      %dot_general3A_422 = tpu.matmul %convert_element_type3A_420, %get3A_414, %dot_general3A_421 {dimension_numbers = #tpu.dot_dimension_numbers<[1], [0], [0], [1], [0, 0, 1, 1], [], []>, transpose_lhs_hint = false} : vector<256x256xbf16>, vector<256x64xbf16>, vector<256x64xf32> -> vector<256x64xf32>
      %add3A_423 = arith.addf %get3A_419, %dot_general3A_422 : vector<256x64xf32>
      %swap3A_424 = arith.constant 3 : index
      %swap3A_425 = arith.constant 0 : index
      %swap3A_426 = arith.constant 0 : index
      %swap3A_427 = vector.load %arg8[%swap3A_424, %swap3A_425, %swap3A_426] : memref<8x256x64xf32, #tpu.memory_space<vmem>>, vector<1x256x64xf32>
      %swap3A_428 = vector.shape_cast %swap3A_427 : vector<1x256x64xf32> to vector<256x64xf32>
      %swap3A_429 = vector.shape_cast %add3A_423 : vector<256x64xf32> to vector<1x256x64xf32>
      tpu.vector_store %arg8[%swap3A_424, %swap3A_425, %swap3A_426], %swap3A_429 {strides = array<i32>} : memref<8x256x64xf32, #tpu.memory_space<vmem>>, vector<1x256x64xf32>,
      %get3A_430 = arith.constant 3 : index
      %get3A_431 = arith.constant 0 : index
      %get3A_432 = arith.constant 0 : index
      %get3A_433 = vector.load %arg9[%get3A_430, %get3A_431, %get3A_432] : memref<8x256x128xf32, #tpu.memory_space<vmem>>, vector<1x256x1xf32>
      %get3A_434 = vector.shape_cast %get3A_433 : vector<1x256x1xf32> to vector<256x1xf32>
      %reduce_sum3A_435 = arith.constant dense<0.000000e+00> : vector<256xf32>
      %reduce_sum3A_436 = vector.multi_reduction <add>, %select_n3A_408, %reduce_sum3A_435 [1] : vector<256x256xf32> to vector<256xf32>
      %broadcast_in_dim3A_437 = vector.shape_cast %reduce_sum3A_436 : vector<256xf32> to vector<256x1xf32>
      %add3A_438 = arith.addf %get3A_434, %broadcast_in_dim3A_437 : vector<256x1xf32>
      %swap3A_439 = arith.constant 3 : index
      %swap3A_440 = arith.constant 0 : index
      %swap3A_441 = arith.constant 0 : index
      %swap3A_442 = vector.load %arg9[%swap3A_439, %swap3A_440, %swap3A_441] : memref<8x256x128xf32, #tpu.memory_space<vmem>>, vector<1x256x1xf32>
      %swap3A_443 = vector.shape_cast %swap3A_442 : vector<1x256x1xf32> to vector<256x1xf32>
      %swap3A_444 = vector.shape_cast %add3A_438 : vector<256x1xf32> to vector<1x256x1xf32>
      tpu.vector_store %arg9[%swap3A_439, %swap3A_440, %swap3A_441], %swap3A_444 {strides = array<i32>} : memref<8x256x128xf32, #tpu.memory_space<vmem>>, vector<1x256x1xf32>,
      %get3A_445 = arith.constant 0 : index
      %get3A_446 = arith.constant 4 : index
      %get3A_447 = arith.constant 0 : index
      %get3A_448 = arith.constant 0 : index
      %get3A_449 = vector.load %arg4[%get3A_445, %get3A_446, %get3A_447, %get3A_448] : memref<1x8x256x64xbf16, #tpu.memory_space<vmem>>, vector<1x1x256x64xbf16>
      %get3A_450 = vector.shape_cast %get3A_449 : vector<1x1x256x64xbf16> to vector<256x64xbf16>
      %get3A_451 = arith.constant 0 : index
      %get3A_452 = arith.constant 4 : index
      %get3A_453 = arith.constant 0 : index
      %get3A_454 = arith.constant 256 : index
      %get3A_455 = vector.load %arg5[%get3A_451, %get3A_452, %get3A_453, %get3A_454] : memref<1x8x64x2048xbf16, #tpu.memory_space<vmem>>, vector<1x1x64x256xbf16>
      %get3A_456 = vector.shape_cast %get3A_455 : vector<1x1x64x256xbf16> to vector<64x256xbf16>
      %dot_general3A_457 = arith.constant dense<0.000000e+00> : vector<256x256xf32>
      %dot_general3A_458 = tpu.matmul %get3A_450, %get3A_456, %dot_general3A_457 {dimension_numbers = #tpu.dot_dimension_numbers<[1], [0], [0], [1], [0, 0, 1, 1], [], []>, transpose_lhs_hint = false} : vector<256x64xbf16>, vector<64x256xbf16>, vector<256x256xf32> -> vector<256x256xf32>
      %exp3A_459 = math.exp %dot_general3A_458 : vector<256x256xf32>
      %jit3A_460 = arith.constant 0.000000e+00 : f32
      %broadcast_in_dim3A_461 = vector.shape_cast %lt3A_225 : vector<1x256xi1> to vector<1x256xi1>
      %broadcast_in_dim3A_462 = vector.broadcast %broadcast_in_dim3A_461 : vector<1x256xi1> to vector<256x256xi1>
      %broadcast_in_dim3A_463 = vector.broadcast %jit3A_460 : f32 to vector<256x256xf32>
      %select_n3A_464 = arith.select %broadcast_in_dim3A_462, %exp3A_459, %broadcast_in_dim3A_463 : vector<256x256xi1>, vector<256x256xf32>
      %get3A_465 = arith.constant 0 : index
      %get3A_466 = arith.constant 4 : index
      %get3A_467 = arith.constant 256 : index
      %get3A_468 = arith.constant 0 : index
      %get3A_469 = vector.load %arg6[%get3A_465, %get3A_466, %get3A_467, %get3A_468] : memref<1x8x2048x64xbf16, #tpu.memory_space<vmem>>, vector<1x1x256x64xbf16>
      %get3A_470 = vector.shape_cast %get3A_469 : vector<1x1x256x64xbf16> to vector<256x64xbf16>
      %get3A_471 = arith.constant 4 : index
      %get3A_472 = arith.constant 0 : index
      %get3A_473 = arith.constant 0 : index
      %get3A_474 = vector.load %arg8[%get3A_471, %get3A_472, %get3A_473] : memref<8x256x64xf32, #tpu.memory_space<vmem>>, vector<1x256x64xf32>
      %get3A_475 = vector.shape_cast %get3A_474 : vector<1x256x64xf32> to vector<256x64xf32>
      %convert_element_type3A_476 = arith.truncf %select_n3A_464 : vector<256x256xf32> to vector<256x256xbf16>
      %dot_general3A_477 = arith.constant dense<0.000000e+00> : vector<256x64xf32>
      %dot_general3A_478 = tpu.matmul %convert_element_type3A_476, %get3A_470, %dot_general3A_477 {dimension_numbers = #tpu.dot_dimension_numbers<[1], [0], [0], [1], [0, 0, 1, 1], [], []>, transpose_lhs_hint = false} : vector<256x256xbf16>, vector<256x64xbf16>, vector<256x64xf32> -> vector<256x64xf32>
      %add3A_479 = arith.addf %get3A_475, %dot_general3A_478 : vector<256x64xf32>
      %swap3A_480 = arith.constant 4 : index
      %swap3A_481 = arith.constant 0 : index
      %swap3A_482 = arith.constant 0 : index
      %swap3A_483 = vector.load %arg8[%swap3A_480, %swap3A_481, %swap3A_482] : memref<8x256x64xf32, #tpu.memory_space<vmem>>, vector<1x256x64xf32>
      %swap3A_484 = vector.shape_cast %swap3A_483 : vector<1x256x64xf32> to vector<256x64xf32>
      %swap3A_485 = vector.shape_cast %add3A_479 : vector<256x64xf32> to vector<1x256x64xf32>
      tpu.vector_store %arg8[%swap3A_480, %swap3A_481, %swap3A_482], %swap3A_485 {strides = array<i32>} : memref<8x256x64xf32, #tpu.memory_space<vmem>>, vector<1x256x64xf32>,
      %get3A_486 = arith.constant 4 : index
      %get3A_487 = arith.constant 0 : index
      %get3A_488 = arith.constant 0 : index
      %get3A_489 = vector.load %arg9[%get3A_486, %get3A_487, %get3A_488] : memref<8x256x128xf32, #tpu.memory_space<vmem>>, vector<1x256x1xf32>
      %get3A_490 = vector.shape_cast %get3A_489 : vector<1x256x1xf32> to vector<256x1xf32>
      %reduce_sum3A_491 = arith.constant dense<0.000000e+00> : vector<256xf32>
      %reduce_sum3A_492 = vector.multi_reduction <add>, %select_n3A_464, %reduce_sum3A_491 [1] : vector<256x256xf32> to vector<256xf32>
      %broadcast_in_dim3A_493 = vector.shape_cast %reduce_sum3A_492 : vector<256xf32> to vector<256x1xf32>
      %add3A_494 = arith.addf %get3A_490, %broadcast_in_dim3A_493 : vector<256x1xf32>
      %swap3A_495 = arith.constant 4 : index
      %swap3A_496 = arith.constant 0 : index
      %swap3A_497 = arith.constant 0 : index
      %swap3A_498 = vector.load %arg9[%swap3A_495, %swap3A_496, %swap3A_497] : memref<8x256x128xf32, #tpu.memory_space<vmem>>, vector<1x256x1xf32>
      %swap3A_499 = vector.shape_cast %swap3A_498 : vector<1x256x1xf32> to vector<256x1xf32>
      %swap3A_500 = vector.shape_cast %add3A_494 : vector<256x1xf32> to vector<1x256x1xf32>
      tpu.vector_store %arg9[%swap3A_495, %swap3A_496, %swap3A_497], %swap3A_500 {strides = array<i32>} : memref<8x256x128xf32, #tpu.memory_space<vmem>>, vector<1x256x1xf32>,
      %get3A_501 = arith.constant 0 : index
      %get3A_502 = arith.constant 5 : index
      %get3A_503 = arith.constant 0 : index
      %get3A_504 = arith.constant 0 : index
      %get3A_505 = vector.load %arg4[%get3A_501, %get3A_502, %get3A_503, %get3A_504] : memref<1x8x256x64xbf16, #tpu.memory_space<vmem>>, vector<1x1x256x64xbf16>
      %get3A_506 = vector.shape_cast %get3A_505 : vector<1x1x256x64xbf16> to vector<256x64xbf16>
      %get3A_507 = arith.constant 0 : index
      %get3A_508 = arith.constant 5 : index
      %get3A_509 = arith.constant 0 : index
      %get3A_510 = arith.constant 256 : index
      %get3A_511 = vector.load %arg5[%get3A_507, %get3A_508, %get3A_509, %get3A_510] : memref<1x8x64x2048xbf16, #tpu.memory_space<vmem>>, vector<1x1x64x256xbf16>
      %get3A_512 = vector.shape_cast %get3A_511 : vector<1x1x64x256xbf16> to vector<64x256xbf16>
      %dot_general3A_513 = arith.constant dense<0.000000e+00> : vector<256x256xf32>
      %dot_general3A_514 = tpu.matmul %get3A_506, %get3A_512, %dot_general3A_513 {dimension_numbers = #tpu.dot_dimension_numbers<[1], [0], [0], [1], [0, 0, 1, 1], [], []>, transpose_lhs_hint = false} : vector<256x64xbf16>, vector<64x256xbf16>, vector<256x256xf32> -> vector<256x256xf32>
      %exp3A_515 = math.exp %dot_general3A_514 : vector<256x256xf32>
      %jit3A_516 = arith.constant 0.000000e+00 : f32
      %broadcast_in_dim3A_517 = vector.shape_cast %lt3A_225 : vector<1x256xi1> to vector<1x256xi1>
      %broadcast_in_dim3A_518 = vector.broadcast %broadcast_in_dim3A_517 : vector<1x256xi1> to vector<256x256xi1>
      %broadcast_in_dim3A_519 = vector.broadcast %jit3A_516 : f32 to vector<256x256xf32>
      %select_n3A_520 = arith.select %broadcast_in_dim3A_518, %exp3A_515, %broadcast_in_dim3A_519 : vector<256x256xi1>, vector<256x256xf32>
      %get3A_521 = arith.constant 0 : index
      %get3A_522 = arith.constant 5 : index
      %get3A_523 = arith.constant 256 : index
      %get3A_524 = arith.constant 0 : index
      %get3A_525 = vector.load %arg6[%get3A_521, %get3A_522, %get3A_523, %get3A_524] : memref<1x8x2048x64xbf16, #tpu.memory_space<vmem>>, vector<1x1x256x64xbf16>
      %get3A_526 = vector.shape_cast %get3A_525 : vector<1x1x256x64xbf16> to vector<256x64xbf16>
      %get3A_527 = arith.constant 5 : index
      %get3A_528 = arith.constant 0 : index
      %get3A_529 = arith.constant 0 : index
      %get3A_530 = vector.load %arg8[%get3A_527, %get3A_528, %get3A_529] : memref<8x256x64xf32, #tpu.memory_space<vmem>>, vector<1x256x64xf32>
      %get3A_531 = vector.shape_cast %get3A_530 : vector<1x256x64xf32> to vector<256x64xf32>
      %convert_element_type3A_532 = arith.truncf %select_n3A_520 : vector<256x256xf32> to vector<256x256xbf16>
      %dot_general3A_533 = arith.constant dense<0.000000e+00> : vector<256x64xf32>
      %dot_general3A_534 = tpu.matmul %convert_element_type3A_532, %get3A_526, %dot_general3A_533 {dimension_numbers = #tpu.dot_dimension_numbers<[1], [0], [0], [1], [0, 0, 1, 1], [], []>, transpose_lhs_hint = false} : vector<256x256xbf16>, vector<256x64xbf16>, vector<256x64xf32> -> vector<256x64xf32>
      %add3A_535 = arith.addf %get3A_531, %dot_general3A_534 : vector<256x64xf32>
      %swap3A_536 = arith.constant 5 : index
      %swap3A_537 = arith.constant 0 : index
      %swap3A_538 = arith.constant 0 : index
      %swap3A_539 = vector.load %arg8[%swap3A_536, %swap3A_537, %swap3A_538] : memref<8x256x64xf32, #tpu.memory_space<vmem>>, vector<1x256x64xf32>
      %swap3A_540 = vector.shape_cast %swap3A_539 : vector<1x256x64xf32> to vector<256x64xf32>
      %swap3A_541 = vector.shape_cast %add3A_535 : vector<256x64xf32> to vector<1x256x64xf32>
      tpu.vector_store %arg8[%swap3A_536, %swap3A_537, %swap3A_538], %swap3A_541 {strides = array<i32>} : memref<8x256x64xf32, #tpu.memory_space<vmem>>, vector<1x256x64xf32>,
      %get3A_542 = arith.constant 5 : index
      %get3A_543 = arith.constant 0 : index
      %get3A_544 = arith.constant 0 : index
      %get3A_545 = vector.load %arg9[%get3A_542, %get3A_543, %get3A_544] : memref<8x256x128xf32, #tpu.memory_space<vmem>>, vector<1x256x1xf32>
      %get3A_546 = vector.shape_cast %get3A_545 : vector<1x256x1xf32> to vector<256x1xf32>
      %reduce_sum3A_547 = arith.constant dense<0.000000e+00> : vector<256xf32>
      %reduce_sum3A_548 = vector.multi_reduction <add>, %select_n3A_520, %reduce_sum3A_547 [1] : vector<256x256xf32> to vector<256xf32>
      %broadcast_in_dim3A_549 = vector.shape_cast %reduce_sum3A_548 : vector<256xf32> to vector<256x1xf32>
      %add3A_550 = arith.addf %get3A_546, %broadcast_in_dim3A_549 : vector<256x1xf32>
      %swap3A_551 = arith.constant 5 : index
      %swap3A_552 = arith.constant 0 : index
      %swap3A_553 = arith.constant 0 : index
      %swap3A_554 = vector.load %arg9[%swap3A_551, %swap3A_552, %swap3A_553] : memref<8x256x128xf32, #tpu.memory_space<vmem>>, vector<1x256x1xf32>
      %swap3A_555 = vector.shape_cast %swap3A_554 : vector<1x256x1xf32> to vector<256x1xf32>
      %swap3A_556 = vector.shape_cast %add3A_550 : vector<256x1xf32> to vector<1x256x1xf32>
      tpu.vector_store %arg9[%swap3A_551, %swap3A_552, %swap3A_553], %swap3A_556 {strides = array<i32>} : memref<8x256x128xf32, #tpu.memory_space<vmem>>, vector<1x256x1xf32>,
      %get3A_557 = arith.constant 0 : index
      %get3A_558 = arith.constant 6 : index
      %get3A_559 = arith.constant 0 : index
      %get3A_560 = arith.constant 0 : index
      %get3A_561 = vector.load %arg4[%get3A_557, %get3A_558, %get3A_559, %get3A_560] : memref<1x8x256x64xbf16, #tpu.memory_space<vmem>>, vector<1x1x256x64xbf16>
      %get3A_562 = vector.shape_cast %get3A_561 : vector<1x1x256x64xbf16> to vector<256x64xbf16>
      %get3A_563 = arith.constant 0 : index
      %get3A_564 = arith.constant 6 : index
      %get3A_565 = arith.constant 0 : index
      %get3A_566 = arith.constant 256 : index
      %get3A_567 = vector.load %arg5[%get3A_563, %get3A_564, %get3A_565, %get3A_566] : memref<1x8x64x2048xbf16, #tpu.memory_space<vmem>>, vector<1x1x64x256xbf16>
      %get3A_568 = vector.shape_cast %get3A_567 : vector<1x1x64x256xbf16> to vector<64x256xbf16>
      %dot_general3A_569 = arith.constant dense<0.000000e+00> : vector<256x256xf32>
      %dot_general3A_570 = tpu.matmul %get3A_562, %get3A_568, %dot_general3A_569 {dimension_numbers = #tpu.dot_dimension_numbers<[1], [0], [0], [1], [0, 0, 1, 1], [], []>, transpose_lhs_hint = false} : vector<256x64xbf16>, vector<64x256xbf16>, vector<256x256xf32> -> vector<256x256xf32>
      %exp3A_571 = math.exp %dot_general3A_570 : vector<256x256xf32>
      %jit3A_572 = arith.constant 0.000000e+00 : f32
      %broadcast_in_dim3A_573 = vector.shape_cast %lt3A_225 : vector<1x256xi1> to vector<1x256xi1>
      %broadcast_in_dim3A_574 = vector.broadcast %broadcast_in_dim3A_573 : vector<1x256xi1> to vector<256x256xi1>
      %broadcast_in_dim3A_575 = vector.broadcast %jit3A_572 : f32 to vector<256x256xf32>
      %select_n3A_576 = arith.select %broadcast_in_dim3A_574, %exp3A_571, %broadcast_in_dim3A_575 : vector<256x256xi1>, vector<256x256xf32>
      %get3A_577 = arith.constant 0 : index
      %get3A_578 = arith.constant 6 : index
      %get3A_579 = arith.constant 256 : index
      %get3A_580 = arith.constant 0 : index
      %get3A_581 = vector.load %arg6[%get3A_577, %get3A_578, %get3A_579, %get3A_580] : memref<1x8x2048x64xbf16, #tpu.memory_space<vmem>>, vector<1x1x256x64xbf16>
      %get3A_582 = vector.shape_cast %get3A_581 : vector<1x1x256x64xbf16> to vector<256x64xbf16>
      %get3A_583 = arith.constant 6 : index
      %get3A_584 = arith.constant 0 : index
      %get3A_585 = arith.constant 0 : index
      %get3A_586 = vector.load %arg8[%get3A_583, %get3A_584, %get3A_585] : memref<8x256x64xf32, #tpu.memory_space<vmem>>, vector<1x256x64xf32>
      %get3A_587 = vector.shape_cast %get3A_586 : vector<1x256x64xf32> to vector<256x64xf32>
      %convert_element_type3A_588 = arith.truncf %select_n3A_576 : vector<256x256xf32> to vector<256x256xbf16>
      %dot_general3A_589 = arith.constant dense<0.000000e+00> : vector<256x64xf32>
      %dot_general3A_590 = tpu.matmul %convert_element_type3A_588, %get3A_582, %dot_general3A_589 {dimension_numbers = #tpu.dot_dimension_numbers<[1], [0], [0], [1], [0, 0, 1, 1], [], []>, transpose_lhs_hint = false} : vector<256x256xbf16>, vector<256x64xbf16>, vector<256x64xf32> -> vector<256x64xf32>
      %add3A_591 = arith.addf %get3A_587, %dot_general3A_590 : vector<256x64xf32>
      %swap3A_592 = arith.constant 6 : index
      %swap3A_593 = arith.constant 0 : index
      %swap3A_594 = arith.constant 0 : index
      %swap3A_595 = vector.load %arg8[%swap3A_592, %swap3A_593, %swap3A_594] : memref<8x256x64xf32, #tpu.memory_space<vmem>>, vector<1x256x64xf32>
      %swap3A_596 = vector.shape_cast %swap3A_595 : vector<1x256x64xf32> to vector<256x64xf32>
      %swap3A_597 = vector.shape_cast %add3A_591 : vector<256x64xf32> to vector<1x256x64xf32>
      tpu.vector_store %arg8[%swap3A_592, %swap3A_593, %swap3A_594], %swap3A_597 {strides = array<i32>} : memref<8x256x64xf32, #tpu.memory_space<vmem>>, vector<1x256x64xf32>,
      %get3A_598 = arith.constant 6 : index
      %get3A_599 = arith.constant 0 : index
      %get3A_600 = arith.constant 0 : index
      %get3A_601 = vector.load %arg9[%get3A_598, %get3A_599, %get3A_600] : memref<8x256x128xf32, #tpu.memory_space<vmem>>, vector<1x256x1xf32>
      %get3A_602 = vector.shape_cast %get3A_601 : vector<1x256x1xf32> to vector<256x1xf32>
      %reduce_sum3A_603 = arith.constant dense<0.000000e+00> : vector<256xf32>
      %reduce_sum3A_604 = vector.multi_reduction <add>, %select_n3A_576, %reduce_sum3A_603 [1] : vector<256x256xf32> to vector<256xf32>
      %broadcast_in_dim3A_605 = vector.shape_cast %reduce_sum3A_604 : vector<256xf32> to vector<256x1xf32>
      %add3A_606 = arith.addf %get3A_602, %broadcast_in_dim3A_605 : vector<256x1xf32>
      %swap3A_607 = arith.constant 6 : index
      %swap3A_608 = arith.constant 0 : index
      %swap3A_609 = arith.constant 0 : index
      %swap3A_610 = vector.load %arg9[%swap3A_607, %swap3A_608, %swap3A_609] : memref<8x256x128xf32, #tpu.memory_space<vmem>>, vector<1x256x1xf32>
      %swap3A_611 = vector.shape_cast %swap3A_610 : vector<1x256x1xf32> to vector<256x1xf32>
      %swap3A_612 = vector.shape_cast %add3A_606 : vector<256x1xf32> to vector<1x256x1xf32>
      tpu.vector_store %arg9[%swap3A_607, %swap3A_608, %swap3A_609], %swap3A_612 {strides = array<i32>} : memref<8x256x128xf32, #tpu.memory_space<vmem>>, vector<1x256x1xf32>,
      %get3A_613 = arith.constant 0 : index
      %get3A_614 = arith.constant 7 : index
      %get3A_615 = arith.constant 0 : index
      %get3A_616 = arith.constant 0 : index
      %get3A_617 = vector.load %arg4[%get3A_613, %get3A_614, %get3A_615, %get3A_616] : memref<1x8x256x64xbf16, #tpu.memory_space<vmem>>, vector<1x1x256x64xbf16>
      %get3A_618 = vector.shape_cast %get3A_617 : vector<1x1x256x64xbf16> to vector<256x64xbf16>
      %get3A_619 = arith.constant 0 : index
      %get3A_620 = arith.constant 7 : index
      %get3A_621 = arith.constant 0 : index
      %get3A_622 = arith.constant 256 : index
      %get3A_623 = vector.load %arg5[%get3A_619, %get3A_620, %get3A_621, %get3A_622] : memref<1x8x64x2048xbf16, #tpu.memory_space<vmem>>, vector<1x1x64x256xbf16>
      %get3A_624 = vector.shape_cast %get3A_623 : vector<1x1x64x256xbf16> to vector<64x256xbf16>
      %dot_general3A_625 = arith.constant dense<0.000000e+00> : vector<256x256xf32>
      %dot_general3A_626 = tpu.matmul %get3A_618, %get3A_624, %dot_general3A_625 {dimension_numbers = #tpu.dot_dimension_numbers<[1], [0], [0], [1], [0, 0, 1, 1], [], []>, transpose_lhs_hint = false} : vector<256x64xbf16>, vector<64x256xbf16>, vector<256x256xf32> -> vector<256x256xf32>
      %exp3A_627 = math.exp %dot_general3A_626 : vector<256x256xf32>
      %jit3A_628 = arith.constant 0.000000e+00 : f32
      %broadcast_in_dim3A_629 = vector.shape_cast %lt3A_225 : vector<1x256xi1> to vector<1x256xi1>
      %broadcast_in_dim3A_630 = vector.broadcast %broadcast_in_dim3A_629 : vector<1x256xi1> to vector<256x256xi1>
      %broadcast_in_dim3A_631 = vector.broadcast %jit3A_628 : f32 to vector<256x256xf32>
      %select_n3A_632 = arith.select %broadcast_in_dim3A_630, %exp3A_627, %broadcast_in_dim3A_631 : vector<256x256xi1>, vector<256x256xf32>
      %get3A_633 = arith.constant 0 : index
      %get3A_634 = arith.constant 7 : index
      %get3A_635 = arith.constant 256 : index
      %get3A_636 = arith.constant 0 : index
      %get3A_637 = vector.load %arg6[%get3A_633, %get3A_634, %get3A_635, %get3A_636] : memref<1x8x2048x64xbf16, #tpu.memory_space<vmem>>, vector<1x1x256x64xbf16>
      %get3A_638 = vector.shape_cast %get3A_637 : vector<1x1x256x64xbf16> to vector<256x64xbf16>
      %get3A_639 = arith.constant 7 : index
      %get3A_640 = arith.constant 0 : index
      %get3A_641 = arith.constant 0 : index
      %get3A_642 = vector.load %arg8[%get3A_639, %get3A_640, %get3A_641] : memref<8x256x64xf32, #tpu.memory_space<vmem>>, vector<1x256x64xf32>
      %get3A_643 = vector.shape_cast %get3A_642 : vector<1x256x64xf32> to vector<256x64xf32>
      %convert_element_type3A_644 = arith.truncf %select_n3A_632 : vector<256x256xf32> to vector<256x256xbf16>
      %dot_general3A_645 = arith.constant dense<0.000000e+00> : vector<256x64xf32>
      %dot_general3A_646 = tpu.matmul %convert_element_type3A_644, %get3A_638, %dot_general3A_645 {dimension_numbers = #tpu.dot_dimension_numbers<[1], [0], [0], [1], [0, 0, 1, 1], [], []>, transpose_lhs_hint = false} : vector<256x256xbf16>, vector<256x64xbf16>, vector<256x64xf32> -> vector<256x64xf32>
      %add3A_647 = arith.addf %get3A_643, %dot_general3A_646 : vector<256x64xf32>
      %swap3A_648 = arith.constant 7 : index
      %swap3A_649 = arith.constant 0 : index
      %swap3A_650 = arith.constant 0 : index
      %swap3A_651 = vector.load %arg8[%swap3A_648, %swap3A_649, %swap3A_650] : memref<8x256x64xf32, #tpu.memory_space<vmem>>, vector<1x256x64xf32>
      %swap3A_652 = vector.shape_cast %swap3A_651 : vector<1x256x64xf32> to vector<256x64xf32>
      %swap3A_653 = vector.shape_cast %add3A_647 : vector<256x64xf32> to vector<1x256x64xf32>
      tpu.vector_store %arg8[%swap3A_648, %swap3A_649, %swap3A_650], %swap3A_653 {strides = array<i32>} : memref<8x256x64xf32, #tpu.memory_space<vmem>>, vector<1x256x64xf32>,
      %get3A_654 = arith.constant 7 : index
      %get3A_655 = arith.constant 0 : index
      %get3A_656 = arith.constant 0 : index
      %get3A_657 = vector.load %arg9[%get3A_654, %get3A_655, %get3A_656] : memref<8x256x128xf32, #tpu.memory_space<vmem>>, vector<1x256x1xf32>
      %get3A_658 = vector.shape_cast %get3A_657 : vector<1x256x1xf32> to vector<256x1xf32>
      %reduce_sum3A_659 = arith.constant dense<0.000000e+00> : vector<256xf32>
      %reduce_sum3A_660 = vector.multi_reduction <add>, %select_n3A_632, %reduce_sum3A_659 [1] : vector<256x256xf32> to vector<256xf32>
      %broadcast_in_dim3A_661 = vector.shape_cast %reduce_sum3A_660 : vector<256xf32> to vector<256x1xf32>
      %add3A_662 = arith.addf %get3A_658, %broadcast_in_dim3A_661 : vector<256x1xf32>
      %swap3A_663 = arith.constant 7 : index
      %swap3A_664 = arith.constant 0 : index
      %swap3A_665 = arith.constant 0 : index
      %swap3A_666 = vector.load %arg9[%swap3A_663, %swap3A_664, %swap3A_665] : memref<8x256x128xf32, #tpu.memory_space<vmem>>, vector<1x256x1xf32>
      %swap3A_667 = vector.shape_cast %swap3A_666 : vector<1x256x1xf32> to vector<256x1xf32>
      %swap3A_668 = vector.shape_cast %add3A_662 : vector<256x1xf32> to vector<1x256x1xf32>
      tpu.vector_store %arg9[%swap3A_663, %swap3A_664, %swap3A_665], %swap3A_668 {strides = array<i32>} : memref<8x256x128xf32, #tpu.memory_space<vmem>>, vector<1x256x1xf32>,
    } else {
    }
    %gt3A_19 = arith.constant 512 : i32
    %gt3A_20 = arith.cmpi sgt, %get3A_1, %gt3A_19 : i32
    %convert_element_type3A_21 = arith.extui %gt3A_20 : i1 to i32
    %cond3A_22 = arith.constant 0 : i32
    %cond3A_23 = arith.cmpi ne, %convert_element_type3A_21, %cond3A_22 : i32
    scf.if %cond3A_23 {
      %iota3A = tpu.iota {dimensions = array<i32: 1>} : vector<1x256xi32>
      %add3A = arith.constant 512 : i32
      %add3A_223 = vector.broadcast %add3A : i32 to vector<1x256xi32>
      %add3A_224 = arith.addi %add3A_223, %iota3A : vector<1x256xi32>
      %lt3A = vector.broadcast %get3A_1 : i32 to vector<1x256xi32>
      %lt3A_225 = arith.cmpi slt, %add3A_224, %lt3A : vector<1x256xi32>
      %get3A_226 = arith.constant 0 : index
      %get3A_227 = arith.constant 0 : index
      %get3A_228 = arith.constant 0 : index
      %get3A_229 = arith.constant 0 : index
      %get3A_230 = vector.load %arg4[%get3A_226, %get3A_227, %get3A_228, %get3A_229] : memref<1x8x256x64xbf16, #tpu.memory_space<vmem>>, vector<1x1x256x64xbf16>
      %get3A_231 = vector.shape_cast %get3A_230 : vector<1x1x256x64xbf16> to vector<256x64xbf16>
      %get3A_232 = arith.constant 0 : index
      %get3A_233 = arith.constant 0 : index
      %get3A_234 = arith.constant 0 : index
      %get3A_235 = arith.constant 512 : index
      %get3A_236 = vector.load %arg5[%get3A_232, %get3A_233, %get3A_234, %get3A_235] : memref<1x8x64x2048xbf16, #tpu.memory_space<vmem>>, vector<1x1x64x256xbf16>
      %get3A_237 = vector.shape_cast %get3A_236 : vector<1x1x64x256xbf16> to vector<64x256xbf16>
      %dot_general3A = arith.constant dense<0.000000e+00> : vector<256x256xf32>
      %dot_general3A_238 = tpu.matmul %get3A_231, %get3A_237, %dot_general3A {dimension_numbers = #tpu.dot_dimension_numbers<[1], [0], [0], [1], [0, 0, 1, 1], [], []>, transpose_lhs_hint = false} : vector<256x64xbf16>, vector<64x256xbf16>, vector<256x256xf32> -> vector<256x256xf32>
      %exp3A = math.exp %dot_general3A_238 : vector<256x256xf32>
      %jit3A = arith.constant 0.000000e+00 : f32
      %broadcast_in_dim3A_239 = vector.shape_cast %lt3A_225 : vector<1x256xi1> to vector<1x256xi1>
      %broadcast_in_dim3A_240 = vector.broadcast %broadcast_in_dim3A_239 : vector<1x256xi1> to vector<256x256xi1>
      %broadcast_in_dim3A_241 = vector.broadcast %jit3A : f32 to vector<256x256xf32>
      %select_n3A = arith.select %broadcast_in_dim3A_240, %exp3A, %broadcast_in_dim3A_241 : vector<256x256xi1>, vector<256x256xf32>
      %get3A_242 = arith.constant 0 : index
      %get3A_243 = arith.constant 0 : index
      %get3A_244 = arith.constant 512 : index
      %get3A_245 = arith.constant 0 : index
      %get3A_246 = vector.load %arg6[%get3A_242, %get3A_243, %get3A_244, %get3A_245] : memref<1x8x2048x64xbf16, #tpu.memory_space<vmem>>, vector<1x1x256x64xbf16>
      %get3A_247 = vector.shape_cast %get3A_246 : vector<1x1x256x64xbf16> to vector<256x64xbf16>
      %get3A_248 = arith.constant 0 : index
      %get3A_249 = arith.constant 0 : index
      %get3A_250 = arith.constant 0 : index
      %get3A_251 = vector.load %arg8[%get3A_248, %get3A_249, %get3A_250] : memref<8x256x64xf32, #tpu.memory_space<vmem>>, vector<1x256x64xf32>
      %get3A_252 = vector.shape_cast %get3A_251 : vector<1x256x64xf32> to vector<256x64xf32>
      %convert_element_type3A_253 = arith.truncf %select_n3A : vector<256x256xf32> to vector<256x256xbf16>
      %dot_general3A_254 = arith.constant dense<0.000000e+00> : vector<256x64xf32>
      %dot_general3A_255 = tpu.matmul %convert_element_type3A_253, %get3A_247, %dot_general3A_254 {dimension_numbers = #tpu.dot_dimension_numbers<[1], [0], [0], [1], [0, 0, 1, 1], [], []>, transpose_lhs_hint = false} : vector<256x256xbf16>, vector<256x64xbf16>, vector<256x64xf32> -> vector<256x64xf32>
      %add3A_256 = arith.addf %get3A_252, %dot_general3A_255 : vector<256x64xf32>
      %swap3A_257 = arith.constant 0 : index
      %swap3A_258 = arith.constant 0 : index
      %swap3A_259 = arith.constant 0 : index
      %swap3A_260 = vector.load %arg8[%swap3A_257, %swap3A_258, %swap3A_259] : memref<8x256x64xf32, #tpu.memory_space<vmem>>, vector<1x256x64xf32>
      %swap3A_261 = vector.shape_cast %swap3A_260 : vector<1x256x64xf32> to vector<256x64xf32>
      %swap3A_262 = vector.shape_cast %add3A_256 : vector<256x64xf32> to vector<1x256x64xf32>
      tpu.vector_store %arg8[%swap3A_257, %swap3A_258, %swap3A_259], %swap3A_262 {strides = array<i32>} : memref<8x256x64xf32, #tpu.memory_space<vmem>>, vector<1x256x64xf32>,
      %get3A_263 = arith.constant 0 : index
      %get3A_264 = arith.constant 0 : index
      %get3A_265 = arith.constant 0 : index
      %get3A_266 = vector.load %arg9[%get3A_263, %get3A_264, %get3A_265] : memref<8x256x128xf32, #tpu.memory_space<vmem>>, vector<1x256x1xf32>
      %get3A_267 = vector.shape_cast %get3A_266 : vector<1x256x1xf32> to vector<256x1xf32>
      %reduce_sum3A = arith.constant dense<0.000000e+00> : vector<256xf32>
      %reduce_sum3A_268 = vector.multi_reduction <add>, %select_n3A, %reduce_sum3A [1] : vector<256x256xf32> to vector<256xf32>
      %broadcast_in_dim3A_269 = vector.shape_cast %reduce_sum3A_268 : vector<256xf32> to vector<256x1xf32>
      %add3A_270 = arith.addf %get3A_267, %broadcast_in_dim3A_269 : vector<256x1xf32>
      %swap3A_271 = arith.constant 0 : index
      %swap3A_272 = arith.constant 0 : index
      %swap3A_273 = arith.constant 0 : index
      %swap3A_274 = vector.load %arg9[%swap3A_271, %swap3A_272, %swap3A_273] : memref<8x256x128xf32, #tpu.memory_space<vmem>>, vector<1x256x1xf32>
      %swap3A_275 = vector.shape_cast %swap3A_274 : vector<1x256x1xf32> to vector<256x1xf32>
      %swap3A_276 = vector.shape_cast %add3A_270 : vector<256x1xf32> to vector<1x256x1xf32>
      tpu.vector_store %arg9[%swap3A_271, %swap3A_272, %swap3A_273], %swap3A_276 {strides = array<i32>} : memref<8x256x128xf32, #tpu.memory_space<vmem>>, vector<1x256x1xf32>,
      %get3A_277 = arith.constant 0 : index
      %get3A_278 = arith.constant 1 : index
      %get3A_279 = arith.constant 0 : index
      %get3A_280 = arith.constant 0 : index
      %get3A_281 = vector.load %arg4[%get3A_277, %get3A_278, %get3A_279, %get3A_280] : memref<1x8x256x64xbf16, #tpu.memory_space<vmem>>, vector<1x1x256x64xbf16>
      %get3A_282 = vector.shape_cast %get3A_281 : vector<1x1x256x64xbf16> to vector<256x64xbf16>
      %get3A_283 = arith.constant 0 : index
      %get3A_284 = arith.constant 1 : index
      %get3A_285 = arith.constant 0 : index
      %get3A_286 = arith.constant 512 : index
      %get3A_287 = vector.load %arg5[%get3A_283, %get3A_284, %get3A_285, %get3A_286] : memref<1x8x64x2048xbf16, #tpu.memory_space<vmem>>, vector<1x1x64x256xbf16>
      %get3A_288 = vector.shape_cast %get3A_287 : vector<1x1x64x256xbf16> to vector<64x256xbf16>
      %dot_general3A_289 = arith.constant dense<0.000000e+00> : vector<256x256xf32>
      %dot_general3A_290 = tpu.matmul %get3A_282, %get3A_288, %dot_general3A_289 {dimension_numbers = #tpu.dot_dimension_numbers<[1], [0], [0], [1], [0, 0, 1, 1], [], []>, transpose_lhs_hint = false} : vector<256x64xbf16>, vector<64x256xbf16>, vector<256x256xf32> -> vector<256x256xf32>
      %exp3A_291 = math.exp %dot_general3A_290 : vector<256x256xf32>
      %jit3A_292 = arith.constant 0.000000e+00 : f32
      %broadcast_in_dim3A_293 = vector.shape_cast %lt3A_225 : vector<1x256xi1> to vector<1x256xi1>
      %broadcast_in_dim3A_294 = vector.broadcast %broadcast_in_dim3A_293 : vector<1x256xi1> to vector<256x256xi1>
      %broadcast_in_dim3A_295 = vector.broadcast %jit3A_292 : f32 to vector<256x256xf32>
      %select_n3A_296 = arith.select %broadcast_in_dim3A_294, %exp3A_291, %broadcast_in_dim3A_295 : vector<256x256xi1>, vector<256x256xf32>
      %get3A_297 = arith.constant 0 : index
      %get3A_298 = arith.constant 1 : index
      %get3A_299 = arith.constant 512 : index
      %get3A_300 = arith.constant 0 : index
      %get3A_301 = vector.load %arg6[%get3A_297, %get3A_298, %get3A_299, %get3A_300] : memref<1x8x2048x64xbf16, #tpu.memory_space<vmem>>, vector<1x1x256x64xbf16>
      %get3A_302 = vector.shape_cast %get3A_301 : vector<1x1x256x64xbf16> to vector<256x64xbf16>
      %get3A_303 = arith.constant 1 : index
      %get3A_304 = arith.constant 0 : index
      %get3A_305 = arith.constant 0 : index
      %get3A_306 = vector.load %arg8[%get3A_303, %get3A_304, %get3A_305] : memref<8x256x64xf32, #tpu.memory_space<vmem>>, vector<1x256x64xf32>
      %get3A_307 = vector.shape_cast %get3A_306 : vector<1x256x64xf32> to vector<256x64xf32>
      %convert_element_type3A_308 = arith.truncf %select_n3A_296 : vector<256x256xf32> to vector<256x256xbf16>
      %dot_general3A_309 = arith.constant dense<0.000000e+00> : vector<256x64xf32>
      %dot_general3A_310 = tpu.matmul %convert_element_type3A_308, %get3A_302, %dot_general3A_309 {dimension_numbers = #tpu.dot_dimension_numbers<[1], [0], [0], [1], [0, 0, 1, 1], [], []>, transpose_lhs_hint = false} : vector<256x256xbf16>, vector<256x64xbf16>, vector<256x64xf32> -> vector<256x64xf32>
      %add3A_311 = arith.addf %get3A_307, %dot_general3A_310 : vector<256x64xf32>
      %swap3A_312 = arith.constant 1 : index
      %swap3A_313 = arith.constant 0 : index
      %swap3A_314 = arith.constant 0 : index
      %swap3A_315 = vector.load %arg8[%swap3A_312, %swap3A_313, %swap3A_314] : memref<8x256x64xf32, #tpu.memory_space<vmem>>, vector<1x256x64xf32>
      %swap3A_316 = vector.shape_cast %swap3A_315 : vector<1x256x64xf32> to vector<256x64xf32>
      %swap3A_317 = vector.shape_cast %add3A_311 : vector<256x64xf32> to vector<1x256x64xf32>
      tpu.vector_store %arg8[%swap3A_312, %swap3A_313, %swap3A_314], %swap3A_317 {strides = array<i32>} : memref<8x256x64xf32, #tpu.memory_space<vmem>>, vector<1x256x64xf32>,
      %get3A_318 = arith.constant 1 : index
      %get3A_319 = arith.constant 0 : index
      %get3A_320 = arith.constant 0 : index
      %get3A_321 = vector.load %arg9[%get3A_318, %get3A_319, %get3A_320] : memref<8x256x128xf32, #tpu.memory_space<vmem>>, vector<1x256x1xf32>
      %get3A_322 = vector.shape_cast %get3A_321 : vector<1x256x1xf32> to vector<256x1xf32>
      %reduce_sum3A_323 = arith.constant dense<0.000000e+00> : vector<256xf32>
      %reduce_sum3A_324 = vector.multi_reduction <add>, %select_n3A_296, %reduce_sum3A_323 [1] : vector<256x256xf32> to vector<256xf32>
      %broadcast_in_dim3A_325 = vector.shape_cast %reduce_sum3A_324 : vector<256xf32> to vector<256x1xf32>
      %add3A_326 = arith.addf %get3A_322, %broadcast_in_dim3A_325 : vector<256x1xf32>
      %swap3A_327 = arith.constant 1 : index
      %swap3A_328 = arith.constant 0 : index
      %swap3A_329 = arith.constant 0 : index
      %swap3A_330 = vector.load %arg9[%swap3A_327, %swap3A_328, %swap3A_329] : memref<8x256x128xf32, #tpu.memory_space<vmem>>, vector<1x256x1xf32>
      %swap3A_331 = vector.shape_cast %swap3A_330 : vector<1x256x1xf32> to vector<256x1xf32>
      %swap3A_332 = vector.shape_cast %add3A_326 : vector<256x1xf32> to vector<1x256x1xf32>
      tpu.vector_store %arg9[%swap3A_327, %swap3A_328, %swap3A_329], %swap3A_332 {strides = array<i32>} : memref<8x256x128xf32, #tpu.memory_space<vmem>>, vector<1x256x1xf32>,
      %get3A_333 = arith.constant 0 : index
      %get3A_334 = arith.constant 2 : index
      %get3A_335 = arith.constant 0 : index
      %get3A_336 = arith.constant 0 : index
      %get3A_337 = vector.load %arg4[%get3A_333, %get3A_334, %get3A_335, %get3A_336] : memref<1x8x256x64xbf16, #tpu.memory_space<vmem>>, vector<1x1x256x64xbf16>
      %get3A_338 = vector.shape_cast %get3A_337 : vector<1x1x256x64xbf16> to vector<256x64xbf16>
      %get3A_339 = arith.constant 0 : index
      %get3A_340 = arith.constant 2 : index
      %get3A_341 = arith.constant 0 : index
      %get3A_342 = arith.constant 512 : index
      %get3A_343 = vector.load %arg5[%get3A_339, %get3A_340, %get3A_341, %get3A_342] : memref<1x8x64x2048xbf16, #tpu.memory_space<vmem>>, vector<1x1x64x256xbf16>
      %get3A_344 = vector.shape_cast %get3A_343 : vector<1x1x64x256xbf16> to vector<64x256xbf16>
      %dot_general3A_345 = arith.constant dense<0.000000e+00> : vector<256x256xf32>
      %dot_general3A_346 = tpu.matmul %get3A_338, %get3A_344, %dot_general3A_345 {dimension_numbers = #tpu.dot_dimension_numbers<[1], [0], [0], [1], [0, 0, 1, 1], [], []>, transpose_lhs_hint = false} : vector<256x64xbf16>, vector<64x256xbf16>, vector<256x256xf32> -> vector<256x256xf32>
      %exp3A_347 = math.exp %dot_general3A_346 : vector<256x256xf32>
      %jit3A_348 = arith.constant 0.000000e+00 : f32
      %broadcast_in_dim3A_349 = vector.shape_cast %lt3A_225 : vector<1x256xi1> to vector<1x256xi1>
      %broadcast_in_dim3A_350 = vector.broadcast %broadcast_in_dim3A_349 : vector<1x256xi1> to vector<256x256xi1>
      %broadcast_in_dim3A_351 = vector.broadcast %jit3A_348 : f32 to vector<256x256xf32>
      %select_n3A_352 = arith.select %broadcast_in_dim3A_350, %exp3A_347, %broadcast_in_dim3A_351 : vector<256x256xi1>, vector<256x256xf32>
      %get3A_353 = arith.constant 0 : index
      %get3A_354 = arith.constant 2 : index
      %get3A_355 = arith.constant 512 : index
      %get3A_356 = arith.constant 0 : index
      %get3A_357 = vector.load %arg6[%get3A_353, %get3A_354, %get3A_355, %get3A_356] : memref<1x8x2048x64xbf16, #tpu.memory_space<vmem>>, vector<1x1x256x64xbf16>
      %get3A_358 = vector.shape_cast %get3A_357 : vector<1x1x256x64xbf16> to vector<256x64xbf16>
      %get3A_359 = arith.constant 2 : index
      %get3A_360 = arith.constant 0 : index
      %get3A_361 = arith.constant 0 : index
      %get3A_362 = vector.load %arg8[%get3A_359, %get3A_360, %get3A_361] : memref<8x256x64xf32, #tpu.memory_space<vmem>>, vector<1x256x64xf32>
      %get3A_363 = vector.shape_cast %get3A_362 : vector<1x256x64xf32> to vector<256x64xf32>
      %convert_element_type3A_364 = arith.truncf %select_n3A_352 : vector<256x256xf32> to vector<256x256xbf16>
      %dot_general3A_365 = arith.constant dense<0.000000e+00> : vector<256x64xf32>
      %dot_general3A_366 = tpu.matmul %convert_element_type3A_364, %get3A_358, %dot_general3A_365 {dimension_numbers = #tpu.dot_dimension_numbers<[1], [0], [0], [1], [0, 0, 1, 1], [], []>, transpose_lhs_hint = false} : vector<256x256xbf16>, vector<256x64xbf16>, vector<256x64xf32> -> vector<256x64xf32>
      %add3A_367 = arith.addf %get3A_363, %dot_general3A_366 : vector<256x64xf32>
      %swap3A_368 = arith.constant 2 : index
      %swap3A_369 = arith.constant 0 : index
      %swap3A_370 = arith.constant 0 : index
      %swap3A_371 = vector.load %arg8[%swap3A_368, %swap3A_369, %swap3A_370] : memref<8x256x64xf32, #tpu.memory_space<vmem>>, vector<1x256x64xf32>
      %swap3A_372 = vector.shape_cast %swap3A_371 : vector<1x256x64xf32> to vector<256x64xf32>
      %swap3A_373 = vector.shape_cast %add3A_367 : vector<256x64xf32> to vector<1x256x64xf32>
      tpu.vector_store %arg8[%swap3A_368, %swap3A_369, %swap3A_370], %swap3A_373 {strides = array<i32>} : memref<8x256x64xf32, #tpu.memory_space<vmem>>, vector<1x256x64xf32>,
      %get3A_374 = arith.constant 2 : index
      %get3A_375 = arith.constant 0 : index
      %get3A_376 = arith.constant 0 : index
      %get3A_377 = vector.load %arg9[%get3A_374, %get3A_375, %get3A_376] : memref<8x256x128xf32, #tpu.memory_space<vmem>>, vector<1x256x1xf32>
      %get3A_378 = vector.shape_cast %get3A_377 : vector<1x256x1xf32> to vector<256x1xf32>
      %reduce_sum3A_379 = arith.constant dense<0.000000e+00> : vector<256xf32>
      %reduce_sum3A_380 = vector.multi_reduction <add>, %select_n3A_352, %reduce_sum3A_379 [1] : vector<256x256xf32> to vector<256xf32>
      %broadcast_in_dim3A_381 = vector.shape_cast %reduce_sum3A_380 : vector<256xf32> to vector<256x1xf32>
      %add3A_382 = arith.addf %get3A_378, %broadcast_in_dim3A_381 : vector<256x1xf32>
      %swap3A_383 = arith.constant 2 : index
      %swap3A_384 = arith.constant 0 : index
      %swap3A_385 = arith.constant 0 : index
      %swap3A_386 = vector.load %arg9[%swap3A_383, %swap3A_384, %swap3A_385] : memref<8x256x128xf32, #tpu.memory_space<vmem>>, vector<1x256x1xf32>
      %swap3A_387 = vector.shape_cast %swap3A_386 : vector<1x256x1xf32> to vector<256x1xf32>
      %swap3A_388 = vector.shape_cast %add3A_382 : vector<256x1xf32> to vector<1x256x1xf32>
      tpu.vector_store %arg9[%swap3A_383, %swap3A_384, %swap3A_385], %swap3A_388 {strides = array<i32>} : memref<8x256x128xf32, #tpu.memory_space<vmem>>, vector<1x256x1xf32>,
      %get3A_389 = arith.constant 0 : index
      %get3A_390 = arith.constant 3 : index
      %get3A_391 = arith.constant 0 : index
      %get3A_392 = arith.constant 0 : index
      %get3A_393 = vector.load %arg4[%get3A_389, %get3A_390, %get3A_391, %get3A_392] : memref<1x8x256x64xbf16, #tpu.memory_space<vmem>>, vector<1x1x256x64xbf16>
      %get3A_394 = vector.shape_cast %get3A_393 : vector<1x1x256x64xbf16> to vector<256x64xbf16>
      %get3A_395 = arith.constant 0 : index
      %get3A_396 = arith.constant 3 : index
      %get3A_397 = arith.constant 0 : index
      %get3A_398 = arith.constant 512 : index
      %get3A_399 = vector.load %arg5[%get3A_395, %get3A_396, %get3A_397, %get3A_398] : memref<1x8x64x2048xbf16, #tpu.memory_space<vmem>>, vector<1x1x64x256xbf16>
      %get3A_400 = vector.shape_cast %get3A_399 : vector<1x1x64x256xbf16> to vector<64x256xbf16>
      %dot_general3A_401 = arith.constant dense<0.000000e+00> : vector<256x256xf32>
      %dot_general3A_402 = tpu.matmul %get3A_394, %get3A_400, %dot_general3A_401 {dimension_numbers = #tpu.dot_dimension_numbers<[1], [0], [0], [1], [0, 0, 1, 1], [], []>, transpose_lhs_hint = false} : vector<256x64xbf16>, vector<64x256xbf16>, vector<256x256xf32> -> vector<256x256xf32>
      %exp3A_403 = math.exp %dot_general3A_402 : vector<256x256xf32>
      %jit3A_404 = arith.constant 0.000000e+00 : f32
      %broadcast_in_dim3A_405 = vector.shape_cast %lt3A_225 : vector<1x256xi1> to vector<1x256xi1>
      %broadcast_in_dim3A_406 = vector.broadcast %broadcast_in_dim3A_405 : vector<1x256xi1> to vector<256x256xi1>
      %broadcast_in_dim3A_407 = vector.broadcast %jit3A_404 : f32 to vector<256x256xf32>
      %select_n3A_408 = arith.select %broadcast_in_dim3A_406, %exp3A_403, %broadcast_in_dim3A_407 : vector<256x256xi1>, vector<256x256xf32>
      %get3A_409 = arith.constant 0 : index
      %get3A_410 = arith.constant 3 : index
      %get3A_411 = arith.constant 512 : index
      %get3A_412 = arith.constant 0 : index
      %get3A_413 = vector.load %arg6[%get3A_409, %get3A_410, %get3A_411, %get3A_412] : memref<1x8x2048x64xbf16, #tpu.memory_space<vmem>>, vector<1x1x256x64xbf16>
      %get3A_414 = vector.shape_cast %get3A_413 : vector<1x1x256x64xbf16> to vector<256x64xbf16>
      %get3A_415 = arith.constant 3 : index
      %get3A_416 = arith.constant 0 : index
      %get3A_417 = arith.constant 0 : index
      %get3A_418 = vector.load %arg8[%get3A_415, %get3A_416, %get3A_417] : memref<8x256x64xf32, #tpu.memory_space<vmem>>, vector<1x256x64xf32>
      %get3A_419 = vector.shape_cast %get3A_418 : vector<1x256x64xf32> to vector<256x64xf32>
      %convert_element_type3A_420 = arith.truncf %select_n3A_408 : vector<256x256xf32> to vector<256x256xbf16>
      %dot_general3A_421 = arith.constant dense<0.000000e+00> : vector<256x64xf32>
      %dot_general3A_422 = tpu.matmul %convert_element_type3A_420, %get3A_414, %dot_general3A_421 {dimension_numbers = #tpu.dot_dimension_numbers<[1], [0], [0], [1], [0, 0, 1, 1], [], []>, transpose_lhs_hint = false} : vector<256x256xbf16>, vector<256x64xbf16>, vector<256x64xf32> -> vector<256x64xf32>
      %add3A_423 = arith.addf %get3A_419, %dot_general3A_422 : vector<256x64xf32>
      %swap3A_424 = arith.constant 3 : index
      %swap3A_425 = arith.constant 0 : index
      %swap3A_426 = arith.constant 0 : index
      %swap3A_427 = vector.load %arg8[%swap3A_424, %swap3A_425, %swap3A_426] : memref<8x256x64xf32, #tpu.memory_space<vmem>>, vector<1x256x64xf32>
      %swap3A_428 = vector.shape_cast %swap3A_427 : vector<1x256x64xf32> to vector<256x64xf32>
      %swap3A_429 = vector.shape_cast %add3A_423 : vector<256x64xf32> to vector<1x256x64xf32>
      tpu.vector_store %arg8[%swap3A_424, %swap3A_425, %swap3A_426], %swap3A_429 {strides = array<i32>} : memref<8x256x64xf32, #tpu.memory_space<vmem>>, vector<1x256x64xf32>,
      %get3A_430 = arith.constant 3 : index
      %get3A_431 = arith.constant 0 : index
      %get3A_432 = arith.constant 0 : index
      %get3A_433 = vector.load %arg9[%get3A_430, %get3A_431, %get3A_432] : memref<8x256x128xf32, #tpu.memory_space<vmem>>, vector<1x256x1xf32>
      %get3A_434 = vector.shape_cast %get3A_433 : vector<1x256x1xf32> to vector<256x1xf32>
      %reduce_sum3A_435 = arith.constant dense<0.000000e+00> : vector<256xf32>
      %reduce_sum3A_436 = vector.multi_reduction <add>, %select_n3A_408, %reduce_sum3A_435 [1] : vector<256x256xf32> to vector<256xf32>
      %broadcast_in_dim3A_437 = vector.shape_cast %reduce_sum3A_436 : vector<256xf32> to vector<256x1xf32>
      %add3A_438 = arith.addf %get3A_434, %broadcast_in_dim3A_437 : vector<256x1xf32>
      %swap3A_439 = arith.constant 3 : index
      %swap3A_440 = arith.constant 0 : index
      %swap3A_441 = arith.constant 0 : index
      %swap3A_442 = vector.load %arg9[%swap3A_439, %swap3A_440, %swap3A_441] : memref<8x256x128xf32, #tpu.memory_space<vmem>>, vector<1x256x1xf32>
      %swap3A_443 = vector.shape_cast %swap3A_442 : vector<1x256x1xf32> to vector<256x1xf32>
      %swap3A_444 = vector.shape_cast %add3A_438 : vector<256x1xf32> to vector<1x256x1xf32>
      tpu.vector_store %arg9[%swap3A_439, %swap3A_440, %swap3A_441], %swap3A_444 {strides = array<i32>} : memref<8x256x128xf32, #tpu.memory_space<vmem>>, vector<1x256x1xf32>,
      %get3A_445 = arith.constant 0 : index
      %get3A_446 = arith.constant 4 : index
      %get3A_447 = arith.constant 0 : index
      %get3A_448 = arith.constant 0 : index
      %get3A_449 = vector.load %arg4[%get3A_445, %get3A_446, %get3A_447, %get3A_448] : memref<1x8x256x64xbf16, #tpu.memory_space<vmem>>, vector<1x1x256x64xbf16>
      %get3A_450 = vector.shape_cast %get3A_449 : vector<1x1x256x64xbf16> to vector<256x64xbf16>
      %get3A_451 = arith.constant 0 : index
      %get3A_452 = arith.constant 4 : index
      %get3A_453 = arith.constant 0 : index
      %get3A_454 = arith.constant 512 : index
      %get3A_455 = vector.load %arg5[%get3A_451, %get3A_452, %get3A_453, %get3A_454] : memref<1x8x64x2048xbf16, #tpu.memory_space<vmem>>, vector<1x1x64x256xbf16>
      %get3A_456 = vector.shape_cast %get3A_455 : vector<1x1x64x256xbf16> to vector<64x256xbf16>
      %dot_general3A_457 = arith.constant dense<0.000000e+00> : vector<256x256xf32>
      %dot_general3A_458 = tpu.matmul %get3A_450, %get3A_456, %dot_general3A_457 {dimension_numbers = #tpu.dot_dimension_numbers<[1], [0], [0], [1], [0, 0, 1, 1], [], []>, transpose_lhs_hint = false} : vector<256x64xbf16>, vector<64x256xbf16>, vector<256x256xf32> -> vector<256x256xf32>
      %exp3A_459 = math.exp %dot_general3A_458 : vector<256x256xf32>
      %jit3A_460 = arith.constant 0.000000e+00 : f32
      %broadcast_in_dim3A_461 = vector.shape_cast %lt3A_225 : vector<1x256xi1> to vector<1x256xi1>
      %broadcast_in_dim3A_462 = vector.broadcast %broadcast_in_dim3A_461 : vector<1x256xi1> to vector<256x256xi1>
      %broadcast_in_dim3A_463 = vector.broadcast %jit3A_460 : f32 to vector<256x256xf32>
      %select_n3A_464 = arith.select %broadcast_in_dim3A_462, %exp3A_459, %broadcast_in_dim3A_463 : vector<256x256xi1>, vector<256x256xf32>
      %get3A_465 = arith.constant 0 : index
      %get3A_466 = arith.constant 4 : index
      %get3A_467 = arith.constant 512 : index
      %get3A_468 = arith.constant 0 : index
      %get3A_469 = vector.load %arg6[%get3A_465, %get3A_466, %get3A_467, %get3A_468] : memref<1x8x2048x64xbf16, #tpu.memory_space<vmem>>, vector<1x1x256x64xbf16>
      %get3A_470 = vector.shape_cast %get3A_469 : vector<1x1x256x64xbf16> to vector<256x64xbf16>
      %get3A_471 = arith.constant 4 : index
      %get3A_472 = arith.constant 0 : index
      %get3A_473 = arith.constant 0 : index
      %get3A_474 = vector.load %arg8[%get3A_471, %get3A_472, %get3A_473] : memref<8x256x64xf32, #tpu.memory_space<vmem>>, vector<1x256x64xf32>
      %get3A_475 = vector.shape_cast %get3A_474 : vector<1x256x64xf32> to vector<256x64xf32>
      %convert_element_type3A_476 = arith.truncf %select_n3A_464 : vector<256x256xf32> to vector<256x256xbf16>
      %dot_general3A_477 = arith.constant dense<0.000000e+00> : vector<256x64xf32>
      %dot_general3A_478 = tpu.matmul %convert_element_type3A_476, %get3A_470, %dot_general3A_477 {dimension_numbers = #tpu.dot_dimension_numbers<[1], [0], [0], [1], [0, 0, 1, 1], [], []>, transpose_lhs_hint = false} : vector<256x256xbf16>, vector<256x64xbf16>, vector<256x64xf32> -> vector<256x64xf32>
      %add3A_479 = arith.addf %get3A_475, %dot_general3A_478 : vector<256x64xf32>
      %swap3A_480 = arith.constant 4 : index
      %swap3A_481 = arith.constant 0 : index
      %swap3A_482 = arith.constant 0 : index
      %swap3A_483 = vector.load %arg8[%swap3A_480, %swap3A_481, %swap3A_482] : memref<8x256x64xf32, #tpu.memory_space<vmem>>, vector<1x256x64xf32>
      %swap3A_484 = vector.shape_cast %swap3A_483 : vector<1x256x64xf32> to vector<256x64xf32>
      %swap3A_485 = vector.shape_cast %add3A_479 : vector<256x64xf32> to vector<1x256x64xf32>
      tpu.vector_store %arg8[%swap3A_480, %swap3A_481, %swap3A_482], %swap3A_485 {strides = array<i32>} : memref<8x256x64xf32, #tpu.memory_space<vmem>>, vector<1x256x64xf32>,
      %get3A_486 = arith.constant 4 : index
      %get3A_487 = arith.constant 0 : index
      %get3A_488 = arith.constant 0 : index
      %get3A_489 = vector.load %arg9[%get3A_486, %get3A_487, %get3A_488] : memref<8x256x128xf32, #tpu.memory_space<vmem>>, vector<1x256x1xf32>
      %get3A_490 = vector.shape_cast %get3A_489 : vector<1x256x1xf32> to vector<256x1xf32>
      %reduce_sum3A_491 = arith.constant dense<0.000000e+00> : vector<256xf32>
      %reduce_sum3A_492 = vector.multi_reduction <add>, %select_n3A_464, %reduce_sum3A_491 [1] : vector<256x256xf32> to vector<256xf32>
      %broadcast_in_dim3A_493 = vector.shape_cast %reduce_sum3A_492 : vector<256xf32> to vector<256x1xf32>
      %add3A_494 = arith.addf %get3A_490, %broadcast_in_dim3A_493 : vector<256x1xf32>
      %swap3A_495 = arith.constant 4 : index
      %swap3A_496 = arith.constant 0 : index
      %swap3A_497 = arith.constant 0 : index
      %swap3A_498 = vector.load %arg9[%swap3A_495, %swap3A_496, %swap3A_497] : memref<8x256x128xf32, #tpu.memory_space<vmem>>, vector<1x256x1xf32>
      %swap3A_499 = vector.shape_cast %swap3A_498 : vector<1x256x1xf32> to vector<256x1xf32>
      %swap3A_500 = vector.shape_cast %add3A_494 : vector<256x1xf32> to vector<1x256x1xf32>
      tpu.vector_store %arg9[%swap3A_495, %swap3A_496, %swap3A_497], %swap3A_500 {strides = array<i32>} : memref<8x256x128xf32, #tpu.memory_space<vmem>>, vector<1x256x1xf32>,
      %get3A_501 = arith.constant 0 : index
      %get3A_502 = arith.constant 5 : index
      %get3A_503 = arith.constant 0 : index
      %get3A_504 = arith.constant 0 : index
      %get3A_505 = vector.load %arg4[%get3A_501, %get3A_502, %get3A_503, %get3A_504] : memref<1x8x256x64xbf16, #tpu.memory_space<vmem>>, vector<1x1x256x64xbf16>
      %get3A_506 = vector.shape_cast %get3A_505 : vector<1x1x256x64xbf16> to vector<256x64xbf16>
      %get3A_507 = arith.constant 0 : index
      %get3A_508 = arith.constant 5 : index
      %get3A_509 = arith.constant 0 : index
      %get3A_510 = arith.constant 512 : index
      %get3A_511 = vector.load %arg5[%get3A_507, %get3A_508, %get3A_509, %get3A_510] : memref<1x8x64x2048xbf16, #tpu.memory_space<vmem>>, vector<1x1x64x256xbf16>
      %get3A_512 = vector.shape_cast %get3A_511 : vector<1x1x64x256xbf16> to vector<64x256xbf16>
      %dot_general3A_513 = arith.constant dense<0.000000e+00> : vector<256x256xf32>
      %dot_general3A_514 = tpu.matmul %get3A_506, %get3A_512, %dot_general3A_513 {dimension_numbers = #tpu.dot_dimension_numbers<[1], [0], [0], [1], [0, 0, 1, 1], [], []>, transpose_lhs_hint = false} : vector<256x64xbf16>, vector<64x256xbf16>, vector<256x256xf32> -> vector<256x256xf32>
      %exp3A_515 = math.exp %dot_general3A_514 : vector<256x256xf32>
      %jit3A_516 = arith.constant 0.000000e+00 : f32
      %broadcast_in_dim3A_517 = vector.shape_cast %lt3A_225 : vector<1x256xi1> to vector<1x256xi1>
      %broadcast_in_dim3A_518 = vector.broadcast %broadcast_in_dim3A_517 : vector<1x256xi1> to vector<256x256xi1>
      %broadcast_in_dim3A_519 = vector.broadcast %jit3A_516 : f32 to vector<256x256xf32>
      %select_n3A_520 = arith.select %broadcast_in_dim3A_518, %exp3A_515, %broadcast_in_dim3A_519 : vector<256x256xi1>, vector<256x256xf32>
      %get3A_521 = arith.constant 0 : index
      %get3A_522 = arith.constant 5 : index
      %get3A_523 = arith.constant 512 : index
      %get3A_524 = arith.constant 0 : index
      %get3A_525 = vector.load %arg6[%get3A_521, %get3A_522, %get3A_523, %get3A_524] : memref<1x8x2048x64xbf16, #tpu.memory_space<vmem>>, vector<1x1x256x64xbf16>
      %get3A_526 = vector.shape_cast %get3A_525 : vector<1x1x256x64xbf16> to vector<256x64xbf16>
      %get3A_527 = arith.constant 5 : index
      %get3A_528 = arith.constant 0 : index
      %get3A_529 = arith.constant 0 : index
      %get3A_530 = vector.load %arg8[%get3A_527, %get3A_528, %get3A_529] : memref<8x256x64xf32, #tpu.memory_space<vmem>>, vector<1x256x64xf32>
      %get3A_531 = vector.shape_cast %get3A_530 : vector<1x256x64xf32> to vector<256x64xf32>
      %convert_element_type3A_532 = arith.truncf %select_n3A_520 : vector<256x256xf32> to vector<256x256xbf16>
      %dot_general3A_533 = arith.constant dense<0.000000e+00> : vector<256x64xf32>
      %dot_general3A_534 = tpu.matmul %convert_element_type3A_532, %get3A_526, %dot_general3A_533 {dimension_numbers = #tpu.dot_dimension_numbers<[1], [0], [0], [1], [0, 0, 1, 1], [], []>, transpose_lhs_hint = false} : vector<256x256xbf16>, vector<256x64xbf16>, vector<256x64xf32> -> vector<256x64xf32>
      %add3A_535 = arith.addf %get3A_531, %dot_general3A_534 : vector<256x64xf32>
      %swap3A_536 = arith.constant 5 : index
      %swap3A_537 = arith.constant 0 : index
      %swap3A_538 = arith.constant 0 : index
      %swap3A_539 = vector.load %arg8[%swap3A_536, %swap3A_537, %swap3A_538] : memref<8x256x64xf32, #tpu.memory_space<vmem>>, vector<1x256x64xf32>
      %swap3A_540 = vector.shape_cast %swap3A_539 : vector<1x256x64xf32> to vector<256x64xf32>
      %swap3A_541 = vector.shape_cast %add3A_535 : vector<256x64xf32> to vector<1x256x64xf32>
      tpu.vector_store %arg8[%swap3A_536, %swap3A_537, %swap3A_538], %swap3A_541 {strides = array<i32>} : memref<8x256x64xf32, #tpu.memory_space<vmem>>, vector<1x256x64xf32>,
      %get3A_542 = arith.constant 5 : index
      %get3A_543 = arith.constant 0 : index
      %get3A_544 = arith.constant 0 : index
      %get3A_545 = vector.load %arg9[%get3A_542, %get3A_543, %get3A_544] : memref<8x256x128xf32, #tpu.memory_space<vmem>>, vector<1x256x1xf32>
      %get3A_546 = vector.shape_cast %get3A_545 : vector<1x256x1xf32> to vector<256x1xf32>
      %reduce_sum3A_547 = arith.constant dense<0.000000e+00> : vector<256xf32>
      %reduce_sum3A_548 = vector.multi_reduction <add>, %select_n3A_520, %reduce_sum3A_547 [1] : vector<256x256xf32> to vector<256xf32>
      %broadcast_in_dim3A_549 = vector.shape_cast %reduce_sum3A_548 : vector<256xf32> to vector<256x1xf32>
      %add3A_550 = arith.addf %get3A_546, %broadcast_in_dim3A_549 : vector<256x1xf32>
      %swap3A_551 = arith.constant 5 : index
      %swap3A_552 = arith.constant 0 : index
      %swap3A_553 = arith.constant 0 : index
      %swap3A_554 = vector.load %arg9[%swap3A_551, %swap3A_552, %swap3A_553] : memref<8x256x128xf32, #tpu.memory_space<vmem>>, vector<1x256x1xf32>
      %swap3A_555 = vector.shape_cast %swap3A_554 : vector<1x256x1xf32> to vector<256x1xf32>
      %swap3A_556 = vector.shape_cast %add3A_550 : vector<256x1xf32> to vector<1x256x1xf32>
      tpu.vector_store %arg9[%swap3A_551, %swap3A_552, %swap3A_553], %swap3A_556 {strides = array<i32>} : memref<8x256x128xf32, #tpu.memory_space<vmem>>, vector<1x256x1xf32>,
      %get3A_557 = arith.constant 0 : index
      %get3A_558 = arith.constant 6 : index
      %get3A_559 = arith.constant 0 : index
      %get3A_560 = arith.constant 0 : index
      %get3A_561 = vector.load %arg4[%get3A_557, %get3A_558, %get3A_559, %get3A_560] : memref<1x8x256x64xbf16, #tpu.memory_space<vmem>>, vector<1x1x256x64xbf16>
      %get3A_562 = vector.shape_cast %get3A_561 : vector<1x1x256x64xbf16> to vector<256x64xbf16>
      %get3A_563 = arith.constant 0 : index
      %get3A_564 = arith.constant 6 : index
      %get3A_565 = arith.constant 0 : index
      %get3A_566 = arith.constant 512 : index
      %get3A_567 = vector.load %arg5[%get3A_563, %get3A_564, %get3A_565, %get3A_566] : memref<1x8x64x2048xbf16, #tpu.memory_space<vmem>>, vector<1x1x64x256xbf16>
      %get3A_568 = vector.shape_cast %get3A_567 : vector<1x1x64x256xbf16> to vector<64x256xbf16>
      %dot_general3A_569 = arith.constant dense<0.000000e+00> : vector<256x256xf32>
      %dot_general3A_570 = tpu.matmul %get3A_562, %get3A_568, %dot_general3A_569 {dimension_numbers = #tpu.dot_dimension_numbers<[1], [0], [0], [1], [0, 0, 1, 1], [], []>, transpose_lhs_hint = false} : vector<256x64xbf16>, vector<64x256xbf16>, vector<256x256xf32> -> vector<256x256xf32>
      %exp3A_571 = math.exp %dot_general3A_570 : vector<256x256xf32>
      %jit3A_572 = arith.constant 0.000000e+00 : f32
      %broadcast_in_dim3A_573 = vector.shape_cast %lt3A_225 : vector<1x256xi1> to vector<1x256xi1>
      %broadcast_in_dim3A_574 = vector.broadcast %broadcast_in_dim3A_573 : vector<1x256xi1> to vector<256x256xi1>
      %broadcast_in_dim3A_575 = vector.broadcast %jit3A_572 : f32 to vector<256x256xf32>
      %select_n3A_576 = arith.select %broadcast_in_dim3A_574, %exp3A_571, %broadcast_in_dim3A_575 : vector<256x256xi1>, vector<256x256xf32>
      %get3A_577 = arith.constant 0 : index
      %get3A_578 = arith.constant 6 : index
      %get3A_579 = arith.constant 512 : index
      %get3A_580 = arith.constant 0 : index
      %get3A_581 = vector.load %arg6[%get3A_577, %get3A_578, %get3A_579, %get3A_580] : memref<1x8x2048x64xbf16, #tpu.memory_space<vmem>>, vector<1x1x256x64xbf16>
      %get3A_582 = vector.shape_cast %get3A_581 : vector<1x1x256x64xbf16> to vector<256x64xbf16>
      %get3A_583 = arith.constant 6 : index
      %get3A_584 = arith.constant 0 : index
      %get3A_585 = arith.constant 0 : index
      %get3A_586 = vector.load %arg8[%get3A_583, %get3A_584, %get3A_585] : memref<8x256x64xf32, #tpu.memory_space<vmem>>, vector<1x256x64xf32>
      %get3A_587 = vector.shape_cast %get3A_586 : vector<1x256x64xf32> to vector<256x64xf32>
      %convert_element_type3A_588 = arith.truncf %select_n3A_576 : vector<256x256xf32> to vector<256x256xbf16>
      %dot_general3A_589 = arith.constant dense<0.000000e+00> : vector<256x64xf32>
      %dot_general3A_590 = tpu.matmul %convert_element_type3A_588, %get3A_582, %dot_general3A_589 {dimension_numbers = #tpu.dot_dimension_numbers<[1], [0], [0], [1], [0, 0, 1, 1], [], []>, transpose_lhs_hint = false} : vector<256x256xbf16>, vector<256x64xbf16>, vector<256x64xf32> -> vector<256x64xf32>
      %add3A_591 = arith.addf %get3A_587, %dot_general3A_590 : vector<256x64xf32>
      %swap3A_592 = arith.constant 6 : index
      %swap3A_593 = arith.constant 0 : index
      %swap3A_594 = arith.constant 0 : index
      %swap3A_595 = vector.load %arg8[%swap3A_592, %swap3A_593, %swap3A_594] : memref<8x256x64xf32, #tpu.memory_space<vmem>>, vector<1x256x64xf32>
      %swap3A_596 = vector.shape_cast %swap3A_595 : vector<1x256x64xf32> to vector<256x64xf32>
      %swap3A_597 = vector.shape_cast %add3A_591 : vector<256x64xf32> to vector<1x256x64xf32>
      tpu.vector_store %arg8[%swap3A_592, %swap3A_593, %swap3A_594], %swap3A_597 {strides = array<i32>} : memref<8x256x64xf32, #tpu.memory_space<vmem>>, vector<1x256x64xf32>,
      %get3A_598 = arith.constant 6 : index
      %get3A_599 = arith.constant 0 : index
      %get3A_600 = arith.constant 0 : index
      %get3A_601 = vector.load %arg9[%get3A_598, %get3A_599, %get3A_600] : memref<8x256x128xf32, #tpu.memory_space<vmem>>, vector<1x256x1xf32>
      %get3A_602 = vector.shape_cast %get3A_601 : vector<1x256x1xf32> to vector<256x1xf32>
      %reduce_sum3A_603 = arith.constant dense<0.000000e+00> : vector<256xf32>
      %reduce_sum3A_604 = vector.multi_reduction <add>, %select_n3A_576, %reduce_sum3A_603 [1] : vector<256x256xf32> to vector<256xf32>
      %broadcast_in_dim3A_605 = vector.shape_cast %reduce_sum3A_604 : vector<256xf32> to vector<256x1xf32>
      %add3A_606 = arith.addf %get3A_602, %broadcast_in_dim3A_605 : vector<256x1xf32>
      %swap3A_607 = arith.constant 6 : index
      %swap3A_608 = arith.constant 0 : index
      %swap3A_609 = arith.constant 0 : index
      %swap3A_610 = vector.load %arg9[%swap3A_607, %swap3A_608, %swap3A_609] : memref<8x256x128xf32, #tpu.memory_space<vmem>>, vector<1x256x1xf32>
      %swap3A_611 = vector.shape_cast %swap3A_610 : vector<1x256x1xf32> to vector<256x1xf32>
      %swap3A_612 = vector.shape_cast %add3A_606 : vector<256x1xf32> to vector<1x256x1xf32>
      tpu.vector_store %arg9[%swap3A_607, %swap3A_608, %swap3A_609], %swap3A_612 {strides = array<i32>} : memref<8x256x128xf32, #tpu.memory_space<vmem>>, vector<1x256x1xf32>,
      %get3A_613 = arith.constant 0 : index
      %get3A_614 = arith.constant 7 : index
      %get3A_615 = arith.constant 0 : index
      %get3A_616 = arith.constant 0 : index
      %get3A_617 = vector.load %arg4[%get3A_613, %get3A_614, %get3A_615, %get3A_616] : memref<1x8x256x64xbf16, #tpu.memory_space<vmem>>, vector<1x1x256x64xbf16>
      %get3A_618 = vector.shape_cast %get3A_617 : vector<1x1x256x64xbf16> to vector<256x64xbf16>
      %get3A_619 = arith.constant 0 : index
      %get3A_620 = arith.constant 7 : index
      %get3A_621 = arith.constant 0 : index
      %get3A_622 = arith.constant 512 : index
      %get3A_623 = vector.load %arg5[%get3A_619, %get3A_620, %get3A_621, %get3A_622] : memref<1x8x64x2048xbf16, #tpu.memory_space<vmem>>, vector<1x1x64x256xbf16>
      %get3A_624 = vector.shape_cast %get3A_623 : vector<1x1x64x256xbf16> to vector<64x256xbf16>
      %dot_general3A_625 = arith.constant dense<0.000000e+00> : vector<256x256xf32>
      %dot_general3A_626 = tpu.matmul %get3A_618, %get3A_624, %dot_general3A_625 {dimension_numbers = #tpu.dot_dimension_numbers<[1], [0], [0], [1], [0, 0, 1, 1], [], []>, transpose_lhs_hint = false} : vector<256x64xbf16>, vector<64x256xbf16>, vector<256x256xf32> -> vector<256x256xf32>
      %exp3A_627 = math.exp %dot_general3A_626 : vector<256x256xf32>
      %jit3A_628 = arith.constant 0.000000e+00 : f32
      %broadcast_in_dim3A_629 = vector.shape_cast %lt3A_225 : vector<1x256xi1> to vector<1x256xi1>
      %broadcast_in_dim3A_630 = vector.broadcast %broadcast_in_dim3A_629 : vector<1x256xi1> to vector<256x256xi1>
      %broadcast_in_dim3A_631 = vector.broadcast %jit3A_628 : f32 to vector<256x256xf32>
      %select_n3A_632 = arith.select %broadcast_in_dim3A_630, %exp3A_627, %broadcast_in_dim3A_631 : vector<256x256xi1>, vector<256x256xf32>
      %get3A_633 = arith.constant 0 : index
      %get3A_634 = arith.constant 7 : index
      %get3A_635 = arith.constant 512 : index
      %get3A_636 = arith.constant 0 : index
      %get3A_637 = vector.load %arg6[%get3A_633, %get3A_634, %get3A_635, %get3A_636] : memref<1x8x2048x64xbf16, #tpu.memory_space<vmem>>, vector<1x1x256x64xbf16>
      %get3A_638 = vector.shape_cast %get3A_637 : vector<1x1x256x64xbf16> to vector<256x64xbf16>
      %get3A_639 = arith.constant 7 : index
      %get3A_640 = arith.constant 0 : index
      %get3A_641 = arith.constant 0 : index
      %get3A_642 = vector.load %arg8[%get3A_639, %get3A_640, %get3A_641] : memref<8x256x64xf32, #tpu.memory_space<vmem>>, vector<1x256x64xf32>
      %get3A_643 = vector.shape_cast %get3A_642 : vector<1x256x64xf32> to vector<256x64xf32>
      %convert_element_type3A_644 = arith.truncf %select_n3A_632 : vector<256x256xf32> to vector<256x256xbf16>
      %dot_general3A_645 = arith.constant dense<0.000000e+00> : vector<256x64xf32>
      %dot_general3A_646 = tpu.matmul %convert_element_type3A_644, %get3A_638, %dot_general3A_645 {dimension_numbers = #tpu.dot_dimension_numbers<[1], [0], [0], [1], [0, 0, 1, 1], [], []>, transpose_lhs_hint = false} : vector<256x256xbf16>, vector<256x64xbf16>, vector<256x64xf32> -> vector<256x64xf32>
      %add3A_647 = arith.addf %get3A_643, %dot_general3A_646 : vector<256x64xf32>
      %swap3A_648 = arith.constant 7 : index
      %swap3A_649 = arith.constant 0 : index
      %swap3A_650 = arith.constant 0 : index
      %swap3A_651 = vector.load %arg8[%swap3A_648, %swap3A_649, %swap3A_650] : memref<8x256x64xf32, #tpu.memory_space<vmem>>, vector<1x256x64xf32>
      %swap3A_652 = vector.shape_cast %swap3A_651 : vector<1x256x64xf32> to vector<256x64xf32>
      %swap3A_653 = vector.shape_cast %add3A_647 : vector<256x64xf32> to vector<1x256x64xf32>
      tpu.vector_store %arg8[%swap3A_648, %swap3A_649, %swap3A_650], %swap3A_653 {strides = array<i32>} : memref<8x256x64xf32, #tpu.memory_space<vmem>>, vector<1x256x64xf32>,
      %get3A_654 = arith.constant 7 : index
      %get3A_655 = arith.constant 0 : index
      %get3A_656 = arith.constant 0 : index
      %get3A_657 = vector.load %arg9[%get3A_654, %get3A_655, %get3A_656] : memref<8x256x128xf32, #tpu.memory_space<vmem>>, vector<1x256x1xf32>
      %get3A_658 = vector.shape_cast %get3A_657 : vector<1x256x1xf32> to vector<256x1xf32>
      %reduce_sum3A_659 = arith.constant dense<0.000000e+00> : vector<256xf32>
      %reduce_sum3A_660 = vector.multi_reduction <add>, %select_n3A_632, %reduce_sum3A_659 [1] : vector<256x256xf32> to vector<256xf32>
      %broadcast_in_dim3A_661 = vector.shape_cast %reduce_sum3A_660 : vector<256xf32> to vector<256x1xf32>
      %add3A_662 = arith.addf %get3A_658, %broadcast_in_dim3A_661 : vector<256x1xf32>
      %swap3A_663 = arith.constant 7 : index
      %swap3A_664 = arith.constant 0 : index
      %swap3A_665 = arith.constant 0 : index
      %swap3A_666 = vector.load %arg9[%swap3A_663, %swap3A_664, %swap3A_665] : memref<8x256x128xf32, #tpu.memory_space<vmem>>, vector<1x256x1xf32>
      %swap3A_667 = vector.shape_cast %swap3A_666 : vector<1x256x1xf32> to vector<256x1xf32>
      %swap3A_668 = vector.shape_cast %add3A_662 : vector<256x1xf32> to vector<1x256x1xf32>
      tpu.vector_store %arg9[%swap3A_663, %swap3A_664, %swap3A_665], %swap3A_668 {strides = array<i32>} : memref<8x256x128xf32, #tpu.memory_space<vmem>>, vector<1x256x1xf32>,
    } else {
    }
    %gt3A_24 = arith.constant 768 : i32
    %gt3A_25 = arith.cmpi sgt, %get3A_1, %gt3A_24 : i32
    %convert_element_type3A_26 = arith.extui %gt3A_25 : i1 to i32
    %cond3A_27 = arith.constant 0 : i32
    %cond3A_28 = arith.cmpi ne, %convert_element_type3A_26, %cond3A_27 : i32
    scf.if %cond3A_28 {
      %iota3A = tpu.iota {dimensions = array<i32: 1>} : vector<1x256xi32>
      %add3A = arith.constant 768 : i32
      %add3A_223 = vector.broadcast %add3A : i32 to vector<1x256xi32>
      %add3A_224 = arith.addi %add3A_223, %iota3A : vector<1x256xi32>
      %lt3A = vector.broadcast %get3A_1 : i32 to vector<1x256xi32>
      %lt3A_225 = arith.cmpi slt, %add3A_224, %lt3A : vector<1x256xi32>
      %get3A_226 = arith.constant 0 : index
      %get3A_227 = arith.constant 0 : index
      %get3A_228 = arith.constant 0 : index
      %get3A_229 = arith.constant 0 : index
      %get3A_230 = vector.load %arg4[%get3A_226, %get3A_227, %get3A_228, %get3A_229] : memref<1x8x256x64xbf16, #tpu.memory_space<vmem>>, vector<1x1x256x64xbf16>
      %get3A_231 = vector.shape_cast %get3A_230 : vector<1x1x256x64xbf16> to vector<256x64xbf16>
      %get3A_232 = arith.constant 0 : index
      %get3A_233 = arith.constant 0 : index
      %get3A_234 = arith.constant 0 : index
      %get3A_235 = arith.constant 768 : index
      %get3A_236 = vector.load %arg5[%get3A_232, %get3A_233, %get3A_234, %get3A_235] : memref<1x8x64x2048xbf16, #tpu.memory_space<vmem>>, vector<1x1x64x256xbf16>
      %get3A_237 = vector.shape_cast %get3A_236 : vector<1x1x64x256xbf16> to vector<64x256xbf16>
      %dot_general3A = arith.constant dense<0.000000e+00> : vector<256x256xf32>
      %dot_general3A_238 = tpu.matmul %get3A_231, %get3A_237, %dot_general3A {dimension_numbers = #tpu.dot_dimension_numbers<[1], [0], [0], [1], [0, 0, 1, 1], [], []>, transpose_lhs_hint = false} : vector<256x64xbf16>, vector<64x256xbf16>, vector<256x256xf32> -> vector<256x256xf32>
      %exp3A = math.exp %dot_general3A_238 : vector<256x256xf32>
      %jit3A = arith.constant 0.000000e+00 : f32
      %broadcast_in_dim3A_239 = vector.shape_cast %lt3A_225 : vector<1x256xi1> to vector<1x256xi1>
      %broadcast_in_dim3A_240 = vector.broadcast %broadcast_in_dim3A_239 : vector<1x256xi1> to vector<256x256xi1>
      %broadcast_in_dim3A_241 = vector.broadcast %jit3A : f32 to vector<256x256xf32>
      %select_n3A = arith.select %broadcast_in_dim3A_240, %exp3A, %broadcast_in_dim3A_241 : vector<256x256xi1>, vector<256x256xf32>
      %get3A_242 = arith.constant 0 : index
      %get3A_243 = arith.constant 0 : index
      %get3A_244 = arith.constant 768 : index
      %get3A_245 = arith.constant 0 : index
      %get3A_246 = vector.load %arg6[%get3A_242, %get3A_243, %get3A_244, %get3A_245] : memref<1x8x2048x64xbf16, #tpu.memory_space<vmem>>, vector<1x1x256x64xbf16>
      %get3A_247 = vector.shape_cast %get3A_246 : vector<1x1x256x64xbf16> to vector<256x64xbf16>
      %get3A_248 = arith.constant 0 : index
      %get3A_249 = arith.constant 0 : index
      %get3A_250 = arith.constant 0 : index
      %get3A_251 = vector.load %arg8[%get3A_248, %get3A_249, %get3A_250] : memref<8x256x64xf32, #tpu.memory_space<vmem>>, vector<1x256x64xf32>
      %get3A_252 = vector.shape_cast %get3A_251 : vector<1x256x64xf32> to vector<256x64xf32>
      %convert_element_type3A_253 = arith.truncf %select_n3A : vector<256x256xf32> to vector<256x256xbf16>
      %dot_general3A_254 = arith.constant dense<0.000000e+00> : vector<256x64xf32>
      %dot_general3A_255 = tpu.matmul %convert_element_type3A_253, %get3A_247, %dot_general3A_254 {dimension_numbers = #tpu.dot_dimension_numbers<[1], [0], [0], [1], [0, 0, 1, 1], [], []>, transpose_lhs_hint = false} : vector<256x256xbf16>, vector<256x64xbf16>, vector<256x64xf32> -> vector<256x64xf32>
      %add3A_256 = arith.addf %get3A_252, %dot_general3A_255 : vector<256x64xf32>
      %swap3A_257 = arith.constant 0 : index
      %swap3A_258 = arith.constant 0 : index
      %swap3A_259 = arith.constant 0 : index
      %swap3A_260 = vector.load %arg8[%swap3A_257, %swap3A_258, %swap3A_259] : memref<8x256x64xf32, #tpu.memory_space<vmem>>, vector<1x256x64xf32>
      %swap3A_261 = vector.shape_cast %swap3A_260 : vector<1x256x64xf32> to vector<256x64xf32>
      %swap3A_262 = vector.shape_cast %add3A_256 : vector<256x64xf32> to vector<1x256x64xf32>
      tpu.vector_store %arg8[%swap3A_257, %swap3A_258, %swap3A_259], %swap3A_262 {strides = array<i32>} : memref<8x256x64xf32, #tpu.memory_space<vmem>>, vector<1x256x64xf32>,
      %get3A_263 = arith.constant 0 : index
      %get3A_264 = arith.constant 0 : index
      %get3A_265 = arith.constant 0 : index
      %get3A_266 = vector.load %arg9[%get3A_263, %get3A_264, %get3A_265] : memref<8x256x128xf32, #tpu.memory_space<vmem>>, vector<1x256x1xf32>
      %get3A_267 = vector.shape_cast %get3A_266 : vector<1x256x1xf32> to vector<256x1xf32>
      %reduce_sum3A = arith.constant dense<0.000000e+00> : vector<256xf32>
      %reduce_sum3A_268 = vector.multi_reduction <add>, %select_n3A, %reduce_sum3A [1] : vector<256x256xf32> to vector<256xf32>
      %broadcast_in_dim3A_269 = vector.shape_cast %reduce_sum3A_268 : vector<256xf32> to vector<256x1xf32>
      %add3A_270 = arith.addf %get3A_267, %broadcast_in_dim3A_269 : vector<256x1xf32>
      %swap3A_271 = arith.constant 0 : index
      %swap3A_272 = arith.constant 0 : index
      %swap3A_273 = arith.constant 0 : index
      %swap3A_274 = vector.load %arg9[%swap3A_271, %swap3A_272, %swap3A_273] : memref<8x256x128xf32, #tpu.memory_space<vmem>>, vector<1x256x1xf32>
      %swap3A_275 = vector.shape_cast %swap3A_274 : vector<1x256x1xf32> to vector<256x1xf32>
      %swap3A_276 = vector.shape_cast %add3A_270 : vector<256x1xf32> to vector<1x256x1xf32>
      tpu.vector_store %arg9[%swap3A_271, %swap3A_272, %swap3A_273], %swap3A_276 {strides = array<i32>} : memref<8x256x128xf32, #tpu.memory_space<vmem>>, vector<1x256x1xf32>,
      %get3A_277 = arith.constant 0 : index
      %get3A_278 = arith.constant 1 : index
      %get3A_279 = arith.constant 0 : index
      %get3A_280 = arith.constant 0 : index
      %get3A_281 = vector.load %arg4[%get3A_277, %get3A_278, %get3A_279, %get3A_280] : memref<1x8x256x64xbf16, #tpu.memory_space<vmem>>, vector<1x1x256x64xbf16>
      %get3A_282 = vector.shape_cast %get3A_281 : vector<1x1x256x64xbf16> to vector<256x64xbf16>
      %get3A_283 = arith.constant 0 : index
      %get3A_284 = arith.constant 1 : index
      %get3A_285 = arith.constant 0 : index
      %get3A_286 = arith.constant 768 : index
      %get3A_287 = vector.load %arg5[%get3A_283, %get3A_284, %get3A_285, %get3A_286] : memref<1x8x64x2048xbf16, #tpu.memory_space<vmem>>, vector<1x1x64x256xbf16>
      %get3A_288 = vector.shape_cast %get3A_287 : vector<1x1x64x256xbf16> to vector<64x256xbf16>
      %dot_general3A_289 = arith.constant dense<0.000000e+00> : vector<256x256xf32>
      %dot_general3A_290 = tpu.matmul %get3A_282, %get3A_288, %dot_general3A_289 {dimension_numbers = #tpu.dot_dimension_numbers<[1], [0], [0], [1], [0, 0, 1, 1], [], []>, transpose_lhs_hint = false} : vector<256x64xbf16>, vector<64x256xbf16>, vector<256x256xf32> -> vector<256x256xf32>
      %exp3A_291 = math.exp %dot_general3A_290 : vector<256x256xf32>
      %jit3A_292 = arith.constant 0.000000e+00 : f32
      %broadcast_in_dim3A_293 = vector.shape_cast %lt3A_225 : vector<1x256xi1> to vector<1x256xi1>
      %broadcast_in_dim3A_294 = vector.broadcast %broadcast_in_dim3A_293 : vector<1x256xi1> to vector<256x256xi1>
      %broadcast_in_dim3A_295 = vector.broadcast %jit3A_292 : f32 to vector<256x256xf32>
      %select_n3A_296 = arith.select %broadcast_in_dim3A_294, %exp3A_291, %broadcast_in_dim3A_295 : vector<256x256xi1>, vector<256x256xf32>
      %get3A_297 = arith.constant 0 : index
      %get3A_298 = arith.constant 1 : index
      %get3A_299 = arith.constant 768 : index
      %get3A_300 = arith.constant 0 : index
      %get3A_301 = vector.load %arg6[%get3A_297, %get3A_298, %get3A_299, %get3A_300] : memref<1x8x2048x64xbf16, #tpu.memory_space<vmem>>, vector<1x1x256x64xbf16>
      %get3A_302 = vector.shape_cast %get3A_301 : vector<1x1x256x64xbf16> to vector<256x64xbf16>
      %get3A_303 = arith.constant 1 : index
      %get3A_304 = arith.constant 0 : index
      %get3A_305 = arith.constant 0 : index
      %get3A_306 = vector.load %arg8[%get3A_303, %get3A_304, %get3A_305] : memref<8x256x64xf32, #tpu.memory_space<vmem>>, vector<1x256x64xf32>
      %get3A_307 = vector.shape_cast %get3A_306 : vector<1x256x64xf32> to vector<256x64xf32>
      %convert_element_type3A_308 = arith.truncf %select_n3A_296 : vector<256x256xf32> to vector<256x256xbf16>
      %dot_general3A_309 = arith.constant dense<0.000000e+00> : vector<256x64xf32>
      %dot_general3A_310 = tpu.matmul %convert_element_type3A_308, %get3A_302, %dot_general3A_309 {dimension_numbers = #tpu.dot_dimension_numbers<[1], [0], [0], [1], [0, 0, 1, 1], [], []>, transpose_lhs_hint = false} : vector<256x256xbf16>, vector<256x64xbf16>, vector<256x64xf32> -> vector<256x64xf32>
      %add3A_311 = arith.addf %get3A_307, %dot_general3A_310 : vector<256x64xf32>
      %swap3A_312 = arith.constant 1 : index
      %swap3A_313 = arith.constant 0 : index
      %swap3A_314 = arith.constant 0 : index
      %swap3A_315 = vector.load %arg8[%swap3A_312, %swap3A_313, %swap3A_314] : memref<8x256x64xf32, #tpu.memory_space<vmem>>, vector<1x256x64xf32>
      %swap3A_316 = vector.shape_cast %swap3A_315 : vector<1x256x64xf32> to vector<256x64xf32>
      %swap3A_317 = vector.shape_cast %add3A_311 : vector<256x64xf32> to vector<1x256x64xf32>
      tpu.vector_store %arg8[%swap3A_312, %swap3A_313, %swap3A_314], %swap3A_317 {strides = array<i32>} : memref<8x256x64xf32, #tpu.memory_space<vmem>>, vector<1x256x64xf32>,
      %get3A_318 = arith.constant 1 : index
      %get3A_319 = arith.constant 0 : index
      %get3A_320 = arith.constant 0 : index
      %get3A_321 = vector.load %arg9[%get3A_318, %get3A_319, %get3A_320] : memref<8x256x128xf32, #tpu.memory_space<vmem>>, vector<1x256x1xf32>
      %get3A_322 = vector.shape_cast %get3A_321 : vector<1x256x1xf32> to vector<256x1xf32>
      %reduce_sum3A_323 = arith.constant dense<0.000000e+00> : vector<256xf32>
      %reduce_sum3A_324 = vector.multi_reduction <add>, %select_n3A_296, %reduce_sum3A_323 [1] : vector<256x256xf32> to vector<256xf32>
      %broadcast_in_dim3A_325 = vector.shape_cast %reduce_sum3A_324 : vector<256xf32> to vector<256x1xf32>
      %add3A_326 = arith.addf %get3A_322, %broadcast_in_dim3A_325 : vector<256x1xf32>
      %swap3A_327 = arith.constant 1 : index
      %swap3A_328 = arith.constant 0 : index
      %swap3A_329 = arith.constant 0 : index
      %swap3A_330 = vector.load %arg9[%swap3A_327, %swap3A_328, %swap3A_329] : memref<8x256x128xf32, #tpu.memory_space<vmem>>, vector<1x256x1xf32>
      %swap3A_331 = vector.shape_cast %swap3A_330 : vector<1x256x1xf32> to vector<256x1xf32>
      %swap3A_332 = vector.shape_cast %add3A_326 : vector<256x1xf32> to vector<1x256x1xf32>
      tpu.vector_store %arg9[%swap3A_327, %swap3A_328, %swap3A_329], %swap3A_332 {strides = array<i32>} : memref<8x256x128xf32, #tpu.memory_space<vmem>>, vector<1x256x1xf32>,
      %get3A_333 = arith.constant 0 : index
      %get3A_334 = arith.constant 2 : index
      %get3A_335 = arith.constant 0 : index
      %get3A_336 = arith.constant 0 : index
      %get3A_337 = vector.load %arg4[%get3A_333, %get3A_334, %get3A_335, %get3A_336] : memref<1x8x256x64xbf16, #tpu.memory_space<vmem>>, vector<1x1x256x64xbf16>
      %get3A_338 = vector.shape_cast %get3A_337 : vector<1x1x256x64xbf16> to vector<256x64xbf16>
      %get3A_339 = arith.constant 0 : index
      %get3A_340 = arith.constant 2 : index
      %get3A_341 = arith.constant 0 : index
      %get3A_342 = arith.constant 768 : index
      %get3A_343 = vector.load %arg5[%get3A_339, %get3A_340, %get3A_341, %get3A_342] : memref<1x8x64x2048xbf16, #tpu.memory_space<vmem>>, vector<1x1x64x256xbf16>
      %get3A_344 = vector.shape_cast %get3A_343 : vector<1x1x64x256xbf16> to vector<64x256xbf16>
      %dot_general3A_345 = arith.constant dense<0.000000e+00> : vector<256x256xf32>
      %dot_general3A_346 = tpu.matmul %get3A_338, %get3A_344, %dot_general3A_345 {dimension_numbers = #tpu.dot_dimension_numbers<[1], [0], [0], [1], [0, 0, 1, 1], [], []>, transpose_lhs_hint = false} : vector<256x64xbf16>, vector<64x256xbf16>, vector<256x256xf32> -> vector<256x256xf32>
      %exp3A_347 = math.exp %dot_general3A_346 : vector<256x256xf32>
      %jit3A_348 = arith.constant 0.000000e+00 : f32
      %broadcast_in_dim3A_349 = vector.shape_cast %lt3A_225 : vector<1x256xi1> to vector<1x256xi1>
      %broadcast_in_dim3A_350 = vector.broadcast %broadcast_in_dim3A_349 : vector<1x256xi1> to vector<256x256xi1>
      %broadcast_in_dim3A_351 = vector.broadcast %jit3A_348 : f32 to vector<256x256xf32>
      %select_n3A_352 = arith.select %broadcast_in_dim3A_350, %exp3A_347, %broadcast_in_dim3A_351 : vector<256x256xi1>, vector<256x256xf32>
      %get3A_353 = arith.constant 0 : index
      %get3A_354 = arith.constant 2 : index
      %get3A_355 = arith.constant 768 : index
      %get3A_356 = arith.constant 0 : index
      %get3A_357 = vector.load %arg6[%get3A_353, %get3A_354, %get3A_355, %get3A_356] : memref<1x8x2048x64xbf16, #tpu.memory_space<vmem>>, vector<1x1x256x64xbf16>
      %get3A_358 = vector.shape_cast %get3A_357 : vector<1x1x256x64xbf16> to vector<256x64xbf16>
      %get3A_359 = arith.constant 2 : index
      %get3A_360 = arith.constant 0 : index
      %get3A_361 = arith.constant 0 : index
      %get3A_362 = vector.load %arg8[%get3A_359, %get3A_360, %get3A_361] : memref<8x256x64xf32, #tpu.memory_space<vmem>>, vector<1x256x64xf32>
      %get3A_363 = vector.shape_cast %get3A_362 : vector<1x256x64xf32> to vector<256x64xf32>
      %convert_element_type3A_364 = arith.truncf %select_n3A_352 : vector<256x256xf32> to vector<256x256xbf16>
      %dot_general3A_365 = arith.constant dense<0.000000e+00> : vector<256x64xf32>
      %dot_general3A_366 = tpu.matmul %convert_element_type3A_364, %get3A_358, %dot_general3A_365 {dimension_numbers = #tpu.dot_dimension_numbers<[1], [0], [0], [1], [0, 0, 1, 1], [], []>, transpose_lhs_hint = false} : vector<256x256xbf16>, vector<256x64xbf16>, vector<256x64xf32> -> vector<256x64xf32>
      %add3A_367 = arith.addf %get3A_363, %dot_general3A_366 : vector<256x64xf32>
      %swap3A_368 = arith.constant 2 : index
      %swap3A_369 = arith.constant 0 : index
      %swap3A_370 = arith.constant 0 : index
      %swap3A_371 = vector.load %arg8[%swap3A_368, %swap3A_369, %swap3A_370] : memref<8x256x64xf32, #tpu.memory_space<vmem>>, vector<1x256x64xf32>
      %swap3A_372 = vector.shape_cast %swap3A_371 : vector<1x256x64xf32> to vector<256x64xf32>
      %swap3A_373 = vector.shape_cast %add3A_367 : vector<256x64xf32> to vector<1x256x64xf32>
      tpu.vector_store %arg8[%swap3A_368, %swap3A_369, %swap3A_370], %swap3A_373 {strides = array<i32>} : memref<8x256x64xf32, #tpu.memory_space<vmem>>, vector<1x256x64xf32>,
      %get3A_374 = arith.constant 2 : index
      %get3A_375 = arith.constant 0 : index
      %get3A_376 = arith.constant 0 : index
      %get3A_377 = vector.load %arg9[%get3A_374, %get3A_375, %get3A_376] : memref<8x256x128xf32, #tpu.memory_space<vmem>>, vector<1x256x1xf32>
      %get3A_378 = vector.shape_cast %get3A_377 : vector<1x256x1xf32> to vector<256x1xf32>
      %reduce_sum3A_379 = arith.constant dense<0.000000e+00> : vector<256xf32>
      %reduce_sum3A_380 = vector.multi_reduction <add>, %select_n3A_352, %reduce_sum3A_379 [1] : vector<256x256xf32> to vector<256xf32>
      %broadcast_in_dim3A_381 = vector.shape_cast %reduce_sum3A_380 : vector<256xf32> to vector<256x1xf32>
      %add3A_382 = arith.addf %get3A_378, %broadcast_in_dim3A_381 : vector<256x1xf32>
      %swap3A_383 = arith.constant 2 : index
      %swap3A_384 = arith.constant 0 : index
      %swap3A_385 = arith.constant 0 : index
      %swap3A_386 = vector.load %arg9[%swap3A_383, %swap3A_384, %swap3A_385] : memref<8x256x128xf32, #tpu.memory_space<vmem>>, vector<1x256x1xf32>
      %swap3A_387 = vector.shape_cast %swap3A_386 : vector<1x256x1xf32> to vector<256x1xf32>
      %swap3A_388 = vector.shape_cast %add3A_382 : vector<256x1xf32> to vector<1x256x1xf32>
      tpu.vector_store %arg9[%swap3A_383, %swap3A_384, %swap3A_385], %swap3A_388 {strides = array<i32>} : memref<8x256x128xf32, #tpu.memory_space<vmem>>, vector<1x256x1xf32>,
      %get3A_389 = arith.constant 0 : index
      %get3A_390 = arith.constant 3 : index
      %get3A_391 = arith.constant 0 : index
      %get3A_392 = arith.constant 0 : index
      %get3A_393 = vector.load %arg4[%get3A_389, %get3A_390, %get3A_391, %get3A_392] : memref<1x8x256x64xbf16, #tpu.memory_space<vmem>>, vector<1x1x256x64xbf16>
      %get3A_394 = vector.shape_cast %get3A_393 : vector<1x1x256x64xbf16> to vector<256x64xbf16>
      %get3A_395 = arith.constant 0 : index
      %get3A_396 = arith.constant 3 : index
      %get3A_397 = arith.constant 0 : index
      %get3A_398 = arith.constant 768 : index
      %get3A_399 = vector.load %arg5[%get3A_395, %get3A_396, %get3A_397, %get3A_398] : memref<1x8x64x2048xbf16, #tpu.memory_space<vmem>>, vector<1x1x64x256xbf16>
      %get3A_400 = vector.shape_cast %get3A_399 : vector<1x1x64x256xbf16> to vector<64x256xbf16>
      %dot_general3A_401 = arith.constant dense<0.000000e+00> : vector<256x256xf32>
      %dot_general3A_402 = tpu.matmul %get3A_394, %get3A_400, %dot_general3A_401 {dimension_numbers = #tpu.dot_dimension_numbers<[1], [0], [0], [1], [0, 0, 1, 1], [], []>, transpose_lhs_hint = false} : vector<256x64xbf16>, vector<64x256xbf16>, vector<256x256xf32> -> vector<256x256xf32>
      %exp3A_403 = math.exp %dot_general3A_402 : vector<256x256xf32>
      %jit3A_404 = arith.constant 0.000000e+00 : f32
      %broadcast_in_dim3A_405 = vector.shape_cast %lt3A_225 : vector<1x256xi1> to vector<1x256xi1>
      %broadcast_in_dim3A_406 = vector.broadcast %broadcast_in_dim3A_405 : vector<1x256xi1> to vector<256x256xi1>
      %broadcast_in_dim3A_407 = vector.broadcast %jit3A_404 : f32 to vector<256x256xf32>
      %select_n3A_408 = arith.select %broadcast_in_dim3A_406, %exp3A_403, %broadcast_in_dim3A_407 : vector<256x256xi1>, vector<256x256xf32>
      %get3A_409 = arith.constant 0 : index
      %get3A_410 = arith.constant 3 : index
      %get3A_411 = arith.constant 768 : index
      %get3A_412 = arith.constant 0 : index
      %get3A_413 = vector.load %arg6[%get3A_409, %get3A_410, %get3A_411, %get3A_412] : memref<1x8x2048x64xbf16, #tpu.memory_space<vmem>>, vector<1x1x256x64xbf16>
      %get3A_414 = vector.shape_cast %get3A_413 : vector<1x1x256x64xbf16> to vector<256x64xbf16>
      %get3A_415 = arith.constant 3 : index
      %get3A_416 = arith.constant 0 : index
      %get3A_417 = arith.constant 0 : index
      %get3A_418 = vector.load %arg8[%get3A_415, %get3A_416, %get3A_417] : memref<8x256x64xf32, #tpu.memory_space<vmem>>, vector<1x256x64xf32>
      %get3A_419 = vector.shape_cast %get3A_418 : vector<1x256x64xf32> to vector<256x64xf32>
      %convert_element_type3A_420 = arith.truncf %select_n3A_408 : vector<256x256xf32> to vector<256x256xbf16>
      %dot_general3A_421 = arith.constant dense<0.000000e+00> : vector<256x64xf32>
      %dot_general3A_422 = tpu.matmul %convert_element_type3A_420, %get3A_414, %dot_general3A_421 {dimension_numbers = #tpu.dot_dimension_numbers<[1], [0], [0], [1], [0, 0, 1, 1], [], []>, transpose_lhs_hint = false} : vector<256x256xbf16>, vector<256x64xbf16>, vector<256x64xf32> -> vector<256x64xf32>
      %add3A_423 = arith.addf %get3A_419, %dot_general3A_422 : vector<256x64xf32>
      %swap3A_424 = arith.constant 3 : index
      %swap3A_425 = arith.constant 0 : index
      %swap3A_426 = arith.constant 0 : index
      %swap3A_427 = vector.load %arg8[%swap3A_424, %swap3A_425, %swap3A_426] : memref<8x256x64xf32, #tpu.memory_space<vmem>>, vector<1x256x64xf32>
      %swap3A_428 = vector.shape_cast %swap3A_427 : vector<1x256x64xf32> to vector<256x64xf32>
      %swap3A_429 = vector.shape_cast %add3A_423 : vector<256x64xf32> to vector<1x256x64xf32>
      tpu.vector_store %arg8[%swap3A_424, %swap3A_425, %swap3A_426], %swap3A_429 {strides = array<i32>} : memref<8x256x64xf32, #tpu.memory_space<vmem>>, vector<1x256x64xf32>,
      %get3A_430 = arith.constant 3 : index
      %get3A_431 = arith.constant 0 : index
      %get3A_432 = arith.constant 0 : index
      %get3A_433 = vector.load %arg9[%get3A_430, %get3A_431, %get3A_432] : memref<8x256x128xf32, #tpu.memory_space<vmem>>, vector<1x256x1xf32>
      %get3A_434 = vector.shape_cast %get3A_433 : vector<1x256x1xf32> to vector<256x1xf32>
      %reduce_sum3A_435 = arith.constant dense<0.000000e+00> : vector<256xf32>
      %reduce_sum3A_436 = vector.multi_reduction <add>, %select_n3A_408, %reduce_sum3A_435 [1] : vector<256x256xf32> to vector<256xf32>
      %broadcast_in_dim3A_437 = vector.shape_cast %reduce_sum3A_436 : vector<256xf32> to vector<256x1xf32>
      %add3A_438 = arith.addf %get3A_434, %broadcast_in_dim3A_437 : vector<256x1xf32>
      %swap3A_439 = arith.constant 3 : index
      %swap3A_440 = arith.constant 0 : index
      %swap3A_441 = arith.constant 0 : index
      %swap3A_442 = vector.load %arg9[%swap3A_439, %swap3A_440, %swap3A_441] : memref<8x256x128xf32, #tpu.memory_space<vmem>>, vector<1x256x1xf32>
      %swap3A_443 = vector.shape_cast %swap3A_442 : vector<1x256x1xf32> to vector<256x1xf32>
      %swap3A_444 = vector.shape_cast %add3A_438 : vector<256x1xf32> to vector<1x256x1xf32>
      tpu.vector_store %arg9[%swap3A_439, %swap3A_440, %swap3A_441], %swap3A_444 {strides = array<i32>} : memref<8x256x128xf32, #tpu.memory_space<vmem>>, vector<1x256x1xf32>,
      %get3A_445 = arith.constant 0 : index
      %get3A_446 = arith.constant 4 : index
      %get3A_447 = arith.constant 0 : index
      %get3A_448 = arith.constant 0 : index
      %get3A_449 = vector.load %arg4[%get3A_445, %get3A_446, %get3A_447, %get3A_448] : memref<1x8x256x64xbf16, #tpu.memory_space<vmem>>, vector<1x1x256x64xbf16>
      %get3A_450 = vector.shape_cast %get3A_449 : vector<1x1x256x64xbf16> to vector<256x64xbf16>
      %get3A_451 = arith.constant 0 : index
      %get3A_452 = arith.constant 4 : index
      %get3A_453 = arith.constant 0 : index
      %get3A_454 = arith.constant 768 : index
      %get3A_455 = vector.load %arg5[%get3A_451, %get3A_452, %get3A_453, %get3A_454] : memref<1x8x64x2048xbf16, #tpu.memory_space<vmem>>, vector<1x1x64x256xbf16>
      %get3A_456 = vector.shape_cast %get3A_455 : vector<1x1x64x256xbf16> to vector<64x256xbf16>
      %dot_general3A_457 = arith.constant dense<0.000000e+00> : vector<256x256xf32>
      %dot_general3A_458 = tpu.matmul %get3A_450, %get3A_456, %dot_general3A_457 {dimension_numbers = #tpu.dot_dimension_numbers<[1], [0], [0], [1], [0, 0, 1, 1], [], []>, transpose_lhs_hint = false} : vector<256x64xbf16>, vector<64x256xbf16>, vector<256x256xf32> -> vector<256x256xf32>
      %exp3A_459 = math.exp %dot_general3A_458 : vector<256x256xf32>
      %jit3A_460 = arith.constant 0.000000e+00 : f32
      %broadcast_in_dim3A_461 = vector.shape_cast %lt3A_225 : vector<1x256xi1> to vector<1x256xi1>
      %broadcast_in_dim3A_462 = vector.broadcast %broadcast_in_dim3A_461 : vector<1x256xi1> to vector<256x256xi1>
      %broadcast_in_dim3A_463 = vector.broadcast %jit3A_460 : f32 to vector<256x256xf32>
      %select_n3A_464 = arith.select %broadcast_in_dim3A_462, %exp3A_459, %broadcast_in_dim3A_463 : vector<256x256xi1>, vector<256x256xf32>
      %get3A_465 = arith.constant 0 : index
      %get3A_466 = arith.constant 4 : index
      %get3A_467 = arith.constant 768 : index
      %get3A_468 = arith.constant 0 : index
      %get3A_469 = vector.load %arg6[%get3A_465, %get3A_466, %get3A_467, %get3A_468] : memref<1x8x2048x64xbf16, #tpu.memory_space<vmem>>, vector<1x1x256x64xbf16>
      %get3A_470 = vector.shape_cast %get3A_469 : vector<1x1x256x64xbf16> to vector<256x64xbf16>
      %get3A_471 = arith.constant 4 : index
      %get3A_472 = arith.constant 0 : index
      %get3A_473 = arith.constant 0 : index
      %get3A_474 = vector.load %arg8[%get3A_471, %get3A_472, %get3A_473] : memref<8x256x64xf32, #tpu.memory_space<vmem>>, vector<1x256x64xf32>
      %get3A_475 = vector.shape_cast %get3A_474 : vector<1x256x64xf32> to vector<256x64xf32>
      %convert_element_type3A_476 = arith.truncf %select_n3A_464 : vector<256x256xf32> to vector<256x256xbf16>
      %dot_general3A_477 = arith.constant dense<0.000000e+00> : vector<256x64xf32>
      %dot_general3A_478 = tpu.matmul %convert_element_type3A_476, %get3A_470, %dot_general3A_477 {dimension_numbers = #tpu.dot_dimension_numbers<[1], [0], [0], [1], [0, 0, 1, 1], [], []>, transpose_lhs_hint = false} : vector<256x256xbf16>, vector<256x64xbf16>, vector<256x64xf32> -> vector<256x64xf32>
      %add3A_479 = arith.addf %get3A_475, %dot_general3A_478 : vector<256x64xf32>
      %swap3A_480 = arith.constant 4 : index
      %swap3A_481 = arith.constant 0 : index
      %swap3A_482 = arith.constant 0 : index
      %swap3A_483 = vector.load %arg8[%swap3A_480, %swap3A_481, %swap3A_482] : memref<8x256x64xf32, #tpu.memory_space<vmem>>, vector<1x256x64xf32>
      %swap3A_484 = vector.shape_cast %swap3A_483 : vector<1x256x64xf32> to vector<256x64xf32>
      %swap3A_485 = vector.shape_cast %add3A_479 : vector<256x64xf32> to vector<1x256x64xf32>
      tpu.vector_store %arg8[%swap3A_480, %swap3A_481, %swap3A_482], %swap3A_485 {strides = array<i32>} : memref<8x256x64xf32, #tpu.memory_space<vmem>>, vector<1x256x64xf32>,
      %get3A_486 = arith.constant 4 : index
      %get3A_487 = arith.constant 0 : index
      %get3A_488 = arith.constant 0 : index
      %get3A_489 = vector.load %arg9[%get3A_486, %get3A_487, %get3A_488] : memref<8x256x128xf32, #tpu.memory_space<vmem>>, vector<1x256x1xf32>
      %get3A_490 = vector.shape_cast %get3A_489 : vector<1x256x1xf32> to vector<256x1xf32>
      %reduce_sum3A_491 = arith.constant dense<0.000000e+00> : vector<256xf32>
      %reduce_sum3A_492 = vector.multi_reduction <add>, %select_n3A_464, %reduce_sum3A_491 [1] : vector<256x256xf32> to vector<256xf32>
      %broadcast_in_dim3A_493 = vector.shape_cast %reduce_sum3A_492 : vector<256xf32> to vector<256x1xf32>
      %add3A_494 = arith.addf %get3A_490, %broadcast_in_dim3A_493 : vector<256x1xf32>
      %swap3A_495 = arith.constant 4 : index
      %swap3A_496 = arith.constant 0 : index
      %swap3A_497 = arith.constant 0 : index
      %swap3A_498 = vector.load %arg9[%swap3A_495, %swap3A_496, %swap3A_497] : memref<8x256x128xf32, #tpu.memory_space<vmem>>, vector<1x256x1xf32>
      %swap3A_499 = vector.shape_cast %swap3A_498 : vector<1x256x1xf32> to vector<256x1xf32>
      %swap3A_500 = vector.shape_cast %add3A_494 : vector<256x1xf32> to vector<1x256x1xf32>
      tpu.vector_store %arg9[%swap3A_495, %swap3A_496, %swap3A_497], %swap3A_500 {strides = array<i32>} : memref<8x256x128xf32, #tpu.memory_space<vmem>>, vector<1x256x1xf32>,
      %get3A_501 = arith.constant 0 : index
      %get3A_502 = arith.constant 5 : index
      %get3A_503 = arith.constant 0 : index
      %get3A_504 = arith.constant 0 : index
      %get3A_505 = vector.load %arg4[%get3A_501, %get3A_502, %get3A_503, %get3A_504] : memref<1x8x256x64xbf16, #tpu.memory_space<vmem>>, vector<1x1x256x64xbf16>
      %get3A_506 = vector.shape_cast %get3A_505 : vector<1x1x256x64xbf16> to vector<256x64xbf16>
      %get3A_507 = arith.constant 0 : index
      %get3A_508 = arith.constant 5 : index
      %get3A_509 = arith.constant 0 : index
      %get3A_510 = arith.constant 768 : index
      %get3A_511 = vector.load %arg5[%get3A_507, %get3A_508, %get3A_509, %get3A_510] : memref<1x8x64x2048xbf16, #tpu.memory_space<vmem>>, vector<1x1x64x256xbf16>
      %get3A_512 = vector.shape_cast %get3A_511 : vector<1x1x64x256xbf16> to vector<64x256xbf16>
      %dot_general3A_513 = arith.constant dense<0.000000e+00> : vector<256x256xf32>
      %dot_general3A_514 = tpu.matmul %get3A_506, %get3A_512, %dot_general3A_513 {dimension_numbers = #tpu.dot_dimension_numbers<[1], [0], [0], [1], [0, 0, 1, 1], [], []>, transpose_lhs_hint = false} : vector<256x64xbf16>, vector<64x256xbf16>, vector<256x256xf32> -> vector<256x256xf32>
      %exp3A_515 = math.exp %dot_general3A_514 : vector<256x256xf32>
      %jit3A_516 = arith.constant 0.000000e+00 : f32
      %broadcast_in_dim3A_517 = vector.shape_cast %lt3A_225 : vector<1x256xi1> to vector<1x256xi1>
      %broadcast_in_dim3A_518 = vector.broadcast %broadcast_in_dim3A_517 : vector<1x256xi1> to vector<256x256xi1>
      %broadcast_in_dim3A_519 = vector.broadcast %jit3A_516 : f32 to vector<256x256xf32>
      %select_n3A_520 = arith.select %broadcast_in_dim3A_518, %exp3A_515, %broadcast_in_dim3A_519 : vector<256x256xi1>, vector<256x256xf32>
      %get3A_521 = arith.constant 0 : index
      %get3A_522 = arith.constant 5 : index
      %get3A_523 = arith.constant 768 : index
      %get3A_524 = arith.constant 0 : index
      %get3A_525 = vector.load %arg6[%get3A_521, %get3A_522, %get3A_523, %get3A_524] : memref<1x8x2048x64xbf16, #tpu.memory_space<vmem>>, vector<1x1x256x64xbf16>
      %get3A_526 = vector.shape_cast %get3A_525 : vector<1x1x256x64xbf16> to vector<256x64xbf16>
      %get3A_527 = arith.constant 5 : index
      %get3A_528 = arith.constant 0 : index
      %get3A_529 = arith.constant 0 : index
      %get3A_530 = vector.load %arg8[%get3A_527, %get3A_528, %get3A_529] : memref<8x256x64xf32, #tpu.memory_space<vmem>>, vector<1x256x64xf32>
      %get3A_531 = vector.shape_cast %get3A_530 : vector<1x256x64xf32> to vector<256x64xf32>
      %convert_element_type3A_532 = arith.truncf %select_n3A_520 : vector<256x256xf32> to vector<256x256xbf16>
      %dot_general3A_533 = arith.constant dense<0.000000e+00> : vector<256x64xf32>
      %dot_general3A_534 = tpu.matmul %convert_element_type3A_532, %get3A_526, %dot_general3A_533 {dimension_numbers = #tpu.dot_dimension_numbers<[1], [0], [0], [1], [0, 0, 1, 1], [], []>, transpose_lhs_hint = false} : vector<256x256xbf16>, vector<256x64xbf16>, vector<256x64xf32> -> vector<256x64xf32>
      %add3A_535 = arith.addf %get3A_531, %dot_general3A_534 : vector<256x64xf32>
      %swap3A_536 = arith.constant 5 : index
      %swap3A_537 = arith.constant 0 : index
      %swap3A_538 = arith.constant 0 : index
      %swap3A_539 = vector.load %arg8[%swap3A_536, %swap3A_537, %swap3A_538] : memref<8x256x64xf32, #tpu.memory_space<vmem>>, vector<1x256x64xf32>
      %swap3A_540 = vector.shape_cast %swap3A_539 : vector<1x256x64xf32> to vector<256x64xf32>
      %swap3A_541 = vector.shape_cast %add3A_535 : vector<256x64xf32> to vector<1x256x64xf32>
      tpu.vector_store %arg8[%swap3A_536, %swap3A_537, %swap3A_538], %swap3A_541 {strides = array<i32>} : memref<8x256x64xf32, #tpu.memory_space<vmem>>, vector<1x256x64xf32>,
      %get3A_542 = arith.constant 5 : index
      %get3A_543 = arith.constant 0 : index
      %get3A_544 = arith.constant 0 : index
      %get3A_545 = vector.load %arg9[%get3A_542, %get3A_543, %get3A_544] : memref<8x256x128xf32, #tpu.memory_space<vmem>>, vector<1x256x1xf32>
      %get3A_546 = vector.shape_cast %get3A_545 : vector<1x256x1xf32> to vector<256x1xf32>
      %reduce_sum3A_547 = arith.constant dense<0.000000e+00> : vector<256xf32>
      %reduce_sum3A_548 = vector.multi_reduction <add>, %select_n3A_520, %reduce_sum3A_547 [1] : vector<256x256xf32> to vector<256xf32>
      %broadcast_in_dim3A_549 = vector.shape_cast %reduce_sum3A_548 : vector<256xf32> to vector<256x1xf32>
      %add3A_550 = arith.addf %get3A_546, %broadcast_in_dim3A_549 : vector<256x1xf32>
      %swap3A_551 = arith.constant 5 : index
      %swap3A_552 = arith.constant 0 : index
      %swap3A_553 = arith.constant 0 : index
      %swap3A_554 = vector.load %arg9[%swap3A_551, %swap3A_552, %swap3A_553] : memref<8x256x128xf32, #tpu.memory_space<vmem>>, vector<1x256x1xf32>
      %swap3A_555 = vector.shape_cast %swap3A_554 : vector<1x256x1xf32> to vector<256x1xf32>
      %swap3A_556 = vector.shape_cast %add3A_550 : vector<256x1xf32> to vector<1x256x1xf32>
      tpu.vector_store %arg9[%swap3A_551, %swap3A_552, %swap3A_553], %swap3A_556 {strides = array<i32>} : memref<8x256x128xf32, #tpu.memory_space<vmem>>, vector<1x256x1xf32>,
      %get3A_557 = arith.constant 0 : index
      %get3A_558 = arith.constant 6 : index
      %get3A_559 = arith.constant 0 : index
      %get3A_560 = arith.constant 0 : index
      %get3A_561 = vector.load %arg4[%get3A_557, %get3A_558, %get3A_559, %get3A_560] : memref<1x8x256x64xbf16, #tpu.memory_space<vmem>>, vector<1x1x256x64xbf16>
      %get3A_562 = vector.shape_cast %get3A_561 : vector<1x1x256x64xbf16> to vector<256x64xbf16>
      %get3A_563 = arith.constant 0 : index
      %get3A_564 = arith.constant 6 : index
      %get3A_565 = arith.constant 0 : index
      %get3A_566 = arith.constant 768 : index
      %get3A_567 = vector.load %arg5[%get3A_563, %get3A_564, %get3A_565, %get3A_566] : memref<1x8x64x2048xbf16, #tpu.memory_space<vmem>>, vector<1x1x64x256xbf16>
      %get3A_568 = vector.shape_cast %get3A_567 : vector<1x1x64x256xbf16> to vector<64x256xbf16>
      %dot_general3A_569 = arith.constant dense<0.000000e+00> : vector<256x256xf32>
      %dot_general3A_570 = tpu.matmul %get3A_562, %get3A_568, %dot_general3A_569 {dimension_numbers = #tpu.dot_dimension_numbers<[1], [0], [0], [1], [0, 0, 1, 1], [], []>, transpose_lhs_hint = false} : vector<256x64xbf16>, vector<64x256xbf16>, vector<256x256xf32> -> vector<256x256xf32>
      %exp3A_571 = math.exp %dot_general3A_570 : vector<256x256xf32>
      %jit3A_572 = arith.constant 0.000000e+00 : f32
      %broadcast_in_dim3A_573 = vector.shape_cast %lt3A_225 : vector<1x256xi1> to vector<1x256xi1>
      %broadcast_in_dim3A_574 = vector.broadcast %broadcast_in_dim3A_573 : vector<1x256xi1> to vector<256x256xi1>
      %broadcast_in_dim3A_575 = vector.broadcast %jit3A_572 : f32 to vector<256x256xf32>
      %select_n3A_576 = arith.select %broadcast_in_dim3A_574, %exp3A_571, %broadcast_in_dim3A_575 : vector<256x256xi1>, vector<256x256xf32>
      %get3A_577 = arith.constant 0 : index
      %get3A_578 = arith.constant 6 : index
      %get3A_579 = arith.constant 768 : index
      %get3A_580 = arith.constant 0 : index
      %get3A_581 = vector.load %arg6[%get3A_577, %get3A_578, %get3A_579, %get3A_580] : memref<1x8x2048x64xbf16, #tpu.memory_space<vmem>>, vector<1x1x256x64xbf16>
      %get3A_582 = vector.shape_cast %get3A_581 : vector<1x1x256x64xbf16> to vector<256x64xbf16>
      %get3A_583 = arith.constant 6 : index
      %get3A_584 = arith.constant 0 : index
      %get3A_585 = arith.constant 0 : index
      %get3A_586 = vector.load %arg8[%get3A_583, %get3A_584, %get3A_585] : memref<8x256x64xf32, #tpu.memory_space<vmem>>, vector<1x256x64xf32>
      %get3A_587 = vector.shape_cast %get3A_586 : vector<1x256x64xf32> to vector<256x64xf32>
      %convert_element_type3A_588 = arith.truncf %select_n3A_576 : vector<256x256xf32> to vector<256x256xbf16>
      %dot_general3A_589 = arith.constant dense<0.000000e+00> : vector<256x64xf32>
      %dot_general3A_590 = tpu.matmul %convert_element_type3A_588, %get3A_582, %dot_general3A_589 {dimension_numbers = #tpu.dot_dimension_numbers<[1], [0], [0], [1], [0, 0, 1, 1], [], []>, transpose_lhs_hint = false} : vector<256x256xbf16>, vector<256x64xbf16>, vector<256x64xf32> -> vector<256x64xf32>
      %add3A_591 = arith.addf %get3A_587, %dot_general3A_590 : vector<256x64xf32>
      %swap3A_592 = arith.constant 6 : index
      %swap3A_593 = arith.constant 0 : index
      %swap3A_594 = arith.constant 0 : index
      %swap3A_595 = vector.load %arg8[%swap3A_592, %swap3A_593, %swap3A_594] : memref<8x256x64xf32, #tpu.memory_space<vmem>>, vector<1x256x64xf32>
      %swap3A_596 = vector.shape_cast %swap3A_595 : vector<1x256x64xf32> to vector<256x64xf32>
      %swap3A_597 = vector.shape_cast %add3A_591 : vector<256x64xf32> to vector<1x256x64xf32>
      tpu.vector_store %arg8[%swap3A_592, %swap3A_593, %swap3A_594], %swap3A_597 {strides = array<i32>} : memref<8x256x64xf32, #tpu.memory_space<vmem>>, vector<1x256x64xf32>,
      %get3A_598 = arith.constant 6 : index
      %get3A_599 = arith.constant 0 : index
      %get3A_600 = arith.constant 0 : index
      %get3A_601 = vector.load %arg9[%get3A_598, %get3A_599, %get3A_600] : memref<8x256x128xf32, #tpu.memory_space<vmem>>, vector<1x256x1xf32>
      %get3A_602 = vector.shape_cast %get3A_601 : vector<1x256x1xf32> to vector<256x1xf32>
      %reduce_sum3A_603 = arith.constant dense<0.000000e+00> : vector<256xf32>
      %reduce_sum3A_604 = vector.multi_reduction <add>, %select_n3A_576, %reduce_sum3A_603 [1] : vector<256x256xf32> to vector<256xf32>
      %broadcast_in_dim3A_605 = vector.shape_cast %reduce_sum3A_604 : vector<256xf32> to vector<256x1xf32>
      %add3A_606 = arith.addf %get3A_602, %broadcast_in_dim3A_605 : vector<256x1xf32>
      %swap3A_607 = arith.constant 6 : index
      %swap3A_608 = arith.constant 0 : index
      %swap3A_609 = arith.constant 0 : index
      %swap3A_610 = vector.load %arg9[%swap3A_607, %swap3A_608, %swap3A_609] : memref<8x256x128xf32, #tpu.memory_space<vmem>>, vector<1x256x1xf32>
      %swap3A_611 = vector.shape_cast %swap3A_610 : vector<1x256x1xf32> to vector<256x1xf32>
      %swap3A_612 = vector.shape_cast %add3A_606 : vector<256x1xf32> to vector<1x256x1xf32>
      tpu.vector_store %arg9[%swap3A_607, %swap3A_608, %swap3A_609], %swap3A_612 {strides = array<i32>} : memref<8x256x128xf32, #tpu.memory_space<vmem>>, vector<1x256x1xf32>,
      %get3A_613 = arith.constant 0 : index
      %get3A_614 = arith.constant 7 : index
      %get3A_615 = arith.constant 0 : index
      %get3A_616 = arith.constant 0 : index
      %get3A_617 = vector.load %arg4[%get3A_613, %get3A_614, %get3A_615, %get3A_616] : memref<1x8x256x64xbf16, #tpu.memory_space<vmem>>, vector<1x1x256x64xbf16>
      %get3A_618 = vector.shape_cast %get3A_617 : vector<1x1x256x64xbf16> to vector<256x64xbf16>
      %get3A_619 = arith.constant 0 : index
      %get3A_620 = arith.constant 7 : index
      %get3A_621 = arith.constant 0 : index
      %get3A_622 = arith.constant 768 : index
      %get3A_623 = vector.load %arg5[%get3A_619, %get3A_620, %get3A_621, %get3A_622] : memref<1x8x64x2048xbf16, #tpu.memory_space<vmem>>, vector<1x1x64x256xbf16>
      %get3A_624 = vector.shape_cast %get3A_623 : vector<1x1x64x256xbf16> to vector<64x256xbf16>
      %dot_general3A_625 = arith.constant dense<0.000000e+00> : vector<256x256xf32>
      %dot_general3A_626 = tpu.matmul %get3A_618, %get3A_624, %dot_general3A_625 {dimension_numbers = #tpu.dot_dimension_numbers<[1], [0], [0], [1], [0, 0, 1, 1], [], []>, transpose_lhs_hint = false} : vector<256x64xbf16>, vector<64x256xbf16>, vector<256x256xf32> -> vector<256x256xf32>
      %exp3A_627 = math.exp %dot_general3A_626 : vector<256x256xf32>
      %jit3A_628 = arith.constant 0.000000e+00 : f32
      %broadcast_in_dim3A_629 = vector.shape_cast %lt3A_225 : vector<1x256xi1> to vector<1x256xi1>
      %broadcast_in_dim3A_630 = vector.broadcast %broadcast_in_dim3A_629 : vector<1x256xi1> to vector<256x256xi1>
      %broadcast_in_dim3A_631 = vector.broadcast %jit3A_628 : f32 to vector<256x256xf32>
      %select_n3A_632 = arith.select %broadcast_in_dim3A_630, %exp3A_627, %broadcast_in_dim3A_631 : vector<256x256xi1>, vector<256x256xf32>
      %get3A_633 = arith.constant 0 : index
      %get3A_634 = arith.constant 7 : index
      %get3A_635 = arith.constant 768 : index
      %get3A_636 = arith.constant 0 : index
      %get3A_637 = vector.load %arg6[%get3A_633, %get3A_634, %get3A_635, %get3A_636] : memref<1x8x2048x64xbf16, #tpu.memory_space<vmem>>, vector<1x1x256x64xbf16>
      %get3A_638 = vector.shape_cast %get3A_637 : vector<1x1x256x64xbf16> to vector<256x64xbf16>
      %get3A_639 = arith.constant 7 : index
      %get3A_640 = arith.constant 0 : index
      %get3A_641 = arith.constant 0 : index
      %get3A_642 = vector.load %arg8[%get3A_639, %get3A_640, %get3A_641] : memref<8x256x64xf32, #tpu.memory_space<vmem>>, vector<1x256x64xf32>
      %get3A_643 = vector.shape_cast %get3A_642 : vector<1x256x64xf32> to vector<256x64xf32>
      %convert_element_type3A_644 = arith.truncf %select_n3A_632 : vector<256x256xf32> to vector<256x256xbf16>
      %dot_general3A_645 = arith.constant dense<0.000000e+00> : vector<256x64xf32>
      %dot_general3A_646 = tpu.matmul %convert_element_type3A_644, %get3A_638, %dot_general3A_645 {dimension_numbers = #tpu.dot_dimension_numbers<[1], [0], [0], [1], [0, 0, 1, 1], [], []>, transpose_lhs_hint = false} : vector<256x256xbf16>, vector<256x64xbf16>, vector<256x64xf32> -> vector<256x64xf32>
      %add3A_647 = arith.addf %get3A_643, %dot_general3A_646 : vector<256x64xf32>
      %swap3A_648 = arith.constant 7 : index
      %swap3A_649 = arith.constant 0 : index
      %swap3A_650 = arith.constant 0 : index
      %swap3A_651 = vector.load %arg8[%swap3A_648, %swap3A_649, %swap3A_650] : memref<8x256x64xf32, #tpu.memory_space<vmem>>, vector<1x256x64xf32>
      %swap3A_652 = vector.shape_cast %swap3A_651 : vector<1x256x64xf32> to vector<256x64xf32>
      %swap3A_653 = vector.shape_cast %add3A_647 : vector<256x64xf32> to vector<1x256x64xf32>
      tpu.vector_store %arg8[%swap3A_648, %swap3A_649, %swap3A_650], %swap3A_653 {strides = array<i32>} : memref<8x256x64xf32, #tpu.memory_space<vmem>>, vector<1x256x64xf32>,
      %get3A_654 = arith.constant 7 : index
      %get3A_655 = arith.constant 0 : index
      %get3A_656 = arith.constant 0 : index
      %get3A_657 = vector.load %arg9[%get3A_654, %get3A_655, %get3A_656] : memref<8x256x128xf32, #tpu.memory_space<vmem>>, vector<1x256x1xf32>
      %get3A_658 = vector.shape_cast %get3A_657 : vector<1x256x1xf32> to vector<256x1xf32>
      %reduce_sum3A_659 = arith.constant dense<0.000000e+00> : vector<256xf32>
      %reduce_sum3A_660 = vector.multi_reduction <add>, %select_n3A_632, %reduce_sum3A_659 [1] : vector<256x256xf32> to vector<256xf32>
      %broadcast_in_dim3A_661 = vector.shape_cast %reduce_sum3A_660 : vector<256xf32> to vector<256x1xf32>
      %add3A_662 = arith.addf %get3A_658, %broadcast_in_dim3A_661 : vector<256x1xf32>
      %swap3A_663 = arith.constant 7 : index
      %swap3A_664 = arith.constant 0 : index
      %swap3A_665 = arith.constant 0 : index
      %swap3A_666 = vector.load %arg9[%swap3A_663, %swap3A_664, %swap3A_665] : memref<8x256x128xf32, #tpu.memory_space<vmem>>, vector<1x256x1xf32>
      %swap3A_667 = vector.shape_cast %swap3A_666 : vector<1x256x1xf32> to vector<256x1xf32>
      %swap3A_668 = vector.shape_cast %add3A_662 : vector<256x1xf32> to vector<1x256x1xf32>
      tpu.vector_store %arg9[%swap3A_663, %swap3A_664, %swap3A_665], %swap3A_668 {strides = array<i32>} : memref<8x256x128xf32, #tpu.memory_space<vmem>>, vector<1x256x1xf32>,
    } else {
    }
    %gt3A_29 = arith.constant 1024 : i32
    %gt3A_30 = arith.cmpi sgt, %get3A_1, %gt3A_29 : i32
    %convert_element_type3A_31 = arith.extui %gt3A_30 : i1 to i32
    %cond3A_32 = arith.constant 0 : i32
    %cond3A_33 = arith.cmpi ne, %convert_element_type3A_31, %cond3A_32 : i32
    scf.if %cond3A_33 {
      %iota3A = tpu.iota {dimensions = array<i32: 1>} : vector<1x256xi32>
      %add3A = arith.constant 1024 : i32
      %add3A_223 = vector.broadcast %add3A : i32 to vector<1x256xi32>
      %add3A_224 = arith.addi %add3A_223, %iota3A : vector<1x256xi32>
      %lt3A = vector.broadcast %get3A_1 : i32 to vector<1x256xi32>
      %lt3A_225 = arith.cmpi slt, %add3A_224, %lt3A : vector<1x256xi32>
      %get3A_226 = arith.constant 0 : index
      %get3A_227 = arith.constant 0 : index
      %get3A_228 = arith.constant 0 : index
      %get3A_229 = arith.constant 0 : index
      %get3A_230 = vector.load %arg4[%get3A_226, %get3A_227, %get3A_228, %get3A_229] : memref<1x8x256x64xbf16, #tpu.memory_space<vmem>>, vector<1x1x256x64xbf16>
      %get3A_231 = vector.shape_cast %get3A_230 : vector<1x1x256x64xbf16> to vector<256x64xbf16>
      %get3A_232 = arith.constant 0 : index
      %get3A_233 = arith.constant 0 : index
      %get3A_234 = arith.constant 0 : index
      %get3A_235 = arith.constant 1024 : index
      %get3A_236 = vector.load %arg5[%get3A_232, %get3A_233, %get3A_234, %get3A_235] : memref<1x8x64x2048xbf16, #tpu.memory_space<vmem>>, vector<1x1x64x256xbf16>
      %get3A_237 = vector.shape_cast %get3A_236 : vector<1x1x64x256xbf16> to vector<64x256xbf16>
      %dot_general3A = arith.constant dense<0.000000e+00> : vector<256x256xf32>
      %dot_general3A_238 = tpu.matmul %get3A_231, %get3A_237, %dot_general3A {dimension_numbers = #tpu.dot_dimension_numbers<[1], [0], [0], [1], [0, 0, 1, 1], [], []>, transpose_lhs_hint = false} : vector<256x64xbf16>, vector<64x256xbf16>, vector<256x256xf32> -> vector<256x256xf32>
      %exp3A = math.exp %dot_general3A_238 : vector<256x256xf32>
      %jit3A = arith.constant 0.000000e+00 : f32
      %broadcast_in_dim3A_239 = vector.shape_cast %lt3A_225 : vector<1x256xi1> to vector<1x256xi1>
      %broadcast_in_dim3A_240 = vector.broadcast %broadcast_in_dim3A_239 : vector<1x256xi1> to vector<256x256xi1>
      %broadcast_in_dim3A_241 = vector.broadcast %jit3A : f32 to vector<256x256xf32>
      %select_n3A = arith.select %broadcast_in_dim3A_240, %exp3A, %broadcast_in_dim3A_241 : vector<256x256xi1>, vector<256x256xf32>
      %get3A_242 = arith.constant 0 : index
      %get3A_243 = arith.constant 0 : index
      %get3A_244 = arith.constant 1024 : index
      %get3A_245 = arith.constant 0 : index
      %get3A_246 = vector.load %arg6[%get3A_242, %get3A_243, %get3A_244, %get3A_245] : memref<1x8x2048x64xbf16, #tpu.memory_space<vmem>>, vector<1x1x256x64xbf16>
      %get3A_247 = vector.shape_cast %get3A_246 : vector<1x1x256x64xbf16> to vector<256x64xbf16>
      %get3A_248 = arith.constant 0 : index
      %get3A_249 = arith.constant 0 : index
      %get3A_250 = arith.constant 0 : index
      %get3A_251 = vector.load %arg8[%get3A_248, %get3A_249, %get3A_250] : memref<8x256x64xf32, #tpu.memory_space<vmem>>, vector<1x256x64xf32>
      %get3A_252 = vector.shape_cast %get3A_251 : vector<1x256x64xf32> to vector<256x64xf32>
      %convert_element_type3A_253 = arith.truncf %select_n3A : vector<256x256xf32> to vector<256x256xbf16>
      %dot_general3A_254 = arith.constant dense<0.000000e+00> : vector<256x64xf32>
      %dot_general3A_255 = tpu.matmul %convert_element_type3A_253, %get3A_247, %dot_general3A_254 {dimension_numbers = #tpu.dot_dimension_numbers<[1], [0], [0], [1], [0, 0, 1, 1], [], []>, transpose_lhs_hint = false} : vector<256x256xbf16>, vector<256x64xbf16>, vector<256x64xf32> -> vector<256x64xf32>
      %add3A_256 = arith.addf %get3A_252, %dot_general3A_255 : vector<256x64xf32>
      %swap3A_257 = arith.constant 0 : index
      %swap3A_258 = arith.constant 0 : index
      %swap3A_259 = arith.constant 0 : index
      %swap3A_260 = vector.load %arg8[%swap3A_257, %swap3A_258, %swap3A_259] : memref<8x256x64xf32, #tpu.memory_space<vmem>>, vector<1x256x64xf32>
      %swap3A_261 = vector.shape_cast %swap3A_260 : vector<1x256x64xf32> to vector<256x64xf32>
      %swap3A_262 = vector.shape_cast %add3A_256 : vector<256x64xf32> to vector<1x256x64xf32>
      tpu.vector_store %arg8[%swap3A_257, %swap3A_258, %swap3A_259], %swap3A_262 {strides = array<i32>} : memref<8x256x64xf32, #tpu.memory_space<vmem>>, vector<1x256x64xf32>,
      %get3A_263 = arith.constant 0 : index
      %get3A_264 = arith.constant 0 : index
      %get3A_265 = arith.constant 0 : index
      %get3A_266 = vector.load %arg9[%get3A_263, %get3A_264, %get3A_265] : memref<8x256x128xf32, #tpu.memory_space<vmem>>, vector<1x256x1xf32>
      %get3A_267 = vector.shape_cast %get3A_266 : vector<1x256x1xf32> to vector<256x1xf32>
      %reduce_sum3A = arith.constant dense<0.000000e+00> : vector<256xf32>
      %reduce_sum3A_268 = vector.multi_reduction <add>, %select_n3A, %reduce_sum3A [1] : vector<256x256xf32> to vector<256xf32>
      %broadcast_in_dim3A_269 = vector.shape_cast %reduce_sum3A_268 : vector<256xf32> to vector<256x1xf32>
      %add3A_270 = arith.addf %get3A_267, %broadcast_in_dim3A_269 : vector<256x1xf32>
      %swap3A_271 = arith.constant 0 : index
      %swap3A_272 = arith.constant 0 : index
      %swap3A_273 = arith.constant 0 : index
      %swap3A_274 = vector.load %arg9[%swap3A_271, %swap3A_272, %swap3A_273] : memref<8x256x128xf32, #tpu.memory_space<vmem>>, vector<1x256x1xf32>
      %swap3A_275 = vector.shape_cast %swap3A_274 : vector<1x256x1xf32> to vector<256x1xf32>
      %swap3A_276 = vector.shape_cast %add3A_270 : vector<256x1xf32> to vector<1x256x1xf32>
      tpu.vector_store %arg9[%swap3A_271, %swap3A_272, %swap3A_273], %swap3A_276 {strides = array<i32>} : memref<8x256x128xf32, #tpu.memory_space<vmem>>, vector<1x256x1xf32>,
      %get3A_277 = arith.constant 0 : index
      %get3A_278 = arith.constant 1 : index
      %get3A_279 = arith.constant 0 : index
      %get3A_280 = arith.constant 0 : index
      %get3A_281 = vector.load %arg4[%get3A_277, %get3A_278, %get3A_279, %get3A_280] : memref<1x8x256x64xbf16, #tpu.memory_space<vmem>>, vector<1x1x256x64xbf16>
      %get3A_282 = vector.shape_cast %get3A_281 : vector<1x1x256x64xbf16> to vector<256x64xbf16>
      %get3A_283 = arith.constant 0 : index
      %get3A_284 = arith.constant 1 : index
      %get3A_285 = arith.constant 0 : index
      %get3A_286 = arith.constant 1024 : index
      %get3A_287 = vector.load %arg5[%get3A_283, %get3A_284, %get3A_285, %get3A_286] : memref<1x8x64x2048xbf16, #tpu.memory_space<vmem>>, vector<1x1x64x256xbf16>
      %get3A_288 = vector.shape_cast %get3A_287 : vector<1x1x64x256xbf16> to vector<64x256xbf16>
      %dot_general3A_289 = arith.constant dense<0.000000e+00> : vector<256x256xf32>
      %dot_general3A_290 = tpu.matmul %get3A_282, %get3A_288, %dot_general3A_289 {dimension_numbers = #tpu.dot_dimension_numbers<[1], [0], [0], [1], [0, 0, 1, 1], [], []>, transpose_lhs_hint = false} : vector<256x64xbf16>, vector<64x256xbf16>, vector<256x256xf32> -> vector<256x256xf32>
      %exp3A_291 = math.exp %dot_general3A_290 : vector<256x256xf32>
      %jit3A_292 = arith.constant 0.000000e+00 : f32
      %broadcast_in_dim3A_293 = vector.shape_cast %lt3A_225 : vector<1x256xi1> to vector<1x256xi1>
      %broadcast_in_dim3A_294 = vector.broadcast %broadcast_in_dim3A_293 : vector<1x256xi1> to vector<256x256xi1>
      %broadcast_in_dim3A_295 = vector.broadcast %jit3A_292 : f32 to vector<256x256xf32>
      %select_n3A_296 = arith.select %broadcast_in_dim3A_294, %exp3A_291, %broadcast_in_dim3A_295 : vector<256x256xi1>, vector<256x256xf32>
      %get3A_297 = arith.constant 0 : index
      %get3A_298 = arith.constant 1 : index
      %get3A_299 = arith.constant 1024 : index
      %get3A_300 = arith.constant 0 : index
      %get3A_301 = vector.load %arg6[%get3A_297, %get3A_298, %get3A_299, %get3A_300] : memref<1x8x2048x64xbf16, #tpu.memory_space<vmem>>, vector<1x1x256x64xbf16>
      %get3A_302 = vector.shape_cast %get3A_301 : vector<1x1x256x64xbf16> to vector<256x64xbf16>
      %get3A_303 = arith.constant 1 : index
      %get3A_304 = arith.constant 0 : index
      %get3A_305 = arith.constant 0 : index
      %get3A_306 = vector.load %arg8[%get3A_303, %get3A_304, %get3A_305] : memref<8x256x64xf32, #tpu.memory_space<vmem>>, vector<1x256x64xf32>
      %get3A_307 = vector.shape_cast %get3A_306 : vector<1x256x64xf32> to vector<256x64xf32>
      %convert_element_type3A_308 = arith.truncf %select_n3A_296 : vector<256x256xf32> to vector<256x256xbf16>
      %dot_general3A_309 = arith.constant dense<0.000000e+00> : vector<256x64xf32>
      %dot_general3A_310 = tpu.matmul %convert_element_type3A_308, %get3A_302, %dot_general3A_309 {dimension_numbers = #tpu.dot_dimension_numbers<[1], [0], [0], [1], [0, 0, 1, 1], [], []>, transpose_lhs_hint = false} : vector<256x256xbf16>, vector<256x64xbf16>, vector<256x64xf32> -> vector<256x64xf32>
      %add3A_311 = arith.addf %get3A_307, %dot_general3A_310 : vector<256x64xf32>
      %swap3A_312 = arith.constant 1 : index
      %swap3A_313 = arith.constant 0 : index
      %swap3A_314 = arith.constant 0 : index
      %swap3A_315 = vector.load %arg8[%swap3A_312, %swap3A_313, %swap3A_314] : memref<8x256x64xf32, #tpu.memory_space<vmem>>, vector<1x256x64xf32>
      %swap3A_316 = vector.shape_cast %swap3A_315 : vector<1x256x64xf32> to vector<256x64xf32>
      %swap3A_317 = vector.shape_cast %add3A_311 : vector<256x64xf32> to vector<1x256x64xf32>
      tpu.vector_store %arg8[%swap3A_312, %swap3A_313, %swap3A_314], %swap3A_317 {strides = array<i32>} : memref<8x256x64xf32, #tpu.memory_space<vmem>>, vector<1x256x64xf32>,
      %get3A_318 = arith.constant 1 : index
      %get3A_319 = arith.constant 0 : index
      %get3A_320 = arith.constant 0 : index
      %get3A_321 = vector.load %arg9[%get3A_318, %get3A_319, %get3A_320] : memref<8x256x128xf32, #tpu.memory_space<vmem>>, vector<1x256x1xf32>
      %get3A_322 = vector.shape_cast %get3A_321 : vector<1x256x1xf32> to vector<256x1xf32>
      %reduce_sum3A_323 = arith.constant dense<0.000000e+00> : vector<256xf32>
      %reduce_sum3A_324 = vector.multi_reduction <add>, %select_n3A_296, %reduce_sum3A_323 [1] : vector<256x256xf32> to vector<256xf32>
      %broadcast_in_dim3A_325 = vector.shape_cast %reduce_sum3A_324 : vector<256xf32> to vector<256x1xf32>
      %add3A_326 = arith.addf %get3A_322, %broadcast_in_dim3A_325 : vector<256x1xf32>
      %swap3A_327 = arith.constant 1 : index
      %swap3A_328 = arith.constant 0 : index
      %swap3A_329 = arith.constant 0 : index
      %swap3A_330 = vector.load %arg9[%swap3A_327, %swap3A_328, %swap3A_329] : memref<8x256x128xf32, #tpu.memory_space<vmem>>, vector<1x256x1xf32>
      %swap3A_331 = vector.shape_cast %swap3A_330 : vector<1x256x1xf32> to vector<256x1xf32>
      %swap3A_332 = vector.shape_cast %add3A_326 : vector<256x1xf32> to vector<1x256x1xf32>
      tpu.vector_store %arg9[%swap3A_327, %swap3A_328, %swap3A_329], %swap3A_332 {strides = array<i32>} : memref<8x256x128xf32, #tpu.memory_space<vmem>>, vector<1x256x1xf32>,
      %get3A_333 = arith.constant 0 : index
      %get3A_334 = arith.constant 2 : index
      %get3A_335 = arith.constant 0 : index
      %get3A_336 = arith.constant 0 : index
      %get3A_337 = vector.load %arg4[%get3A_333, %get3A_334, %get3A_335, %get3A_336] : memref<1x8x256x64xbf16, #tpu.memory_space<vmem>>, vector<1x1x256x64xbf16>
      %get3A_338 = vector.shape_cast %get3A_337 : vector<1x1x256x64xbf16> to vector<256x64xbf16>
      %get3A_339 = arith.constant 0 : index
      %get3A_340 = arith.constant 2 : index
      %get3A_341 = arith.constant 0 : index
      %get3A_342 = arith.constant 1024 : index
      %get3A_343 = vector.load %arg5[%get3A_339, %get3A_340, %get3A_341, %get3A_342] : memref<1x8x64x2048xbf16, #tpu.memory_space<vmem>>, vector<1x1x64x256xbf16>
      %get3A_344 = vector.shape_cast %get3A_343 : vector<1x1x64x256xbf16> to vector<64x256xbf16>
      %dot_general3A_345 = arith.constant dense<0.000000e+00> : vector<256x256xf32>
      %dot_general3A_346 = tpu.matmul %get3A_338, %get3A_344, %dot_general3A_345 {dimension_numbers = #tpu.dot_dimension_numbers<[1], [0], [0], [1], [0, 0, 1, 1], [], []>, transpose_lhs_hint = false} : vector<256x64xbf16>, vector<64x256xbf16>, vector<256x256xf32> -> vector<256x256xf32>
      %exp3A_347 = math.exp %dot_general3A_346 : vector<256x256xf32>
      %jit3A_348 = arith.constant 0.000000e+00 : f32
      %broadcast_in_dim3A_349 = vector.shape_cast %lt3A_225 : vector<1x256xi1> to vector<1x256xi1>
      %broadcast_in_dim3A_350 = vector.broadcast %broadcast_in_dim3A_349 : vector<1x256xi1> to vector<256x256xi1>
      %broadcast_in_dim3A_351 = vector.broadcast %jit3A_348 : f32 to vector<256x256xf32>
      %select_n3A_352 = arith.select %broadcast_in_dim3A_350, %exp3A_347, %broadcast_in_dim3A_351 : vector<256x256xi1>, vector<256x256xf32>
      %get3A_353 = arith.constant 0 : index
      %get3A_354 = arith.constant 2 : index
      %get3A_355 = arith.constant 1024 : index
      %get3A_356 = arith.constant 0 : index
      %get3A_357 = vector.load %arg6[%get3A_353, %get3A_354, %get3A_355, %get3A_356] : memref<1x8x2048x64xbf16, #tpu.memory_space<vmem>>, vector<1x1x256x64xbf16>
      %get3A_358 = vector.shape_cast %get3A_357 : vector<1x1x256x64xbf16> to vector<256x64xbf16>
      %get3A_359 = arith.constant 2 : index
      %get3A_360 = arith.constant 0 : index
      %get3A_361 = arith.constant 0 : index
      %get3A_362 = vector.load %arg8[%get3A_359, %get3A_360, %get3A_361] : memref<8x256x64xf32, #tpu.memory_space<vmem>>, vector<1x256x64xf32>
      %get3A_363 = vector.shape_cast %get3A_362 : vector<1x256x64xf32> to vector<256x64xf32>
      %convert_element_type3A_364 = arith.truncf %select_n3A_352 : vector<256x256xf32> to vector<256x256xbf16>
      %dot_general3A_365 = arith.constant dense<0.000000e+00> : vector<256x64xf32>
      %dot_general3A_366 = tpu.matmul %convert_element_type3A_364, %get3A_358, %dot_general3A_365 {dimension_numbers = #tpu.dot_dimension_numbers<[1], [0], [0], [1], [0, 0, 1, 1], [], []>, transpose_lhs_hint = false} : vector<256x256xbf16>, vector<256x64xbf16>, vector<256x64xf32> -> vector<256x64xf32>
      %add3A_367 = arith.addf %get3A_363, %dot_general3A_366 : vector<256x64xf32>
      %swap3A_368 = arith.constant 2 : index
      %swap3A_369 = arith.constant 0 : index
      %swap3A_370 = arith.constant 0 : index
      %swap3A_371 = vector.load %arg8[%swap3A_368, %swap3A_369, %swap3A_370] : memref<8x256x64xf32, #tpu.memory_space<vmem>>, vector<1x256x64xf32>
      %swap3A_372 = vector.shape_cast %swap3A_371 : vector<1x256x64xf32> to vector<256x64xf32>
      %swap3A_373 = vector.shape_cast %add3A_367 : vector<256x64xf32> to vector<1x256x64xf32>
      tpu.vector_store %arg8[%swap3A_368, %swap3A_369, %swap3A_370], %swap3A_373 {strides = array<i32>} : memref<8x256x64xf32, #tpu.memory_space<vmem>>, vector<1x256x64xf32>,
      %get3A_374 = arith.constant 2 : index
      %get3A_375 = arith.constant 0 : index
      %get3A_376 = arith.constant 0 : index
      %get3A_377 = vector.load %arg9[%get3A_374, %get3A_375, %get3A_376] : memref<8x256x128xf32, #tpu.memory_space<vmem>>, vector<1x256x1xf32>
      %get3A_378 = vector.shape_cast %get3A_377 : vector<1x256x1xf32> to vector<256x1xf32>
      %reduce_sum3A_379 = arith.constant dense<0.000000e+00> : vector<256xf32>
      %reduce_sum3A_380 = vector.multi_reduction <add>, %select_n3A_352, %reduce_sum3A_379 [1] : vector<256x256xf32> to vector<256xf32>
      %broadcast_in_dim3A_381 = vector.shape_cast %reduce_sum3A_380 : vector<256xf32> to vector<256x1xf32>
      %add3A_382 = arith.addf %get3A_378, %broadcast_in_dim3A_381 : vector<256x1xf32>
      %swap3A_383 = arith.constant 2 : index
      %swap3A_384 = arith.constant 0 : index
      %swap3A_385 = arith.constant 0 : index
      %swap3A_386 = vector.load %arg9[%swap3A_383, %swap3A_384, %swap3A_385] : memref<8x256x128xf32, #tpu.memory_space<vmem>>, vector<1x256x1xf32>
      %swap3A_387 = vector.shape_cast %swap3A_386 : vector<1x256x1xf32> to vector<256x1xf32>
      %swap3A_388 = vector.shape_cast %add3A_382 : vector<256x1xf32> to vector<1x256x1xf32>
      tpu.vector_store %arg9[%swap3A_383, %swap3A_384, %swap3A_385], %swap3A_388 {strides = array<i32>} : memref<8x256x128xf32, #tpu.memory_space<vmem>>, vector<1x256x1xf32>,
      %get3A_389 = arith.constant 0 : index
      %get3A_390 = arith.constant 3 : index
      %get3A_391 = arith.constant 0 : index
      %get3A_392 = arith.constant 0 : index
      %get3A_393 = vector.load %arg4[%get3A_389, %get3A_390, %get3A_391, %get3A_392] : memref<1x8x256x64xbf16, #tpu.memory_space<vmem>>, vector<1x1x256x64xbf16>
      %get3A_394 = vector.shape_cast %get3A_393 : vector<1x1x256x64xbf16> to vector<256x64xbf16>
      %get3A_395 = arith.constant 0 : index
      %get3A_396 = arith.constant 3 : index
      %get3A_397 = arith.constant 0 : index
      %get3A_398 = arith.constant 1024 : index
      %get3A_399 = vector.load %arg5[%get3A_395, %get3A_396, %get3A_397, %get3A_398] : memref<1x8x64x2048xbf16, #tpu.memory_space<vmem>>, vector<1x1x64x256xbf16>
      %get3A_400 = vector.shape_cast %get3A_399 : vector<1x1x64x256xbf16> to vector<64x256xbf16>
      %dot_general3A_401 = arith.constant dense<0.000000e+00> : vector<256x256xf32>
      %dot_general3A_402 = tpu.matmul %get3A_394, %get3A_400, %dot_general3A_401 {dimension_numbers = #tpu.dot_dimension_numbers<[1], [0], [0], [1], [0, 0, 1, 1], [], []>, transpose_lhs_hint = false} : vector<256x64xbf16>, vector<64x256xbf16>, vector<256x256xf32> -> vector<256x256xf32>
      %exp3A_403 = math.exp %dot_general3A_402 : vector<256x256xf32>
      %jit3A_404 = arith.constant 0.000000e+00 : f32
      %broadcast_in_dim3A_405 = vector.shape_cast %lt3A_225 : vector<1x256xi1> to vector<1x256xi1>
      %broadcast_in_dim3A_406 = vector.broadcast %broadcast_in_dim3A_405 : vector<1x256xi1> to vector<256x256xi1>
      %broadcast_in_dim3A_407 = vector.broadcast %jit3A_404 : f32 to vector<256x256xf32>
      %select_n3A_408 = arith.select %broadcast_in_dim3A_406, %exp3A_403, %broadcast_in_dim3A_407 : vector<256x256xi1>, vector<256x256xf32>
      %get3A_409 = arith.constant 0 : index
      %get3A_410 = arith.constant 3 : index
      %get3A_411 = arith.constant 1024 : index
      %get3A_412 = arith.constant 0 : index
      %get3A_413 = vector.load %arg6[%get3A_409, %get3A_410, %get3A_411, %get3A_412] : memref<1x8x2048x64xbf16, #tpu.memory_space<vmem>>, vector<1x1x256x64xbf16>
      %get3A_414 = vector.shape_cast %get3A_413 : vector<1x1x256x64xbf16> to vector<256x64xbf16>
      %get3A_415 = arith.constant 3 : index
      %get3A_416 = arith.constant 0 : index
      %get3A_417 = arith.constant 0 : index
      %get3A_418 = vector.load %arg8[%get3A_415, %get3A_416, %get3A_417] : memref<8x256x64xf32, #tpu.memory_space<vmem>>, vector<1x256x64xf32>
      %get3A_419 = vector.shape_cast %get3A_418 : vector<1x256x64xf32> to vector<256x64xf32>
      %convert_element_type3A_420 = arith.truncf %select_n3A_408 : vector<256x256xf32> to vector<256x256xbf16>
      %dot_general3A_421 = arith.constant dense<0.000000e+00> : vector<256x64xf32>
      %dot_general3A_422 = tpu.matmul %convert_element_type3A_420, %get3A_414, %dot_general3A_421 {dimension_numbers = #tpu.dot_dimension_numbers<[1], [0], [0], [1], [0, 0, 1, 1], [], []>, transpose_lhs_hint = false} : vector<256x256xbf16>, vector<256x64xbf16>, vector<256x64xf32> -> vector<256x64xf32>
      %add3A_423 = arith.addf %get3A_419, %dot_general3A_422 : vector<256x64xf32>
      %swap3A_424 = arith.constant 3 : index
      %swap3A_425 = arith.constant 0 : index
      %swap3A_426 = arith.constant 0 : index
      %swap3A_427 = vector.load %arg8[%swap3A_424, %swap3A_425, %swap3A_426] : memref<8x256x64xf32, #tpu.memory_space<vmem>>, vector<1x256x64xf32>
      %swap3A_428 = vector.shape_cast %swap3A_427 : vector<1x256x64xf32> to vector<256x64xf32>
      %swap3A_429 = vector.shape_cast %add3A_423 : vector<256x64xf32> to vector<1x256x64xf32>
      tpu.vector_store %arg8[%swap3A_424, %swap3A_425, %swap3A_426], %swap3A_429 {strides = array<i32>} : memref<8x256x64xf32, #tpu.memory_space<vmem>>, vector<1x256x64xf32>,
      %get3A_430 = arith.constant 3 : index
      %get3A_431 = arith.constant 0 : index
      %get3A_432 = arith.constant 0 : index
      %get3A_433 = vector.load %arg9[%get3A_430, %get3A_431, %get3A_432] : memref<8x256x128xf32, #tpu.memory_space<vmem>>, vector<1x256x1xf32>
      %get3A_434 = vector.shape_cast %get3A_433 : vector<1x256x1xf32> to vector<256x1xf32>
      %reduce_sum3A_435 = arith.constant dense<0.000000e+00> : vector<256xf32>
      %reduce_sum3A_436 = vector.multi_reduction <add>, %select_n3A_408, %reduce_sum3A_435 [1] : vector<256x256xf32> to vector<256xf32>
      %broadcast_in_dim3A_437 = vector.shape_cast %reduce_sum3A_436 : vector<256xf32> to vector<256x1xf32>
      %add3A_438 = arith.addf %get3A_434, %broadcast_in_dim3A_437 : vector<256x1xf32>
      %swap3A_439 = arith.constant 3 : index
      %swap3A_440 = arith.constant 0 : index
      %swap3A_441 = arith.constant 0 : index
      %swap3A_442 = vector.load %arg9[%swap3A_439, %swap3A_440, %swap3A_441] : memref<8x256x128xf32, #tpu.memory_space<vmem>>, vector<1x256x1xf32>
      %swap3A_443 = vector.shape_cast %swap3A_442 : vector<1x256x1xf32> to vector<256x1xf32>
      %swap3A_444 = vector.shape_cast %add3A_438 : vector<256x1xf32> to vector<1x256x1xf32>
      tpu.vector_store %arg9[%swap3A_439, %swap3A_440, %swap3A_441], %swap3A_444 {strides = array<i32>} : memref<8x256x128xf32, #tpu.memory_space<vmem>>, vector<1x256x1xf32>,
      %get3A_445 = arith.constant 0 : index
      %get3A_446 = arith.constant 4 : index
      %get3A_447 = arith.constant 0 : index
      %get3A_448 = arith.constant 0 : index
      %get3A_449 = vector.load %arg4[%get3A_445, %get3A_446, %get3A_447, %get3A_448] : memref<1x8x256x64xbf16, #tpu.memory_space<vmem>>, vector<1x1x256x64xbf16>
      %get3A_450 = vector.shape_cast %get3A_449 : vector<1x1x256x64xbf16> to vector<256x64xbf16>
      %get3A_451 = arith.constant 0 : index
      %get3A_452 = arith.constant 4 : index
      %get3A_453 = arith.constant 0 : index
      %get3A_454 = arith.constant 1024 : index
      %get3A_455 = vector.load %arg5[%get3A_451, %get3A_452, %get3A_453, %get3A_454] : memref<1x8x64x2048xbf16, #tpu.memory_space<vmem>>, vector<1x1x64x256xbf16>
      %get3A_456 = vector.shape_cast %get3A_455 : vector<1x1x64x256xbf16> to vector<64x256xbf16>
      %dot_general3A_457 = arith.constant dense<0.000000e+00> : vector<256x256xf32>
      %dot_general3A_458 = tpu.matmul %get3A_450, %get3A_456, %dot_general3A_457 {dimension_numbers = #tpu.dot_dimension_numbers<[1], [0], [0], [1], [0, 0, 1, 1], [], []>, transpose_lhs_hint = false} : vector<256x64xbf16>, vector<64x256xbf16>, vector<256x256xf32> -> vector<256x256xf32>
      %exp3A_459 = math.exp %dot_general3A_458 : vector<256x256xf32>
      %jit3A_460 = arith.constant 0.000000e+00 : f32
      %broadcast_in_dim3A_461 = vector.shape_cast %lt3A_225 : vector<1x256xi1> to vector<1x256xi1>
      %broadcast_in_dim3A_462 = vector.broadcast %broadcast_in_dim3A_461 : vector<1x256xi1> to vector<256x256xi1>
      %broadcast_in_dim3A_463 = vector.broadcast %jit3A_460 : f32 to vector<256x256xf32>
      %select_n3A_464 = arith.select %broadcast_in_dim3A_462, %exp3A_459, %broadcast_in_dim3A_463 : vector<256x256xi1>, vector<256x256xf32>
      %get3A_465 = arith.constant 0 : index
      %get3A_466 = arith.constant 4 : index
      %get3A_467 = arith.constant 1024 : index
      %get3A_468 = arith.constant 0 : index
      %get3A_469 = vector.load %arg6[%get3A_465, %get3A_466, %get3A_467, %get3A_468] : memref<1x8x2048x64xbf16, #tpu.memory_space<vmem>>, vector<1x1x256x64xbf16>
      %get3A_470 = vector.shape_cast %get3A_469 : vector<1x1x256x64xbf16> to vector<256x64xbf16>
      %get3A_471 = arith.constant 4 : index
      %get3A_472 = arith.constant 0 : index
      %get3A_473 = arith.constant 0 : index
      %get3A_474 = vector.load %arg8[%get3A_471, %get3A_472, %get3A_473] : memref<8x256x64xf32, #tpu.memory_space<vmem>>, vector<1x256x64xf32>
      %get3A_475 = vector.shape_cast %get3A_474 : vector<1x256x64xf32> to vector<256x64xf32>
      %convert_element_type3A_476 = arith.truncf %select_n3A_464 : vector<256x256xf32> to vector<256x256xbf16>
      %dot_general3A_477 = arith.constant dense<0.000000e+00> : vector<256x64xf32>
      %dot_general3A_478 = tpu.matmul %convert_element_type3A_476, %get3A_470, %dot_general3A_477 {dimension_numbers = #tpu.dot_dimension_numbers<[1], [0], [0], [1], [0, 0, 1, 1], [], []>, transpose_lhs_hint = false} : vector<256x256xbf16>, vector<256x64xbf16>, vector<256x64xf32> -> vector<256x64xf32>
      %add3A_479 = arith.addf %get3A_475, %dot_general3A_478 : vector<256x64xf32>
      %swap3A_480 = arith.constant 4 : index
      %swap3A_481 = arith.constant 0 : index
      %swap3A_482 = arith.constant 0 : index
      %swap3A_483 = vector.load %arg8[%swap3A_480, %swap3A_481, %swap3A_482] : memref<8x256x64xf32, #tpu.memory_space<vmem>>, vector<1x256x64xf32>
      %swap3A_484 = vector.shape_cast %swap3A_483 : vector<1x256x64xf32> to vector<256x64xf32>
      %swap3A_485 = vector.shape_cast %add3A_479 : vector<256x64xf32> to vector<1x256x64xf32>
      tpu.vector_store %arg8[%swap3A_480, %swap3A_481, %swap3A_482], %swap3A_485 {strides = array<i32>} : memref<8x256x64xf32, #tpu.memory_space<vmem>>, vector<1x256x64xf32>,
      %get3A_486 = arith.constant 4 : index
      %get3A_487 = arith.constant 0 : index
      %get3A_488 = arith.constant 0 : index
      %get3A_489 = vector.load %arg9[%get3A_486, %get3A_487, %get3A_488] : memref<8x256x128xf32, #tpu.memory_space<vmem>>, vector<1x256x1xf32>
      %get3A_490 = vector.shape_cast %get3A_489 : vector<1x256x1xf32> to vector<256x1xf32>
      %reduce_sum3A_491 = arith.constant dense<0.000000e+00> : vector<256xf32>
      %reduce_sum3A_492 = vector.multi_reduction <add>, %select_n3A_464, %reduce_sum3A_491 [1] : vector<256x256xf32> to vector<256xf32>
      %broadcast_in_dim3A_493 = vector.shape_cast %reduce_sum3A_492 : vector<256xf32> to vector<256x1xf32>
      %add3A_494 = arith.addf %get3A_490, %broadcast_in_dim3A_493 : vector<256x1xf32>
      %swap3A_495 = arith.constant 4 : index
      %swap3A_496 = arith.constant 0 : index
      %swap3A_497 = arith.constant 0 : index
      %swap3A_498 = vector.load %arg9[%swap3A_495, %swap3A_496, %swap3A_497] : memref<8x256x128xf32, #tpu.memory_space<vmem>>, vector<1x256x1xf32>
      %swap3A_499 = vector.shape_cast %swap3A_498 : vector<1x256x1xf32> to vector<256x1xf32>
      %swap3A_500 = vector.shape_cast %add3A_494 : vector<256x1xf32> to vector<1x256x1xf32>
      tpu.vector_store %arg9[%swap3A_495, %swap3A_496, %swap3A_497], %swap3A_500 {strides = array<i32>} : memref<8x256x128xf32, #tpu.memory_space<vmem>>, vector<1x256x1xf32>,
      %get3A_501 = arith.constant 0 : index
      %get3A_502 = arith.constant 5 : index
      %get3A_503 = arith.constant 0 : index
      %get3A_504 = arith.constant 0 : index
      %get3A_505 = vector.load %arg4[%get3A_501, %get3A_502, %get3A_503, %get3A_504] : memref<1x8x256x64xbf16, #tpu.memory_space<vmem>>, vector<1x1x256x64xbf16>
      %get3A_506 = vector.shape_cast %get3A_505 : vector<1x1x256x64xbf16> to vector<256x64xbf16>
      %get3A_507 = arith.constant 0 : index
      %get3A_508 = arith.constant 5 : index
      %get3A_509 = arith.constant 0 : index
      %get3A_510 = arith.constant 1024 : index
      %get3A_511 = vector.load %arg5[%get3A_507, %get3A_508, %get3A_509, %get3A_510] : memref<1x8x64x2048xbf16, #tpu.memory_space<vmem>>, vector<1x1x64x256xbf16>
      %get3A_512 = vector.shape_cast %get3A_511 : vector<1x1x64x256xbf16> to vector<64x256xbf16>
      %dot_general3A_513 = arith.constant dense<0.000000e+00> : vector<256x256xf32>
      %dot_general3A_514 = tpu.matmul %get3A_506, %get3A_512, %dot_general3A_513 {dimension_numbers = #tpu.dot_dimension_numbers<[1], [0], [0], [1], [0, 0, 1, 1], [], []>, transpose_lhs_hint = false} : vector<256x64xbf16>, vector<64x256xbf16>, vector<256x256xf32> -> vector<256x256xf32>
      %exp3A_515 = math.exp %dot_general3A_514 : vector<256x256xf32>
      %jit3A_516 = arith.constant 0.000000e+00 : f32
      %broadcast_in_dim3A_517 = vector.shape_cast %lt3A_225 : vector<1x256xi1> to vector<1x256xi1>
      %broadcast_in_dim3A_518 = vector.broadcast %broadcast_in_dim3A_517 : vector<1x256xi1> to vector<256x256xi1>
      %broadcast_in_dim3A_519 = vector.broadcast %jit3A_516 : f32 to vector<256x256xf32>
      %select_n3A_520 = arith.select %broadcast_in_dim3A_518, %exp3A_515, %broadcast_in_dim3A_519 : vector<256x256xi1>, vector<256x256xf32>
      %get3A_521 = arith.constant 0 : index
      %get3A_522 = arith.constant 5 : index
      %get3A_523 = arith.constant 1024 : index
      %get3A_524 = arith.constant 0 : index
      %get3A_525 = vector.load %arg6[%get3A_521, %get3A_522, %get3A_523, %get3A_524] : memref<1x8x2048x64xbf16, #tpu.memory_space<vmem>>, vector<1x1x256x64xbf16>
      %get3A_526 = vector.shape_cast %get3A_525 : vector<1x1x256x64xbf16> to vector<256x64xbf16>
      %get3A_527 = arith.constant 5 : index
      %get3A_528 = arith.constant 0 : index
      %get3A_529 = arith.constant 0 : index
      %get3A_530 = vector.load %arg8[%get3A_527, %get3A_528, %get3A_529] : memref<8x256x64xf32, #tpu.memory_space<vmem>>, vector<1x256x64xf32>
      %get3A_531 = vector.shape_cast %get3A_530 : vector<1x256x64xf32> to vector<256x64xf32>
      %convert_element_type3A_532 = arith.truncf %select_n3A_520 : vector<256x256xf32> to vector<256x256xbf16>
      %dot_general3A_533 = arith.constant dense<0.000000e+00> : vector<256x64xf32>
      %dot_general3A_534 = tpu.matmul %convert_element_type3A_532, %get3A_526, %dot_general3A_533 {dimension_numbers = #tpu.dot_dimension_numbers<[1], [0], [0], [1], [0, 0, 1, 1], [], []>, transpose_lhs_hint = false} : vector<256x256xbf16>, vector<256x64xbf16>, vector<256x64xf32> -> vector<256x64xf32>
      %add3A_535 = arith.addf %get3A_531, %dot_general3A_534 : vector<256x64xf32>
      %swap3A_536 = arith.constant 5 : index
      %swap3A_537 = arith.constant 0 : index
      %swap3A_538 = arith.constant 0 : index
      %swap3A_539 = vector.load %arg8[%swap3A_536, %swap3A_537, %swap3A_538] : memref<8x256x64xf32, #tpu.memory_space<vmem>>, vector<1x256x64xf32>
      %swap3A_540 = vector.shape_cast %swap3A_539 : vector<1x256x64xf32> to vector<256x64xf32>
      %swap3A_541 = vector.shape_cast %add3A_535 : vector<256x64xf32> to vector<1x256x64xf32>
      tpu.vector_store %arg8[%swap3A_536, %swap3A_537, %swap3A_538], %swap3A_541 {strides = array<i32>} : memref<8x256x64xf32, #tpu.memory_space<vmem>>, vector<1x256x64xf32>,
      %get3A_542 = arith.constant 5 : index
      %get3A_543 = arith.constant 0 : index
      %get3A_544 = arith.constant 0 : index
      %get3A_545 = vector.load %arg9[%get3A_542, %get3A_543, %get3A_544] : memref<8x256x128xf32, #tpu.memory_space<vmem>>, vector<1x256x1xf32>
      %get3A_546 = vector.shape_cast %get3A_545 : vector<1x256x1xf32> to vector<256x1xf32>
      %reduce_sum3A_547 = arith.constant dense<0.000000e+00> : vector<256xf32>
      %reduce_sum3A_548 = vector.multi_reduction <add>, %select_n3A_520, %reduce_sum3A_547 [1] : vector<256x256xf32> to vector<256xf32>
      %broadcast_in_dim3A_549 = vector.shape_cast %reduce_sum3A_548 : vector<256xf32> to vector<256x1xf32>
      %add3A_550 = arith.addf %get3A_546, %broadcast_in_dim3A_549 : vector<256x1xf32>
      %swap3A_551 = arith.constant 5 : index
      %swap3A_552 = arith.constant 0 : index
      %swap3A_553 = arith.constant 0 : index
      %swap3A_554 = vector.load %arg9[%swap3A_551, %swap3A_552, %swap3A_553] : memref<8x256x128xf32, #tpu.memory_space<vmem>>, vector<1x256x1xf32>
      %swap3A_555 = vector.shape_cast %swap3A_554 : vector<1x256x1xf32> to vector<256x1xf32>
      %swap3A_556 = vector.shape_cast %add3A_550 : vector<256x1xf32> to vector<1x256x1xf32>
      tpu.vector_store %arg9[%swap3A_551, %swap3A_552, %swap3A_553], %swap3A_556 {strides = array<i32>} : memref<8x256x128xf32, #tpu.memory_space<vmem>>, vector<1x256x1xf32>,
      %get3A_557 = arith.constant 0 : index
      %get3A_558 = arith.constant 6 : index
      %get3A_559 = arith.constant 0 : index
      %get3A_560 = arith.constant 0 : index
      %get3A_561 = vector.load %arg4[%get3A_557, %get3A_558, %get3A_559, %get3A_560] : memref<1x8x256x64xbf16, #tpu.memory_space<vmem>>, vector<1x1x256x64xbf16>
      %get3A_562 = vector.shape_cast %get3A_561 : vector<1x1x256x64xbf16> to vector<256x64xbf16>
      %get3A_563 = arith.constant 0 : index
      %get3A_564 = arith.constant 6 : index
      %get3A_565 = arith.constant 0 : index
      %get3A_566 = arith.constant 1024 : index
      %get3A_567 = vector.load %arg5[%get3A_563, %get3A_564, %get3A_565, %get3A_566] : memref<1x8x64x2048xbf16, #tpu.memory_space<vmem>>, vector<1x1x64x256xbf16>
      %get3A_568 = vector.shape_cast %get3A_567 : vector<1x1x64x256xbf16> to vector<64x256xbf16>
      %dot_general3A_569 = arith.constant dense<0.000000e+00> : vector<256x256xf32>
      %dot_general3A_570 = tpu.matmul %get3A_562, %get3A_568, %dot_general3A_569 {dimension_numbers = #tpu.dot_dimension_numbers<[1], [0], [0], [1], [0, 0, 1, 1], [], []>, transpose_lhs_hint = false} : vector<256x64xbf16>, vector<64x256xbf16>, vector<256x256xf32> -> vector<256x256xf32>
      %exp3A_571 = math.exp %dot_general3A_570 : vector<256x256xf32>
      %jit3A_572 = arith.constant 0.000000e+00 : f32
      %broadcast_in_dim3A_573 = vector.shape_cast %lt3A_225 : vector<1x256xi1> to vector<1x256xi1>
      %broadcast_in_dim3A_574 = vector.broadcast %broadcast_in_dim3A_573 : vector<1x256xi1> to vector<256x256xi1>
      %broadcast_in_dim3A_575 = vector.broadcast %jit3A_572 : f32 to vector<256x256xf32>
      %select_n3A_576 = arith.select %broadcast_in_dim3A_574, %exp3A_571, %broadcast_in_dim3A_575 : vector<256x256xi1>, vector<256x256xf32>
      %get3A_577 = arith.constant 0 : index
      %get3A_578 = arith.constant 6 : index
      %get3A_579 = arith.constant 1024 : index
      %get3A_580 = arith.constant 0 : index
      %get3A_581 = vector.load %arg6[%get3A_577, %get3A_578, %get3A_579, %get3A_580] : memref<1x8x2048x64xbf16, #tpu.memory_space<vmem>>, vector<1x1x256x64xbf16>
      %get3A_582 = vector.shape_cast %get3A_581 : vector<1x1x256x64xbf16> to vector<256x64xbf16>
      %get3A_583 = arith.constant 6 : index
      %get3A_584 = arith.constant 0 : index
      %get3A_585 = arith.constant 0 : index
      %get3A_586 = vector.load %arg8[%get3A_583, %get3A_584, %get3A_585] : memref<8x256x64xf32, #tpu.memory_space<vmem>>, vector<1x256x64xf32>
      %get3A_587 = vector.shape_cast %get3A_586 : vector<1x256x64xf32> to vector<256x64xf32>
      %convert_element_type3A_588 = arith.truncf %select_n3A_576 : vector<256x256xf32> to vector<256x256xbf16>
      %dot_general3A_589 = arith.constant dense<0.000000e+00> : vector<256x64xf32>
      %dot_general3A_590 = tpu.matmul %convert_element_type3A_588, %get3A_582, %dot_general3A_589 {dimension_numbers = #tpu.dot_dimension_numbers<[1], [0], [0], [1], [0, 0, 1, 1], [], []>, transpose_lhs_hint = false} : vector<256x256xbf16>, vector<256x64xbf16>, vector<256x64xf32> -> vector<256x64xf32>
      %add3A_591 = arith.addf %get3A_587, %dot_general3A_590 : vector<256x64xf32>
      %swap3A_592 = arith.constant 6 : index
      %swap3A_593 = arith.constant 0 : index
      %swap3A_594 = arith.constant 0 : index
      %swap3A_595 = vector.load %arg8[%swap3A_592, %swap3A_593, %swap3A_594] : memref<8x256x64xf32, #tpu.memory_space<vmem>>, vector<1x256x64xf32>
      %swap3A_596 = vector.shape_cast %swap3A_595 : vector<1x256x64xf32> to vector<256x64xf32>
      %swap3A_597 = vector.shape_cast %add3A_591 : vector<256x64xf32> to vector<1x256x64xf32>
      tpu.vector_store %arg8[%swap3A_592, %swap3A_593, %swap3A_594], %swap3A_597 {strides = array<i32>} : memref<8x256x64xf32, #tpu.memory_space<vmem>>, vector<1x256x64xf32>,
      %get3A_598 = arith.constant 6 : index
      %get3A_599 = arith.constant 0 : index
      %get3A_600 = arith.constant 0 : index
      %get3A_601 = vector.load %arg9[%get3A_598, %get3A_599, %get3A_600] : memref<8x256x128xf32, #tpu.memory_space<vmem>>, vector<1x256x1xf32>
      %get3A_602 = vector.shape_cast %get3A_601 : vector<1x256x1xf32> to vector<256x1xf32>
      %reduce_sum3A_603 = arith.constant dense<0.000000e+00> : vector<256xf32>
      %reduce_sum3A_604 = vector.multi_reduction <add>, %select_n3A_576, %reduce_sum3A_603 [1] : vector<256x256xf32> to vector<256xf32>
      %broadcast_in_dim3A_605 = vector.shape_cast %reduce_sum3A_604 : vector<256xf32> to vector<256x1xf32>
      %add3A_606 = arith.addf %get3A_602, %broadcast_in_dim3A_605 : vector<256x1xf32>
      %swap3A_607 = arith.constant 6 : index
      %swap3A_608 = arith.constant 0 : index
      %swap3A_609 = arith.constant 0 : index
      %swap3A_610 = vector.load %arg9[%swap3A_607, %swap3A_608, %swap3A_609] : memref<8x256x128xf32, #tpu.memory_space<vmem>>, vector<1x256x1xf32>
      %swap3A_611 = vector.shape_cast %swap3A_610 : vector<1x256x1xf32> to vector<256x1xf32>
      %swap3A_612 = vector.shape_cast %add3A_606 : vector<256x1xf32> to vector<1x256x1xf32>
      tpu.vector_store %arg9[%swap3A_607, %swap3A_608, %swap3A_609], %swap3A_612 {strides = array<i32>} : memref<8x256x128xf32, #tpu.memory_space<vmem>>, vector<1x256x1xf32>,
      %get3A_613 = arith.constant 0 : index
      %get3A_614 = arith.constant 7 : index
      %get3A_615 = arith.constant 0 : index
      %get3A_616 = arith.constant 0 : index
      %get3A_617 = vector.load %arg4[%get3A_613, %get3A_614, %get3A_615, %get3A_616] : memref<1x8x256x64xbf16, #tpu.memory_space<vmem>>, vector<1x1x256x64xbf16>
      %get3A_618 = vector.shape_cast %get3A_617 : vector<1x1x256x64xbf16> to vector<256x64xbf16>
      %get3A_619 = arith.constant 0 : index
      %get3A_620 = arith.constant 7 : index
      %get3A_621 = arith.constant 0 : index
      %get3A_622 = arith.constant 1024 : index
      %get3A_623 = vector.load %arg5[%get3A_619, %get3A_620, %get3A_621, %get3A_622] : memref<1x8x64x2048xbf16, #tpu.memory_space<vmem>>, vector<1x1x64x256xbf16>
      %get3A_624 = vector.shape_cast %get3A_623 : vector<1x1x64x256xbf16> to vector<64x256xbf16>
      %dot_general3A_625 = arith.constant dense<0.000000e+00> : vector<256x256xf32>
      %dot_general3A_626 = tpu.matmul %get3A_618, %get3A_624, %dot_general3A_625 {dimension_numbers = #tpu.dot_dimension_numbers<[1], [0], [0], [1], [0, 0, 1, 1], [], []>, transpose_lhs_hint = false} : vector<256x64xbf16>, vector<64x256xbf16>, vector<256x256xf32> -> vector<256x256xf32>
      %exp3A_627 = math.exp %dot_general3A_626 : vector<256x256xf32>
      %jit3A_628 = arith.constant 0.000000e+00 : f32
      %broadcast_in_dim3A_629 = vector.shape_cast %lt3A_225 : vector<1x256xi1> to vector<1x256xi1>
      %broadcast_in_dim3A_630 = vector.broadcast %broadcast_in_dim3A_629 : vector<1x256xi1> to vector<256x256xi1>
      %broadcast_in_dim3A_631 = vector.broadcast %jit3A_628 : f32 to vector<256x256xf32>
      %select_n3A_632 = arith.select %broadcast_in_dim3A_630, %exp3A_627, %broadcast_in_dim3A_631 : vector<256x256xi1>, vector<256x256xf32>
      %get3A_633 = arith.constant 0 : index
      %get3A_634 = arith.constant 7 : index
      %get3A_635 = arith.constant 1024 : index
      %get3A_636 = arith.constant 0 : index
      %get3A_637 = vector.load %arg6[%get3A_633, %get3A_634, %get3A_635, %get3A_636] : memref<1x8x2048x64xbf16, #tpu.memory_space<vmem>>, vector<1x1x256x64xbf16>
      %get3A_638 = vector.shape_cast %get3A_637 : vector<1x1x256x64xbf16> to vector<256x64xbf16>
      %get3A_639 = arith.constant 7 : index
      %get3A_640 = arith.constant 0 : index
      %get3A_641 = arith.constant 0 : index
      %get3A_642 = vector.load %arg8[%get3A_639, %get3A_640, %get3A_641] : memref<8x256x64xf32, #tpu.memory_space<vmem>>, vector<1x256x64xf32>
      %get3A_643 = vector.shape_cast %get3A_642 : vector<1x256x64xf32> to vector<256x64xf32>
      %convert_element_type3A_644 = arith.truncf %select_n3A_632 : vector<256x256xf32> to vector<256x256xbf16>
      %dot_general3A_645 = arith.constant dense<0.000000e+00> : vector<256x64xf32>
      %dot_general3A_646 = tpu.matmul %convert_element_type3A_644, %get3A_638, %dot_general3A_645 {dimension_numbers = #tpu.dot_dimension_numbers<[1], [0], [0], [1], [0, 0, 1, 1], [], []>, transpose_lhs_hint = false} : vector<256x256xbf16>, vector<256x64xbf16>, vector<256x64xf32> -> vector<256x64xf32>
      %add3A_647 = arith.addf %get3A_643, %dot_general3A_646 : vector<256x64xf32>
      %swap3A_648 = arith.constant 7 : index
      %swap3A_649 = arith.constant 0 : index
      %swap3A_650 = arith.constant 0 : index
      %swap3A_651 = vector.load %arg8[%swap3A_648, %swap3A_649, %swap3A_650] : memref<8x256x64xf32, #tpu.memory_space<vmem>>, vector<1x256x64xf32>
      %swap3A_652 = vector.shape_cast %swap3A_651 : vector<1x256x64xf32> to vector<256x64xf32>
      %swap3A_653 = vector.shape_cast %add3A_647 : vector<256x64xf32> to vector<1x256x64xf32>
      tpu.vector_store %arg8[%swap3A_648, %swap3A_649, %swap3A_650], %swap3A_653 {strides = array<i32>} : memref<8x256x64xf32, #tpu.memory_space<vmem>>, vector<1x256x64xf32>,
      %get3A_654 = arith.constant 7 : index
      %get3A_655 = arith.constant 0 : index
      %get3A_656 = arith.constant 0 : index
      %get3A_657 = vector.load %arg9[%get3A_654, %get3A_655, %get3A_656] : memref<8x256x128xf32, #tpu.memory_space<vmem>>, vector<1x256x1xf32>
      %get3A_658 = vector.shape_cast %get3A_657 : vector<1x256x1xf32> to vector<256x1xf32>
      %reduce_sum3A_659 = arith.constant dense<0.000000e+00> : vector<256xf32>
      %reduce_sum3A_660 = vector.multi_reduction <add>, %select_n3A_632, %reduce_sum3A_659 [1] : vector<256x256xf32> to vector<256xf32>
      %broadcast_in_dim3A_661 = vector.shape_cast %reduce_sum3A_660 : vector<256xf32> to vector<256x1xf32>
      %add3A_662 = arith.addf %get3A_658, %broadcast_in_dim3A_661 : vector<256x1xf32>
      %swap3A_663 = arith.constant 7 : index
      %swap3A_664 = arith.constant 0 : index
      %swap3A_665 = arith.constant 0 : index
      %swap3A_666 = vector.load %arg9[%swap3A_663, %swap3A_664, %swap3A_665] : memref<8x256x128xf32, #tpu.memory_space<vmem>>, vector<1x256x1xf32>
      %swap3A_667 = vector.shape_cast %swap3A_666 : vector<1x256x1xf32> to vector<256x1xf32>
      %swap3A_668 = vector.shape_cast %add3A_662 : vector<256x1xf32> to vector<1x256x1xf32>
      tpu.vector_store %arg9[%swap3A_663, %swap3A_664, %swap3A_665], %swap3A_668 {strides = array<i32>} : memref<8x256x128xf32, #tpu.memory_space<vmem>>, vector<1x256x1xf32>,
    } else {
    }
    %gt3A_34 = arith.constant 1280 : i32
    %gt3A_35 = arith.cmpi sgt, %get3A_1, %gt3A_34 : i32
    %convert_element_type3A_36 = arith.extui %gt3A_35 : i1 to i32
    %cond3A_37 = arith.constant 0 : i32
    %cond3A_38 = arith.cmpi ne, %convert_element_type3A_36, %cond3A_37 : i32
    scf.if %cond3A_38 {
      %iota3A = tpu.iota {dimensions = array<i32: 1>} : vector<1x256xi32>
      %add3A = arith.constant 1280 : i32
      %add3A_223 = vector.broadcast %add3A : i32 to vector<1x256xi32>
      %add3A_224 = arith.addi %add3A_223, %iota3A : vector<1x256xi32>
      %lt3A = vector.broadcast %get3A_1 : i32 to vector<1x256xi32>
      %lt3A_225 = arith.cmpi slt, %add3A_224, %lt3A : vector<1x256xi32>
      %get3A_226 = arith.constant 0 : index
      %get3A_227 = arith.constant 0 : index
      %get3A_228 = arith.constant 0 : index
      %get3A_229 = arith.constant 0 : index
      %get3A_230 = vector.load %arg4[%get3A_226, %get3A_227, %get3A_228, %get3A_229] : memref<1x8x256x64xbf16, #tpu.memory_space<vmem>>, vector<1x1x256x64xbf16>
      %get3A_231 = vector.shape_cast %get3A_230 : vector<1x1x256x64xbf16> to vector<256x64xbf16>
      %get3A_232 = arith.constant 0 : index
      %get3A_233 = arith.constant 0 : index
      %get3A_234 = arith.constant 0 : index
      %get3A_235 = arith.constant 1280 : index
      %get3A_236 = vector.load %arg5[%get3A_232, %get3A_233, %get3A_234, %get3A_235] : memref<1x8x64x2048xbf16, #tpu.memory_space<vmem>>, vector<1x1x64x256xbf16>
      %get3A_237 = vector.shape_cast %get3A_236 : vector<1x1x64x256xbf16> to vector<64x256xbf16>
      %dot_general3A = arith.constant dense<0.000000e+00> : vector<256x256xf32>
      %dot_general3A_238 = tpu.matmul %get3A_231, %get3A_237, %dot_general3A {dimension_numbers = #tpu.dot_dimension_numbers<[1], [0], [0], [1], [0, 0, 1, 1], [], []>, transpose_lhs_hint = false} : vector<256x64xbf16>, vector<64x256xbf16>, vector<256x256xf32> -> vector<256x256xf32>
      %exp3A = math.exp %dot_general3A_238 : vector<256x256xf32>
      %jit3A = arith.constant 0.000000e+00 : f32
      %broadcast_in_dim3A_239 = vector.shape_cast %lt3A_225 : vector<1x256xi1> to vector<1x256xi1>
      %broadcast_in_dim3A_240 = vector.broadcast %broadcast_in_dim3A_239 : vector<1x256xi1> to vector<256x256xi1>
      %broadcast_in_dim3A_241 = vector.broadcast %jit3A : f32 to vector<256x256xf32>
      %select_n3A = arith.select %broadcast_in_dim3A_240, %exp3A, %broadcast_in_dim3A_241 : vector<256x256xi1>, vector<256x256xf32>
      %get3A_242 = arith.constant 0 : index
      %get3A_243 = arith.constant 0 : index
      %get3A_244 = arith.constant 1280 : index
      %get3A_245 = arith.constant 0 : index
      %get3A_246 = vector.load %arg6[%get3A_242, %get3A_243, %get3A_244, %get3A_245] : memref<1x8x2048x64xbf16, #tpu.memory_space<vmem>>, vector<1x1x256x64xbf16>
      %get3A_247 = vector.shape_cast %get3A_246 : vector<1x1x256x64xbf16> to vector<256x64xbf16>
      %get3A_248 = arith.constant 0 : index
      %get3A_249 = arith.constant 0 : index
      %get3A_250 = arith.constant 0 : index
      %get3A_251 = vector.load %arg8[%get3A_248, %get3A_249, %get3A_250] : memref<8x256x64xf32, #tpu.memory_space<vmem>>, vector<1x256x64xf32>
      %get3A_252 = vector.shape_cast %get3A_251 : vector<1x256x64xf32> to vector<256x64xf32>
      %convert_element_type3A_253 = arith.truncf %select_n3A : vector<256x256xf32> to vector<256x256xbf16>
      %dot_general3A_254 = arith.constant dense<0.000000e+00> : vector<256x64xf32>
      %dot_general3A_255 = tpu.matmul %convert_element_type3A_253, %get3A_247, %dot_general3A_254 {dimension_numbers = #tpu.dot_dimension_numbers<[1], [0], [0], [1], [0, 0, 1, 1], [], []>, transpose_lhs_hint = false} : vector<256x256xbf16>, vector<256x64xbf16>, vector<256x64xf32> -> vector<256x64xf32>
      %add3A_256 = arith.addf %get3A_252, %dot_general3A_255 : vector<256x64xf32>
      %swap3A_257 = arith.constant 0 : index
      %swap3A_258 = arith.constant 0 : index
      %swap3A_259 = arith.constant 0 : index
      %swap3A_260 = vector.load %arg8[%swap3A_257, %swap3A_258, %swap3A_259] : memref<8x256x64xf32, #tpu.memory_space<vmem>>, vector<1x256x64xf32>
      %swap3A_261 = vector.shape_cast %swap3A_260 : vector<1x256x64xf32> to vector<256x64xf32>
      %swap3A_262 = vector.shape_cast %add3A_256 : vector<256x64xf32> to vector<1x256x64xf32>
      tpu.vector_store %arg8[%swap3A_257, %swap3A_258, %swap3A_259], %swap3A_262 {strides = array<i32>} : memref<8x256x64xf32, #tpu.memory_space<vmem>>, vector<1x256x64xf32>,
      %get3A_263 = arith.constant 0 : index
      %get3A_264 = arith.constant 0 : index
      %get3A_265 = arith.constant 0 : index
      %get3A_266 = vector.load %arg9[%get3A_263, %get3A_264, %get3A_265] : memref<8x256x128xf32, #tpu.memory_space<vmem>>, vector<1x256x1xf32>
      %get3A_267 = vector.shape_cast %get3A_266 : vector<1x256x1xf32> to vector<256x1xf32>
      %reduce_sum3A = arith.constant dense<0.000000e+00> : vector<256xf32>
      %reduce_sum3A_268 = vector.multi_reduction <add>, %select_n3A, %reduce_sum3A [1] : vector<256x256xf32> to vector<256xf32>
      %broadcast_in_dim3A_269 = vector.shape_cast %reduce_sum3A_268 : vector<256xf32> to vector<256x1xf32>
      %add3A_270 = arith.addf %get3A_267, %broadcast_in_dim3A_269 : vector<256x1xf32>
      %swap3A_271 = arith.constant 0 : index
      %swap3A_272 = arith.constant 0 : index
      %swap3A_273 = arith.constant 0 : index
      %swap3A_274 = vector.load %arg9[%swap3A_271, %swap3A_272, %swap3A_273] : memref<8x256x128xf32, #tpu.memory_space<vmem>>, vector<1x256x1xf32>
      %swap3A_275 = vector.shape_cast %swap3A_274 : vector<1x256x1xf32> to vector<256x1xf32>
      %swap3A_276 = vector.shape_cast %add3A_270 : vector<256x1xf32> to vector<1x256x1xf32>
      tpu.vector_store %arg9[%swap3A_271, %swap3A_272, %swap3A_273], %swap3A_276 {strides = array<i32>} : memref<8x256x128xf32, #tpu.memory_space<vmem>>, vector<1x256x1xf32>,
      %get3A_277 = arith.constant 0 : index
      %get3A_278 = arith.constant 1 : index
      %get3A_279 = arith.constant 0 : index
      %get3A_280 = arith.constant 0 : index
      %get3A_281 = vector.load %arg4[%get3A_277, %get3A_278, %get3A_279, %get3A_280] : memref<1x8x256x64xbf16, #tpu.memory_space<vmem>>, vector<1x1x256x64xbf16>
      %get3A_282 = vector.shape_cast %get3A_281 : vector<1x1x256x64xbf16> to vector<256x64xbf16>
      %get3A_283 = arith.constant 0 : index
      %get3A_284 = arith.constant 1 : index
      %get3A_285 = arith.constant 0 : index
      %get3A_286 = arith.constant 1280 : index
      %get3A_287 = vector.load %arg5[%get3A_283, %get3A_284, %get3A_285, %get3A_286] : memref<1x8x64x2048xbf16, #tpu.memory_space<vmem>>, vector<1x1x64x256xbf16>
      %get3A_288 = vector.shape_cast %get3A_287 : vector<1x1x64x256xbf16> to vector<64x256xbf16>
      %dot_general3A_289 = arith.constant dense<0.000000e+00> : vector<256x256xf32>
      %dot_general3A_290 = tpu.matmul %get3A_282, %get3A_288, %dot_general3A_289 {dimension_numbers = #tpu.dot_dimension_numbers<[1], [0], [0], [1], [0, 0, 1, 1], [], []>, transpose_lhs_hint = false} : vector<256x64xbf16>, vector<64x256xbf16>, vector<256x256xf32> -> vector<256x256xf32>
      %exp3A_291 = math.exp %dot_general3A_290 : vector<256x256xf32>
      %jit3A_292 = arith.constant 0.000000e+00 : f32
      %broadcast_in_dim3A_293 = vector.shape_cast %lt3A_225 : vector<1x256xi1> to vector<1x256xi1>
      %broadcast_in_dim3A_294 = vector.broadcast %broadcast_in_dim3A_293 : vector<1x256xi1> to vector<256x256xi1>
      %broadcast_in_dim3A_295 = vector.broadcast %jit3A_292 : f32 to vector<256x256xf32>
      %select_n3A_296 = arith.select %broadcast_in_dim3A_294, %exp3A_291, %broadcast_in_dim3A_295 : vector<256x256xi1>, vector<256x256xf32>
      %get3A_297 = arith.constant 0 : index
      %get3A_298 = arith.constant 1 : index
      %get3A_299 = arith.constant 1280 : index
      %get3A_300 = arith.constant 0 : index
      %get3A_301 = vector.load %arg6[%get3A_297, %get3A_298, %get3A_299, %get3A_300] : memref<1x8x2048x64xbf16, #tpu.memory_space<vmem>>, vector<1x1x256x64xbf16>
      %get3A_302 = vector.shape_cast %get3A_301 : vector<1x1x256x64xbf16> to vector<256x64xbf16>
      %get3A_303 = arith.constant 1 : index
      %get3A_304 = arith.constant 0 : index
      %get3A_305 = arith.constant 0 : index
      %get3A_306 = vector.load %arg8[%get3A_303, %get3A_304, %get3A_305] : memref<8x256x64xf32, #tpu.memory_space<vmem>>, vector<1x256x64xf32>
      %get3A_307 = vector.shape_cast %get3A_306 : vector<1x256x64xf32> to vector<256x64xf32>
      %convert_element_type3A_308 = arith.truncf %select_n3A_296 : vector<256x256xf32> to vector<256x256xbf16>
      %dot_general3A_309 = arith.constant dense<0.000000e+00> : vector<256x64xf32>
      %dot_general3A_310 = tpu.matmul %convert_element_type3A_308, %get3A_302, %dot_general3A_309 {dimension_numbers = #tpu.dot_dimension_numbers<[1], [0], [0], [1], [0, 0, 1, 1], [], []>, transpose_lhs_hint = false} : vector<256x256xbf16>, vector<256x64xbf16>, vector<256x64xf32> -> vector<256x64xf32>
      %add3A_311 = arith.addf %get3A_307, %dot_general3A_310 : vector<256x64xf32>
      %swap3A_312 = arith.constant 1 : index
      %swap3A_313 = arith.constant 0 : index
      %swap3A_314 = arith.constant 0 : index
      %swap3A_315 = vector.load %arg8[%swap3A_312, %swap3A_313, %swap3A_314] : memref<8x256x64xf32, #tpu.memory_space<vmem>>, vector<1x256x64xf32>
      %swap3A_316 = vector.shape_cast %swap3A_315 : vector<1x256x64xf32> to vector<256x64xf32>
      %swap3A_317 = vector.shape_cast %add3A_311 : vector<256x64xf32> to vector<1x256x64xf32>
      tpu.vector_store %arg8[%swap3A_312, %swap3A_313, %swap3A_314], %swap3A_317 {strides = array<i32>} : memref<8x256x64xf32, #tpu.memory_space<vmem>>, vector<1x256x64xf32>,
      %get3A_318 = arith.constant 1 : index
      %get3A_319 = arith.constant 0 : index
      %get3A_320 = arith.constant 0 : index
      %get3A_321 = vector.load %arg9[%get3A_318, %get3A_319, %get3A_320] : memref<8x256x128xf32, #tpu.memory_space<vmem>>, vector<1x256x1xf32>
      %get3A_322 = vector.shape_cast %get3A_321 : vector<1x256x1xf32> to vector<256x1xf32>
      %reduce_sum3A_323 = arith.constant dense<0.000000e+00> : vector<256xf32>
      %reduce_sum3A_324 = vector.multi_reduction <add>, %select_n3A_296, %reduce_sum3A_323 [1] : vector<256x256xf32> to vector<256xf32>
      %broadcast_in_dim3A_325 = vector.shape_cast %reduce_sum3A_324 : vector<256xf32> to vector<256x1xf32>
      %add3A_326 = arith.addf %get3A_322, %broadcast_in_dim3A_325 : vector<256x1xf32>
      %swap3A_327 = arith.constant 1 : index
      %swap3A_328 = arith.constant 0 : index
      %swap3A_329 = arith.constant 0 : index
      %swap3A_330 = vector.load %arg9[%swap3A_327, %swap3A_328, %swap3A_329] : memref<8x256x128xf32, #tpu.memory_space<vmem>>, vector<1x256x1xf32>
      %swap3A_331 = vector.shape_cast %swap3A_330 : vector<1x256x1xf32> to vector<256x1xf32>
      %swap3A_332 = vector.shape_cast %add3A_326 : vector<256x1xf32> to vector<1x256x1xf32>
      tpu.vector_store %arg9[%swap3A_327, %swap3A_328, %swap3A_329], %swap3A_332 {strides = array<i32>} : memref<8x256x128xf32, #tpu.memory_space<vmem>>, vector<1x256x1xf32>,
      %get3A_333 = arith.constant 0 : index
      %get3A_334 = arith.constant 2 : index
      %get3A_335 = arith.constant 0 : index
      %get3A_336 = arith.constant 0 : index
      %get3A_337 = vector.load %arg4[%get3A_333, %get3A_334, %get3A_335, %get3A_336] : memref<1x8x256x64xbf16, #tpu.memory_space<vmem>>, vector<1x1x256x64xbf16>
      %get3A_338 = vector.shape_cast %get3A_337 : vector<1x1x256x64xbf16> to vector<256x64xbf16>
      %get3A_339 = arith.constant 0 : index
      %get3A_340 = arith.constant 2 : index
      %get3A_341 = arith.constant 0 : index
      %get3A_342 = arith.constant 1280 : index
      %get3A_343 = vector.load %arg5[%get3A_339, %get3A_340, %get3A_341, %get3A_342] : memref<1x8x64x2048xbf16, #tpu.memory_space<vmem>>, vector<1x1x64x256xbf16>
      %get3A_344 = vector.shape_cast %get3A_343 : vector<1x1x64x256xbf16> to vector<64x256xbf16>
      %dot_general3A_345 = arith.constant dense<0.000000e+00> : vector<256x256xf32>
      %dot_general3A_346 = tpu.matmul %get3A_338, %get3A_344, %dot_general3A_345 {dimension_numbers = #tpu.dot_dimension_numbers<[1], [0], [0], [1], [0, 0, 1, 1], [], []>, transpose_lhs_hint = false} : vector<256x64xbf16>, vector<64x256xbf16>, vector<256x256xf32> -> vector<256x256xf32>
      %exp3A_347 = math.exp %dot_general3A_346 : vector<256x256xf32>
      %jit3A_348 = arith.constant 0.000000e+00 : f32
      %broadcast_in_dim3A_349 = vector.shape_cast %lt3A_225 : vector<1x256xi1> to vector<1x256xi1>
      %broadcast_in_dim3A_350 = vector.broadcast %broadcast_in_dim3A_349 : vector<1x256xi1> to vector<256x256xi1>
      %broadcast_in_dim3A_351 = vector.broadcast %jit3A_348 : f32 to vector<256x256xf32>
      %select_n3A_352 = arith.select %broadcast_in_dim3A_350, %exp3A_347, %broadcast_in_dim3A_351 : vector<256x256xi1>, vector<256x256xf32>
      %get3A_353 = arith.constant 0 : index
      %get3A_354 = arith.constant 2 : index
      %get3A_355 = arith.constant 1280 : index
      %get3A_356 = arith.constant 0 : index
      %get3A_357 = vector.load %arg6[%get3A_353, %get3A_354, %get3A_355, %get3A_356] : memref<1x8x2048x64xbf16, #tpu.memory_space<vmem>>, vector<1x1x256x64xbf16>
      %get3A_358 = vector.shape_cast %get3A_357 : vector<1x1x256x64xbf16> to vector<256x64xbf16>
      %get3A_359 = arith.constant 2 : index
      %get3A_360 = arith.constant 0 : index
      %get3A_361 = arith.constant 0 : index
      %get3A_362 = vector.load %arg8[%get3A_359, %get3A_360, %get3A_361] : memref<8x256x64xf32, #tpu.memory_space<vmem>>, vector<1x256x64xf32>
      %get3A_363 = vector.shape_cast %get3A_362 : vector<1x256x64xf32> to vector<256x64xf32>
      %convert_element_type3A_364 = arith.truncf %select_n3A_352 : vector<256x256xf32> to vector<256x256xbf16>
      %dot_general3A_365 = arith.constant dense<0.000000e+00> : vector<256x64xf32>
      %dot_general3A_366 = tpu.matmul %convert_element_type3A_364, %get3A_358, %dot_general3A_365 {dimension_numbers = #tpu.dot_dimension_numbers<[1], [0], [0], [1], [0, 0, 1, 1], [], []>, transpose_lhs_hint = false} : vector<256x256xbf16>, vector<256x64xbf16>, vector<256x64xf32> -> vector<256x64xf32>
      %add3A_367 = arith.addf %get3A_363, %dot_general3A_366 : vector<256x64xf32>
      %swap3A_368 = arith.constant 2 : index
      %swap3A_369 = arith.constant 0 : index
      %swap3A_370 = arith.constant 0 : index
      %swap3A_371 = vector.load %arg8[%swap3A_368, %swap3A_369, %swap3A_370] : memref<8x256x64xf32, #tpu.memory_space<vmem>>, vector<1x256x64xf32>
      %swap3A_372 = vector.shape_cast %swap3A_371 : vector<1x256x64xf32> to vector<256x64xf32>
      %swap3A_373 = vector.shape_cast %add3A_367 : vector<256x64xf32> to vector<1x256x64xf32>
      tpu.vector_store %arg8[%swap3A_368, %swap3A_369, %swap3A_370], %swap3A_373 {strides = array<i32>} : memref<8x256x64xf32, #tpu.memory_space<vmem>>, vector<1x256x64xf32>,
      %get3A_374 = arith.constant 2 : index
      %get3A_375 = arith.constant 0 : index
      %get3A_376 = arith.constant 0 : index
      %get3A_377 = vector.load %arg9[%get3A_374, %get3A_375, %get3A_376] : memref<8x256x128xf32, #tpu.memory_space<vmem>>, vector<1x256x1xf32>
      %get3A_378 = vector.shape_cast %get3A_377 : vector<1x256x1xf32> to vector<256x1xf32>
      %reduce_sum3A_379 = arith.constant dense<0.000000e+00> : vector<256xf32>
      %reduce_sum3A_380 = vector.multi_reduction <add>, %select_n3A_352, %reduce_sum3A_379 [1] : vector<256x256xf32> to vector<256xf32>
      %broadcast_in_dim3A_381 = vector.shape_cast %reduce_sum3A_380 : vector<256xf32> to vector<256x1xf32>
      %add3A_382 = arith.addf %get3A_378, %broadcast_in_dim3A_381 : vector<256x1xf32>
      %swap3A_383 = arith.constant 2 : index
      %swap3A_384 = arith.constant 0 : index
      %swap3A_385 = arith.constant 0 : index
      %swap3A_386 = vector.load %arg9[%swap3A_383, %swap3A_384, %swap3A_385] : memref<8x256x128xf32, #tpu.memory_space<vmem>>, vector<1x256x1xf32>
      %swap3A_387 = vector.shape_cast %swap3A_386 : vector<1x256x1xf32> to vector<256x1xf32>
      %swap3A_388 = vector.shape_cast %add3A_382 : vector<256x1xf32> to vector<1x256x1xf32>
      tpu.vector_store %arg9[%swap3A_383, %swap3A_384, %swap3A_385], %swap3A_388 {strides = array<i32>} : memref<8x256x128xf32, #tpu.memory_space<vmem>>, vector<1x256x1xf32>,
      %get3A_389 = arith.constant 0 : index
      %get3A_390 = arith.constant 3 : index
      %get3A_391 = arith.constant 0 : index
      %get3A_392 = arith.constant 0 : index
      %get3A_393 = vector.load %arg4[%get3A_389, %get3A_390, %get3A_391, %get3A_392] : memref<1x8x256x64xbf16, #tpu.memory_space<vmem>>, vector<1x1x256x64xbf16>
      %get3A_394 = vector.shape_cast %get3A_393 : vector<1x1x256x64xbf16> to vector<256x64xbf16>
      %get3A_395 = arith.constant 0 : index
      %get3A_396 = arith.constant 3 : index
      %get3A_397 = arith.constant 0 : index
      %get3A_398 = arith.constant 1280 : index
      %get3A_399 = vector.load %arg5[%get3A_395, %get3A_396, %get3A_397, %get3A_398] : memref<1x8x64x2048xbf16, #tpu.memory_space<vmem>>, vector<1x1x64x256xbf16>
      %get3A_400 = vector.shape_cast %get3A_399 : vector<1x1x64x256xbf16> to vector<64x256xbf16>
      %dot_general3A_401 = arith.constant dense<0.000000e+00> : vector<256x256xf32>
      %dot_general3A_402 = tpu.matmul %get3A_394, %get3A_400, %dot_general3A_401 {dimension_numbers = #tpu.dot_dimension_numbers<[1], [0], [0], [1], [0, 0, 1, 1], [], []>, transpose_lhs_hint = false} : vector<256x64xbf16>, vector<64x256xbf16>, vector<256x256xf32> -> vector<256x256xf32>
      %exp3A_403 = math.exp %dot_general3A_402 : vector<256x256xf32>
      %jit3A_404 = arith.constant 0.000000e+00 : f32
      %broadcast_in_dim3A_405 = vector.shape_cast %lt3A_225 : vector<1x256xi1> to vector<1x256xi1>
      %broadcast_in_dim3A_406 = vector.broadcast %broadcast_in_dim3A_405 : vector<1x256xi1> to vector<256x256xi1>
      %broadcast_in_dim3A_407 = vector.broadcast %jit3A_404 : f32 to vector<256x256xf32>
      %select_n3A_408 = arith.select %broadcast_in_dim3A_406, %exp3A_403, %broadcast_in_dim3A_407 : vector<256x256xi1>, vector<256x256xf32>
      %get3A_409 = arith.constant 0 : index
      %get3A_410 = arith.constant 3 : index
      %get3A_411 = arith.constant 1280 : index
      %get3A_412 = arith.constant 0 : index
      %get3A_413 = vector.load %arg6[%get3A_409, %get3A_410, %get3A_411, %get3A_412] : memref<1x8x2048x64xbf16, #tpu.memory_space<vmem>>, vector<1x1x256x64xbf16>
      %get3A_414 = vector.shape_cast %get3A_413 : vector<1x1x256x64xbf16> to vector<256x64xbf16>
      %get3A_415 = arith.constant 3 : index
      %get3A_416 = arith.constant 0 : index
      %get3A_417 = arith.constant 0 : index
      %get3A_418 = vector.load %arg8[%get3A_415, %get3A_416, %get3A_417] : memref<8x256x64xf32, #tpu.memory_space<vmem>>, vector<1x256x64xf32>
      %get3A_419 = vector.shape_cast %get3A_418 : vector<1x256x64xf32> to vector<256x64xf32>
      %convert_element_type3A_420 = arith.truncf %select_n3A_408 : vector<256x256xf32> to vector<256x256xbf16>
      %dot_general3A_421 = arith.constant dense<0.000000e+00> : vector<256x64xf32>
      %dot_general3A_422 = tpu.matmul %convert_element_type3A_420, %get3A_414, %dot_general3A_421 {dimension_numbers = #tpu.dot_dimension_numbers<[1], [0], [0], [1], [0, 0, 1, 1], [], []>, transpose_lhs_hint = false} : vector<256x256xbf16>, vector<256x64xbf16>, vector<256x64xf32> -> vector<256x64xf32>
      %add3A_423 = arith.addf %get3A_419, %dot_general3A_422 : vector<256x64xf32>
      %swap3A_424 = arith.constant 3 : index
      %swap3A_425 = arith.constant 0 : index
      %swap3A_426 = arith.constant 0 : index
      %swap3A_427 = vector.load %arg8[%swap3A_424, %swap3A_425, %swap3A_426] : memref<8x256x64xf32, #tpu.memory_space<vmem>>, vector<1x256x64xf32>
      %swap3A_428 = vector.shape_cast %swap3A_427 : vector<1x256x64xf32> to vector<256x64xf32>
      %swap3A_429 = vector.shape_cast %add3A_423 : vector<256x64xf32> to vector<1x256x64xf32>
      tpu.vector_store %arg8[%swap3A_424, %swap3A_425, %swap3A_426], %swap3A_429 {strides = array<i32>} : memref<8x256x64xf32, #tpu.memory_space<vmem>>, vector<1x256x64xf32>,
      %get3A_430 = arith.constant 3 : index
      %get3A_431 = arith.constant 0 : index
      %get3A_432 = arith.constant 0 : index
      %get3A_433 = vector.load %arg9[%get3A_430, %get3A_431, %get3A_432] : memref<8x256x128xf32, #tpu.memory_space<vmem>>, vector<1x256x1xf32>
      %get3A_434 = vector.shape_cast %get3A_433 : vector<1x256x1xf32> to vector<256x1xf32>
      %reduce_sum3A_435 = arith.constant dense<0.000000e+00> : vector<256xf32>
      %reduce_sum3A_436 = vector.multi_reduction <add>, %select_n3A_408, %reduce_sum3A_435 [1] : vector<256x256xf32> to vector<256xf32>
      %broadcast_in_dim3A_437 = vector.shape_cast %reduce_sum3A_436 : vector<256xf32> to vector<256x1xf32>
      %add3A_438 = arith.addf %get3A_434, %broadcast_in_dim3A_437 : vector<256x1xf32>
      %swap3A_439 = arith.constant 3 : index
      %swap3A_440 = arith.constant 0 : index
      %swap3A_441 = arith.constant 0 : index
      %swap3A_442 = vector.load %arg9[%swap3A_439, %swap3A_440, %swap3A_441] : memref<8x256x128xf32, #tpu.memory_space<vmem>>, vector<1x256x1xf32>
      %swap3A_443 = vector.shape_cast %swap3A_442 : vector<1x256x1xf32> to vector<256x1xf32>
      %swap3A_444 = vector.shape_cast %add3A_438 : vector<256x1xf32> to vector<1x256x1xf32>
      tpu.vector_store %arg9[%swap3A_439, %swap3A_440, %swap3A_441], %swap3A_444 {strides = array<i32>} : memref<8x256x128xf32, #tpu.memory_space<vmem>>, vector<1x256x1xf32>,
      %get3A_445 = arith.constant 0 : index
      %get3A_446 = arith.constant 4 : index
      %get3A_447 = arith.constant 0 : index
      %get3A_448 = arith.constant 0 : index
      %get3A_449 = vector.load %arg4[%get3A_445, %get3A_446, %get3A_447, %get3A_448] : memref<1x8x256x64xbf16, #tpu.memory_space<vmem>>, vector<1x1x256x64xbf16>
      %get3A_450 = vector.shape_cast %get3A_449 : vector<1x1x256x64xbf16> to vector<256x64xbf16>
      %get3A_451 = arith.constant 0 : index
      %get3A_452 = arith.constant 4 : index
      %get3A_453 = arith.constant 0 : index
      %get3A_454 = arith.constant 1280 : index
      %get3A_455 = vector.load %arg5[%get3A_451, %get3A_452, %get3A_453, %get3A_454] : memref<1x8x64x2048xbf16, #tpu.memory_space<vmem>>, vector<1x1x64x256xbf16>
      %get3A_456 = vector.shape_cast %get3A_455 : vector<1x1x64x256xbf16> to vector<64x256xbf16>
      %dot_general3A_457 = arith.constant dense<0.000000e+00> : vector<256x256xf32>
      %dot_general3A_458 = tpu.matmul %get3A_450, %get3A_456, %dot_general3A_457 {dimension_numbers = #tpu.dot_dimension_numbers<[1], [0], [0], [1], [0, 0, 1, 1], [], []>, transpose_lhs_hint = false} : vector<256x64xbf16>, vector<64x256xbf16>, vector<256x256xf32> -> vector<256x256xf32>
      %exp3A_459 = math.exp %dot_general3A_458 : vector<256x256xf32>
      %jit3A_460 = arith.constant 0.000000e+00 : f32
      %broadcast_in_dim3A_461 = vector.shape_cast %lt3A_225 : vector<1x256xi1> to vector<1x256xi1>
      %broadcast_in_dim3A_462 = vector.broadcast %broadcast_in_dim3A_461 : vector<1x256xi1> to vector<256x256xi1>
      %broadcast_in_dim3A_463 = vector.broadcast %jit3A_460 : f32 to vector<256x256xf32>
      %select_n3A_464 = arith.select %broadcast_in_dim3A_462, %exp3A_459, %broadcast_in_dim3A_463 : vector<256x256xi1>, vector<256x256xf32>
      %get3A_465 = arith.constant 0 : index
      %get3A_466 = arith.constant 4 : index
      %get3A_467 = arith.constant 1280 : index
      %get3A_468 = arith.constant 0 : index
      %get3A_469 = vector.load %arg6[%get3A_465, %get3A_466, %get3A_467, %get3A_468] : memref<1x8x2048x64xbf16, #tpu.memory_space<vmem>>, vector<1x1x256x64xbf16>
      %get3A_470 = vector.shape_cast %get3A_469 : vector<1x1x256x64xbf16> to vector<256x64xbf16>
      %get3A_471 = arith.constant 4 : index
      %get3A_472 = arith.constant 0 : index
      %get3A_473 = arith.constant 0 : index
      %get3A_474 = vector.load %arg8[%get3A_471, %get3A_472, %get3A_473] : memref<8x256x64xf32, #tpu.memory_space<vmem>>, vector<1x256x64xf32>
      %get3A_475 = vector.shape_cast %get3A_474 : vector<1x256x64xf32> to vector<256x64xf32>
      %convert_element_type3A_476 = arith.truncf %select_n3A_464 : vector<256x256xf32> to vector<256x256xbf16>
      %dot_general3A_477 = arith.constant dense<0.000000e+00> : vector<256x64xf32>
      %dot_general3A_478 = tpu.matmul %convert_element_type3A_476, %get3A_470, %dot_general3A_477 {dimension_numbers = #tpu.dot_dimension_numbers<[1], [0], [0], [1], [0, 0, 1, 1], [], []>, transpose_lhs_hint = false} : vector<256x256xbf16>, vector<256x64xbf16>, vector<256x64xf32> -> vector<256x64xf32>
      %add3A_479 = arith.addf %get3A_475, %dot_general3A_478 : vector<256x64xf32>
      %swap3A_480 = arith.constant 4 : index
      %swap3A_481 = arith.constant 0 : index
      %swap3A_482 = arith.constant 0 : index
      %swap3A_483 = vector.load %arg8[%swap3A_480, %swap3A_481, %swap3A_482] : memref<8x256x64xf32, #tpu.memory_space<vmem>>, vector<1x256x64xf32>
      %swap3A_484 = vector.shape_cast %swap3A_483 : vector<1x256x64xf32> to vector<256x64xf32>
      %swap3A_485 = vector.shape_cast %add3A_479 : vector<256x64xf32> to vector<1x256x64xf32>
      tpu.vector_store %arg8[%swap3A_480, %swap3A_481, %swap3A_482], %swap3A_485 {strides = array<i32>} : memref<8x256x64xf32, #tpu.memory_space<vmem>>, vector<1x256x64xf32>,
      %get3A_486 = arith.constant 4 : index
      %get3A_487 = arith.constant 0 : index
      %get3A_488 = arith.constant 0 : index
      %get3A_489 = vector.load %arg9[%get3A_486, %get3A_487, %get3A_488] : memref<8x256x128xf32, #tpu.memory_space<vmem>>, vector<1x256x1xf32>
      %get3A_490 = vector.shape_cast %get3A_489 : vector<1x256x1xf32> to vector<256x1xf32>
      %reduce_sum3A_491 = arith.constant dense<0.000000e+00> : vector<256xf32>
      %reduce_sum3A_492 = vector.multi_reduction <add>, %select_n3A_464, %reduce_sum3A_491 [1] : vector<256x256xf32> to vector<256xf32>
      %broadcast_in_dim3A_493 = vector.shape_cast %reduce_sum3A_492 : vector<256xf32> to vector<256x1xf32>
      %add3A_494 = arith.addf %get3A_490, %broadcast_in_dim3A_493 : vector<256x1xf32>
      %swap3A_495 = arith.constant 4 : index
      %swap3A_496 = arith.constant 0 : index
      %swap3A_497 = arith.constant 0 : index
      %swap3A_498 = vector.load %arg9[%swap3A_495, %swap3A_496, %swap3A_497] : memref<8x256x128xf32, #tpu.memory_space<vmem>>, vector<1x256x1xf32>
      %swap3A_499 = vector.shape_cast %swap3A_498 : vector<1x256x1xf32> to vector<256x1xf32>
      %swap3A_500 = vector.shape_cast %add3A_494 : vector<256x1xf32> to vector<1x256x1xf32>
      tpu.vector_store %arg9[%swap3A_495, %swap3A_496, %swap3A_497], %swap3A_500 {strides = array<i32>} : memref<8x256x128xf32, #tpu.memory_space<vmem>>, vector<1x256x1xf32>,
      %get3A_501 = arith.constant 0 : index
      %get3A_502 = arith.constant 5 : index
      %get3A_503 = arith.constant 0 : index
      %get3A_504 = arith.constant 0 : index
      %get3A_505 = vector.load %arg4[%get3A_501, %get3A_502, %get3A_503, %get3A_504] : memref<1x8x256x64xbf16, #tpu.memory_space<vmem>>, vector<1x1x256x64xbf16>
      %get3A_506 = vector.shape_cast %get3A_505 : vector<1x1x256x64xbf16> to vector<256x64xbf16>
      %get3A_507 = arith.constant 0 : index
      %get3A_508 = arith.constant 5 : index
      %get3A_509 = arith.constant 0 : index
      %get3A_510 = arith.constant 1280 : index
      %get3A_511 = vector.load %arg5[%get3A_507, %get3A_508, %get3A_509, %get3A_510] : memref<1x8x64x2048xbf16, #tpu.memory_space<vmem>>, vector<1x1x64x256xbf16>
      %get3A_512 = vector.shape_cast %get3A_511 : vector<1x1x64x256xbf16> to vector<64x256xbf16>
      %dot_general3A_513 = arith.constant dense<0.000000e+00> : vector<256x256xf32>
      %dot_general3A_514 = tpu.matmul %get3A_506, %get3A_512, %dot_general3A_513 {dimension_numbers = #tpu.dot_dimension_numbers<[1], [0], [0], [1], [0, 0, 1, 1], [], []>, transpose_lhs_hint = false} : vector<256x64xbf16>, vector<64x256xbf16>, vector<256x256xf32> -> vector<256x256xf32>
      %exp3A_515 = math.exp %dot_general3A_514 : vector<256x256xf32>
      %jit3A_516 = arith.constant 0.000000e+00 : f32
      %broadcast_in_dim3A_517 = vector.shape_cast %lt3A_225 : vector<1x256xi1> to vector<1x256xi1>
      %broadcast_in_dim3A_518 = vector.broadcast %broadcast_in_dim3A_517 : vector<1x256xi1> to vector<256x256xi1>
      %broadcast_in_dim3A_519 = vector.broadcast %jit3A_516 : f32 to vector<256x256xf32>
      %select_n3A_520 = arith.select %broadcast_in_dim3A_518, %exp3A_515, %broadcast_in_dim3A_519 : vector<256x256xi1>, vector<256x256xf32>
      %get3A_521 = arith.constant 0 : index
      %get3A_522 = arith.constant 5 : index
      %get3A_523 = arith.constant 1280 : index
      %get3A_524 = arith.constant 0 : index
      %get3A_525 = vector.load %arg6[%get3A_521, %get3A_522, %get3A_523, %get3A_524] : memref<1x8x2048x64xbf16, #tpu.memory_space<vmem>>, vector<1x1x256x64xbf16>
      %get3A_526 = vector.shape_cast %get3A_525 : vector<1x1x256x64xbf16> to vector<256x64xbf16>
      %get3A_527 = arith.constant 5 : index
      %get3A_528 = arith.constant 0 : index
      %get3A_529 = arith.constant 0 : index
      %get3A_530 = vector.load %arg8[%get3A_527, %get3A_528, %get3A_529] : memref<8x256x64xf32, #tpu.memory_space<vmem>>, vector<1x256x64xf32>
      %get3A_531 = vector.shape_cast %get3A_530 : vector<1x256x64xf32> to vector<256x64xf32>
      %convert_element_type3A_532 = arith.truncf %select_n3A_520 : vector<256x256xf32> to vector<256x256xbf16>
      %dot_general3A_533 = arith.constant dense<0.000000e+00> : vector<256x64xf32>
      %dot_general3A_534 = tpu.matmul %convert_element_type3A_532, %get3A_526, %dot_general3A_533 {dimension_numbers = #tpu.dot_dimension_numbers<[1], [0], [0], [1], [0, 0, 1, 1], [], []>, transpose_lhs_hint = false} : vector<256x256xbf16>, vector<256x64xbf16>, vector<256x64xf32> -> vector<256x64xf32>
      %add3A_535 = arith.addf %get3A_531, %dot_general3A_534 : vector<256x64xf32>
      %swap3A_536 = arith.constant 5 : index
      %swap3A_537 = arith.constant 0 : index
      %swap3A_538 = arith.constant 0 : index
      %swap3A_539 = vector.load %arg8[%swap3A_536, %swap3A_537, %swap3A_538] : memref<8x256x64xf32, #tpu.memory_space<vmem>>, vector<1x256x64xf32>
      %swap3A_540 = vector.shape_cast %swap3A_539 : vector<1x256x64xf32> to vector<256x64xf32>
      %swap3A_541 = vector.shape_cast %add3A_535 : vector<256x64xf32> to vector<1x256x64xf32>
      tpu.vector_store %arg8[%swap3A_536, %swap3A_537, %swap3A_538], %swap3A_541 {strides = array<i32>} : memref<8x256x64xf32, #tpu.memory_space<vmem>>, vector<1x256x64xf32>,
      %get3A_542 = arith.constant 5 : index
      %get3A_543 = arith.constant 0 : index
      %get3A_544 = arith.constant 0 : index
      %get3A_545 = vector.load %arg9[%get3A_542, %get3A_543, %get3A_544] : memref<8x256x128xf32, #tpu.memory_space<vmem>>, vector<1x256x1xf32>
      %get3A_546 = vector.shape_cast %get3A_545 : vector<1x256x1xf32> to vector<256x1xf32>
      %reduce_sum3A_547 = arith.constant dense<0.000000e+00> : vector<256xf32>
      %reduce_sum3A_548 = vector.multi_reduction <add>, %select_n3A_520, %reduce_sum3A_547 [1] : vector<256x256xf32> to vector<256xf32>
      %broadcast_in_dim3A_549 = vector.shape_cast %reduce_sum3A_548 : vector<256xf32> to vector<256x1xf32>
      %add3A_550 = arith.addf %get3A_546, %broadcast_in_dim3A_549 : vector<256x1xf32>
      %swap3A_551 = arith.constant 5 : index
      %swap3A_552 = arith.constant 0 : index
      %swap3A_553 = arith.constant 0 : index
      %swap3A_554 = vector.load %arg9[%swap3A_551, %swap3A_552, %swap3A_553] : memref<8x256x128xf32, #tpu.memory_space<vmem>>, vector<1x256x1xf32>
      %swap3A_555 = vector.shape_cast %swap3A_554 : vector<1x256x1xf32> to vector<256x1xf32>
      %swap3A_556 = vector.shape_cast %add3A_550 : vector<256x1xf32> to vector<1x256x1xf32>
      tpu.vector_store %arg9[%swap3A_551, %swap3A_552, %swap3A_553], %swap3A_556 {strides = array<i32>} : memref<8x256x128xf32, #tpu.memory_space<vmem>>, vector<1x256x1xf32>,
      %get3A_557 = arith.constant 0 : index
      %get3A_558 = arith.constant 6 : index
      %get3A_559 = arith.constant 0 : index
      %get3A_560 = arith.constant 0 : index
      %get3A_561 = vector.load %arg4[%get3A_557, %get3A_558, %get3A_559, %get3A_560] : memref<1x8x256x64xbf16, #tpu.memory_space<vmem>>, vector<1x1x256x64xbf16>
      %get3A_562 = vector.shape_cast %get3A_561 : vector<1x1x256x64xbf16> to vector<256x64xbf16>
      %get3A_563 = arith.constant 0 : index
      %get3A_564 = arith.constant 6 : index
      %get3A_565 = arith.constant 0 : index
      %get3A_566 = arith.constant 1280 : index
      %get3A_567 = vector.load %arg5[%get3A_563, %get3A_564, %get3A_565, %get3A_566] : memref<1x8x64x2048xbf16, #tpu.memory_space<vmem>>, vector<1x1x64x256xbf16>
      %get3A_568 = vector.shape_cast %get3A_567 : vector<1x1x64x256xbf16> to vector<64x256xbf16>
      %dot_general3A_569 = arith.constant dense<0.000000e+00> : vector<256x256xf32>
      %dot_general3A_570 = tpu.matmul %get3A_562, %get3A_568, %dot_general3A_569 {dimension_numbers = #tpu.dot_dimension_numbers<[1], [0], [0], [1], [0, 0, 1, 1], [], []>, transpose_lhs_hint = false} : vector<256x64xbf16>, vector<64x256xbf16>, vector<256x256xf32> -> vector<256x256xf32>
      %exp3A_571 = math.exp %dot_general3A_570 : vector<256x256xf32>
      %jit3A_572 = arith.constant 0.000000e+00 : f32
      %broadcast_in_dim3A_573 = vector.shape_cast %lt3A_225 : vector<1x256xi1> to vector<1x256xi1>
      %broadcast_in_dim3A_574 = vector.broadcast %broadcast_in_dim3A_573 : vector<1x256xi1> to vector<256x256xi1>
      %broadcast_in_dim3A_575 = vector.broadcast %jit3A_572 : f32 to vector<256x256xf32>
      %select_n3A_576 = arith.select %broadcast_in_dim3A_574, %exp3A_571, %broadcast_in_dim3A_575 : vector<256x256xi1>, vector<256x256xf32>
      %get3A_577 = arith.constant 0 : index
      %get3A_578 = arith.constant 6 : index
      %get3A_579 = arith.constant 1280 : index
      %get3A_580 = arith.constant 0 : index
      %get3A_581 = vector.load %arg6[%get3A_577, %get3A_578, %get3A_579, %get3A_580] : memref<1x8x2048x64xbf16, #tpu.memory_space<vmem>>, vector<1x1x256x64xbf16>
      %get3A_582 = vector.shape_cast %get3A_581 : vector<1x1x256x64xbf16> to vector<256x64xbf16>
      %get3A_583 = arith.constant 6 : index
      %get3A_584 = arith.constant 0 : index
      %get3A_585 = arith.constant 0 : index
      %get3A_586 = vector.load %arg8[%get3A_583, %get3A_584, %get3A_585] : memref<8x256x64xf32, #tpu.memory_space<vmem>>, vector<1x256x64xf32>
      %get3A_587 = vector.shape_cast %get3A_586 : vector<1x256x64xf32> to vector<256x64xf32>
      %convert_element_type3A_588 = arith.truncf %select_n3A_576 : vector<256x256xf32> to vector<256x256xbf16>
      %dot_general3A_589 = arith.constant dense<0.000000e+00> : vector<256x64xf32>
      %dot_general3A_590 = tpu.matmul %convert_element_type3A_588, %get3A_582, %dot_general3A_589 {dimension_numbers = #tpu.dot_dimension_numbers<[1], [0], [0], [1], [0, 0, 1, 1], [], []>, transpose_lhs_hint = false} : vector<256x256xbf16>, vector<256x64xbf16>, vector<256x64xf32> -> vector<256x64xf32>
      %add3A_591 = arith.addf %get3A_587, %dot_general3A_590 : vector<256x64xf32>
      %swap3A_592 = arith.constant 6 : index
      %swap3A_593 = arith.constant 0 : index
      %swap3A_594 = arith.constant 0 : index
      %swap3A_595 = vector.load %arg8[%swap3A_592, %swap3A_593, %swap3A_594] : memref<8x256x64xf32, #tpu.memory_space<vmem>>, vector<1x256x64xf32>
      %swap3A_596 = vector.shape_cast %swap3A_595 : vector<1x256x64xf32> to vector<256x64xf32>
      %swap3A_597 = vector.shape_cast %add3A_591 : vector<256x64xf32> to vector<1x256x64xf32>
      tpu.vector_store %arg8[%swap3A_592, %swap3A_593, %swap3A_594], %swap3A_597 {strides = array<i32>} : memref<8x256x64xf32, #tpu.memory_space<vmem>>, vector<1x256x64xf32>,
      %get3A_598 = arith.constant 6 : index
      %get3A_599 = arith.constant 0 : index
      %get3A_600 = arith.constant 0 : index
      %get3A_601 = vector.load %arg9[%get3A_598, %get3A_599, %get3A_600] : memref<8x256x128xf32, #tpu.memory_space<vmem>>, vector<1x256x1xf32>
      %get3A_602 = vector.shape_cast %get3A_601 : vector<1x256x1xf32> to vector<256x1xf32>
      %reduce_sum3A_603 = arith.constant dense<0.000000e+00> : vector<256xf32>
      %reduce_sum3A_604 = vector.multi_reduction <add>, %select_n3A_576, %reduce_sum3A_603 [1] : vector<256x256xf32> to vector<256xf32>
      %broadcast_in_dim3A_605 = vector.shape_cast %reduce_sum3A_604 : vector<256xf32> to vector<256x1xf32>
      %add3A_606 = arith.addf %get3A_602, %broadcast_in_dim3A_605 : vector<256x1xf32>
      %swap3A_607 = arith.constant 6 : index
      %swap3A_608 = arith.constant 0 : index
      %swap3A_609 = arith.constant 0 : index
      %swap3A_610 = vector.load %arg9[%swap3A_607, %swap3A_608, %swap3A_609] : memref<8x256x128xf32, #tpu.memory_space<vmem>>, vector<1x256x1xf32>
      %swap3A_611 = vector.shape_cast %swap3A_610 : vector<1x256x1xf32> to vector<256x1xf32>
      %swap3A_612 = vector.shape_cast %add3A_606 : vector<256x1xf32> to vector<1x256x1xf32>
      tpu.vector_store %arg9[%swap3A_607, %swap3A_608, %swap3A_609], %swap3A_612 {strides = array<i32>} : memref<8x256x128xf32, #tpu.memory_space<vmem>>, vector<1x256x1xf32>,
      %get3A_613 = arith.constant 0 : index
      %get3A_614 = arith.constant 7 : index
      %get3A_615 = arith.constant 0 : index
      %get3A_616 = arith.constant 0 : index
      %get3A_617 = vector.load %arg4[%get3A_613, %get3A_614, %get3A_615, %get3A_616] : memref<1x8x256x64xbf16, #tpu.memory_space<vmem>>, vector<1x1x256x64xbf16>
      %get3A_618 = vector.shape_cast %get3A_617 : vector<1x1x256x64xbf16> to vector<256x64xbf16>
      %get3A_619 = arith.constant 0 : index
      %get3A_620 = arith.constant 7 : index
      %get3A_621 = arith.constant 0 : index
      %get3A_622 = arith.constant 1280 : index
      %get3A_623 = vector.load %arg5[%get3A_619, %get3A_620, %get3A_621, %get3A_622] : memref<1x8x64x2048xbf16, #tpu.memory_space<vmem>>, vector<1x1x64x256xbf16>
      %get3A_624 = vector.shape_cast %get3A_623 : vector<1x1x64x256xbf16> to vector<64x256xbf16>
      %dot_general3A_625 = arith.constant dense<0.000000e+00> : vector<256x256xf32>
      %dot_general3A_626 = tpu.matmul %get3A_618, %get3A_624, %dot_general3A_625 {dimension_numbers = #tpu.dot_dimension_numbers<[1], [0], [0], [1], [0, 0, 1, 1], [], []>, transpose_lhs_hint = false} : vector<256x64xbf16>, vector<64x256xbf16>, vector<256x256xf32> -> vector<256x256xf32>
      %exp3A_627 = math.exp %dot_general3A_626 : vector<256x256xf32>
      %jit3A_628 = arith.constant 0.000000e+00 : f32
      %broadcast_in_dim3A_629 = vector.shape_cast %lt3A_225 : vector<1x256xi1> to vector<1x256xi1>
      %broadcast_in_dim3A_630 = vector.broadcast %broadcast_in_dim3A_629 : vector<1x256xi1> to vector<256x256xi1>
      %broadcast_in_dim3A_631 = vector.broadcast %jit3A_628 : f32 to vector<256x256xf32>
      %select_n3A_632 = arith.select %broadcast_in_dim3A_630, %exp3A_627, %broadcast_in_dim3A_631 : vector<256x256xi1>, vector<256x256xf32>
      %get3A_633 = arith.constant 0 : index
      %get3A_634 = arith.constant 7 : index
      %get3A_635 = arith.constant 1280 : index
      %get3A_636 = arith.constant 0 : index
      %get3A_637 = vector.load %arg6[%get3A_633, %get3A_634, %get3A_635, %get3A_636] : memref<1x8x2048x64xbf16, #tpu.memory_space<vmem>>, vector<1x1x256x64xbf16>
      %get3A_638 = vector.shape_cast %get3A_637 : vector<1x1x256x64xbf16> to vector<256x64xbf16>
      %get3A_639 = arith.constant 7 : index
      %get3A_640 = arith.constant 0 : index
      %get3A_641 = arith.constant 0 : index
      %get3A_642 = vector.load %arg8[%get3A_639, %get3A_640, %get3A_641] : memref<8x256x64xf32, #tpu.memory_space<vmem>>, vector<1x256x64xf32>
      %get3A_643 = vector.shape_cast %get3A_642 : vector<1x256x64xf32> to vector<256x64xf32>
      %convert_element_type3A_644 = arith.truncf %select_n3A_632 : vector<256x256xf32> to vector<256x256xbf16>
      %dot_general3A_645 = arith.constant dense<0.000000e+00> : vector<256x64xf32>
      %dot_general3A_646 = tpu.matmul %convert_element_type3A_644, %get3A_638, %dot_general3A_645 {dimension_numbers = #tpu.dot_dimension_numbers<[1], [0], [0], [1], [0, 0, 1, 1], [], []>, transpose_lhs_hint = false} : vector<256x256xbf16>, vector<256x64xbf16>, vector<256x64xf32> -> vector<256x64xf32>
      %add3A_647 = arith.addf %get3A_643, %dot_general3A_646 : vector<256x64xf32>
      %swap3A_648 = arith.constant 7 : index
      %swap3A_649 = arith.constant 0 : index
      %swap3A_650 = arith.constant 0 : index
      %swap3A_651 = vector.load %arg8[%swap3A_648, %swap3A_649, %swap3A_650] : memref<8x256x64xf32, #tpu.memory_space<vmem>>, vector<1x256x64xf32>
      %swap3A_652 = vector.shape_cast %swap3A_651 : vector<1x256x64xf32> to vector<256x64xf32>
      %swap3A_653 = vector.shape_cast %add3A_647 : vector<256x64xf32> to vector<1x256x64xf32>
      tpu.vector_store %arg8[%swap3A_648, %swap3A_649, %swap3A_650], %swap3A_653 {strides = array<i32>} : memref<8x256x64xf32, #tpu.memory_space<vmem>>, vector<1x256x64xf32>,
      %get3A_654 = arith.constant 7 : index
      %get3A_655 = arith.constant 0 : index
      %get3A_656 = arith.constant 0 : index
      %get3A_657 = vector.load %arg9[%get3A_654, %get3A_655, %get3A_656] : memref<8x256x128xf32, #tpu.memory_space<vmem>>, vector<1x256x1xf32>
      %get3A_658 = vector.shape_cast %get3A_657 : vector<1x256x1xf32> to vector<256x1xf32>
      %reduce_sum3A_659 = arith.constant dense<0.000000e+00> : vector<256xf32>
      %reduce_sum3A_660 = vector.multi_reduction <add>, %select_n3A_632, %reduce_sum3A_659 [1] : vector<256x256xf32> to vector<256xf32>
      %broadcast_in_dim3A_661 = vector.shape_cast %reduce_sum3A_660 : vector<256xf32> to vector<256x1xf32>
      %add3A_662 = arith.addf %get3A_658, %broadcast_in_dim3A_661 : vector<256x1xf32>
      %swap3A_663 = arith.constant 7 : index
      %swap3A_664 = arith.constant 0 : index
      %swap3A_665 = arith.constant 0 : index
      %swap3A_666 = vector.load %arg9[%swap3A_663, %swap3A_664, %swap3A_665] : memref<8x256x128xf32, #tpu.memory_space<vmem>>, vector<1x256x1xf32>
      %swap3A_667 = vector.shape_cast %swap3A_666 : vector<1x256x1xf32> to vector<256x1xf32>
      %swap3A_668 = vector.shape_cast %add3A_662 : vector<256x1xf32> to vector<1x256x1xf32>
      tpu.vector_store %arg9[%swap3A_663, %swap3A_664, %swap3A_665], %swap3A_668 {strides = array<i32>} : memref<8x256x128xf32, #tpu.memory_space<vmem>>, vector<1x256x1xf32>,
    } else {
    }
    %gt3A_39 = arith.constant 1536 : i32
    %gt3A_40 = arith.cmpi sgt, %get3A_1, %gt3A_39 : i32
    %convert_element_type3A_41 = arith.extui %gt3A_40 : i1 to i32
    %cond3A_42 = arith.constant 0 : i32
    %cond3A_43 = arith.cmpi ne, %convert_element_type3A_41, %cond3A_42 : i32
    scf.if %cond3A_43 {
      %iota3A = tpu.iota {dimensions = array<i32: 1>} : vector<1x256xi32>
      %add3A = arith.constant 1536 : i32
      %add3A_223 = vector.broadcast %add3A : i32 to vector<1x256xi32>
      %add3A_224 = arith.addi %add3A_223, %iota3A : vector<1x256xi32>
      %lt3A = vector.broadcast %get3A_1 : i32 to vector<1x256xi32>
      %lt3A_225 = arith.cmpi slt, %add3A_224, %lt3A : vector<1x256xi32>
      %get3A_226 = arith.constant 0 : index
      %get3A_227 = arith.constant 0 : index
      %get3A_228 = arith.constant 0 : index
      %get3A_229 = arith.constant 0 : index
      %get3A_230 = vector.load %arg4[%get3A_226, %get3A_227, %get3A_228, %get3A_229] : memref<1x8x256x64xbf16, #tpu.memory_space<vmem>>, vector<1x1x256x64xbf16>
      %get3A_231 = vector.shape_cast %get3A_230 : vector<1x1x256x64xbf16> to vector<256x64xbf16>
      %get3A_232 = arith.constant 0 : index
      %get3A_233 = arith.constant 0 : index
      %get3A_234 = arith.constant 0 : index
      %get3A_235 = arith.constant 1536 : index
      %get3A_236 = vector.load %arg5[%get3A_232, %get3A_233, %get3A_234, %get3A_235] : memref<1x8x64x2048xbf16, #tpu.memory_space<vmem>>, vector<1x1x64x256xbf16>
      %get3A_237 = vector.shape_cast %get3A_236 : vector<1x1x64x256xbf16> to vector<64x256xbf16>
      %dot_general3A = arith.constant dense<0.000000e+00> : vector<256x256xf32>
      %dot_general3A_238 = tpu.matmul %get3A_231, %get3A_237, %dot_general3A {dimension_numbers = #tpu.dot_dimension_numbers<[1], [0], [0], [1], [0, 0, 1, 1], [], []>, transpose_lhs_hint = false} : vector<256x64xbf16>, vector<64x256xbf16>, vector<256x256xf32> -> vector<256x256xf32>
      %exp3A = math.exp %dot_general3A_238 : vector<256x256xf32>
      %jit3A = arith.constant 0.000000e+00 : f32
      %broadcast_in_dim3A_239 = vector.shape_cast %lt3A_225 : vector<1x256xi1> to vector<1x256xi1>
      %broadcast_in_dim3A_240 = vector.broadcast %broadcast_in_dim3A_239 : vector<1x256xi1> to vector<256x256xi1>
      %broadcast_in_dim3A_241 = vector.broadcast %jit3A : f32 to vector<256x256xf32>
      %select_n3A = arith.select %broadcast_in_dim3A_240, %exp3A, %broadcast_in_dim3A_241 : vector<256x256xi1>, vector<256x256xf32>
      %get3A_242 = arith.constant 0 : index
      %get3A_243 = arith.constant 0 : index
      %get3A_244 = arith.constant 1536 : index
      %get3A_245 = arith.constant 0 : index
      %get3A_246 = vector.load %arg6[%get3A_242, %get3A_243, %get3A_244, %get3A_245] : memref<1x8x2048x64xbf16, #tpu.memory_space<vmem>>, vector<1x1x256x64xbf16>
      %get3A_247 = vector.shape_cast %get3A_246 : vector<1x1x256x64xbf16> to vector<256x64xbf16>
      %get3A_248 = arith.constant 0 : index
      %get3A_249 = arith.constant 0 : index
      %get3A_250 = arith.constant 0 : index
      %get3A_251 = vector.load %arg8[%get3A_248, %get3A_249, %get3A_250] : memref<8x256x64xf32, #tpu.memory_space<vmem>>, vector<1x256x64xf32>
      %get3A_252 = vector.shape_cast %get3A_251 : vector<1x256x64xf32> to vector<256x64xf32>
      %convert_element_type3A_253 = arith.truncf %select_n3A : vector<256x256xf32> to vector<256x256xbf16>
      %dot_general3A_254 = arith.constant dense<0.000000e+00> : vector<256x64xf32>
      %dot_general3A_255 = tpu.matmul %convert_element_type3A_253, %get3A_247, %dot_general3A_254 {dimension_numbers = #tpu.dot_dimension_numbers<[1], [0], [0], [1], [0, 0, 1, 1], [], []>, transpose_lhs_hint = false} : vector<256x256xbf16>, vector<256x64xbf16>, vector<256x64xf32> -> vector<256x64xf32>
      %add3A_256 = arith.addf %get3A_252, %dot_general3A_255 : vector<256x64xf32>
      %swap3A_257 = arith.constant 0 : index
      %swap3A_258 = arith.constant 0 : index
      %swap3A_259 = arith.constant 0 : index
      %swap3A_260 = vector.load %arg8[%swap3A_257, %swap3A_258, %swap3A_259] : memref<8x256x64xf32, #tpu.memory_space<vmem>>, vector<1x256x64xf32>
      %swap3A_261 = vector.shape_cast %swap3A_260 : vector<1x256x64xf32> to vector<256x64xf32>
      %swap3A_262 = vector.shape_cast %add3A_256 : vector<256x64xf32> to vector<1x256x64xf32>
      tpu.vector_store %arg8[%swap3A_257, %swap3A_258, %swap3A_259], %swap3A_262 {strides = array<i32>} : memref<8x256x64xf32, #tpu.memory_space<vmem>>, vector<1x256x64xf32>,
      %get3A_263 = arith.constant 0 : index
      %get3A_264 = arith.constant 0 : index
      %get3A_265 = arith.constant 0 : index
      %get3A_266 = vector.load %arg9[%get3A_263, %get3A_264, %get3A_265] : memref<8x256x128xf32, #tpu.memory_space<vmem>>, vector<1x256x1xf32>
      %get3A_267 = vector.shape_cast %get3A_266 : vector<1x256x1xf32> to vector<256x1xf32>
      %reduce_sum3A = arith.constant dense<0.000000e+00> : vector<256xf32>
      %reduce_sum3A_268 = vector.multi_reduction <add>, %select_n3A, %reduce_sum3A [1] : vector<256x256xf32> to vector<256xf32>
      %broadcast_in_dim3A_269 = vector.shape_cast %reduce_sum3A_268 : vector<256xf32> to vector<256x1xf32>
      %add3A_270 = arith.addf %get3A_267, %broadcast_in_dim3A_269 : vector<256x1xf32>
      %swap3A_271 = arith.constant 0 : index
      %swap3A_272 = arith.constant 0 : index
      %swap3A_273 = arith.constant 0 : index
      %swap3A_274 = vector.load %arg9[%swap3A_271, %swap3A_272, %swap3A_273] : memref<8x256x128xf32, #tpu.memory_space<vmem>>, vector<1x256x1xf32>
      %swap3A_275 = vector.shape_cast %swap3A_274 : vector<1x256x1xf32> to vector<256x1xf32>
      %swap3A_276 = vector.shape_cast %add3A_270 : vector<256x1xf32> to vector<1x256x1xf32>
      tpu.vector_store %arg9[%swap3A_271, %swap3A_272, %swap3A_273], %swap3A_276 {strides = array<i32>} : memref<8x256x128xf32, #tpu.memory_space<vmem>>, vector<1x256x1xf32>,
      %get3A_277 = arith.constant 0 : index
      %get3A_278 = arith.constant 1 : index
      %get3A_279 = arith.constant 0 : index
      %get3A_280 = arith.constant 0 : index
      %get3A_281 = vector.load %arg4[%get3A_277, %get3A_278, %get3A_279, %get3A_280] : memref<1x8x256x64xbf16, #tpu.memory_space<vmem>>, vector<1x1x256x64xbf16>
      %get3A_282 = vector.shape_cast %get3A_281 : vector<1x1x256x64xbf16> to vector<256x64xbf16>
      %get3A_283 = arith.constant 0 : index
      %get3A_284 = arith.constant 1 : index
      %get3A_285 = arith.constant 0 : index
      %get3A_286 = arith.constant 1536 : index
      %get3A_287 = vector.load %arg5[%get3A_283, %get3A_284, %get3A_285, %get3A_286] : memref<1x8x64x2048xbf16, #tpu.memory_space<vmem>>, vector<1x1x64x256xbf16>
      %get3A_288 = vector.shape_cast %get3A_287 : vector<1x1x64x256xbf16> to vector<64x256xbf16>
      %dot_general3A_289 = arith.constant dense<0.000000e+00> : vector<256x256xf32>
      %dot_general3A_290 = tpu.matmul %get3A_282, %get3A_288, %dot_general3A_289 {dimension_numbers = #tpu.dot_dimension_numbers<[1], [0], [0], [1], [0, 0, 1, 1], [], []>, transpose_lhs_hint = false} : vector<256x64xbf16>, vector<64x256xbf16>, vector<256x256xf32> -> vector<256x256xf32>
      %exp3A_291 = math.exp %dot_general3A_290 : vector<256x256xf32>
      %jit3A_292 = arith.constant 0.000000e+00 : f32
      %broadcast_in_dim3A_293 = vector.shape_cast %lt3A_225 : vector<1x256xi1> to vector<1x256xi1>
      %broadcast_in_dim3A_294 = vector.broadcast %broadcast_in_dim3A_293 : vector<1x256xi1> to vector<256x256xi1>
      %broadcast_in_dim3A_295 = vector.broadcast %jit3A_292 : f32 to vector<256x256xf32>
      %select_n3A_296 = arith.select %broadcast_in_dim3A_294, %exp3A_291, %broadcast_in_dim3A_295 : vector<256x256xi1>, vector<256x256xf32>
      %get3A_297 = arith.constant 0 : index
      %get3A_298 = arith.constant 1 : index
      %get3A_299 = arith.constant 1536 : index
      %get3A_300 = arith.constant 0 : index
      %get3A_301 = vector.load %arg6[%get3A_297, %get3A_298, %get3A_299, %get3A_300] : memref<1x8x2048x64xbf16, #tpu.memory_space<vmem>>, vector<1x1x256x64xbf16>
      %get3A_302 = vector.shape_cast %get3A_301 : vector<1x1x256x64xbf16> to vector<256x64xbf16>
      %get3A_303 = arith.constant 1 : index
      %get3A_304 = arith.constant 0 : index
      %get3A_305 = arith.constant 0 : index
      %get3A_306 = vector.load %arg8[%get3A_303, %get3A_304, %get3A_305] : memref<8x256x64xf32, #tpu.memory_space<vmem>>, vector<1x256x64xf32>
      %get3A_307 = vector.shape_cast %get3A_306 : vector<1x256x64xf32> to vector<256x64xf32>
      %convert_element_type3A_308 = arith.truncf %select_n3A_296 : vector<256x256xf32> to vector<256x256xbf16>
      %dot_general3A_309 = arith.constant dense<0.000000e+00> : vector<256x64xf32>
      %dot_general3A_310 = tpu.matmul %convert_element_type3A_308, %get3A_302, %dot_general3A_309 {dimension_numbers = #tpu.dot_dimension_numbers<[1], [0], [0], [1], [0, 0, 1, 1], [], []>, transpose_lhs_hint = false} : vector<256x256xbf16>, vector<256x64xbf16>, vector<256x64xf32> -> vector<256x64xf32>
      %add3A_311 = arith.addf %get3A_307, %dot_general3A_310 : vector<256x64xf32>
      %swap3A_312 = arith.constant 1 : index
      %swap3A_313 = arith.constant 0 : index
      %swap3A_314 = arith.constant 0 : index
      %swap3A_315 = vector.load %arg8[%swap3A_312, %swap3A_313, %swap3A_314] : memref<8x256x64xf32, #tpu.memory_space<vmem>>, vector<1x256x64xf32>
      %swap3A_316 = vector.shape_cast %swap3A_315 : vector<1x256x64xf32> to vector<256x64xf32>
      %swap3A_317 = vector.shape_cast %add3A_311 : vector<256x64xf32> to vector<1x256x64xf32>
      tpu.vector_store %arg8[%swap3A_312, %swap3A_313, %swap3A_314], %swap3A_317 {strides = array<i32>} : memref<8x256x64xf32, #tpu.memory_space<vmem>>, vector<1x256x64xf32>,
      %get3A_318 = arith.constant 1 : index
      %get3A_319 = arith.constant 0 : index
      %get3A_320 = arith.constant 0 : index
      %get3A_321 = vector.load %arg9[%get3A_318, %get3A_319, %get3A_320] : memref<8x256x128xf32, #tpu.memory_space<vmem>>, vector<1x256x1xf32>
      %get3A_322 = vector.shape_cast %get3A_321 : vector<1x256x1xf32> to vector<256x1xf32>
      %reduce_sum3A_323 = arith.constant dense<0.000000e+00> : vector<256xf32>
      %reduce_sum3A_324 = vector.multi_reduction <add>, %select_n3A_296, %reduce_sum3A_323 [1] : vector<256x256xf32> to vector<256xf32>
      %broadcast_in_dim3A_325 = vector.shape_cast %reduce_sum3A_324 : vector<256xf32> to vector<256x1xf32>
      %add3A_326 = arith.addf %get3A_322, %broadcast_in_dim3A_325 : vector<256x1xf32>
      %swap3A_327 = arith.constant 1 : index
      %swap3A_328 = arith.constant 0 : index
      %swap3A_329 = arith.constant 0 : index
      %swap3A_330 = vector.load %arg9[%swap3A_327, %swap3A_328, %swap3A_329] : memref<8x256x128xf32, #tpu.memory_space<vmem>>, vector<1x256x1xf32>
      %swap3A_331 = vector.shape_cast %swap3A_330 : vector<1x256x1xf32> to vector<256x1xf32>
      %swap3A_332 = vector.shape_cast %add3A_326 : vector<256x1xf32> to vector<1x256x1xf32>
      tpu.vector_store %arg9[%swap3A_327, %swap3A_328, %swap3A_329], %swap3A_332 {strides = array<i32>} : memref<8x256x128xf32, #tpu.memory_space<vmem>>, vector<1x256x1xf32>,
      %get3A_333 = arith.constant 0 : index
      %get3A_334 = arith.constant 2 : index
      %get3A_335 = arith.constant 0 : index
      %get3A_336 = arith.constant 0 : index
      %get3A_337 = vector.load %arg4[%get3A_333, %get3A_334, %get3A_335, %get3A_336] : memref<1x8x256x64xbf16, #tpu.memory_space<vmem>>, vector<1x1x256x64xbf16>
      %get3A_338 = vector.shape_cast %get3A_337 : vector<1x1x256x64xbf16> to vector<256x64xbf16>
      %get3A_339 = arith.constant 0 : index
      %get3A_340 = arith.constant 2 : index
      %get3A_341 = arith.constant 0 : index
      %get3A_342 = arith.constant 1536 : index
      %get3A_343 = vector.load %arg5[%get3A_339, %get3A_340, %get3A_341, %get3A_342] : memref<1x8x64x2048xbf16, #tpu.memory_space<vmem>>, vector<1x1x64x256xbf16>
      %get3A_344 = vector.shape_cast %get3A_343 : vector<1x1x64x256xbf16> to vector<64x256xbf16>
      %dot_general3A_345 = arith.constant dense<0.000000e+00> : vector<256x256xf32>
      %dot_general3A_346 = tpu.matmul %get3A_338, %get3A_344, %dot_general3A_345 {dimension_numbers = #tpu.dot_dimension_numbers<[1], [0], [0], [1], [0, 0, 1, 1], [], []>, transpose_lhs_hint = false} : vector<256x64xbf16>, vector<64x256xbf16>, vector<256x256xf32> -> vector<256x256xf32>
      %exp3A_347 = math.exp %dot_general3A_346 : vector<256x256xf32>
      %jit3A_348 = arith.constant 0.000000e+00 : f32
      %broadcast_in_dim3A_349 = vector.shape_cast %lt3A_225 : vector<1x256xi1> to vector<1x256xi1>
      %broadcast_in_dim3A_350 = vector.broadcast %broadcast_in_dim3A_349 : vector<1x256xi1> to vector<256x256xi1>
      %broadcast_in_dim3A_351 = vector.broadcast %jit3A_348 : f32 to vector<256x256xf32>
      %select_n3A_352 = arith.select %broadcast_in_dim3A_350, %exp3A_347, %broadcast_in_dim3A_351 : vector<256x256xi1>, vector<256x256xf32>
      %get3A_353 = arith.constant 0 : index
      %get3A_354 = arith.constant 2 : index
      %get3A_355 = arith.constant 1536 : index
      %get3A_356 = arith.constant 0 : index
      %get3A_357 = vector.load %arg6[%get3A_353, %get3A_354, %get3A_355, %get3A_356] : memref<1x8x2048x64xbf16, #tpu.memory_space<vmem>>, vector<1x1x256x64xbf16>
      %get3A_358 = vector.shape_cast %get3A_357 : vector<1x1x256x64xbf16> to vector<256x64xbf16>
      %get3A_359 = arith.constant 2 : index
      %get3A_360 = arith.constant 0 : index
      %get3A_361 = arith.constant 0 : index
      %get3A_362 = vector.load %arg8[%get3A_359, %get3A_360, %get3A_361] : memref<8x256x64xf32, #tpu.memory_space<vmem>>, vector<1x256x64xf32>
      %get3A_363 = vector.shape_cast %get3A_362 : vector<1x256x64xf32> to vector<256x64xf32>
      %convert_element_type3A_364 = arith.truncf %select_n3A_352 : vector<256x256xf32> to vector<256x256xbf16>
      %dot_general3A_365 = arith.constant dense<0.000000e+00> : vector<256x64xf32>
      %dot_general3A_366 = tpu.matmul %convert_element_type3A_364, %get3A_358, %dot_general3A_365 {dimension_numbers = #tpu.dot_dimension_numbers<[1], [0], [0], [1], [0, 0, 1, 1], [], []>, transpose_lhs_hint = false} : vector<256x256xbf16>, vector<256x64xbf16>, vector<256x64xf32> -> vector<256x64xf32>
      %add3A_367 = arith.addf %get3A_363, %dot_general3A_366 : vector<256x64xf32>
      %swap3A_368 = arith.constant 2 : index
      %swap3A_369 = arith.constant 0 : index
      %swap3A_370 = arith.constant 0 : index
      %swap3A_371 = vector.load %arg8[%swap3A_368, %swap3A_369, %swap3A_370] : memref<8x256x64xf32, #tpu.memory_space<vmem>>, vector<1x256x64xf32>
      %swap3A_372 = vector.shape_cast %swap3A_371 : vector<1x256x64xf32> to vector<256x64xf32>
      %swap3A_373 = vector.shape_cast %add3A_367 : vector<256x64xf32> to vector<1x256x64xf32>
      tpu.vector_store %arg8[%swap3A_368, %swap3A_369, %swap3A_370], %swap3A_373 {strides = array<i32>} : memref<8x256x64xf32, #tpu.memory_space<vmem>>, vector<1x256x64xf32>,
      %get3A_374 = arith.constant 2 : index
      %get3A_375 = arith.constant 0 : index
      %get3A_376 = arith.constant 0 : index
      %get3A_377 = vector.load %arg9[%get3A_374, %get3A_375, %get3A_376] : memref<8x256x128xf32, #tpu.memory_space<vmem>>, vector<1x256x1xf32>
      %get3A_378 = vector.shape_cast %get3A_377 : vector<1x256x1xf32> to vector<256x1xf32>
      %reduce_sum3A_379 = arith.constant dense<0.000000e+00> : vector<256xf32>
      %reduce_sum3A_380 = vector.multi_reduction <add>, %select_n3A_352, %reduce_sum3A_379 [1] : vector<256x256xf32> to vector<256xf32>
      %broadcast_in_dim3A_381 = vector.shape_cast %reduce_sum3A_380 : vector<256xf32> to vector<256x1xf32>
      %add3A_382 = arith.addf %get3A_378, %broadcast_in_dim3A_381 : vector<256x1xf32>
      %swap3A_383 = arith.constant 2 : index
      %swap3A_384 = arith.constant 0 : index
      %swap3A_385 = arith.constant 0 : index
      %swap3A_386 = vector.load %arg9[%swap3A_383, %swap3A_384, %swap3A_385] : memref<8x256x128xf32, #tpu.memory_space<vmem>>, vector<1x256x1xf32>
      %swap3A_387 = vector.shape_cast %swap3A_386 : vector<1x256x1xf32> to vector<256x1xf32>
      %swap3A_388 = vector.shape_cast %add3A_382 : vector<256x1xf32> to vector<1x256x1xf32>
      tpu.vector_store %arg9[%swap3A_383, %swap3A_384, %swap3A_385], %swap3A_388 {strides = array<i32>} : memref<8x256x128xf32, #tpu.memory_space<vmem>>, vector<1x256x1xf32>,
      %get3A_389 = arith.constant 0 : index
      %get3A_390 = arith.constant 3 : index
      %get3A_391 = arith.constant 0 : index
      %get3A_392 = arith.constant 0 : index
      %get3A_393 = vector.load %arg4[%get3A_389, %get3A_390, %get3A_391, %get3A_392] : memref<1x8x256x64xbf16, #tpu.memory_space<vmem>>, vector<1x1x256x64xbf16>
      %get3A_394 = vector.shape_cast %get3A_393 : vector<1x1x256x64xbf16> to vector<256x64xbf16>
      %get3A_395 = arith.constant 0 : index
      %get3A_396 = arith.constant 3 : index
      %get3A_397 = arith.constant 0 : index
      %get3A_398 = arith.constant 1536 : index
      %get3A_399 = vector.load %arg5[%get3A_395, %get3A_396, %get3A_397, %get3A_398] : memref<1x8x64x2048xbf16, #tpu.memory_space<vmem>>, vector<1x1x64x256xbf16>
      %get3A_400 = vector.shape_cast %get3A_399 : vector<1x1x64x256xbf16> to vector<64x256xbf16>
      %dot_general3A_401 = arith.constant dense<0.000000e+00> : vector<256x256xf32>
      %dot_general3A_402 = tpu.matmul %get3A_394, %get3A_400, %dot_general3A_401 {dimension_numbers = #tpu.dot_dimension_numbers<[1], [0], [0], [1], [0, 0, 1, 1], [], []>, transpose_lhs_hint = false} : vector<256x64xbf16>, vector<64x256xbf16>, vector<256x256xf32> -> vector<256x256xf32>
      %exp3A_403 = math.exp %dot_general3A_402 : vector<256x256xf32>
      %jit3A_404 = arith.constant 0.000000e+00 : f32
      %broadcast_in_dim3A_405 = vector.shape_cast %lt3A_225 : vector<1x256xi1> to vector<1x256xi1>
      %broadcast_in_dim3A_406 = vector.broadcast %broadcast_in_dim3A_405 : vector<1x256xi1> to vector<256x256xi1>
      %broadcast_in_dim3A_407 = vector.broadcast %jit3A_404 : f32 to vector<256x256xf32>
      %select_n3A_408 = arith.select %broadcast_in_dim3A_406, %exp3A_403, %broadcast_in_dim3A_407 : vector<256x256xi1>, vector<256x256xf32>
      %get3A_409 = arith.constant 0 : index
      %get3A_410 = arith.constant 3 : index
      %get3A_411 = arith.constant 1536 : index
      %get3A_412 = arith.constant 0 : index
      %get3A_413 = vector.load %arg6[%get3A_409, %get3A_410, %get3A_411, %get3A_412] : memref<1x8x2048x64xbf16, #tpu.memory_space<vmem>>, vector<1x1x256x64xbf16>
      %get3A_414 = vector.shape_cast %get3A_413 : vector<1x1x256x64xbf16> to vector<256x64xbf16>
      %get3A_415 = arith.constant 3 : index
      %get3A_416 = arith.constant 0 : index
      %get3A_417 = arith.constant 0 : index
      %get3A_418 = vector.load %arg8[%get3A_415, %get3A_416, %get3A_417] : memref<8x256x64xf32, #tpu.memory_space<vmem>>, vector<1x256x64xf32>
      %get3A_419 = vector.shape_cast %get3A_418 : vector<1x256x64xf32> to vector<256x64xf32>
      %convert_element_type3A_420 = arith.truncf %select_n3A_408 : vector<256x256xf32> to vector<256x256xbf16>
      %dot_general3A_421 = arith.constant dense<0.000000e+00> : vector<256x64xf32>
      %dot_general3A_422 = tpu.matmul %convert_element_type3A_420, %get3A_414, %dot_general3A_421 {dimension_numbers = #tpu.dot_dimension_numbers<[1], [0], [0], [1], [0, 0, 1, 1], [], []>, transpose_lhs_hint = false} : vector<256x256xbf16>, vector<256x64xbf16>, vector<256x64xf32> -> vector<256x64xf32>
      %add3A_423 = arith.addf %get3A_419, %dot_general3A_422 : vector<256x64xf32>
      %swap3A_424 = arith.constant 3 : index
      %swap3A_425 = arith.constant 0 : index
      %swap3A_426 = arith.constant 0 : index
      %swap3A_427 = vector.load %arg8[%swap3A_424, %swap3A_425, %swap3A_426] : memref<8x256x64xf32, #tpu.memory_space<vmem>>, vector<1x256x64xf32>
      %swap3A_428 = vector.shape_cast %swap3A_427 : vector<1x256x64xf32> to vector<256x64xf32>
      %swap3A_429 = vector.shape_cast %add3A_423 : vector<256x64xf32> to vector<1x256x64xf32>
      tpu.vector_store %arg8[%swap3A_424, %swap3A_425, %swap3A_426], %swap3A_429 {strides = array<i32>} : memref<8x256x64xf32, #tpu.memory_space<vmem>>, vector<1x256x64xf32>,
      %get3A_430 = arith.constant 3 : index
      %get3A_431 = arith.constant 0 : index
      %get3A_432 = arith.constant 0 : index
      %get3A_433 = vector.load %arg9[%get3A_430, %get3A_431, %get3A_432] : memref<8x256x128xf32, #tpu.memory_space<vmem>>, vector<1x256x1xf32>
      %get3A_434 = vector.shape_cast %get3A_433 : vector<1x256x1xf32> to vector<256x1xf32>
      %reduce_sum3A_435 = arith.constant dense<0.000000e+00> : vector<256xf32>
      %reduce_sum3A_436 = vector.multi_reduction <add>, %select_n3A_408, %reduce_sum3A_435 [1] : vector<256x256xf32> to vector<256xf32>
      %broadcast_in_dim3A_437 = vector.shape_cast %reduce_sum3A_436 : vector<256xf32> to vector<256x1xf32>
      %add3A_438 = arith.addf %get3A_434, %broadcast_in_dim3A_437 : vector<256x1xf32>
      %swap3A_439 = arith.constant 3 : index
      %swap3A_440 = arith.constant 0 : index
      %swap3A_441 = arith.constant 0 : index
      %swap3A_442 = vector.load %arg9[%swap3A_439, %swap3A_440, %swap3A_441] : memref<8x256x128xf32, #tpu.memory_space<vmem>>, vector<1x256x1xf32>
      %swap3A_443 = vector.shape_cast %swap3A_442 : vector<1x256x1xf32> to vector<256x1xf32>
      %swap3A_444 = vector.shape_cast %add3A_438 : vector<256x1xf32> to vector<1x256x1xf32>
      tpu.vector_store %arg9[%swap3A_439, %swap3A_440, %swap3A_441], %swap3A_444 {strides = array<i32>} : memref<8x256x128xf32, #tpu.memory_space<vmem>>, vector<1x256x1xf32>,
      %get3A_445 = arith.constant 0 : index
      %get3A_446 = arith.constant 4 : index
      %get3A_447 = arith.constant 0 : index
      %get3A_448 = arith.constant 0 : index
      %get3A_449 = vector.load %arg4[%get3A_445, %get3A_446, %get3A_447, %get3A_448] : memref<1x8x256x64xbf16, #tpu.memory_space<vmem>>, vector<1x1x256x64xbf16>
      %get3A_450 = vector.shape_cast %get3A_449 : vector<1x1x256x64xbf16> to vector<256x64xbf16>
      %get3A_451 = arith.constant 0 : index
      %get3A_452 = arith.constant 4 : index
      %get3A_453 = arith.constant 0 : index
      %get3A_454 = arith.constant 1536 : index
      %get3A_455 = vector.load %arg5[%get3A_451, %get3A_452, %get3A_453, %get3A_454] : memref<1x8x64x2048xbf16, #tpu.memory_space<vmem>>, vector<1x1x64x256xbf16>
      %get3A_456 = vector.shape_cast %get3A_455 : vector<1x1x64x256xbf16> to vector<64x256xbf16>
      %dot_general3A_457 = arith.constant dense<0.000000e+00> : vector<256x256xf32>
      %dot_general3A_458 = tpu.matmul %get3A_450, %get3A_456, %dot_general3A_457 {dimension_numbers = #tpu.dot_dimension_numbers<[1], [0], [0], [1], [0, 0, 1, 1], [], []>, transpose_lhs_hint = false} : vector<256x64xbf16>, vector<64x256xbf16>, vector<256x256xf32> -> vector<256x256xf32>
      %exp3A_459 = math.exp %dot_general3A_458 : vector<256x256xf32>
      %jit3A_460 = arith.constant 0.000000e+00 : f32
      %broadcast_in_dim3A_461 = vector.shape_cast %lt3A_225 : vector<1x256xi1> to vector<1x256xi1>
      %broadcast_in_dim3A_462 = vector.broadcast %broadcast_in_dim3A_461 : vector<1x256xi1> to vector<256x256xi1>
      %broadcast_in_dim3A_463 = vector.broadcast %jit3A_460 : f32 to vector<256x256xf32>
      %select_n3A_464 = arith.select %broadcast_in_dim3A_462, %exp3A_459, %broadcast_in_dim3A_463 : vector<256x256xi1>, vector<256x256xf32>
      %get3A_465 = arith.constant 0 : index
      %get3A_466 = arith.constant 4 : index
      %get3A_467 = arith.constant 1536 : index
      %get3A_468 = arith.constant 0 : index
      %get3A_469 = vector.load %arg6[%get3A_465, %get3A_466, %get3A_467, %get3A_468] : memref<1x8x2048x64xbf16, #tpu.memory_space<vmem>>, vector<1x1x256x64xbf16>
      %get3A_470 = vector.shape_cast %get3A_469 : vector<1x1x256x64xbf16> to vector<256x64xbf16>
      %get3A_471 = arith.constant 4 : index
      %get3A_472 = arith.constant 0 : index
      %get3A_473 = arith.constant 0 : index
      %get3A_474 = vector.load %arg8[%get3A_471, %get3A_472, %get3A_473] : memref<8x256x64xf32, #tpu.memory_space<vmem>>, vector<1x256x64xf32>
      %get3A_475 = vector.shape_cast %get3A_474 : vector<1x256x64xf32> to vector<256x64xf32>
      %convert_element_type3A_476 = arith.truncf %select_n3A_464 : vector<256x256xf32> to vector<256x256xbf16>
      %dot_general3A_477 = arith.constant dense<0.000000e+00> : vector<256x64xf32>
      %dot_general3A_478 = tpu.matmul %convert_element_type3A_476, %get3A_470, %dot_general3A_477 {dimension_numbers = #tpu.dot_dimension_numbers<[1], [0], [0], [1], [0, 0, 1, 1], [], []>, transpose_lhs_hint = false} : vector<256x256xbf16>, vector<256x64xbf16>, vector<256x64xf32> -> vector<256x64xf32>
      %add3A_479 = arith.addf %get3A_475, %dot_general3A_478 : vector<256x64xf32>
      %swap3A_480 = arith.constant 4 : index
      %swap3A_481 = arith.constant 0 : index
      %swap3A_482 = arith.constant 0 : index
      %swap3A_483 = vector.load %arg8[%swap3A_480, %swap3A_481, %swap3A_482] : memref<8x256x64xf32, #tpu.memory_space<vmem>>, vector<1x256x64xf32>
      %swap3A_484 = vector.shape_cast %swap3A_483 : vector<1x256x64xf32> to vector<256x64xf32>
      %swap3A_485 = vector.shape_cast %add3A_479 : vector<256x64xf32> to vector<1x256x64xf32>
      tpu.vector_store %arg8[%swap3A_480, %swap3A_481, %swap3A_482], %swap3A_485 {strides = array<i32>} : memref<8x256x64xf32, #tpu.memory_space<vmem>>, vector<1x256x64xf32>,
      %get3A_486 = arith.constant 4 : index
      %get3A_487 = arith.constant 0 : index
      %get3A_488 = arith.constant 0 : index
      %get3A_489 = vector.load %arg9[%get3A_486, %get3A_487, %get3A_488] : memref<8x256x128xf32, #tpu.memory_space<vmem>>, vector<1x256x1xf32>
      %get3A_490 = vector.shape_cast %get3A_489 : vector<1x256x1xf32> to vector<256x1xf32>
      %reduce_sum3A_491 = arith.constant dense<0.000000e+00> : vector<256xf32>
      %reduce_sum3A_492 = vector.multi_reduction <add>, %select_n3A_464, %reduce_sum3A_491 [1] : vector<256x256xf32> to vector<256xf32>
      %broadcast_in_dim3A_493 = vector.shape_cast %reduce_sum3A_492 : vector<256xf32> to vector<256x1xf32>
      %add3A_494 = arith.addf %get3A_490, %broadcast_in_dim3A_493 : vector<256x1xf32>
      %swap3A_495 = arith.constant 4 : index
      %swap3A_496 = arith.constant 0 : index
      %swap3A_497 = arith.constant 0 : index
      %swap3A_498 = vector.load %arg9[%swap3A_495, %swap3A_496, %swap3A_497] : memref<8x256x128xf32, #tpu.memory_space<vmem>>, vector<1x256x1xf32>
      %swap3A_499 = vector.shape_cast %swap3A_498 : vector<1x256x1xf32> to vector<256x1xf32>
      %swap3A_500 = vector.shape_cast %add3A_494 : vector<256x1xf32> to vector<1x256x1xf32>
      tpu.vector_store %arg9[%swap3A_495, %swap3A_496, %swap3A_497], %swap3A_500 {strides = array<i32>} : memref<8x256x128xf32, #tpu.memory_space<vmem>>, vector<1x256x1xf32>,
      %get3A_501 = arith.constant 0 : index
      %get3A_502 = arith.constant 5 : index
      %get3A_503 = arith.constant 0 : index
      %get3A_504 = arith.constant 0 : index
      %get3A_505 = vector.load %arg4[%get3A_501, %get3A_502, %get3A_503, %get3A_504] : memref<1x8x256x64xbf16, #tpu.memory_space<vmem>>, vector<1x1x256x64xbf16>
      %get3A_506 = vector.shape_cast %get3A_505 : vector<1x1x256x64xbf16> to vector<256x64xbf16>
      %get3A_507 = arith.constant 0 : index
      %get3A_508 = arith.constant 5 : index
      %get3A_509 = arith.constant 0 : index
      %get3A_510 = arith.constant 1536 : index
      %get3A_511 = vector.load %arg5[%get3A_507, %get3A_508, %get3A_509, %get3A_510] : memref<1x8x64x2048xbf16, #tpu.memory_space<vmem>>, vector<1x1x64x256xbf16>
      %get3A_512 = vector.shape_cast %get3A_511 : vector<1x1x64x256xbf16> to vector<64x256xbf16>
      %dot_general3A_513 = arith.constant dense<0.000000e+00> : vector<256x256xf32>
      %dot_general3A_514 = tpu.matmul %get3A_506, %get3A_512, %dot_general3A_513 {dimension_numbers = #tpu.dot_dimension_numbers<[1], [0], [0], [1], [0, 0, 1, 1], [], []>, transpose_lhs_hint = false} : vector<256x64xbf16>, vector<64x256xbf16>, vector<256x256xf32> -> vector<256x256xf32>
      %exp3A_515 = math.exp %dot_general3A_514 : vector<256x256xf32>
      %jit3A_516 = arith.constant 0.000000e+00 : f32
      %broadcast_in_dim3A_517 = vector.shape_cast %lt3A_225 : vector<1x256xi1> to vector<1x256xi1>
      %broadcast_in_dim3A_518 = vector.broadcast %broadcast_in_dim3A_517 : vector<1x256xi1> to vector<256x256xi1>
      %broadcast_in_dim3A_519 = vector.broadcast %jit3A_516 : f32 to vector<256x256xf32>
      %select_n3A_520 = arith.select %broadcast_in_dim3A_518, %exp3A_515, %broadcast_in_dim3A_519 : vector<256x256xi1>, vector<256x256xf32>
      %get3A_521 = arith.constant 0 : index
      %get3A_522 = arith.constant 5 : index
      %get3A_523 = arith.constant 1536 : index
      %get3A_524 = arith.constant 0 : index
      %get3A_525 = vector.load %arg6[%get3A_521, %get3A_522, %get3A_523, %get3A_524] : memref<1x8x2048x64xbf16, #tpu.memory_space<vmem>>, vector<1x1x256x64xbf16>
      %get3A_526 = vector.shape_cast %get3A_525 : vector<1x1x256x64xbf16> to vector<256x64xbf16>
      %get3A_527 = arith.constant 5 : index
      %get3A_528 = arith.constant 0 : index
      %get3A_529 = arith.constant 0 : index
      %get3A_530 = vector.load %arg8[%get3A_527, %get3A_528, %get3A_529] : memref<8x256x64xf32, #tpu.memory_space<vmem>>, vector<1x256x64xf32>
      %get3A_531 = vector.shape_cast %get3A_530 : vector<1x256x64xf32> to vector<256x64xf32>
      %convert_element_type3A_532 = arith.truncf %select_n3A_520 : vector<256x256xf32> to vector<256x256xbf16>
      %dot_general3A_533 = arith.constant dense<0.000000e+00> : vector<256x64xf32>
      %dot_general3A_534 = tpu.matmul %convert_element_type3A_532, %get3A_526, %dot_general3A_533 {dimension_numbers = #tpu.dot_dimension_numbers<[1], [0], [0], [1], [0, 0, 1, 1], [], []>, transpose_lhs_hint = false} : vector<256x256xbf16>, vector<256x64xbf16>, vector<256x64xf32> -> vector<256x64xf32>
      %add3A_535 = arith.addf %get3A_531, %dot_general3A_534 : vector<256x64xf32>
      %swap3A_536 = arith.constant 5 : index
      %swap3A_537 = arith.constant 0 : index
      %swap3A_538 = arith.constant 0 : index
      %swap3A_539 = vector.load %arg8[%swap3A_536, %swap3A_537, %swap3A_538] : memref<8x256x64xf32, #tpu.memory_space<vmem>>, vector<1x256x64xf32>
      %swap3A_540 = vector.shape_cast %swap3A_539 : vector<1x256x64xf32> to vector<256x64xf32>
      %swap3A_541 = vector.shape_cast %add3A_535 : vector<256x64xf32> to vector<1x256x64xf32>
      tpu.vector_store %arg8[%swap3A_536, %swap3A_537, %swap3A_538], %swap3A_541 {strides = array<i32>} : memref<8x256x64xf32, #tpu.memory_space<vmem>>, vector<1x256x64xf32>,
      %get3A_542 = arith.constant 5 : index
      %get3A_543 = arith.constant 0 : index
      %get3A_544 = arith.constant 0 : index
      %get3A_545 = vector.load %arg9[%get3A_542, %get3A_543, %get3A_544] : memref<8x256x128xf32, #tpu.memory_space<vmem>>, vector<1x256x1xf32>
      %get3A_546 = vector.shape_cast %get3A_545 : vector<1x256x1xf32> to vector<256x1xf32>
      %reduce_sum3A_547 = arith.constant dense<0.000000e+00> : vector<256xf32>
      %reduce_sum3A_548 = vector.multi_reduction <add>, %select_n3A_520, %reduce_sum3A_547 [1] : vector<256x256xf32> to vector<256xf32>
      %broadcast_in_dim3A_549 = vector.shape_cast %reduce_sum3A_548 : vector<256xf32> to vector<256x1xf32>
      %add3A_550 = arith.addf %get3A_546, %broadcast_in_dim3A_549 : vector<256x1xf32>
      %swap3A_551 = arith.constant 5 : index
      %swap3A_552 = arith.constant 0 : index
      %swap3A_553 = arith.constant 0 : index
      %swap3A_554 = vector.load %arg9[%swap3A_551, %swap3A_552, %swap3A_553] : memref<8x256x128xf32, #tpu.memory_space<vmem>>, vector<1x256x1xf32>
      %swap3A_555 = vector.shape_cast %swap3A_554 : vector<1x256x1xf32> to vector<256x1xf32>
      %swap3A_556 = vector.shape_cast %add3A_550 : vector<256x1xf32> to vector<1x256x1xf32>
      tpu.vector_store %arg9[%swap3A_551, %swap3A_552, %swap3A_553], %swap3A_556 {strides = array<i32>} : memref<8x256x128xf32, #tpu.memory_space<vmem>>, vector<1x256x1xf32>,
      %get3A_557 = arith.constant 0 : index
      %get3A_558 = arith.constant 6 : index
      %get3A_559 = arith.constant 0 : index
      %get3A_560 = arith.constant 0 : index
      %get3A_561 = vector.load %arg4[%get3A_557, %get3A_558, %get3A_559, %get3A_560] : memref<1x8x256x64xbf16, #tpu.memory_space<vmem>>, vector<1x1x256x64xbf16>
      %get3A_562 = vector.shape_cast %get3A_561 : vector<1x1x256x64xbf16> to vector<256x64xbf16>
      %get3A_563 = arith.constant 0 : index
      %get3A_564 = arith.constant 6 : index
      %get3A_565 = arith.constant 0 : index
      %get3A_566 = arith.constant 1536 : index
      %get3A_567 = vector.load %arg5[%get3A_563, %get3A_564, %get3A_565, %get3A_566] : memref<1x8x64x2048xbf16, #tpu.memory_space<vmem>>, vector<1x1x64x256xbf16>
      %get3A_568 = vector.shape_cast %get3A_567 : vector<1x1x64x256xbf16> to vector<64x256xbf16>
      %dot_general3A_569 = arith.constant dense<0.000000e+00> : vector<256x256xf32>
      %dot_general3A_570 = tpu.matmul %get3A_562, %get3A_568, %dot_general3A_569 {dimension_numbers = #tpu.dot_dimension_numbers<[1], [0], [0], [1], [0, 0, 1, 1], [], []>, transpose_lhs_hint = false} : vector<256x64xbf16>, vector<64x256xbf16>, vector<256x256xf32> -> vector<256x256xf32>
      %exp3A_571 = math.exp %dot_general3A_570 : vector<256x256xf32>
      %jit3A_572 = arith.constant 0.000000e+00 : f32
      %broadcast_in_dim3A_573 = vector.shape_cast %lt3A_225 : vector<1x256xi1> to vector<1x256xi1>
      %broadcast_in_dim3A_574 = vector.broadcast %broadcast_in_dim3A_573 : vector<1x256xi1> to vector<256x256xi1>
      %broadcast_in_dim3A_575 = vector.broadcast %jit3A_572 : f32 to vector<256x256xf32>
      %select_n3A_576 = arith.select %broadcast_in_dim3A_574, %exp3A_571, %broadcast_in_dim3A_575 : vector<256x256xi1>, vector<256x256xf32>
      %get3A_577 = arith.constant 0 : index
      %get3A_578 = arith.constant 6 : index
      %get3A_579 = arith.constant 1536 : index
      %get3A_580 = arith.constant 0 : index
      %get3A_581 = vector.load %arg6[%get3A_577, %get3A_578, %get3A_579, %get3A_580] : memref<1x8x2048x64xbf16, #tpu.memory_space<vmem>>, vector<1x1x256x64xbf16>
      %get3A_582 = vector.shape_cast %get3A_581 : vector<1x1x256x64xbf16> to vector<256x64xbf16>
      %get3A_583 = arith.constant 6 : index
      %get3A_584 = arith.constant 0 : index
      %get3A_585 = arith.constant 0 : index
      %get3A_586 = vector.load %arg8[%get3A_583, %get3A_584, %get3A_585] : memref<8x256x64xf32, #tpu.memory_space<vmem>>, vector<1x256x64xf32>
      %get3A_587 = vector.shape_cast %get3A_586 : vector<1x256x64xf32> to vector<256x64xf32>
      %convert_element_type3A_588 = arith.truncf %select_n3A_576 : vector<256x256xf32> to vector<256x256xbf16>
      %dot_general3A_589 = arith.constant dense<0.000000e+00> : vector<256x64xf32>
      %dot_general3A_590 = tpu.matmul %convert_element_type3A_588, %get3A_582, %dot_general3A_589 {dimension_numbers = #tpu.dot_dimension_numbers<[1], [0], [0], [1], [0, 0, 1, 1], [], []>, transpose_lhs_hint = false} : vector<256x256xbf16>, vector<256x64xbf16>, vector<256x64xf32> -> vector<256x64xf32>
      %add3A_591 = arith.addf %get3A_587, %dot_general3A_590 : vector<256x64xf32>
      %swap3A_592 = arith.constant 6 : index
      %swap3A_593 = arith.constant 0 : index
      %swap3A_594 = arith.constant 0 : index
      %swap3A_595 = vector.load %arg8[%swap3A_592, %swap3A_593, %swap3A_594] : memref<8x256x64xf32, #tpu.memory_space<vmem>>, vector<1x256x64xf32>
      %swap3A_596 = vector.shape_cast %swap3A_595 : vector<1x256x64xf32> to vector<256x64xf32>
      %swap3A_597 = vector.shape_cast %add3A_591 : vector<256x64xf32> to vector<1x256x64xf32>
      tpu.vector_store %arg8[%swap3A_592, %swap3A_593, %swap3A_594], %swap3A_597 {strides = array<i32>} : memref<8x256x64xf32, #tpu.memory_space<vmem>>, vector<1x256x64xf32>,
      %get3A_598 = arith.constant 6 : index
      %get3A_599 = arith.constant 0 : index
      %get3A_600 = arith.constant 0 : index
      %get3A_601 = vector.load %arg9[%get3A_598, %get3A_599, %get3A_600] : memref<8x256x128xf32, #tpu.memory_space<vmem>>, vector<1x256x1xf32>
      %get3A_602 = vector.shape_cast %get3A_601 : vector<1x256x1xf32> to vector<256x1xf32>
      %reduce_sum3A_603 = arith.constant dense<0.000000e+00> : vector<256xf32>
      %reduce_sum3A_604 = vector.multi_reduction <add>, %select_n3A_576, %reduce_sum3A_603 [1] : vector<256x256xf32> to vector<256xf32>
      %broadcast_in_dim3A_605 = vector.shape_cast %reduce_sum3A_604 : vector<256xf32> to vector<256x1xf32>
      %add3A_606 = arith.addf %get3A_602, %broadcast_in_dim3A_605 : vector<256x1xf32>
      %swap3A_607 = arith.constant 6 : index
      %swap3A_608 = arith.constant 0 : index
      %swap3A_609 = arith.constant 0 : index
      %swap3A_610 = vector.load %arg9[%swap3A_607, %swap3A_608, %swap3A_609] : memref<8x256x128xf32, #tpu.memory_space<vmem>>, vector<1x256x1xf32>
      %swap3A_611 = vector.shape_cast %swap3A_610 : vector<1x256x1xf32> to vector<256x1xf32>
      %swap3A_612 = vector.shape_cast %add3A_606 : vector<256x1xf32> to vector<1x256x1xf32>
      tpu.vector_store %arg9[%swap3A_607, %swap3A_608, %swap3A_609], %swap3A_612 {strides = array<i32>} : memref<8x256x128xf32, #tpu.memory_space<vmem>>, vector<1x256x1xf32>,
      %get3A_613 = arith.constant 0 : index
      %get3A_614 = arith.constant 7 : index
      %get3A_615 = arith.constant 0 : index
      %get3A_616 = arith.constant 0 : index
      %get3A_617 = vector.load %arg4[%get3A_613, %get3A_614, %get3A_615, %get3A_616] : memref<1x8x256x64xbf16, #tpu.memory_space<vmem>>, vector<1x1x256x64xbf16>
      %get3A_618 = vector.shape_cast %get3A_617 : vector<1x1x256x64xbf16> to vector<256x64xbf16>
      %get3A_619 = arith.constant 0 : index
      %get3A_620 = arith.constant 7 : index
      %get3A_621 = arith.constant 0 : index
      %get3A_622 = arith.constant 1536 : index
      %get3A_623 = vector.load %arg5[%get3A_619, %get3A_620, %get3A_621, %get3A_622] : memref<1x8x64x2048xbf16, #tpu.memory_space<vmem>>, vector<1x1x64x256xbf16>
      %get3A_624 = vector.shape_cast %get3A_623 : vector<1x1x64x256xbf16> to vector<64x256xbf16>
      %dot_general3A_625 = arith.constant dense<0.000000e+00> : vector<256x256xf32>
      %dot_general3A_626 = tpu.matmul %get3A_618, %get3A_624, %dot_general3A_625 {dimension_numbers = #tpu.dot_dimension_numbers<[1], [0], [0], [1], [0, 0, 1, 1], [], []>, transpose_lhs_hint = false} : vector<256x64xbf16>, vector<64x256xbf16>, vector<256x256xf32> -> vector<256x256xf32>
      %exp3A_627 = math.exp %dot_general3A_626 : vector<256x256xf32>
      %jit3A_628 = arith.constant 0.000000e+00 : f32
      %broadcast_in_dim3A_629 = vector.shape_cast %lt3A_225 : vector<1x256xi1> to vector<1x256xi1>
      %broadcast_in_dim3A_630 = vector.broadcast %broadcast_in_dim3A_629 : vector<1x256xi1> to vector<256x256xi1>
      %broadcast_in_dim3A_631 = vector.broadcast %jit3A_628 : f32 to vector<256x256xf32>
      %select_n3A_632 = arith.select %broadcast_in_dim3A_630, %exp3A_627, %broadcast_in_dim3A_631 : vector<256x256xi1>, vector<256x256xf32>
      %get3A_633 = arith.constant 0 : index
      %get3A_634 = arith.constant 7 : index
      %get3A_635 = arith.constant 1536 : index
      %get3A_636 = arith.constant 0 : index
      %get3A_637 = vector.load %arg6[%get3A_633, %get3A_634, %get3A_635, %get3A_636] : memref<1x8x2048x64xbf16, #tpu.memory_space<vmem>>, vector<1x1x256x64xbf16>
      %get3A_638 = vector.shape_cast %get3A_637 : vector<1x1x256x64xbf16> to vector<256x64xbf16>
      %get3A_639 = arith.constant 7 : index
      %get3A_640 = arith.constant 0 : index
      %get3A_641 = arith.constant 0 : index
      %get3A_642 = vector.load %arg8[%get3A_639, %get3A_640, %get3A_641] : memref<8x256x64xf32, #tpu.memory_space<vmem>>, vector<1x256x64xf32>
      %get3A_643 = vector.shape_cast %get3A_642 : vector<1x256x64xf32> to vector<256x64xf32>
      %convert_element_type3A_644 = arith.truncf %select_n3A_632 : vector<256x256xf32> to vector<256x256xbf16>
      %dot_general3A_645 = arith.constant dense<0.000000e+00> : vector<256x64xf32>
      %dot_general3A_646 = tpu.matmul %convert_element_type3A_644, %get3A_638, %dot_general3A_645 {dimension_numbers = #tpu.dot_dimension_numbers<[1], [0], [0], [1], [0, 0, 1, 1], [], []>, transpose_lhs_hint = false} : vector<256x256xbf16>, vector<256x64xbf16>, vector<256x64xf32> -> vector<256x64xf32>
      %add3A_647 = arith.addf %get3A_643, %dot_general3A_646 : vector<256x64xf32>
      %swap3A_648 = arith.constant 7 : index
      %swap3A_649 = arith.constant 0 : index
      %swap3A_650 = arith.constant 0 : index
      %swap3A_651 = vector.load %arg8[%swap3A_648, %swap3A_649, %swap3A_650] : memref<8x256x64xf32, #tpu.memory_space<vmem>>, vector<1x256x64xf32>
      %swap3A_652 = vector.shape_cast %swap3A_651 : vector<1x256x64xf32> to vector<256x64xf32>
      %swap3A_653 = vector.shape_cast %add3A_647 : vector<256x64xf32> to vector<1x256x64xf32>
      tpu.vector_store %arg8[%swap3A_648, %swap3A_649, %swap3A_650], %swap3A_653 {strides = array<i32>} : memref<8x256x64xf32, #tpu.memory_space<vmem>>, vector<1x256x64xf32>,
      %get3A_654 = arith.constant 7 : index
      %get3A_655 = arith.constant 0 : index
      %get3A_656 = arith.constant 0 : index
      %get3A_657 = vector.load %arg9[%get3A_654, %get3A_655, %get3A_656] : memref<8x256x128xf32, #tpu.memory_space<vmem>>, vector<1x256x1xf32>
      %get3A_658 = vector.shape_cast %get3A_657 : vector<1x256x1xf32> to vector<256x1xf32>
      %reduce_sum3A_659 = arith.constant dense<0.000000e+00> : vector<256xf32>
      %reduce_sum3A_660 = vector.multi_reduction <add>, %select_n3A_632, %reduce_sum3A_659 [1] : vector<256x256xf32> to vector<256xf32>
      %broadcast_in_dim3A_661 = vector.shape_cast %reduce_sum3A_660 : vector<256xf32> to vector<256x1xf32>
      %add3A_662 = arith.addf %get3A_658, %broadcast_in_dim3A_661 : vector<256x1xf32>
      %swap3A_663 = arith.constant 7 : index
      %swap3A_664 = arith.constant 0 : index
      %swap3A_665 = arith.constant 0 : index
      %swap3A_666 = vector.load %arg9[%swap3A_663, %swap3A_664, %swap3A_665] : memref<8x256x128xf32, #tpu.memory_space<vmem>>, vector<1x256x1xf32>
      %swap3A_667 = vector.shape_cast %swap3A_666 : vector<1x256x1xf32> to vector<256x1xf32>
      %swap3A_668 = vector.shape_cast %add3A_662 : vector<256x1xf32> to vector<1x256x1xf32>
      tpu.vector_store %arg9[%swap3A_663, %swap3A_664, %swap3A_665], %swap3A_668 {strides = array<i32>} : memref<8x256x128xf32, #tpu.memory_space<vmem>>, vector<1x256x1xf32>,
    } else {
    }
    %gt3A_44 = arith.constant 1792 : i32
    %gt3A_45 = arith.cmpi sgt, %get3A_1, %gt3A_44 : i32
    %convert_element_type3A_46 = arith.extui %gt3A_45 : i1 to i32
    %cond3A_47 = arith.constant 0 : i32
    %cond3A_48 = arith.cmpi ne, %convert_element_type3A_46, %cond3A_47 : i32
    scf.if %cond3A_48 {
      %iota3A = tpu.iota {dimensions = array<i32: 1>} : vector<1x256xi32>
      %add3A = arith.constant 1792 : i32
      %add3A_223 = vector.broadcast %add3A : i32 to vector<1x256xi32>
      %add3A_224 = arith.addi %add3A_223, %iota3A : vector<1x256xi32>
      %lt3A = vector.broadcast %get3A_1 : i32 to vector<1x256xi32>
      %lt3A_225 = arith.cmpi slt, %add3A_224, %lt3A : vector<1x256xi32>
      %get3A_226 = arith.constant 0 : index
      %get3A_227 = arith.constant 0 : index
      %get3A_228 = arith.constant 0 : index
      %get3A_229 = arith.constant 0 : index
      %get3A_230 = vector.load %arg4[%get3A_226, %get3A_227, %get3A_228, %get3A_229] : memref<1x8x256x64xbf16, #tpu.memory_space<vmem>>, vector<1x1x256x64xbf16>
      %get3A_231 = vector.shape_cast %get3A_230 : vector<1x1x256x64xbf16> to vector<256x64xbf16>
      %get3A_232 = arith.constant 0 : index
      %get3A_233 = arith.constant 0 : index
      %get3A_234 = arith.constant 0 : index
      %get3A_235 = arith.constant 1792 : index
      %get3A_236 = vector.load %arg5[%get3A_232, %get3A_233, %get3A_234, %get3A_235] : memref<1x8x64x2048xbf16, #tpu.memory_space<vmem>>, vector<1x1x64x256xbf16>
      %get3A_237 = vector.shape_cast %get3A_236 : vector<1x1x64x256xbf16> to vector<64x256xbf16>
      %dot_general3A = arith.constant dense<0.000000e+00> : vector<256x256xf32>
      %dot_general3A_238 = tpu.matmul %get3A_231, %get3A_237, %dot_general3A {dimension_numbers = #tpu.dot_dimension_numbers<[1], [0], [0], [1], [0, 0, 1, 1], [], []>, transpose_lhs_hint = false} : vector<256x64xbf16>, vector<64x256xbf16>, vector<256x256xf32> -> vector<256x256xf32>
      %exp3A = math.exp %dot_general3A_238 : vector<256x256xf32>
      %jit3A = arith.constant 0.000000e+00 : f32
      %broadcast_in_dim3A_239 = vector.shape_cast %lt3A_225 : vector<1x256xi1> to vector<1x256xi1>
      %broadcast_in_dim3A_240 = vector.broadcast %broadcast_in_dim3A_239 : vector<1x256xi1> to vector<256x256xi1>
      %broadcast_in_dim3A_241 = vector.broadcast %jit3A : f32 to vector<256x256xf32>
      %select_n3A = arith.select %broadcast_in_dim3A_240, %exp3A, %broadcast_in_dim3A_241 : vector<256x256xi1>, vector<256x256xf32>
      %get3A_242 = arith.constant 0 : index
      %get3A_243 = arith.constant 0 : index
      %get3A_244 = arith.constant 1792 : index
      %get3A_245 = arith.constant 0 : index
      %get3A_246 = vector.load %arg6[%get3A_242, %get3A_243, %get3A_244, %get3A_245] : memref<1x8x2048x64xbf16, #tpu.memory_space<vmem>>, vector<1x1x256x64xbf16>
      %get3A_247 = vector.shape_cast %get3A_246 : vector<1x1x256x64xbf16> to vector<256x64xbf16>
      %get3A_248 = arith.constant 0 : index
      %get3A_249 = arith.constant 0 : index
      %get3A_250 = arith.constant 0 : index
      %get3A_251 = vector.load %arg8[%get3A_248, %get3A_249, %get3A_250] : memref<8x256x64xf32, #tpu.memory_space<vmem>>, vector<1x256x64xf32>
      %get3A_252 = vector.shape_cast %get3A_251 : vector<1x256x64xf32> to vector<256x64xf32>
      %convert_element_type3A_253 = arith.truncf %select_n3A : vector<256x256xf32> to vector<256x256xbf16>
      %dot_general3A_254 = arith.constant dense<0.000000e+00> : vector<256x64xf32>
      %dot_general3A_255 = tpu.matmul %convert_element_type3A_253, %get3A_247, %dot_general3A_254 {dimension_numbers = #tpu.dot_dimension_numbers<[1], [0], [0], [1], [0, 0, 1, 1], [], []>, transpose_lhs_hint = false} : vector<256x256xbf16>, vector<256x64xbf16>, vector<256x64xf32> -> vector<256x64xf32>
      %add3A_256 = arith.addf %get3A_252, %dot_general3A_255 : vector<256x64xf32>
      %swap3A_257 = arith.constant 0 : index
      %swap3A_258 = arith.constant 0 : index
      %swap3A_259 = arith.constant 0 : index
      %swap3A_260 = vector.load %arg8[%swap3A_257, %swap3A_258, %swap3A_259] : memref<8x256x64xf32, #tpu.memory_space<vmem>>, vector<1x256x64xf32>
      %swap3A_261 = vector.shape_cast %swap3A_260 : vector<1x256x64xf32> to vector<256x64xf32>
      %swap3A_262 = vector.shape_cast %add3A_256 : vector<256x64xf32> to vector<1x256x64xf32>
      tpu.vector_store %arg8[%swap3A_257, %swap3A_258, %swap3A_259], %swap3A_262 {strides = array<i32>} : memref<8x256x64xf32, #tpu.memory_space<vmem>>, vector<1x256x64xf32>,
      %get3A_263 = arith.constant 0 : index
      %get3A_264 = arith.constant 0 : index
      %get3A_265 = arith.constant 0 : index
      %get3A_266 = vector.load %arg9[%get3A_263, %get3A_264, %get3A_265] : memref<8x256x128xf32, #tpu.memory_space<vmem>>, vector<1x256x1xf32>
      %get3A_267 = vector.shape_cast %get3A_266 : vector<1x256x1xf32> to vector<256x1xf32>
      %reduce_sum3A = arith.constant dense<0.000000e+00> : vector<256xf32>
      %reduce_sum3A_268 = vector.multi_reduction <add>, %select_n3A, %reduce_sum3A [1] : vector<256x256xf32> to vector<256xf32>
      %broadcast_in_dim3A_269 = vector.shape_cast %reduce_sum3A_268 : vector<256xf32> to vector<256x1xf32>
      %add3A_270 = arith.addf %get3A_267, %broadcast_in_dim3A_269 : vector<256x1xf32>
      %swap3A_271 = arith.constant 0 : index
      %swap3A_272 = arith.constant 0 : index
      %swap3A_273 = arith.constant 0 : index
      %swap3A_274 = vector.load %arg9[%swap3A_271, %swap3A_272, %swap3A_273] : memref<8x256x128xf32, #tpu.memory_space<vmem>>, vector<1x256x1xf32>
      %swap3A_275 = vector.shape_cast %swap3A_274 : vector<1x256x1xf32> to vector<256x1xf32>
      %swap3A_276 = vector.shape_cast %add3A_270 : vector<256x1xf32> to vector<1x256x1xf32>
      tpu.vector_store %arg9[%swap3A_271, %swap3A_272, %swap3A_273], %swap3A_276 {strides = array<i32>} : memref<8x256x128xf32, #tpu.memory_space<vmem>>, vector<1x256x1xf32>,
      %get3A_277 = arith.constant 0 : index
      %get3A_278 = arith.constant 1 : index
      %get3A_279 = arith.constant 0 : index
      %get3A_280 = arith.constant 0 : index
      %get3A_281 = vector.load %arg4[%get3A_277, %get3A_278, %get3A_279, %get3A_280] : memref<1x8x256x64xbf16, #tpu.memory_space<vmem>>, vector<1x1x256x64xbf16>
      %get3A_282 = vector.shape_cast %get3A_281 : vector<1x1x256x64xbf16> to vector<256x64xbf16>
      %get3A_283 = arith.constant 0 : index
      %get3A_284 = arith.constant 1 : index
      %get3A_285 = arith.constant 0 : index
      %get3A_286 = arith.constant 1792 : index
      %get3A_287 = vector.load %arg5[%get3A_283, %get3A_284, %get3A_285, %get3A_286] : memref<1x8x64x2048xbf16, #tpu.memory_space<vmem>>, vector<1x1x64x256xbf16>
      %get3A_288 = vector.shape_cast %get3A_287 : vector<1x1x64x256xbf16> to vector<64x256xbf16>
      %dot_general3A_289 = arith.constant dense<0.000000e+00> : vector<256x256xf32>
      %dot_general3A_290 = tpu.matmul %get3A_282, %get3A_288, %dot_general3A_289 {dimension_numbers = #tpu.dot_dimension_numbers<[1], [0], [0], [1], [0, 0, 1, 1], [], []>, transpose_lhs_hint = false} : vector<256x64xbf16>, vector<64x256xbf16>, vector<256x256xf32> -> vector<256x256xf32>
      %exp3A_291 = math.exp %dot_general3A_290 : vector<256x256xf32>
      %jit3A_292 = arith.constant 0.000000e+00 : f32
      %broadcast_in_dim3A_293 = vector.shape_cast %lt3A_225 : vector<1x256xi1> to vector<1x256xi1>
      %broadcast_in_dim3A_294 = vector.broadcast %broadcast_in_dim3A_293 : vector<1x256xi1> to vector<256x256xi1>
      %broadcast_in_dim3A_295 = vector.broadcast %jit3A_292 : f32 to vector<256x256xf32>
      %select_n3A_296 = arith.select %broadcast_in_dim3A_294, %exp3A_291, %broadcast_in_dim3A_295 : vector<256x256xi1>, vector<256x256xf32>
      %get3A_297 = arith.constant 0 : index
      %get3A_298 = arith.constant 1 : index
      %get3A_299 = arith.constant 1792 : index
      %get3A_300 = arith.constant 0 : index
      %get3A_301 = vector.load %arg6[%get3A_297, %get3A_298, %get3A_299, %get3A_300] : memref<1x8x2048x64xbf16, #tpu.memory_space<vmem>>, vector<1x1x256x64xbf16>
      %get3A_302 = vector.shape_cast %get3A_301 : vector<1x1x256x64xbf16> to vector<256x64xbf16>
      %get3A_303 = arith.constant 1 : index
      %get3A_304 = arith.constant 0 : index
      %get3A_305 = arith.constant 0 : index
      %get3A_306 = vector.load %arg8[%get3A_303, %get3A_304, %get3A_305] : memref<8x256x64xf32, #tpu.memory_space<vmem>>, vector<1x256x64xf32>
      %get3A_307 = vector.shape_cast %get3A_306 : vector<1x256x64xf32> to vector<256x64xf32>
      %convert_element_type3A_308 = arith.truncf %select_n3A_296 : vector<256x256xf32> to vector<256x256xbf16>
      %dot_general3A_309 = arith.constant dense<0.000000e+00> : vector<256x64xf32>
      %dot_general3A_310 = tpu.matmul %convert_element_type3A_308, %get3A_302, %dot_general3A_309 {dimension_numbers = #tpu.dot_dimension_numbers<[1], [0], [0], [1], [0, 0, 1, 1], [], []>, transpose_lhs_hint = false} : vector<256x256xbf16>, vector<256x64xbf16>, vector<256x64xf32> -> vector<256x64xf32>
      %add3A_311 = arith.addf %get3A_307, %dot_general3A_310 : vector<256x64xf32>
      %swap3A_312 = arith.constant 1 : index
      %swap3A_313 = arith.constant 0 : index
      %swap3A_314 = arith.constant 0 : index
      %swap3A_315 = vector.load %arg8[%swap3A_312, %swap3A_313, %swap3A_314] : memref<8x256x64xf32, #tpu.memory_space<vmem>>, vector<1x256x64xf32>
      %swap3A_316 = vector.shape_cast %swap3A_315 : vector<1x256x64xf32> to vector<256x64xf32>
      %swap3A_317 = vector.shape_cast %add3A_311 : vector<256x64xf32> to vector<1x256x64xf32>
      tpu.vector_store %arg8[%swap3A_312, %swap3A_313, %swap3A_314], %swap3A_317 {strides = array<i32>} : memref<8x256x64xf32, #tpu.memory_space<vmem>>, vector<1x256x64xf32>,
      %get3A_318 = arith.constant 1 : index
      %get3A_319 = arith.constant 0 : index
      %get3A_320 = arith.constant 0 : index
      %get3A_321 = vector.load %arg9[%get3A_318, %get3A_319, %get3A_320] : memref<8x256x128xf32, #tpu.memory_space<vmem>>, vector<1x256x1xf32>
      %get3A_322 = vector.shape_cast %get3A_321 : vector<1x256x1xf32> to vector<256x1xf32>
      %reduce_sum3A_323 = arith.constant dense<0.000000e+00> : vector<256xf32>
      %reduce_sum3A_324 = vector.multi_reduction <add>, %select_n3A_296, %reduce_sum3A_323 [1] : vector<256x256xf32> to vector<256xf32>
      %broadcast_in_dim3A_325 = vector.shape_cast %reduce_sum3A_324 : vector<256xf32> to vector<256x1xf32>
      %add3A_326 = arith.addf %get3A_322, %broadcast_in_dim3A_325 : vector<256x1xf32>
      %swap3A_327 = arith.constant 1 : index
      %swap3A_328 = arith.constant 0 : index
      %swap3A_329 = arith.constant 0 : index
      %swap3A_330 = vector.load %arg9[%swap3A_327, %swap3A_328, %swap3A_329] : memref<8x256x128xf32, #tpu.memory_space<vmem>>, vector<1x256x1xf32>
      %swap3A_331 = vector.shape_cast %swap3A_330 : vector<1x256x1xf32> to vector<256x1xf32>
      %swap3A_332 = vector.shape_cast %add3A_326 : vector<256x1xf32> to vector<1x256x1xf32>
      tpu.vector_store %arg9[%swap3A_327, %swap3A_328, %swap3A_329], %swap3A_332 {strides = array<i32>} : memref<8x256x128xf32, #tpu.memory_space<vmem>>, vector<1x256x1xf32>,
      %get3A_333 = arith.constant 0 : index
      %get3A_334 = arith.constant 2 : index
      %get3A_335 = arith.constant 0 : index
      %get3A_336 = arith.constant 0 : index
      %get3A_337 = vector.load %arg4[%get3A_333, %get3A_334, %get3A_335, %get3A_336] : memref<1x8x256x64xbf16, #tpu.memory_space<vmem>>, vector<1x1x256x64xbf16>
      %get3A_338 = vector.shape_cast %get3A_337 : vector<1x1x256x64xbf16> to vector<256x64xbf16>
      %get3A_339 = arith.constant 0 : index
      %get3A_340 = arith.constant 2 : index
      %get3A_341 = arith.constant 0 : index
      %get3A_342 = arith.constant 1792 : index
      %get3A_343 = vector.load %arg5[%get3A_339, %get3A_340, %get3A_341, %get3A_342] : memref<1x8x64x2048xbf16, #tpu.memory_space<vmem>>, vector<1x1x64x256xbf16>
      %get3A_344 = vector.shape_cast %get3A_343 : vector<1x1x64x256xbf16> to vector<64x256xbf16>
      %dot_general3A_345 = arith.constant dense<0.000000e+00> : vector<256x256xf32>
      %dot_general3A_346 = tpu.matmul %get3A_338, %get3A_344, %dot_general3A_345 {dimension_numbers = #tpu.dot_dimension_numbers<[1], [0], [0], [1], [0, 0, 1, 1], [], []>, transpose_lhs_hint = false} : vector<256x64xbf16>, vector<64x256xbf16>, vector<256x256xf32> -> vector<256x256xf32>
      %exp3A_347 = math.exp %dot_general3A_346 : vector<256x256xf32>
      %jit3A_348 = arith.constant 0.000000e+00 : f32
      %broadcast_in_dim3A_349 = vector.shape_cast %lt3A_225 : vector<1x256xi1> to vector<1x256xi1>
      %broadcast_in_dim3A_350 = vector.broadcast %broadcast_in_dim3A_349 : vector<1x256xi1> to vector<256x256xi1>
      %broadcast_in_dim3A_351 = vector.broadcast %jit3A_348 : f32 to vector<256x256xf32>
      %select_n3A_352 = arith.select %broadcast_in_dim3A_350, %exp3A_347, %broadcast_in_dim3A_351 : vector<256x256xi1>, vector<256x256xf32>
      %get3A_353 = arith.constant 0 : index
      %get3A_354 = arith.constant 2 : index
      %get3A_355 = arith.constant 1792 : index
      %get3A_356 = arith.constant 0 : index
      %get3A_357 = vector.load %arg6[%get3A_353, %get3A_354, %get3A_355, %get3A_356] : memref<1x8x2048x64xbf16, #tpu.memory_space<vmem>>, vector<1x1x256x64xbf16>
      %get3A_358 = vector.shape_cast %get3A_357 : vector<1x1x256x64xbf16> to vector<256x64xbf16>
      %get3A_359 = arith.constant 2 : index
      %get3A_360 = arith.constant 0 : index
      %get3A_361 = arith.constant 0 : index
      %get3A_362 = vector.load %arg8[%get3A_359, %get3A_360, %get3A_361] : memref<8x256x64xf32, #tpu.memory_space<vmem>>, vector<1x256x64xf32>
      %get3A_363 = vector.shape_cast %get3A_362 : vector<1x256x64xf32> to vector<256x64xf32>
      %convert_element_type3A_364 = arith.truncf %select_n3A_352 : vector<256x256xf32> to vector<256x256xbf16>
      %dot_general3A_365 = arith.constant dense<0.000000e+00> : vector<256x64xf32>
      %dot_general3A_366 = tpu.matmul %convert_element_type3A_364, %get3A_358, %dot_general3A_365 {dimension_numbers = #tpu.dot_dimension_numbers<[1], [0], [0], [1], [0, 0, 1, 1], [], []>, transpose_lhs_hint = false} : vector<256x256xbf16>, vector<256x64xbf16>, vector<256x64xf32> -> vector<256x64xf32>
      %add3A_367 = arith.addf %get3A_363, %dot_general3A_366 : vector<256x64xf32>
      %swap3A_368 = arith.constant 2 : index
      %swap3A_369 = arith.constant 0 : index
      %swap3A_370 = arith.constant 0 : index
      %swap3A_371 = vector.load %arg8[%swap3A_368, %swap3A_369, %swap3A_370] : memref<8x256x64xf32, #tpu.memory_space<vmem>>, vector<1x256x64xf32>
      %swap3A_372 = vector.shape_cast %swap3A_371 : vector<1x256x64xf32> to vector<256x64xf32>
      %swap3A_373 = vector.shape_cast %add3A_367 : vector<256x64xf32> to vector<1x256x64xf32>
      tpu.vector_store %arg8[%swap3A_368, %swap3A_369, %swap3A_370], %swap3A_373 {strides = array<i32>} : memref<8x256x64xf32, #tpu.memory_space<vmem>>, vector<1x256x64xf32>,
      %get3A_374 = arith.constant 2 : index
      %get3A_375 = arith.constant 0 : index
      %get3A_376 = arith.constant 0 : index
      %get3A_377 = vector.load %arg9[%get3A_374, %get3A_375, %get3A_376] : memref<8x256x128xf32, #tpu.memory_space<vmem>>, vector<1x256x1xf32>
      %get3A_378 = vector.shape_cast %get3A_377 : vector<1x256x1xf32> to vector<256x1xf32>
      %reduce_sum3A_379 = arith.constant dense<0.000000e+00> : vector<256xf32>
      %reduce_sum3A_380 = vector.multi_reduction <add>, %select_n3A_352, %reduce_sum3A_379 [1] : vector<256x256xf32> to vector<256xf32>
      %broadcast_in_dim3A_381 = vector.shape_cast %reduce_sum3A_380 : vector<256xf32> to vector<256x1xf32>
      %add3A_382 = arith.addf %get3A_378, %broadcast_in_dim3A_381 : vector<256x1xf32>
      %swap3A_383 = arith.constant 2 : index
      %swap3A_384 = arith.constant 0 : index
      %swap3A_385 = arith.constant 0 : index
      %swap3A_386 = vector.load %arg9[%swap3A_383, %swap3A_384, %swap3A_385] : memref<8x256x128xf32, #tpu.memory_space<vmem>>, vector<1x256x1xf32>
      %swap3A_387 = vector.shape_cast %swap3A_386 : vector<1x256x1xf32> to vector<256x1xf32>
      %swap3A_388 = vector.shape_cast %add3A_382 : vector<256x1xf32> to vector<1x256x1xf32>
      tpu.vector_store %arg9[%swap3A_383, %swap3A_384, %swap3A_385], %swap3A_388 {strides = array<i32>} : memref<8x256x128xf32, #tpu.memory_space<vmem>>, vector<1x256x1xf32>,
      %get3A_389 = arith.constant 0 : index
      %get3A_390 = arith.constant 3 : index
      %get3A_391 = arith.constant 0 : index
      %get3A_392 = arith.constant 0 : index
      %get3A_393 = vector.load %arg4[%get3A_389, %get3A_390, %get3A_391, %get3A_392] : memref<1x8x256x64xbf16, #tpu.memory_space<vmem>>, vector<1x1x256x64xbf16>
      %get3A_394 = vector.shape_cast %get3A_393 : vector<1x1x256x64xbf16> to vector<256x64xbf16>
      %get3A_395 = arith.constant 0 : index
      %get3A_396 = arith.constant 3 : index
      %get3A_397 = arith.constant 0 : index
      %get3A_398 = arith.constant 1792 : index
      %get3A_399 = vector.load %arg5[%get3A_395, %get3A_396, %get3A_397, %get3A_398] : memref<1x8x64x2048xbf16, #tpu.memory_space<vmem>>, vector<1x1x64x256xbf16>
      %get3A_400 = vector.shape_cast %get3A_399 : vector<1x1x64x256xbf16> to vector<64x256xbf16>
      %dot_general3A_401 = arith.constant dense<0.000000e+00> : vector<256x256xf32>
      %dot_general3A_402 = tpu.matmul %get3A_394, %get3A_400, %dot_general3A_401 {dimension_numbers = #tpu.dot_dimension_numbers<[1], [0], [0], [1], [0, 0, 1, 1], [], []>, transpose_lhs_hint = false} : vector<256x64xbf16>, vector<64x256xbf16>, vector<256x256xf32> -> vector<256x256xf32>
      %exp3A_403 = math.exp %dot_general3A_402 : vector<256x256xf32>
      %jit3A_404 = arith.constant 0.000000e+00 : f32
      %broadcast_in_dim3A_405 = vector.shape_cast %lt3A_225 : vector<1x256xi1> to vector<1x256xi1>
      %broadcast_in_dim3A_406 = vector.broadcast %broadcast_in_dim3A_405 : vector<1x256xi1> to vector<256x256xi1>
      %broadcast_in_dim3A_407 = vector.broadcast %jit3A_404 : f32 to vector<256x256xf32>
      %select_n3A_408 = arith.select %broadcast_in_dim3A_406, %exp3A_403, %broadcast_in_dim3A_407 : vector<256x256xi1>, vector<256x256xf32>
      %get3A_409 = arith.constant 0 : index
      %get3A_410 = arith.constant 3 : index
      %get3A_411 = arith.constant 1792 : index
      %get3A_412 = arith.constant 0 : index
      %get3A_413 = vector.load %arg6[%get3A_409, %get3A_410, %get3A_411, %get3A_412] : memref<1x8x2048x64xbf16, #tpu.memory_space<vmem>>, vector<1x1x256x64xbf16>
      %get3A_414 = vector.shape_cast %get3A_413 : vector<1x1x256x64xbf16> to vector<256x64xbf16>
      %get3A_415 = arith.constant 3 : index
      %get3A_416 = arith.constant 0 : index
      %get3A_417 = arith.constant 0 : index
      %get3A_418 = vector.load %arg8[%get3A_415, %get3A_416, %get3A_417] : memref<8x256x64xf32, #tpu.memory_space<vmem>>, vector<1x256x64xf32>
      %get3A_419 = vector.shape_cast %get3A_418 : vector<1x256x64xf32> to vector<256x64xf32>
      %convert_element_type3A_420 = arith.truncf %select_n3A_408 : vector<256x256xf32> to vector<256x256xbf16>
      %dot_general3A_421 = arith.constant dense<0.000000e+00> : vector<256x64xf32>
      %dot_general3A_422 = tpu.matmul %convert_element_type3A_420, %get3A_414, %dot_general3A_421 {dimension_numbers = #tpu.dot_dimension_numbers<[1], [0], [0], [1], [0, 0, 1, 1], [], []>, transpose_lhs_hint = false} : vector<256x256xbf16>, vector<256x64xbf16>, vector<256x64xf32> -> vector<256x64xf32>
      %add3A_423 = arith.addf %get3A_419, %dot_general3A_422 : vector<256x64xf32>
      %swap3A_424 = arith.constant 3 : index
      %swap3A_425 = arith.constant 0 : index
      %swap3A_426 = arith.constant 0 : index
      %swap3A_427 = vector.load %arg8[%swap3A_424, %swap3A_425, %swap3A_426] : memref<8x256x64xf32, #tpu.memory_space<vmem>>, vector<1x256x64xf32>
      %swap3A_428 = vector.shape_cast %swap3A_427 : vector<1x256x64xf32> to vector<256x64xf32>
      %swap3A_429 = vector.shape_cast %add3A_423 : vector<256x64xf32> to vector<1x256x64xf32>
      tpu.vector_store %arg8[%swap3A_424, %swap3A_425, %swap3A_426], %swap3A_429 {strides = array<i32>} : memref<8x256x64xf32, #tpu.memory_space<vmem>>, vector<1x256x64xf32>,
      %get3A_430 = arith.constant 3 : index
      %get3A_431 = arith.constant 0 : index
      %get3A_432 = arith.constant 0 : index
      %get3A_433 = vector.load %arg9[%get3A_430, %get3A_431, %get3A_432] : memref<8x256x128xf32, #tpu.memory_space<vmem>>, vector<1x256x1xf32>
      %get3A_434 = vector.shape_cast %get3A_433 : vector<1x256x1xf32> to vector<256x1xf32>
      %reduce_sum3A_435 = arith.constant dense<0.000000e+00> : vector<256xf32>
      %reduce_sum3A_436 = vector.multi_reduction <add>, %select_n3A_408, %reduce_sum3A_435 [1] : vector<256x256xf32> to vector<256xf32>
      %broadcast_in_dim3A_437 = vector.shape_cast %reduce_sum3A_436 : vector<256xf32> to vector<256x1xf32>
      %add3A_438 = arith.addf %get3A_434, %broadcast_in_dim3A_437 : vector<256x1xf32>
      %swap3A_439 = arith.constant 3 : index
      %swap3A_440 = arith.constant 0 : index
      %swap3A_441 = arith.constant 0 : index
      %swap3A_442 = vector.load %arg9[%swap3A_439, %swap3A_440, %swap3A_441] : memref<8x256x128xf32, #tpu.memory_space<vmem>>, vector<1x256x1xf32>
      %swap3A_443 = vector.shape_cast %swap3A_442 : vector<1x256x1xf32> to vector<256x1xf32>
      %swap3A_444 = vector.shape_cast %add3A_438 : vector<256x1xf32> to vector<1x256x1xf32>
      tpu.vector_store %arg9[%swap3A_439, %swap3A_440, %swap3A_441], %swap3A_444 {strides = array<i32>} : memref<8x256x128xf32, #tpu.memory_space<vmem>>, vector<1x256x1xf32>,
      %get3A_445 = arith.constant 0 : index
      %get3A_446 = arith.constant 4 : index
      %get3A_447 = arith.constant 0 : index
      %get3A_448 = arith.constant 0 : index
      %get3A_449 = vector.load %arg4[%get3A_445, %get3A_446, %get3A_447, %get3A_448] : memref<1x8x256x64xbf16, #tpu.memory_space<vmem>>, vector<1x1x256x64xbf16>
      %get3A_450 = vector.shape_cast %get3A_449 : vector<1x1x256x64xbf16> to vector<256x64xbf16>
      %get3A_451 = arith.constant 0 : index
      %get3A_452 = arith.constant 4 : index
      %get3A_453 = arith.constant 0 : index
      %get3A_454 = arith.constant 1792 : index
      %get3A_455 = vector.load %arg5[%get3A_451, %get3A_452, %get3A_453, %get3A_454] : memref<1x8x64x2048xbf16, #tpu.memory_space<vmem>>, vector<1x1x64x256xbf16>
      %get3A_456 = vector.shape_cast %get3A_455 : vector<1x1x64x256xbf16> to vector<64x256xbf16>
      %dot_general3A_457 = arith.constant dense<0.000000e+00> : vector<256x256xf32>
      %dot_general3A_458 = tpu.matmul %get3A_450, %get3A_456, %dot_general3A_457 {dimension_numbers = #tpu.dot_dimension_numbers<[1], [0], [0], [1], [0, 0, 1, 1], [], []>, transpose_lhs_hint = false} : vector<256x64xbf16>, vector<64x256xbf16>, vector<256x256xf32> -> vector<256x256xf32>
      %exp3A_459 = math.exp %dot_general3A_458 : vector<256x256xf32>
      %jit3A_460 = arith.constant 0.000000e+00 : f32
      %broadcast_in_dim3A_461 = vector.shape_cast %lt3A_225 : vector<1x256xi1> to vector<1x256xi1>
      %broadcast_in_dim3A_462 = vector.broadcast %broadcast_in_dim3A_461 : vector<1x256xi1> to vector<256x256xi1>
      %broadcast_in_dim3A_463 = vector.broadcast %jit3A_460 : f32 to vector<256x256xf32>
      %select_n3A_464 = arith.select %broadcast_in_dim3A_462, %exp3A_459, %broadcast_in_dim3A_463 : vector<256x256xi1>, vector<256x256xf32>
      %get3A_465 = arith.constant 0 : index
      %get3A_466 = arith.constant 4 : index
      %get3A_467 = arith.constant 1792 : index
      %get3A_468 = arith.constant 0 : index
      %get3A_469 = vector.load %arg6[%get3A_465, %get3A_466, %get3A_467, %get3A_468] : memref<1x8x2048x64xbf16, #tpu.memory_space<vmem>>, vector<1x1x256x64xbf16>
      %get3A_470 = vector.shape_cast %get3A_469 : vector<1x1x256x64xbf16> to vector<256x64xbf16>
      %get3A_471 = arith.constant 4 : index
      %get3A_472 = arith.constant 0 : index
      %get3A_473 = arith.constant 0 : index
      %get3A_474 = vector.load %arg8[%get3A_471, %get3A_472, %get3A_473] : memref<8x256x64xf32, #tpu.memory_space<vmem>>, vector<1x256x64xf32>
      %get3A_475 = vector.shape_cast %get3A_474 : vector<1x256x64xf32> to vector<256x64xf32>
      %convert_element_type3A_476 = arith.truncf %select_n3A_464 : vector<256x256xf32> to vector<256x256xbf16>
      %dot_general3A_477 = arith.constant dense<0.000000e+00> : vector<256x64xf32>
      %dot_general3A_478 = tpu.matmul %convert_element_type3A_476, %get3A_470, %dot_general3A_477 {dimension_numbers = #tpu.dot_dimension_numbers<[1], [0], [0], [1], [0, 0, 1, 1], [], []>, transpose_lhs_hint = false} : vector<256x256xbf16>, vector<256x64xbf16>, vector<256x64xf32> -> vector<256x64xf32>
      %add3A_479 = arith.addf %get3A_475, %dot_general3A_478 : vector<256x64xf32>
      %swap3A_480 = arith.constant 4 : index
      %swap3A_481 = arith.constant 0 : index
      %swap3A_482 = arith.constant 0 : index
      %swap3A_483 = vector.load %arg8[%swap3A_480, %swap3A_481, %swap3A_482] : memref<8x256x64xf32, #tpu.memory_space<vmem>>, vector<1x256x64xf32>
      %swap3A_484 = vector.shape_cast %swap3A_483 : vector<1x256x64xf32> to vector<256x64xf32>
      %swap3A_485 = vector.shape_cast %add3A_479 : vector<256x64xf32> to vector<1x256x64xf32>
      tpu.vector_store %arg8[%swap3A_480, %swap3A_481, %swap3A_482], %swap3A_485 {strides = array<i32>} : memref<8x256x64xf32, #tpu.memory_space<vmem>>, vector<1x256x64xf32>,
      %get3A_486 = arith.constant 4 : index
      %get3A_487 = arith.constant 0 : index
      %get3A_488 = arith.constant 0 : index
      %get3A_489 = vector.load %arg9[%get3A_486, %get3A_487, %get3A_488] : memref<8x256x128xf32, #tpu.memory_space<vmem>>, vector<1x256x1xf32>
      %get3A_490 = vector.shape_cast %get3A_489 : vector<1x256x1xf32> to vector<256x1xf32>
      %reduce_sum3A_491 = arith.constant dense<0.000000e+00> : vector<256xf32>
      %reduce_sum3A_492 = vector.multi_reduction <add>, %select_n3A_464, %reduce_sum3A_491 [1] : vector<256x256xf32> to vector<256xf32>
      %broadcast_in_dim3A_493 = vector.shape_cast %reduce_sum3A_492 : vector<256xf32> to vector<256x1xf32>
      %add3A_494 = arith.addf %get3A_490, %broadcast_in_dim3A_493 : vector<256x1xf32>
      %swap3A_495 = arith.constant 4 : index
      %swap3A_496 = arith.constant 0 : index
      %swap3A_497 = arith.constant 0 : index
      %swap3A_498 = vector.load %arg9[%swap3A_495, %swap3A_496, %swap3A_497] : memref<8x256x128xf32, #tpu.memory_space<vmem>>, vector<1x256x1xf32>
      %swap3A_499 = vector.shape_cast %swap3A_498 : vector<1x256x1xf32> to vector<256x1xf32>
      %swap3A_500 = vector.shape_cast %add3A_494 : vector<256x1xf32> to vector<1x256x1xf32>
      tpu.vector_store %arg9[%swap3A_495, %swap3A_496, %swap3A_497], %swap3A_500 {strides = array<i32>} : memref<8x256x128xf32, #tpu.memory_space<vmem>>, vector<1x256x1xf32>,
      %get3A_501 = arith.constant 0 : index
      %get3A_502 = arith.constant 5 : index
      %get3A_503 = arith.constant 0 : index
      %get3A_504 = arith.constant 0 : index
      %get3A_505 = vector.load %arg4[%get3A_501, %get3A_502, %get3A_503, %get3A_504] : memref<1x8x256x64xbf16, #tpu.memory_space<vmem>>, vector<1x1x256x64xbf16>
      %get3A_506 = vector.shape_cast %get3A_505 : vector<1x1x256x64xbf16> to vector<256x64xbf16>
      %get3A_507 = arith.constant 0 : index
      %get3A_508 = arith.constant 5 : index
      %get3A_509 = arith.constant 0 : index
      %get3A_510 = arith.constant 1792 : index
      %get3A_511 = vector.load %arg5[%get3A_507, %get3A_508, %get3A_509, %get3A_510] : memref<1x8x64x2048xbf16, #tpu.memory_space<vmem>>, vector<1x1x64x256xbf16>
      %get3A_512 = vector.shape_cast %get3A_511 : vector<1x1x64x256xbf16> to vector<64x256xbf16>
      %dot_general3A_513 = arith.constant dense<0.000000e+00> : vector<256x256xf32>
      %dot_general3A_514 = tpu.matmul %get3A_506, %get3A_512, %dot_general3A_513 {dimension_numbers = #tpu.dot_dimension_numbers<[1], [0], [0], [1], [0, 0, 1, 1], [], []>, transpose_lhs_hint = false} : vector<256x64xbf16>, vector<64x256xbf16>, vector<256x256xf32> -> vector<256x256xf32>
      %exp3A_515 = math.exp %dot_general3A_514 : vector<256x256xf32>
      %jit3A_516 = arith.constant 0.000000e+00 : f32
      %broadcast_in_dim3A_517 = vector.shape_cast %lt3A_225 : vector<1x256xi1> to vector<1x256xi1>
      %broadcast_in_dim3A_518 = vector.broadcast %broadcast_in_dim3A_517 : vector<1x256xi1> to vector<256x256xi1>
      %broadcast_in_dim3A_519 = vector.broadcast %jit3A_516 : f32 to vector<256x256xf32>
      %select_n3A_520 = arith.select %broadcast_in_dim3A_518, %exp3A_515, %broadcast_in_dim3A_519 : vector<256x256xi1>, vector<256x256xf32>
      %get3A_521 = arith.constant 0 : index
      %get3A_522 = arith.constant 5 : index
      %get3A_523 = arith.constant 1792 : index
      %get3A_524 = arith.constant 0 : index
      %get3A_525 = vector.load %arg6[%get3A_521, %get3A_522, %get3A_523, %get3A_524] : memref<1x8x2048x64xbf16, #tpu.memory_space<vmem>>, vector<1x1x256x64xbf16>
      %get3A_526 = vector.shape_cast %get3A_525 : vector<1x1x256x64xbf16> to vector<256x64xbf16>
      %get3A_527 = arith.constant 5 : index
      %get3A_528 = arith.constant 0 : index
      %get3A_529 = arith.constant 0 : index
      %get3A_530 = vector.load %arg8[%get3A_527, %get3A_528, %get3A_529] : memref<8x256x64xf32, #tpu.memory_space<vmem>>, vector<1x256x64xf32>
      %get3A_531 = vector.shape_cast %get3A_530 : vector<1x256x64xf32> to vector<256x64xf32>
      %convert_element_type3A_532 = arith.truncf %select_n3A_520 : vector<256x256xf32> to vector<256x256xbf16>
      %dot_general3A_533 = arith.constant dense<0.000000e+00> : vector<256x64xf32>
      %dot_general3A_534 = tpu.matmul %convert_element_type3A_532, %get3A_526, %dot_general3A_533 {dimension_numbers = #tpu.dot_dimension_numbers<[1], [0], [0], [1], [0, 0, 1, 1], [], []>, transpose_lhs_hint = false} : vector<256x256xbf16>, vector<256x64xbf16>, vector<256x64xf32> -> vector<256x64xf32>
      %add3A_535 = arith.addf %get3A_531, %dot_general3A_534 : vector<256x64xf32>
      %swap3A_536 = arith.constant 5 : index
      %swap3A_537 = arith.constant 0 : index
      %swap3A_538 = arith.constant 0 : index
      %swap3A_539 = vector.load %arg8[%swap3A_536, %swap3A_537, %swap3A_538] : memref<8x256x64xf32, #tpu.memory_space<vmem>>, vector<1x256x64xf32>
      %swap3A_540 = vector.shape_cast %swap3A_539 : vector<1x256x64xf32> to vector<256x64xf32>
      %swap3A_541 = vector.shape_cast %add3A_535 : vector<256x64xf32> to vector<1x256x64xf32>
      tpu.vector_store %arg8[%swap3A_536, %swap3A_537, %swap3A_538], %swap3A_541 {strides = array<i32>} : memref<8x256x64xf32, #tpu.memory_space<vmem>>, vector<1x256x64xf32>,
      %get3A_542 = arith.constant 5 : index
      %get3A_543 = arith.constant 0 : index
      %get3A_544 = arith.constant 0 : index
      %get3A_545 = vector.load %arg9[%get3A_542, %get3A_543, %get3A_544] : memref<8x256x128xf32, #tpu.memory_space<vmem>>, vector<1x256x1xf32>
      %get3A_546 = vector.shape_cast %get3A_545 : vector<1x256x1xf32> to vector<256x1xf32>
      %reduce_sum3A_547 = arith.constant dense<0.000000e+00> : vector<256xf32>
      %reduce_sum3A_548 = vector.multi_reduction <add>, %select_n3A_520, %reduce_sum3A_547 [1] : vector<256x256xf32> to vector<256xf32>
      %broadcast_in_dim3A_549 = vector.shape_cast %reduce_sum3A_548 : vector<256xf32> to vector<256x1xf32>
      %add3A_550 = arith.addf %get3A_546, %broadcast_in_dim3A_549 : vector<256x1xf32>
      %swap3A_551 = arith.constant 5 : index
      %swap3A_552 = arith.constant 0 : index
      %swap3A_553 = arith.constant 0 : index
      %swap3A_554 = vector.load %arg9[%swap3A_551, %swap3A_552, %swap3A_553] : memref<8x256x128xf32, #tpu.memory_space<vmem>>, vector<1x256x1xf32>
      %swap3A_555 = vector.shape_cast %swap3A_554 : vector<1x256x1xf32> to vector<256x1xf32>
      %swap3A_556 = vector.shape_cast %add3A_550 : vector<256x1xf32> to vector<1x256x1xf32>
      tpu.vector_store %arg9[%swap3A_551, %swap3A_552, %swap3A_553], %swap3A_556 {strides = array<i32>} : memref<8x256x128xf32, #tpu.memory_space<vmem>>, vector<1x256x1xf32>,
      %get3A_557 = arith.constant 0 : index
      %get3A_558 = arith.constant 6 : index
      %get3A_559 = arith.constant 0 : index
      %get3A_560 = arith.constant 0 : index
      %get3A_561 = vector.load %arg4[%get3A_557, %get3A_558, %get3A_559, %get3A_560] : memref<1x8x256x64xbf16, #tpu.memory_space<vmem>>, vector<1x1x256x64xbf16>
      %get3A_562 = vector.shape_cast %get3A_561 : vector<1x1x256x64xbf16> to vector<256x64xbf16>
      %get3A_563 = arith.constant 0 : index
      %get3A_564 = arith.constant 6 : index
      %get3A_565 = arith.constant 0 : index
      %get3A_566 = arith.constant 1792 : index
      %get3A_567 = vector.load %arg5[%get3A_563, %get3A_564, %get3A_565, %get3A_566] : memref<1x8x64x2048xbf16, #tpu.memory_space<vmem>>, vector<1x1x64x256xbf16>
      %get3A_568 = vector.shape_cast %get3A_567 : vector<1x1x64x256xbf16> to vector<64x256xbf16>
      %dot_general3A_569 = arith.constant dense<0.000000e+00> : vector<256x256xf32>
      %dot_general3A_570 = tpu.matmul %get3A_562, %get3A_568, %dot_general3A_569 {dimension_numbers = #tpu.dot_dimension_numbers<[1], [0], [0], [1], [0, 0, 1, 1], [], []>, transpose_lhs_hint = false} : vector<256x64xbf16>, vector<64x256xbf16>, vector<256x256xf32> -> vector<256x256xf32>
      %exp3A_571 = math.exp %dot_general3A_570 : vector<256x256xf32>
      %jit3A_572 = arith.constant 0.000000e+00 : f32
      %broadcast_in_dim3A_573 = vector.shape_cast %lt3A_225 : vector<1x256xi1> to vector<1x256xi1>
      %broadcast_in_dim3A_574 = vector.broadcast %broadcast_in_dim3A_573 : vector<1x256xi1> to vector<256x256xi1>
      %broadcast_in_dim3A_575 = vector.broadcast %jit3A_572 : f32 to vector<256x256xf32>
      %select_n3A_576 = arith.select %broadcast_in_dim3A_574, %exp3A_571, %broadcast_in_dim3A_575 : vector<256x256xi1>, vector<256x256xf32>
      %get3A_577 = arith.constant 0 : index
      %get3A_578 = arith.constant 6 : index
      %get3A_579 = arith.constant 1792 : index
      %get3A_580 = arith.constant 0 : index
      %get3A_581 = vector.load %arg6[%get3A_577, %get3A_578, %get3A_579, %get3A_580] : memref<1x8x2048x64xbf16, #tpu.memory_space<vmem>>, vector<1x1x256x64xbf16>
      %get3A_582 = vector.shape_cast %get3A_581 : vector<1x1x256x64xbf16> to vector<256x64xbf16>
      %get3A_583 = arith.constant 6 : index
      %get3A_584 = arith.constant 0 : index
      %get3A_585 = arith.constant 0 : index
      %get3A_586 = vector.load %arg8[%get3A_583, %get3A_584, %get3A_585] : memref<8x256x64xf32, #tpu.memory_space<vmem>>, vector<1x256x64xf32>
      %get3A_587 = vector.shape_cast %get3A_586 : vector<1x256x64xf32> to vector<256x64xf32>
      %convert_element_type3A_588 = arith.truncf %select_n3A_576 : vector<256x256xf32> to vector<256x256xbf16>
      %dot_general3A_589 = arith.constant dense<0.000000e+00> : vector<256x64xf32>
      %dot_general3A_590 = tpu.matmul %convert_element_type3A_588, %get3A_582, %dot_general3A_589 {dimension_numbers = #tpu.dot_dimension_numbers<[1], [0], [0], [1], [0, 0, 1, 1], [], []>, transpose_lhs_hint = false} : vector<256x256xbf16>, vector<256x64xbf16>, vector<256x64xf32> -> vector<256x64xf32>
      %add3A_591 = arith.addf %get3A_587, %dot_general3A_590 : vector<256x64xf32>
      %swap3A_592 = arith.constant 6 : index
      %swap3A_593 = arith.constant 0 : index
      %swap3A_594 = arith.constant 0 : index
      %swap3A_595 = vector.load %arg8[%swap3A_592, %swap3A_593, %swap3A_594] : memref<8x256x64xf32, #tpu.memory_space<vmem>>, vector<1x256x64xf32>
      %swap3A_596 = vector.shape_cast %swap3A_595 : vector<1x256x64xf32> to vector<256x64xf32>
      %swap3A_597 = vector.shape_cast %add3A_591 : vector<256x64xf32> to vector<1x256x64xf32>
      tpu.vector_store %arg8[%swap3A_592, %swap3A_593, %swap3A_594], %swap3A_597 {strides = array<i32>} : memref<8x256x64xf32, #tpu.memory_space<vmem>>, vector<1x256x64xf32>,
      %get3A_598 = arith.constant 6 : index
      %get3A_599 = arith.constant 0 : index
      %get3A_600 = arith.constant 0 : index
      %get3A_601 = vector.load %arg9[%get3A_598, %get3A_599, %get3A_600] : memref<8x256x128xf32, #tpu.memory_space<vmem>>, vector<1x256x1xf32>
      %get3A_602 = vector.shape_cast %get3A_601 : vector<1x256x1xf32> to vector<256x1xf32>
      %reduce_sum3A_603 = arith.constant dense<0.000000e+00> : vector<256xf32>
      %reduce_sum3A_604 = vector.multi_reduction <add>, %select_n3A_576, %reduce_sum3A_603 [1] : vector<256x256xf32> to vector<256xf32>
      %broadcast_in_dim3A_605 = vector.shape_cast %reduce_sum3A_604 : vector<256xf32> to vector<256x1xf32>
      %add3A_606 = arith.addf %get3A_602, %broadcast_in_dim3A_605 : vector<256x1xf32>
      %swap3A_607 = arith.constant 6 : index
      %swap3A_608 = arith.constant 0 : index
      %swap3A_609 = arith.constant 0 : index
      %swap3A_610 = vector.load %arg9[%swap3A_607, %swap3A_608, %swap3A_609] : memref<8x256x128xf32, #tpu.memory_space<vmem>>, vector<1x256x1xf32>
      %swap3A_611 = vector.shape_cast %swap3A_610 : vector<1x256x1xf32> to vector<256x1xf32>
      %swap3A_612 = vector.shape_cast %add3A_606 : vector<256x1xf32> to vector<1x256x1xf32>
      tpu.vector_store %arg9[%swap3A_607, %swap3A_608, %swap3A_609], %swap3A_612 {strides = array<i32>} : memref<8x256x128xf32, #tpu.memory_space<vmem>>, vector<1x256x1xf32>,
      %get3A_613 = arith.constant 0 : index
      %get3A_614 = arith.constant 7 : index
      %get3A_615 = arith.constant 0 : index
      %get3A_616 = arith.constant 0 : index
      %get3A_617 = vector.load %arg4[%get3A_613, %get3A_614, %get3A_615, %get3A_616] : memref<1x8x256x64xbf16, #tpu.memory_space<vmem>>, vector<1x1x256x64xbf16>
      %get3A_618 = vector.shape_cast %get3A_617 : vector<1x1x256x64xbf16> to vector<256x64xbf16>
      %get3A_619 = arith.constant 0 : index
      %get3A_620 = arith.constant 7 : index
      %get3A_621 = arith.constant 0 : index
      %get3A_622 = arith.constant 1792 : index
      %get3A_623 = vector.load %arg5[%get3A_619, %get3A_620, %get3A_621, %get3A_622] : memref<1x8x64x2048xbf16, #tpu.memory_space<vmem>>, vector<1x1x64x256xbf16>
      %get3A_624 = vector.shape_cast %get3A_623 : vector<1x1x64x256xbf16> to vector<64x256xbf16>
      %dot_general3A_625 = arith.constant dense<0.000000e+00> : vector<256x256xf32>
      %dot_general3A_626 = tpu.matmul %get3A_618, %get3A_624, %dot_general3A_625 {dimension_numbers = #tpu.dot_dimension_numbers<[1], [0], [0], [1], [0, 0, 1, 1], [], []>, transpose_lhs_hint = false} : vector<256x64xbf16>, vector<64x256xbf16>, vector<256x256xf32> -> vector<256x256xf32>
      %exp3A_627 = math.exp %dot_general3A_626 : vector<256x256xf32>
      %jit3A_628 = arith.constant 0.000000e+00 : f32
      %broadcast_in_dim3A_629 = vector.shape_cast %lt3A_225 : vector<1x256xi1> to vector<1x256xi1>
      %broadcast_in_dim3A_630 = vector.broadcast %broadcast_in_dim3A_629 : vector<1x256xi1> to vector<256x256xi1>
      %broadcast_in_dim3A_631 = vector.broadcast %jit3A_628 : f32 to vector<256x256xf32>
      %select_n3A_632 = arith.select %broadcast_in_dim3A_630, %exp3A_627, %broadcast_in_dim3A_631 : vector<256x256xi1>, vector<256x256xf32>
      %get3A_633 = arith.constant 0 : index
      %get3A_634 = arith.constant 7 : index
      %get3A_635 = arith.constant 1792 : index
      %get3A_636 = arith.constant 0 : index
      %get3A_637 = vector.load %arg6[%get3A_633, %get3A_634, %get3A_635, %get3A_636] : memref<1x8x2048x64xbf16, #tpu.memory_space<vmem>>, vector<1x1x256x64xbf16>
      %get3A_638 = vector.shape_cast %get3A_637 : vector<1x1x256x64xbf16> to vector<256x64xbf16>
      %get3A_639 = arith.constant 7 : index
      %get3A_640 = arith.constant 0 : index
      %get3A_641 = arith.constant 0 : index
      %get3A_642 = vector.load %arg8[%get3A_639, %get3A_640, %get3A_641] : memref<8x256x64xf32, #tpu.memory_space<vmem>>, vector<1x256x64xf32>
      %get3A_643 = vector.shape_cast %get3A_642 : vector<1x256x64xf32> to vector<256x64xf32>
      %convert_element_type3A_644 = arith.truncf %select_n3A_632 : vector<256x256xf32> to vector<256x256xbf16>
      %dot_general3A_645 = arith.constant dense<0.000000e+00> : vector<256x64xf32>
      %dot_general3A_646 = tpu.matmul %convert_element_type3A_644, %get3A_638, %dot_general3A_645 {dimension_numbers = #tpu.dot_dimension_numbers<[1], [0], [0], [1], [0, 0, 1, 1], [], []>, transpose_lhs_hint = false} : vector<256x256xbf16>, vector<256x64xbf16>, vector<256x64xf32> -> vector<256x64xf32>
      %add3A_647 = arith.addf %get3A_643, %dot_general3A_646 : vector<256x64xf32>
      %swap3A_648 = arith.constant 7 : index
      %swap3A_649 = arith.constant 0 : index
      %swap3A_650 = arith.constant 0 : index
      %swap3A_651 = vector.load %arg8[%swap3A_648, %swap3A_649, %swap3A_650] : memref<8x256x64xf32, #tpu.memory_space<vmem>>, vector<1x256x64xf32>
      %swap3A_652 = vector.shape_cast %swap3A_651 : vector<1x256x64xf32> to vector<256x64xf32>
      %swap3A_653 = vector.shape_cast %add3A_647 : vector<256x64xf32> to vector<1x256x64xf32>
      tpu.vector_store %arg8[%swap3A_648, %swap3A_649, %swap3A_650], %swap3A_653 {strides = array<i32>} : memref<8x256x64xf32, #tpu.memory_space<vmem>>, vector<1x256x64xf32>,
      %get3A_654 = arith.constant 7 : index
      %get3A_655 = arith.constant 0 : index
      %get3A_656 = arith.constant 0 : index
      %get3A_657 = vector.load %arg9[%get3A_654, %get3A_655, %get3A_656] : memref<8x256x128xf32, #tpu.memory_space<vmem>>, vector<1x256x1xf32>
      %get3A_658 = vector.shape_cast %get3A_657 : vector<1x256x1xf32> to vector<256x1xf32>
      %reduce_sum3A_659 = arith.constant dense<0.000000e+00> : vector<256xf32>
      %reduce_sum3A_660 = vector.multi_reduction <add>, %select_n3A_632, %reduce_sum3A_659 [1] : vector<256x256xf32> to vector<256xf32>
      %broadcast_in_dim3A_661 = vector.shape_cast %reduce_sum3A_660 : vector<256xf32> to vector<256x1xf32>
      %add3A_662 = arith.addf %get3A_658, %broadcast_in_dim3A_661 : vector<256x1xf32>
      %swap3A_663 = arith.constant 7 : index
      %swap3A_664 = arith.constant 0 : index
      %swap3A_665 = arith.constant 0 : index
      %swap3A_666 = vector.load %arg9[%swap3A_663, %swap3A_664, %swap3A_665] : memref<8x256x128xf32, #tpu.memory_space<vmem>>, vector<1x256x1xf32>
      %swap3A_667 = vector.shape_cast %swap3A_666 : vector<1x256x1xf32> to vector<256x1xf32>
      %swap3A_668 = vector.shape_cast %add3A_662 : vector<256x1xf32> to vector<1x256x1xf32>
      tpu.vector_store %arg9[%swap3A_663, %swap3A_664, %swap3A_665], %swap3A_668 {strides = array<i32>} : memref<8x256x128xf32, #tpu.memory_space<vmem>>, vector<1x256x1xf32>,
    } else {
    }
    %get3A_49 = arith.constant 0 : index
    %get3A_50 = arith.constant 0 : index
    %get3A_51 = arith.constant 0 : index
    %get3A_52 = vector.load %arg8[%get3A_49, %get3A_50, %get3A_51] : memref<8x256x64xf32, #tpu.memory_space<vmem>>, vector<1x256x64xf32>
    %get3A_53 = vector.shape_cast %get3A_52 : vector<1x256x64xf32> to vector<256x64xf32>
    %get3A_54 = arith.constant 0 : index
    %get3A_55 = arith.constant 0 : index
    %get3A_56 = arith.constant 0 : index
    %get3A_57 = vector.load %arg9[%get3A_54, %get3A_55, %get3A_56] : memref<8x256x128xf32, #tpu.memory_space<vmem>>, vector<1x256x1xf32>
    %get3A_58 = vector.shape_cast %get3A_57 : vector<1x256x1xf32> to vector<256x1xf32>
    %max3A = arith.constant 1.000000e-30 : f32
    %max3A_59 = vector.broadcast %max3A : f32 to vector<256x1xf32>
    %max3A_60 = arith.maximumf %get3A_58, %max3A_59 : vector<256x1xf32>
    %div3A = vector.broadcast %max3A_60 : vector<256x1xf32> to vector<256x64xf32>
    %div3A_61 = arith.divf %get3A_53, %div3A : vector<256x64xf32>
    %swap3A_62 = arith.constant 0 : index
    %swap3A_63 = arith.constant 0 : index
    %swap3A_64 = arith.constant 0 : index
    %swap3A_65 = arith.constant 0 : index
    %swap3A_66 = vector.load %arg7[%swap3A_62, %swap3A_63, %swap3A_64, %swap3A_65] : memref<1x8x256x64xf32, #tpu.memory_space<vmem>>, vector<1x1x256x64xf32>
    %swap3A_67 = vector.shape_cast %swap3A_66 : vector<1x1x256x64xf32> to vector<256x64xf32>
    %swap3A_68 = vector.shape_cast %div3A_61 : vector<256x64xf32> to vector<1x1x256x64xf32>
    tpu.vector_store %arg7[%swap3A_62, %swap3A_63, %swap3A_64, %swap3A_65], %swap3A_68 {strides = array<i32>} : memref<1x8x256x64xf32, #tpu.memory_space<vmem>>, vector<1x1x256x64xf32>,
    %get3A_69 = arith.constant 1 : index
    %get3A_70 = arith.constant 0 : index
    %get3A_71 = arith.constant 0 : index
    %get3A_72 = vector.load %arg8[%get3A_69, %get3A_70, %get3A_71] : memref<8x256x64xf32, #tpu.memory_space<vmem>>, vector<1x256x64xf32>
    %get3A_73 = vector.shape_cast %get3A_72 : vector<1x256x64xf32> to vector<256x64xf32>
    %get3A_74 = arith.constant 1 : index
    %get3A_75 = arith.constant 0 : index
    %get3A_76 = arith.constant 0 : index
    %get3A_77 = vector.load %arg9[%get3A_74, %get3A_75, %get3A_76] : memref<8x256x128xf32, #tpu.memory_space<vmem>>, vector<1x256x1xf32>
    %get3A_78 = vector.shape_cast %get3A_77 : vector<1x256x1xf32> to vector<256x1xf32>
    %max3A_79 = arith.constant 1.000000e-30 : f32
    %max3A_80 = vector.broadcast %max3A_79 : f32 to vector<256x1xf32>
    %max3A_81 = arith.maximumf %get3A_78, %max3A_80 : vector<256x1xf32>
    %div3A_82 = vector.broadcast %max3A_81 : vector<256x1xf32> to vector<256x64xf32>
    %div3A_83 = arith.divf %get3A_73, %div3A_82 : vector<256x64xf32>
    %swap3A_84 = arith.constant 0 : index
    %swap3A_85 = arith.constant 1 : index
    %swap3A_86 = arith.constant 0 : index
    %swap3A_87 = arith.constant 0 : index
    %swap3A_88 = vector.load %arg7[%swap3A_84, %swap3A_85, %swap3A_86, %swap3A_87] : memref<1x8x256x64xf32, #tpu.memory_space<vmem>>, vector<1x1x256x64xf32>
    %swap3A_89 = vector.shape_cast %swap3A_88 : vector<1x1x256x64xf32> to vector<256x64xf32>
    %swap3A_90 = vector.shape_cast %div3A_83 : vector<256x64xf32> to vector<1x1x256x64xf32>
    tpu.vector_store %arg7[%swap3A_84, %swap3A_85, %swap3A_86, %swap3A_87], %swap3A_90 {strides = array<i32>} : memref<1x8x256x64xf32, #tpu.memory_space<vmem>>, vector<1x1x256x64xf32>,
    %get3A_91 = arith.constant 2 : index
    %get3A_92 = arith.constant 0 : index
    %get3A_93 = arith.constant 0 : index
    %get3A_94 = vector.load %arg8[%get3A_91, %get3A_92, %get3A_93] : memref<8x256x64xf32, #tpu.memory_space<vmem>>, vector<1x256x64xf32>
    %get3A_95 = vector.shape_cast %get3A_94 : vector<1x256x64xf32> to vector<256x64xf32>
    %get3A_96 = arith.constant 2 : index
    %get3A_97 = arith.constant 0 : index
    %get3A_98 = arith.constant 0 : index
    %get3A_99 = vector.load %arg9[%get3A_96, %get3A_97, %get3A_98] : memref<8x256x128xf32, #tpu.memory_space<vmem>>, vector<1x256x1xf32>
    %get3A_100 = vector.shape_cast %get3A_99 : vector<1x256x1xf32> to vector<256x1xf32>
    %max3A_101 = arith.constant 1.000000e-30 : f32
    %max3A_102 = vector.broadcast %max3A_101 : f32 to vector<256x1xf32>
    %max3A_103 = arith.maximumf %get3A_100, %max3A_102 : vector<256x1xf32>
    %div3A_104 = vector.broadcast %max3A_103 : vector<256x1xf32> to vector<256x64xf32>
    %div3A_105 = arith.divf %get3A_95, %div3A_104 : vector<256x64xf32>
    %swap3A_106 = arith.constant 0 : index
    %swap3A_107 = arith.constant 2 : index
    %swap3A_108 = arith.constant 0 : index
    %swap3A_109 = arith.constant 0 : index
    %swap3A_110 = vector.load %arg7[%swap3A_106, %swap3A_107, %swap3A_108, %swap3A_109] : memref<1x8x256x64xf32, #tpu.memory_space<vmem>>, vector<1x1x256x64xf32>
    %swap3A_111 = vector.shape_cast %swap3A_110 : vector<1x1x256x64xf32> to vector<256x64xf32>
    %swap3A_112 = vector.shape_cast %div3A_105 : vector<256x64xf32> to vector<1x1x256x64xf32>
    tpu.vector_store %arg7[%swap3A_106, %swap3A_107, %swap3A_108, %swap3A_109], %swap3A_112 {strides = array<i32>} : memref<1x8x256x64xf32, #tpu.memory_space<vmem>>, vector<1x1x256x64xf32>,
    %get3A_113 = arith.constant 3 : index
    %get3A_114 = arith.constant 0 : index
    %get3A_115 = arith.constant 0 : index
    %get3A_116 = vector.load %arg8[%get3A_113, %get3A_114, %get3A_115] : memref<8x256x64xf32, #tpu.memory_space<vmem>>, vector<1x256x64xf32>
    %get3A_117 = vector.shape_cast %get3A_116 : vector<1x256x64xf32> to vector<256x64xf32>
    %get3A_118 = arith.constant 3 : index
    %get3A_119 = arith.constant 0 : index
    %get3A_120 = arith.constant 0 : index
    %get3A_121 = vector.load %arg9[%get3A_118, %get3A_119, %get3A_120] : memref<8x256x128xf32, #tpu.memory_space<vmem>>, vector<1x256x1xf32>
    %get3A_122 = vector.shape_cast %get3A_121 : vector<1x256x1xf32> to vector<256x1xf32>
    %max3A_123 = arith.constant 1.000000e-30 : f32
    %max3A_124 = vector.broadcast %max3A_123 : f32 to vector<256x1xf32>
    %max3A_125 = arith.maximumf %get3A_122, %max3A_124 : vector<256x1xf32>
    %div3A_126 = vector.broadcast %max3A_125 : vector<256x1xf32> to vector<256x64xf32>
    %div3A_127 = arith.divf %get3A_117, %div3A_126 : vector<256x64xf32>
    %swap3A_128 = arith.constant 0 : index
    %swap3A_129 = arith.constant 3 : index
    %swap3A_130 = arith.constant 0 : index
    %swap3A_131 = arith.constant 0 : index
    %swap3A_132 = vector.load %arg7[%swap3A_128, %swap3A_129, %swap3A_130, %swap3A_131] : memref<1x8x256x64xf32, #tpu.memory_space<vmem>>, vector<1x1x256x64xf32>
    %swap3A_133 = vector.shape_cast %swap3A_132 : vector<1x1x256x64xf32> to vector<256x64xf32>
    %swap3A_134 = vector.shape_cast %div3A_127 : vector<256x64xf32> to vector<1x1x256x64xf32>
    tpu.vector_store %arg7[%swap3A_128, %swap3A_129, %swap3A_130, %swap3A_131], %swap3A_134 {strides = array<i32>} : memref<1x8x256x64xf32, #tpu.memory_space<vmem>>, vector<1x1x256x64xf32>,
    %get3A_135 = arith.constant 4 : index
    %get3A_136 = arith.constant 0 : index
    %get3A_137 = arith.constant 0 : index
    %get3A_138 = vector.load %arg8[%get3A_135, %get3A_136, %get3A_137] : memref<8x256x64xf32, #tpu.memory_space<vmem>>, vector<1x256x64xf32>
    %get3A_139 = vector.shape_cast %get3A_138 : vector<1x256x64xf32> to vector<256x64xf32>
    %get3A_140 = arith.constant 4 : index
    %get3A_141 = arith.constant 0 : index
    %get3A_142 = arith.constant 0 : index
    %get3A_143 = vector.load %arg9[%get3A_140, %get3A_141, %get3A_142] : memref<8x256x128xf32, #tpu.memory_space<vmem>>, vector<1x256x1xf32>
    %get3A_144 = vector.shape_cast %get3A_143 : vector<1x256x1xf32> to vector<256x1xf32>
    %max3A_145 = arith.constant 1.000000e-30 : f32
    %max3A_146 = vector.broadcast %max3A_145 : f32 to vector<256x1xf32>
    %max3A_147 = arith.maximumf %get3A_144, %max3A_146 : vector<256x1xf32>
    %div3A_148 = vector.broadcast %max3A_147 : vector<256x1xf32> to vector<256x64xf32>
    %div3A_149 = arith.divf %get3A_139, %div3A_148 : vector<256x64xf32>
    %swap3A_150 = arith.constant 0 : index
    %swap3A_151 = arith.constant 4 : index
    %swap3A_152 = arith.constant 0 : index
    %swap3A_153 = arith.constant 0 : index
    %swap3A_154 = vector.load %arg7[%swap3A_150, %swap3A_151, %swap3A_152, %swap3A_153] : memref<1x8x256x64xf32, #tpu.memory_space<vmem>>, vector<1x1x256x64xf32>
    %swap3A_155 = vector.shape_cast %swap3A_154 : vector<1x1x256x64xf32> to vector<256x64xf32>
    %swap3A_156 = vector.shape_cast %div3A_149 : vector<256x64xf32> to vector<1x1x256x64xf32>
    tpu.vector_store %arg7[%swap3A_150, %swap3A_151, %swap3A_152, %swap3A_153], %swap3A_156 {strides = array<i32>} : memref<1x8x256x64xf32, #tpu.memory_space<vmem>>, vector<1x1x256x64xf32>,
    %get3A_157 = arith.constant 5 : index
    %get3A_158 = arith.constant 0 : index
    %get3A_159 = arith.constant 0 : index
    %get3A_160 = vector.load %arg8[%get3A_157, %get3A_158, %get3A_159] : memref<8x256x64xf32, #tpu.memory_space<vmem>>, vector<1x256x64xf32>
    %get3A_161 = vector.shape_cast %get3A_160 : vector<1x256x64xf32> to vector<256x64xf32>
    %get3A_162 = arith.constant 5 : index
    %get3A_163 = arith.constant 0 : index
    %get3A_164 = arith.constant 0 : index
    %get3A_165 = vector.load %arg9[%get3A_162, %get3A_163, %get3A_164] : memref<8x256x128xf32, #tpu.memory_space<vmem>>, vector<1x256x1xf32>
    %get3A_166 = vector.shape_cast %get3A_165 : vector<1x256x1xf32> to vector<256x1xf32>
    %max3A_167 = arith.constant 1.000000e-30 : f32
    %max3A_168 = vector.broadcast %max3A_167 : f32 to vector<256x1xf32>
    %max3A_169 = arith.maximumf %get3A_166, %max3A_168 : vector<256x1xf32>
    %div3A_170 = vector.broadcast %max3A_169 : vector<256x1xf32> to vector<256x64xf32>
    %div3A_171 = arith.divf %get3A_161, %div3A_170 : vector<256x64xf32>
    %swap3A_172 = arith.constant 0 : index
    %swap3A_173 = arith.constant 5 : index
    %swap3A_174 = arith.constant 0 : index
    %swap3A_175 = arith.constant 0 : index
    %swap3A_176 = vector.load %arg7[%swap3A_172, %swap3A_173, %swap3A_174, %swap3A_175] : memref<1x8x256x64xf32, #tpu.memory_space<vmem>>, vector<1x1x256x64xf32>
    %swap3A_177 = vector.shape_cast %swap3A_176 : vector<1x1x256x64xf32> to vector<256x64xf32>
    %swap3A_178 = vector.shape_cast %div3A_171 : vector<256x64xf32> to vector<1x1x256x64xf32>
    tpu.vector_store %arg7[%swap3A_172, %swap3A_173, %swap3A_174, %swap3A_175], %swap3A_178 {strides = array<i32>} : memref<1x8x256x64xf32, #tpu.memory_space<vmem>>, vector<1x1x256x64xf32>,
    %get3A_179 = arith.constant 6 : index
    %get3A_180 = arith.constant 0 : index
    %get3A_181 = arith.constant 0 : index
    %get3A_182 = vector.load %arg8[%get3A_179, %get3A_180, %get3A_181] : memref<8x256x64xf32, #tpu.memory_space<vmem>>, vector<1x256x64xf32>
    %get3A_183 = vector.shape_cast %get3A_182 : vector<1x256x64xf32> to vector<256x64xf32>
    %get3A_184 = arith.constant 6 : index
    %get3A_185 = arith.constant 0 : index
    %get3A_186 = arith.constant 0 : index
    %get3A_187 = vector.load %arg9[%get3A_184, %get3A_185, %get3A_186] : memref<8x256x128xf32, #tpu.memory_space<vmem>>, vector<1x256x1xf32>
    %get3A_188 = vector.shape_cast %get3A_187 : vector<1x256x1xf32> to vector<256x1xf32>
    %max3A_189 = arith.constant 1.000000e-30 : f32
    %max3A_190 = vector.broadcast %max3A_189 : f32 to vector<256x1xf32>
    %max3A_191 = arith.maximumf %get3A_188, %max3A_190 : vector<256x1xf32>
    %div3A_192 = vector.broadcast %max3A_191 : vector<256x1xf32> to vector<256x64xf32>
    %div3A_193 = arith.divf %get3A_183, %div3A_192 : vector<256x64xf32>
    %swap3A_194 = arith.constant 0 : index
    %swap3A_195 = arith.constant 6 : index
    %swap3A_196 = arith.constant 0 : index
    %swap3A_197 = arith.constant 0 : index
    %swap3A_198 = vector.load %arg7[%swap3A_194, %swap3A_195, %swap3A_196, %swap3A_197] : memref<1x8x256x64xf32, #tpu.memory_space<vmem>>, vector<1x1x256x64xf32>
    %swap3A_199 = vector.shape_cast %swap3A_198 : vector<1x1x256x64xf32> to vector<256x64xf32>
    %swap3A_200 = vector.shape_cast %div3A_193 : vector<256x64xf32> to vector<1x1x256x64xf32>
    tpu.vector_store %arg7[%swap3A_194, %swap3A_195, %swap3A_196, %swap3A_197], %swap3A_200 {strides = array<i32>} : memref<1x8x256x64xf32, #tpu.memory_space<vmem>>, vector<1x1x256x64xf32>,
    %get3A_201 = arith.constant 7 : index
    %get3A_202 = arith.constant 0 : index
    %get3A_203 = arith.constant 0 : index
    %get3A_204 = vector.load %arg8[%get3A_201, %get3A_202, %get3A_203] : memref<8x256x64xf32, #tpu.memory_space<vmem>>, vector<1x256x64xf32>
    %get3A_205 = vector.shape_cast %get3A_204 : vector<1x256x64xf32> to vector<256x64xf32>
    %get3A_206 = arith.constant 7 : index
    %get3A_207 = arith.constant 0 : index
    %get3A_208 = arith.constant 0 : index
    %get3A_209 = vector.load %arg9[%get3A_206, %get3A_207, %get3A_208] : memref<8x256x128xf32, #tpu.memory_space<vmem>>, vector<1x256x1xf32>
    %get3A_210 = vector.shape_cast %get3A_209 : vector<1x256x1xf32> to vector<256x1xf32>
    %max3A_211 = arith.constant 1.000000e-30 : f32
    %max3A_212 = vector.broadcast %max3A_211 : f32 to vector<256x1xf32>
    %max3A_213 = arith.maximumf %get3A_210, %max3A_212 : vector<256x1xf32>
    %div3A_214 = vector.broadcast %max3A_213 : vector<256x1xf32> to vector<256x64xf32>
    %div3A_215 = arith.divf %get3A_205, %div3A_214 : vector<256x64xf32>
    %swap3A_216 = arith.constant 0 : index
    %swap3A_217 = arith.constant 7 : index
    %swap3A_218 = arith.constant 0 : index
    %swap3A_219 = arith.constant 0 : index
    %swap3A_220 = vector.load %arg7[%swap3A_216, %swap3A_217, %swap3A_218, %swap3A_219] : memref<1x8x256x64xf32, #tpu.memory_space<vmem>>, vector<1x1x256x64xf32>
    %swap3A_221 = vector.shape_cast %swap3A_220 : vector<1x1x256x64xf32> to vector<256x64xf32>
    %swap3A_222 = vector.shape_cast %div3A_215 : vector<256x64xf32> to vector<1x1x256x64xf32>
    tpu.vector_store %arg7[%swap3A_216, %swap3A_217, %swap3A_218, %swap3A_219], %swap3A_222 {strides = array<i32>} : memref<1x8x256x64xf32, #tpu.memory_space<vmem>>, vector<1x1x256x64xf32>,
    return
  }
  func.func @transform_0(%arg0: i32, %arg1: i32, %arg2: i32) -> (i32, i32) {
    %c0_i32 = arith.constant 0 : i32
    %c0_i32_0 = arith.constant 0 : i32
    %c0_i32_1 = arith.constant 0 : i32
    return %c0_i32, %c0_i32_0 : i32, i32
  }
  func.func @transform_1(%arg0: i32, %arg1: i32, %arg2: i32) -> (i32, i32, i32, i32) {
    %c0_i32 = arith.constant 0 : i32
    %c0_i32_0 = arith.constant 0 : i32
    return %arg0, %arg1, %arg2, %c0_i32 : i32, i32, i32, i32
  }
  func.func @transform_2(%arg0: i32, %arg1: i32, %arg2: i32) -> (i32, i32, i32, i32) {
    %c0_i32 = arith.constant 0 : i32
    %c0_i32_0 = arith.constant 0 : i32
    %c0_i32_1 = arith.constant 0 : i32
    return %arg0, %arg1, %c0_i32, %c0_i32_0 : i32, i32, i32, i32
  }
  func.func @transform_3(%arg0: i32, %arg1: i32, %arg2: i32) -> (i32, i32, i32, i32) {
    %c0_i32 = arith.constant 0 : i32
    %c0_i32_0 = arith.constant 0 : i32
    %c0_i32_1 = arith.constant 0 : i32
    return %arg0, %arg1, %c0_i32, %c0_i32_0 : i32, i32, i32, i32
  }
  func.func @transform_4(%arg0: i32, %arg1: i32, %arg2: i32) -> (i32, i32, i32, i32) {
    %c0_i32 = arith.constant 0 : i32
    %c0_i32_0 = arith.constant 0 : i32
    return %arg0, %arg1, %arg2, %c0_i32 : i32, i32, i32, i32
  }
}

module attributes {stable_mosaic.version = 14 : i64} {
  func.func @_k3_body(%arg0: i32, %arg1: i32, %arg2: memref<1x256x512xf32, #tpu.memory_space<vmem>>, %arg3: memref<1x256x512xf32, #tpu.memory_space<vmem>>, %arg4: memref<512x512xf32, #tpu.memory_space<vmem>>, %arg5: memref<1x512xf32, #tpu.memory_space<vmem>>, %arg6: memref<1x512xf32, #tpu.memory_space<vmem>>, %arg7: memref<512x2048xf32, #tpu.memory_space<vmem>>, %arg8: memref<1x2048xf32, #tpu.memory_space<vmem>>, %arg9: memref<2048x512xf32, #tpu.memory_space<vmem>>, %arg10: memref<1x512xf32, #tpu.memory_space<vmem>>, %arg11: memref<1x512xf32, #tpu.memory_space<vmem>>, %arg12: memref<1x512xf32, #tpu.memory_space<vmem>>, %arg13: memref<512x384xf32, #tpu.memory_space<vmem>>, %arg14: memref<1x384xf32, #tpu.memory_space<vmem>>, %arg15: memref<1x256x384xf32, #tpu.memory_space<vmem>>) attributes {dimension_semantics = [#tpu.dimension_semantics<arbitrary>, #tpu.dimension_semantics<arbitrary>], iteration_bounds = array<i64: 4, 8>, scalar_prefetch = 0 : i64, scratch_operands = 0 : i64, tpu.core_type = #tpu.core_type<tc>, window_params = [{transform_indices = @transform_0, window_bounds = array<i64: 1, 256, 512>}, {transform_indices = @transform_1, window_bounds = array<i64: 1, 256, 512>}, {pipeline_mode = #tpu.pipeline_mode<synchronous>, transform_indices = @transform_2, window_bounds = array<i64: 512, 512>}, {pipeline_mode = #tpu.pipeline_mode<synchronous>, transform_indices = @transform_3, window_bounds = array<i64: 1, 512>}, {pipeline_mode = #tpu.pipeline_mode<synchronous>, transform_indices = @transform_4, window_bounds = array<i64: 1, 512>}, {pipeline_mode = #tpu.pipeline_mode<synchronous>, transform_indices = @transform_5, window_bounds = array<i64: 512, 2048>}, {pipeline_mode = #tpu.pipeline_mode<synchronous>, transform_indices = @transform_6, window_bounds = array<i64: 1, 2048>}, {pipeline_mode = #tpu.pipeline_mode<synchronous>, transform_indices = @transform_7, window_bounds = array<i64: 2048, 512>}, {pipeline_mode = #tpu.pipeline_mode<synchronous>, transform_indices = @transform_8, window_bounds = array<i64: 1, 512>}, {pipeline_mode = #tpu.pipeline_mode<synchronous>, transform_indices = @transform_9, window_bounds = array<i64: 1, 512>}, {pipeline_mode = #tpu.pipeline_mode<synchronous>, transform_indices = @transform_10, window_bounds = array<i64: 1, 512>}, {pipeline_mode = #tpu.pipeline_mode<synchronous>, transform_indices = @transform_11, window_bounds = array<i64: 512, 384>}, {pipeline_mode = #tpu.pipeline_mode<synchronous>, transform_indices = @transform_12, window_bounds = array<i64: 1, 384>}, {transform_indices = @transform_13, window_bounds = array<i64: 1, 256, 384>}]} {
    %get3A = arith.constant 0 : index
    %get3A_0 = arith.constant 0 : index
    %get3A_1 = arith.constant 0 : index
    %get3A_2 = vector.load %arg2[%get3A, %get3A_0, %get3A_1] : memref<1x256x512xf32, #tpu.memory_space<vmem>>, vector<1x256x512xf32>
    %get3A_3 = vector.shape_cast %get3A_2 : vector<1x256x512xf32> to vector<256x512xf32>
    %get3A_4 = arith.constant 0 : index
    %get3A_5 = arith.constant 0 : index
    %get3A_6 = arith.constant 0 : index
    %get3A_7 = vector.load %arg3[%get3A_4, %get3A_5, %get3A_6] : memref<1x256x512xf32, #tpu.memory_space<vmem>>, vector<1x256x512xf32>
    %get3A_8 = vector.shape_cast %get3A_7 : vector<1x256x512xf32> to vector<256x512xf32>
    %get3A_9 = arith.constant 0 : index
    %get3A_10 = arith.constant 0 : index
    %get3A_11 = vector.load %arg4[%get3A_9, %get3A_10] : memref<512x512xf32, #tpu.memory_space<vmem>>, vector<512x512xf32>
    %dot_general3A = arith.constant dense<0.000000e+00> : vector<256x512xf32>
    %dot_general3A_12 = tpu.matmul %get3A_8, %get3A_11, %dot_general3A {dimension_numbers = #tpu.dot_dimension_numbers<[1], [0], [0], [1], [0, 0, 1, 1], [], []>, transpose_lhs_hint = false} : vector<256x512xf32>, vector<512x512xf32>, vector<256x512xf32> -> vector<256x512xf32>
    %add3A = arith.addf %get3A_3, %dot_general3A_12 : vector<256x512xf32>
    %get3A_13 = arith.constant 0 : index
    %get3A_14 = arith.constant 0 : index
    %get3A_15 = vector.load %arg5[%get3A_13, %get3A_14] : memref<1x512xf32, #tpu.memory_space<vmem>>, vector<1x512xf32>
    %get3A_16 = arith.constant 0 : index
    %get3A_17 = arith.constant 0 : index
    %get3A_18 = vector.load %arg6[%get3A_16, %get3A_17] : memref<1x512xf32, #tpu.memory_space<vmem>>, vector<1x512xf32>
    %reduce_sum3A = arith.constant dense<0.000000e+00> : vector<256xf32>
    %reduce_sum3A_19 = vector.multi_reduction <add>, %add3A, %reduce_sum3A [1] : vector<256x512xf32> to vector<256xf32>
    %broadcast_in_dim3A = vector.shape_cast %reduce_sum3A_19 : vector<256xf32> to vector<256x1xf32>
    %div3A = arith.constant 5.120000e+02 : f32
    %div3A_20 = vector.broadcast %div3A : f32 to vector<256x1xf32>
    %div3A_21 = arith.divf %broadcast_in_dim3A, %div3A_20 : vector<256x1xf32>
    %sub3A = vector.broadcast %div3A_21 : vector<256x1xf32> to vector<256x512xf32>
    %sub3A_22 = arith.subf %add3A, %sub3A : vector<256x512xf32>
    %mul3A = arith.mulf %sub3A_22, %sub3A_22 : vector<256x512xf32>
    %reduce_sum3A_23 = arith.constant dense<0.000000e+00> : vector<256xf32>
    %reduce_sum3A_24 = vector.multi_reduction <add>, %mul3A, %reduce_sum3A_23 [1] : vector<256x512xf32> to vector<256xf32>
    %broadcast_in_dim3A_25 = vector.shape_cast %reduce_sum3A_24 : vector<256xf32> to vector<256x1xf32>
    %div3A_26 = arith.constant 5.120000e+02 : f32
    %div3A_27 = vector.broadcast %div3A_26 : f32 to vector<256x1xf32>
    %div3A_28 = arith.divf %broadcast_in_dim3A_25, %div3A_27 : vector<256x1xf32>
    %add3A_29 = arith.constant 9.99999974E-6 : f32
    %add3A_30 = vector.broadcast %add3A_29 : f32 to vector<256x1xf32>
    %add3A_31 = arith.addf %div3A_28, %add3A_30 : vector<256x1xf32>
    %sqrt3A = math.sqrt %add3A_31 : vector<256x1xf32>
    %div3A_32 = vector.broadcast %sqrt3A : vector<256x1xf32> to vector<256x512xf32>
    %div3A_33 = arith.divf %sub3A_22, %div3A_32 : vector<256x512xf32>
    %mul3A_34 = vector.broadcast %get3A_15 : vector<1x512xf32> to vector<256x512xf32>
    %mul3A_35 = arith.mulf %div3A_33, %mul3A_34 : vector<256x512xf32>
    %add3A_36 = vector.broadcast %get3A_18 : vector<1x512xf32> to vector<256x512xf32>
    %add3A_37 = arith.addf %mul3A_35, %add3A_36 : vector<256x512xf32>
    %get3A_38 = arith.constant 0 : index
    %get3A_39 = arith.constant 0 : index
    %get3A_40 = vector.load %arg7[%get3A_38, %get3A_39] : memref<512x2048xf32, #tpu.memory_space<vmem>>, vector<512x2048xf32>
    %dot_general3A_41 = arith.constant dense<0.000000e+00> : vector<256x2048xf32>
    %dot_general3A_42 = tpu.matmul %add3A_37, %get3A_40, %dot_general3A_41 {dimension_numbers = #tpu.dot_dimension_numbers<[1], [0], [0], [1], [0, 0, 1, 1], [], []>, transpose_lhs_hint = false} : vector<256x512xf32>, vector<512x2048xf32>, vector<256x2048xf32> -> vector<256x2048xf32>
    %get3A_43 = arith.constant 0 : index
    %get3A_44 = arith.constant 0 : index
    %get3A_45 = vector.load %arg8[%get3A_43, %get3A_44] : memref<1x2048xf32, #tpu.memory_space<vmem>>, vector<1x2048xf32>
    %add3A_46 = vector.broadcast %get3A_45 : vector<1x2048xf32> to vector<256x2048xf32>
    %add3A_47 = arith.addf %dot_general3A_42, %add3A_46 : vector<256x2048xf32>
    %max3A = arith.constant 0.000000e+00 : f32
    %max3A_48 = vector.broadcast %max3A : f32 to vector<256x2048xf32>
    %max3A_49 = arith.maximumf %add3A_47, %max3A_48 : vector<256x2048xf32>
    %get3A_50 = arith.constant 0 : index
    %get3A_51 = arith.constant 0 : index
    %get3A_52 = vector.load %arg9[%get3A_50, %get3A_51] : memref<2048x512xf32, #tpu.memory_space<vmem>>, vector<2048x512xf32>
    %dot_general3A_53 = arith.constant dense<0.000000e+00> : vector<256x512xf32>
    %dot_general3A_54 = tpu.matmul %max3A_49, %get3A_52, %dot_general3A_53 {dimension_numbers = #tpu.dot_dimension_numbers<[1], [0], [0], [1], [0, 0, 1, 1], [], []>, transpose_lhs_hint = false} : vector<256x2048xf32>, vector<2048x512xf32>, vector<256x512xf32> -> vector<256x512xf32>
    %add3A_55 = arith.addf %add3A, %dot_general3A_54 : vector<256x512xf32>
    %get3A_56 = arith.constant 0 : index
    %get3A_57 = arith.constant 0 : index
    %get3A_58 = vector.load %arg10[%get3A_56, %get3A_57] : memref<1x512xf32, #tpu.memory_space<vmem>>, vector<1x512xf32>
    %add3A_59 = vector.broadcast %get3A_58 : vector<1x512xf32> to vector<256x512xf32>
    %add3A_60 = arith.addf %add3A_55, %add3A_59 : vector<256x512xf32>
    %get3A_61 = arith.constant 0 : index
    %get3A_62 = arith.constant 0 : index
    %get3A_63 = vector.load %arg11[%get3A_61, %get3A_62] : memref<1x512xf32, #tpu.memory_space<vmem>>, vector<1x512xf32>
    %get3A_64 = arith.constant 0 : index
    %get3A_65 = arith.constant 0 : index
    %get3A_66 = vector.load %arg12[%get3A_64, %get3A_65] : memref<1x512xf32, #tpu.memory_space<vmem>>, vector<1x512xf32>
    %reduce_sum3A_67 = arith.constant dense<0.000000e+00> : vector<256xf32>
    %reduce_sum3A_68 = vector.multi_reduction <add>, %add3A_60, %reduce_sum3A_67 [1] : vector<256x512xf32> to vector<256xf32>
    %broadcast_in_dim3A_69 = vector.shape_cast %reduce_sum3A_68 : vector<256xf32> to vector<256x1xf32>
    %div3A_70 = arith.constant 5.120000e+02 : f32
    %div3A_71 = vector.broadcast %div3A_70 : f32 to vector<256x1xf32>
    %div3A_72 = arith.divf %broadcast_in_dim3A_69, %div3A_71 : vector<256x1xf32>
    %sub3A_73 = vector.broadcast %div3A_72 : vector<256x1xf32> to vector<256x512xf32>
    %sub3A_74 = arith.subf %add3A_60, %sub3A_73 : vector<256x512xf32>
    %mul3A_75 = arith.mulf %sub3A_74, %sub3A_74 : vector<256x512xf32>
    %reduce_sum3A_76 = arith.constant dense<0.000000e+00> : vector<256xf32>
    %reduce_sum3A_77 = vector.multi_reduction <add>, %mul3A_75, %reduce_sum3A_76 [1] : vector<256x512xf32> to vector<256xf32>
    %broadcast_in_dim3A_78 = vector.shape_cast %reduce_sum3A_77 : vector<256xf32> to vector<256x1xf32>
    %div3A_79 = arith.constant 5.120000e+02 : f32
    %div3A_80 = vector.broadcast %div3A_79 : f32 to vector<256x1xf32>
    %div3A_81 = arith.divf %broadcast_in_dim3A_78, %div3A_80 : vector<256x1xf32>
    %add3A_82 = arith.constant 9.99999974E-6 : f32
    %add3A_83 = vector.broadcast %add3A_82 : f32 to vector<256x1xf32>
    %add3A_84 = arith.addf %div3A_81, %add3A_83 : vector<256x1xf32>
    %sqrt3A_85 = math.sqrt %add3A_84 : vector<256x1xf32>
    %div3A_86 = vector.broadcast %sqrt3A_85 : vector<256x1xf32> to vector<256x512xf32>
    %div3A_87 = arith.divf %sub3A_74, %div3A_86 : vector<256x512xf32>
    %mul3A_88 = vector.broadcast %get3A_63 : vector<1x512xf32> to vector<256x512xf32>
    %mul3A_89 = arith.mulf %div3A_87, %mul3A_88 : vector<256x512xf32>
    %add3A_90 = vector.broadcast %get3A_66 : vector<1x512xf32> to vector<256x512xf32>
    %add3A_91 = arith.addf %mul3A_89, %add3A_90 : vector<256x512xf32>
    %get3A_92 = arith.constant 0 : index
    %get3A_93 = arith.constant 0 : index
    %get3A_94 = vector.load %arg13[%get3A_92, %get3A_93] : memref<512x384xf32, #tpu.memory_space<vmem>>, vector<512x384xf32>
    %dot_general3A_95 = arith.constant dense<0.000000e+00> : vector<256x384xf32>
    %dot_general3A_96 = tpu.matmul %add3A_91, %get3A_94, %dot_general3A_95 {dimension_numbers = #tpu.dot_dimension_numbers<[1], [0], [0], [1], [0, 0, 1, 1], [], []>, transpose_lhs_hint = false} : vector<256x512xf32>, vector<512x384xf32>, vector<256x384xf32> -> vector<256x384xf32>
    %get3A_97 = arith.constant 0 : index
    %get3A_98 = arith.constant 0 : index
    %get3A_99 = vector.load %arg14[%get3A_97, %get3A_98] : memref<1x384xf32, #tpu.memory_space<vmem>>, vector<1x384xf32>
    %add3A_100 = vector.broadcast %get3A_99 : vector<1x384xf32> to vector<256x384xf32>
    %add3A_101 = arith.addf %dot_general3A_96, %add3A_100 : vector<256x384xf32>
    %swap3A = arith.constant 0 : index
    %swap3A_102 = arith.constant 0 : index
    %swap3A_103 = arith.constant 0 : index
    %swap3A_104 = vector.load %arg15[%swap3A, %swap3A_102, %swap3A_103] : memref<1x256x384xf32, #tpu.memory_space<vmem>>, vector<1x256x384xf32>
    %swap3A_105 = vector.shape_cast %swap3A_104 : vector<1x256x384xf32> to vector<256x384xf32>
    %swap3A_106 = vector.shape_cast %add3A_101 : vector<256x384xf32> to vector<1x256x384xf32>
    tpu.vector_store %arg15[%swap3A, %swap3A_102, %swap3A_103], %swap3A_106 {strides = array<i32>} : memref<1x256x384xf32, #tpu.memory_space<vmem>>, vector<1x256x384xf32>,
    return
  }
  func.func @transform_0(%arg0: i32, %arg1: i32) -> (i32, i32, i32) {
    %c0_i32 = arith.constant 0 : i32
    %c0_i32_0 = arith.constant 0 : i32
    return %arg0, %arg1, %c0_i32 : i32, i32, i32
  }
  func.func @transform_1(%arg0: i32, %arg1: i32) -> (i32, i32, i32) {
    %c0_i32 = arith.constant 0 : i32
    %c0_i32_0 = arith.constant 0 : i32
    return %arg0, %arg1, %c0_i32 : i32, i32, i32
  }
  func.func @transform_2(%arg0: i32, %arg1: i32) -> (i32, i32) {
    %c0_i32 = arith.constant 0 : i32
    %c0_i32_0 = arith.constant 0 : i32
    %c0_i32_1 = arith.constant 0 : i32
    return %c0_i32, %c0_i32_0 : i32, i32
  }
  func.func @transform_3(%arg0: i32, %arg1: i32) -> (i32, i32) {
    %c0_i32 = arith.constant 0 : i32
    %c0_i32_0 = arith.constant 0 : i32
    %c0_i32_1 = arith.constant 0 : i32
    return %c0_i32, %c0_i32_0 : i32, i32
  }
  func.func @transform_4(%arg0: i32, %arg1: i32) -> (i32, i32) {
    %c0_i32 = arith.constant 0 : i32
    %c0_i32_0 = arith.constant 0 : i32
    %c0_i32_1 = arith.constant 0 : i32
    return %c0_i32, %c0_i32_0 : i32, i32
  }
  func.func @transform_5(%arg0: i32, %arg1: i32) -> (i32, i32) {
    %c0_i32 = arith.constant 0 : i32
    %c0_i32_0 = arith.constant 0 : i32
    %c0_i32_1 = arith.constant 0 : i32
    return %c0_i32, %c0_i32_0 : i32, i32
  }
  func.func @transform_6(%arg0: i32, %arg1: i32) -> (i32, i32) {
    %c0_i32 = arith.constant 0 : i32
    %c0_i32_0 = arith.constant 0 : i32
    %c0_i32_1 = arith.constant 0 : i32
    return %c0_i32, %c0_i32_0 : i32, i32
  }
  func.func @transform_7(%arg0: i32, %arg1: i32) -> (i32, i32) {
    %c0_i32 = arith.constant 0 : i32
    %c0_i32_0 = arith.constant 0 : i32
    %c0_i32_1 = arith.constant 0 : i32
    return %c0_i32, %c0_i32_0 : i32, i32
  }
  func.func @transform_8(%arg0: i32, %arg1: i32) -> (i32, i32) {
    %c0_i32 = arith.constant 0 : i32
    %c0_i32_0 = arith.constant 0 : i32
    %c0_i32_1 = arith.constant 0 : i32
    return %c0_i32, %c0_i32_0 : i32, i32
  }
  func.func @transform_9(%arg0: i32, %arg1: i32) -> (i32, i32) {
    %c0_i32 = arith.constant 0 : i32
    %c0_i32_0 = arith.constant 0 : i32
    %c0_i32_1 = arith.constant 0 : i32
    return %c0_i32, %c0_i32_0 : i32, i32
  }
  func.func @transform_10(%arg0: i32, %arg1: i32) -> (i32, i32) {
    %c0_i32 = arith.constant 0 : i32
    %c0_i32_0 = arith.constant 0 : i32
    %c0_i32_1 = arith.constant 0 : i32
    return %c0_i32, %c0_i32_0 : i32, i32
  }
  func.func @transform_11(%arg0: i32, %arg1: i32) -> (i32, i32) {
    %c0_i32 = arith.constant 0 : i32
    %c0_i32_0 = arith.constant 0 : i32
    %c0_i32_1 = arith.constant 0 : i32
    return %c0_i32, %c0_i32_0 : i32, i32
  }
  func.func @transform_12(%arg0: i32, %arg1: i32) -> (i32, i32) {
    %c0_i32 = arith.constant 0 : i32
    %c0_i32_0 = arith.constant 0 : i32
    %c0_i32_1 = arith.constant 0 : i32
    return %c0_i32, %c0_i32_0 : i32, i32
  }
  func.func @transform_13(%arg0: i32, %arg1: i32) -> (i32, i32, i32) {
    %c0_i32 = arith.constant 0 : i32
    %c0_i32_0 = arith.constant 0 : i32
    return %arg0, %arg1, %c0_i32 : i32, i32, i32
  }
}

</mosaic_0001>

<sc_bundles>
// kernel: kernel.6.cloned.1.call-start
scs
__scs_entry_jumppad:
0x0: {  	(pc) =	sbr.rel $0x88, $3  }
0x1: {  	(tag) =	ssettag $0x0;
	lr =	simm.s32 $0x1  }
0x2: {  	[smem:$0x3F7E] =	sst lr;
	_ =	strace $0xD0000000  }
0x3: {  	_ = 	snop  }
0x4: {  	_ = 	snop  }
0x5: {  	_ = 	snop  }
0x6: {  	_ = 	snop  }
0x7: {  	_ = 	snop  }
__scs_overlays_trampoline_lowered:
0x8: {  	[smem:$0x3F8D] =	sst s0  }
0x9: {  	[smem:$0x3F8E] =	sst s1  }
0xa: {  	[smem:$0x3F8F] =	sst s2  }
0xb: {  	[smem:$0x3F90] =	sst s3  }
0xc: {  	[smem:$0x3F91] =	sst s4  }
0xd: {  	[smem:$0x3F92] =	sst s5  }
0xe: {  	[smem:$0x3F93] =	sst s6  }
0xf: {  	[smem:$0x3F94] =	sst s7  }
0x10: {  	[smem:$0x3F95] =	sst s8  }
0x11: {  	[smem:$0x3F96] =	sst s9;
	s0 =	simm.s32 @!p0 $0x0  }
0x12: {  	s1 =	sld [smem:$0x3F7C];
	s0 =	simm.s32 @p0 $0x1  }
0x13: {  	[smem:$0x3F97] =	sst s0;
	s0 =	simm.s32 @!p1 $0x0  }
0x14: {  	s2 =	sld [smem:$0x3F7B];
	s0 =	simm.s32 @p1 $0x1  }
0x15: {  	[smem:$0x3F98] =	sst s0;
	s0 =	simm.s32 @!p2 $0x0  }
0x16: {  	s3 =	sld [smem:$0x3FDB];
	s0 =	simm.s32 @p2 $0x1  }
0x17: {  	s4 =	simm.s32 $0x1BF5;
	[smem:$0x3F9A] =	sst s0  }
0x18: {  	s0 =	sld [smem:$0x3F7D];
	_ =	swait.ge [sflag:s4], $0x0  }
0x19: {  	s7 =	sld [smem:$0x3F7E]  }
0x1a: {  	s8 =	sadd.s32 $0xFFFFE003, lr  }
0x1b: {  	s9 =	sadd.s32 $0xFFFFFEF7, lr;
	s5 =	simm.s32 $0xFFFFFFFF;
	p2 =	slt.u32 s8, $0xFFFFF086  }
0x1c: {  	p1 =	slt.u32 s9, $0xF7A;
	s5 =	simm.s32 @!p2 $0x0  }
0x1d: {  	s5 =	simm.s32 @p1 $0x1;
	p0 =	seq.s32 s7, s2  }
0x1e: {  	s7 =	smul.u32 @!p0 $0xF7A, s2;
	p2 =	seq.s32 @!p0 s5, $0x0  }
0x1f: {  	s9 =	smul.u32 $0xF7A, s1;
	s8 =	simm.s32 @!p0 $0x1BF5;
	p2 =	por !p2, p0  }
0x20: {  	[sflag:s8] =	ssyncset.s32 @!p0 $0xFFFFF086;
	s6 =	sadd.s32 @!p0 s3, s7;
	s7 =	simm.s32 @!p0 $0x108  }
0x21: {  	s3 =	sadd.s32 s3, s9;
	s6 =	sadd.s32 @!p0 $0x88, s6;
	s7 =	simm.s32 @p2 $0x1082  }
0x22: {  	[simem:s7], [sflag:s8] =	dma.local @!p0 [hbm:s6], $0xF7A  }
0x23: {  	s9 =	sor.u32 $0xD0000000, s2;
	s6 =	simm.s32 $0x108;
	_ =	swait.ge @!p0 [sflag:s8], $0x0  }
0x24: {  	s3 =	sadd.s32 $0x88, s3;
	s6 =	simm.s32 @!p1 $0x1082;
	[sflag:s4] =	ssyncset.s32 $0xFFFFF086  }
0x25: {  	[simem:s6], [sflag:s4] =	dma.local [hbm:s3], $0xF7A  }
0x26: {  	[smem:$0x3F7E] =	sst s1;
	(tag) =	ssettag s2;
	_ =	strace s9  }
0x27: {  	s1 =	sld [smem:$0x3F8E]  }
0x28: {  	s2 =	sld [smem:$0x3F8F]  }
0x29: {  	s4 =	sld [smem:$0x3F91]  }
0x2a: {  	p0 =	seq.s32 s5, $0x0;
	s5 =	sld [smem:$0x3F92]  }
0x2b: {  	s6 =	sld [smem:$0x3F93]  }
0x2c: {  	s7 =	sld [smem:$0x3F94]  }
0x2d: {  	s3 =	simm.s32 $0x108;
	s8 =	sld [smem:$0x3F95]  }
0x2e: {  	s3 =	simm.s32 @!p0 $0x1082;
	s9 =	sld [smem:$0x3F96]  }
0x2f: {  	lr =	sadd.s32 s0, s3;
	s0 =	sld [smem:$0x3F8D]  }
0x30: {  	s3 =	sld [smem:$0x3F90]  }
0x31: {  	[smem:$0x3F99] =	sst s10  }
0x32: {  	s10 =	sld [smem:$0x3F97];
	_ =	sdelay $0x3  }
0x33: {  	p0 =	seq.s32 s10, $0x1;
	s10 =	sld [smem:$0x3F99];
	_ =	sdelay $0x3  }
0x34: {  	[smem:$0x3F99] =	sst s10  }
0x35: {  	s10 =	sld [smem:$0x3F98];
	_ =	sdelay $0x3  }
0x36: {  	p1 =	seq.s32 s10, $0x1;
	s10 =	sld [smem:$0x3F99];
	_ =	sdelay $0x3  }
0x37: {  	[smem:$0x3F99] =	sst s10  }
0x38: {  	s10 =	sld [smem:$0x3F9A]  }
0x39: {  	_ = 	snop;
	(pc) =	sbr.ind lr, $3  }
0x3a: {  	_ = 	snop  }
0x3b: {  	_ = 	snop  }
0x3c: {  	p2 =	seq.s32 s10, $0x1;
	s10 =	sld [smem:$0x3F99]  }
0x3d: {  	_ =	shalt  }
0x3e: {  	_ =	shalt  }
0x3f: {  	_ =	shalt  }
0x40: {  	_ =	shalt  }
0x41: {  	_ =	shalt  }
0x42: {  	_ =	shalt  }
0x43: {  	_ =	shalt  }
0x44: {  	_ =	shalt  }
0x45: {  	_ =	shalt  }
0x46: {  	_ =	shalt  }
0x47: {  	_ =	shalt  }
0x48: {  	_ =	shalt  }
0x49: {  	_ =	shalt  }
0x4a: {  	_ =	shalt  }
0x4b: {  	_ =	shalt  }
0x4c: {  	_ =	shalt  }
0x4d: {  	_ =	shalt  }
0x4e: {  	_ =	shalt  }
0x4f: {  	_ =	shalt  }
0x50: {  	_ =	shalt  }
0x51: {  	_ =	shalt  }
0x52: {  	_ =	shalt  }
0x53: {  	_ =	shalt  }
0x54: {  	_ =	shalt  }
0x55: {  	_ =	shalt  }
0x56: {  	_ =	shalt  }
0x57: {  	_ =	shalt  }
0x58: {  	_ =	shalt  }
0x59: {  	_ =	shalt  }
0x5a: {  	_ =	shalt  }
0x5b: {  	_ =	shalt  }
0x5c: {  	_ =	shalt  }
0x5d: {  	_ =	shalt  }
0x5e: {  	_ =	shalt  }
0x5f: {  	_ =	shalt  }
0x60: {  	_ =	shalt  }
0x61: {  	_ =	shalt  }
0x62: {  	_ =	shalt  }
0x63: {  	_ =	shalt  }
0x64: {  	_ =	shalt  }
0x65: {  	_ =	shalt  }
0x66: {  	_ =	shalt  }
0x67: {  	_ =	shalt  }
0x68: {  	_ =	shalt  }
0x69: {  	_ =	shalt  }
0x6a: {  	_ =	shalt  }
0x6b: {  	_ =	shalt  }
0x6c: {  	_ =	shalt  }
0x6d: {  	_ =	shalt  }
0x6e: {  	_ =	shalt  }
0x6f: {  	_ =	shalt  }
0x70: {  	_ =	shalt  }
0x71: {  	_ =	shalt  }
0x72: {  	_ =	shalt  }
0x73: {  	_ =	shalt  }
0x74: {  	_ =	shalt  }
0x75: {  	_ =	shalt  }
0x76: {  	_ =	shalt  }
0x77: {  	_ =	shalt  }
0x78: {  	_ =	shalt  }
0x79: {  	_ =	shalt  }
0x7a: {  	_ =	shalt  }
0x7b: {  	_ =	shalt  }
0x7c: {  	_ =	shalt  }
0x7d: {  	_ =	shalt  }
0x7e: {  	_ =	shalt  }
0x7f: {  	_ =	shalt  }
0x80: {  	_ =	shalt  }
0x81: {  	_ =	shalt  }
0x82: {  	_ =	shalt  }
0x83: {  	_ =	shalt  }
0x84: {  	_ =	shalt  }
0x85: {  	_ =	shalt  }
0x86: {  	_ =	shalt  }
0x87: {  	_ =	shalt  }
.Lfunc_end0:
.L_simem_size_0:
called_computation_lowered:
.L_overlay_start_0:
0x88: {  	s2 =	sld [smem:$0x3FD9]  }
0x89: {  	s3 =	sld [smem:$0x3FFE];
	_ =	sdelay $0x1  }
0x8a: {  	s1 =	srdreg.scid  }
0x8b: {  	s0 =	sand.u32 $0x1, s1  }
0x8c: {  	s15 =	sshll.u32 s0, $0xA;
	s2 =	sadd.s32 s3, s2  }
0x8d: {  	s2 =	sadd.s32 s2, s15  }
0x8e: {  	[smem:$0x3FA5] =	sst s2  }
0x8f: {  	_ = 	snop  }
0x90: {  	s2 =	sld [smem:$0x3FD0];
	_ =	sdelay $0x2  }
0x91: {  	s16 =	simm.s32 $0xA;
	s4 =	simm.s32 $0x10  }
0x92: {  	[smem:s4], [sflag:s16] =	dma.local [hbm:s2], $0x1  }
0x93: {  	_ =	swait.eq [sflag:s16], $0x1  }
0x94: {  	s17 =	sld [smem:$0x10]  }
0x95: {  	s18 =	sld [smem:$0x12];
	[sflag:s16] =	ssyncset.done $0x0  }
0x96: {  	s5 =	sld [smem:$0x14];
	[sflag:s16] =	ssyncadd.s32 $0xFFFFFFFF  }
0x97: {  	s19 =	sld [smem:$0x15];
	(tm) =	ssettm $0x1  }
0x98: {  	s6 =	sld [smem:$0x3FFB];
	_ =	sdelay $0x3  }
0x99: {  	_ =	strace s6  }
0x9a: {  	s6 =	sld [smem:$0x3FFC];
	_ =	sdelay $0x3  }
0x9b: {  	_ =	strace s6  }
0x9c: {  	s6 =	sld [smem:$0x3FFD];
	_ =	sdelay $0x3  }
0x9d: {  	_ =	strace s6  }
0x9e: {  	_ =	strace $0x8FFFFFFF  }
0x9f: {  	s20 =	sld [smem:$0x3FDB];
	_ =	sdelay $0x1  }
0xa0: {  	s7 =	simm.s32 $_scs_section_size  }
0xa1: {  	s8 =	simm.s32 $_size__tile_overlayer_lowered;
	s9 =	simm.s32 $_tile_overlayer_lowered  }
0xa2: {  	s23 =	simm.s32 $0x1BFF;
	s22 =	sshll.u32 s9, $0x1;
	s6 =	sadd.s32 s7, s20  }
0xa3: {  	s10 =	simm.s32 $0x0;
	s21 =	sshll.u32 s8, $0x1;
	s8 =	sadd.s32 s22, s6  }
0xa4: {  	[timem:s10], [sflag:s23] =	dma.local [hbm:s8], s21  }
0xa5: {  	_ =	swait.ge [sflag:s23], s21  }
0xa6: {  	s7 =	ssub.s32 $0x0, s21;
	[sflag:s23] =	ssyncset.done $0x0  }
0xa7: {  	[sflag:s23] =	ssyncadd.s32 s7;
	_ =	sdelay $0x1  }
0xa8: {  	s24 =	simm.s32 $0x1B8B  }
0xa9: {  	_ =	swait.ge [sflag:s24], $0x1  }
0xaa: {  	[sflag:s24] =	ssyncset.done $0x0  }
0xab: {  	s25 =	simm.s32 $0x1B8E;
	[sflag:s24] =	ssyncadd.s32 $0xFFFFFFFF  }
0xac: {  	s26 =	simm.s32 $execute0_lowered;
	[smem:$0x3FD2] =	sst s25  }
0xad: {  	s7 =	sshll.u32 s26, $0x1;
	_ =	strace $0x80000046;
	[dreg:$0x1] =	wrdreg $0xFFFFFFFF  }
0xae: {  	s28 =	simm.s32 $_size_execute0_lowered;
	s6 =	sadd.s32 s6, s7;
	[dreg:$0x0] =	wrdreg $0x0  }
0xaf: {  	s7 =	sshll.u32 s28, $0x1;
	[dreg:$0x2] =	wrdreg s6  }
0xb0: {  	[dreg:$0x3] =	wrdreg s7  }
0xb1: {  	[dreg:$0x4] =	wrdreg $0xC0  }
0xb2: {  	_ =	task [dreg:s10], $0x5FFFF  }
0xb3: {  	[dreg:$0x1] =	wrdreg $0xFFFFFFFF  }
0xb4: {  	[dreg:$0x0] =	wrdreg $0x60  }
0xb5: {  	[dreg:$0x2] =	wrdreg s19  }
0xb6: {  	[dreg:$0x3] =	wrdreg s17  }
0xb7: {  	[dreg:$0x4] =	wrdreg s5  }
0xb8: {  	[dreg:$0x5] =	wrdreg s18  }
0xb9: {  	[dreg:$0x6] =	wrdreg $0x9  }
0xba: {  	_ =	task.clear_ibuf [dreg:s10], $0x7FFFF;
	_ =	strace $0x90000046  }
0xbb: {  	s29 =	simm.s32 $0x9;
	_ =	strace $0x80000048  }
0xbc: {  	_ =	swait.ge [sflag:s29], $0x1  }
0xbd: {  	[sflag:s29] =	ssyncadd.s32 $0xFFFFFFFF  }
0xbe: {  	_ =	strace $0x90000048  }
0xbf: {  	_ =	sfence  }
0xc0: {  	s30 =	sld [smem:$0x0];
	_ =	sdelay $0x2  }
0xc1: {  	s31 =	sshll.u32 s1, $0xD;
	s1 =	sshrl.u32 s1, $0x2  }
0xc2: {  	s3 =	sand.u32 $0x4000, s31;
	s1 =	sadd.s32 s1, s30  }
0xc3: {  	s0 =	sor.u32 s3, s0;
	s1 =	sshll.u32 s1, $0x11  }
0xc4: {  	s0 =	sor.u32 s1, s0  }
0xc5: {  	s0 =	sadd.s32 $0x8F2B, s0  }
0xc6: {  	[sflag:s0] =	ssyncadd.remote.s32 $0x1  }
0xc7: {  	_ =	sfence.sel $0xFFFF  }
0xc8: {  	[dreg:$0x0] =	wrdreg $0xFFFFFFFF;
	(pc) =	sbr.abs _section_cstart, $3  }
0xc9: {  	[dreg:$0x1] =	wrdreg $0xFFFFFFFF  }
0xca: {  	_ =	task.clear_ibuf [dreg:s10], $0x2FFFF;
	_ =	strace $0x9FFFFFFF  }
0xcb: {  	(tm) =	ssettm $0x7FFFFFFF  }
tec
execute0_lowered:
.L_overlay_start_1:
0x0: {  	(tag) =	ssettag $0x1  }
0x1: {  	s1 =	stileid.u32  }
0x2: {  	s11 =	rddreg [dreg:$0x0];
	p0 =	sgt.u32 s1, $0x1  }
.Ltmp0:
0x3: {  	s4 =	rddreg [dreg:$0x1];
	(pc) =	sbr.rel @p0 .LBB2_7-.Ltmp0, $4  }
0x4: {  	s3 =	rddreg [dreg:$0x2]  }
0x5: {  	s10 =	rddreg [dreg:$0x3];
	s2 =	simm.s32 $0x0  }
0x6: {  	[smem:$0x7FF] =	sst s2  }
0x7: {  	s0 =	rddreg [dreg:$0x4];
	_ =	strace $0x80000047  }
0x8: {  	s5 =	srdreg.scid  }
0x9: {  	s31 =	sshll.u32 s1, $0x1;
	s16 =	simm.s32 $0x4010;
	s17 =	simm.s32 $0x4820  }
0xa: {  	s18 =	simm.s32 $0x5030;
	s19 =	simm.s32 $0x5840;
	s9 =	sand.u32 $0x1, s5  }
0xb: {  	s20 =	simm.s32 $0x6050;
	s21 =	simm.s32 $0x6860;
	s12 =	sor.u32 s9, s31  }
0xc: {  	s22 =	simm.s32 $0x0;
	s13 =	ssub.s32 $0x2, s9;
	s5 =	smul.u32 $0x600, s12  }
0xd: {  	s6 =	sshll.u32 s12, $0xB;
	s14 =	sshll.u32 s12, $0x1;
	s15 =	sshrl.u32 s13, $0x1  }
0xe: {  	s12 =	sshll.u32 s12, $0x8;
	s3 =	sadd.s32 s3, s6;
	s10 =	sadd.s32 s10, s14  }
0xf: {  	s13 =	ssub.s32 s13, s15;
	s11 =	sadd.s32 s11, s12;
	s14 =	simm.s32 $0x800  }
0x10: {  	s15 =	simm.s32 $0x3800;
	s4 =	sadd.s32 s4, s5;
	s5 =	sadd.s32 $0x100, s3  }
0x11: {  	s6 =	sadd.s32 $0x200, s3;
	s7 =	sadd.s32 $0x300, s3;
	s8 =	sadd.s32 $0x400, s3  }
0x12: {  	v0 =	vimm.s32 $0x0;
	s9 =	sadd.s32 $0x500, s3;
	s12 =	smax.u32 s13, $0x1;
	s13 =	simm.s32 $0x1  }
.LBB2_2:
0x13: {  	s23 =	simm.s32 $0x0  }
0x14: {  	[tilespmem:s23], [sflag:$0x1] =	stream.linear.gather [hbm4b:s11+s23], $0x800, $0x38;
	[tilespmem:$0x6870] =	vst v63  }
0x15: {  	_ =	swait.ge [sflag:s13], $0x800  }
0x16: {  	[sflag:s13] =	ssyncset.done $0x0  }
0x17: {  	[sflag:s13] =	ssyncadd.s32 $0xFFFFF800  }
0x18: {  	[tilespmem:s14], [sflag:$0x1] =	stream.linear.gather [hbm4b:s4+s23], $0x3000, $0x38;
	[tilespmem:$0x6870] =	vst v63  }
0x19: {  	_ =	swait.ge [sflag:s13], $0x3000  }
0x1a: {  	[sflag:s13] =	ssyncset.done $0x0  }
0x1b: {  	s24 =	simm.s32 $0x40;
	s25 =	simm.s32 $0x0;
	[sflag:s13] =	ssyncadd.s32 $0xFFFFD000  }
.LBB2_3:
0x1c: {  	p0 =	sne.s32 s24, $0xC140;
	[tilespmem:s25+$0x3800] =	vst v0;
	s25 =	smov.u32 s24;
	s24 =	sadd.s32 $0x40, s24  }
.Ltmp1:
0x1d: {  	(pc) =	sbr.rel @p0 .LBB2_3-.Ltmp1, $2  }
0x1e: {  	_ =	sdelay $0x2  }
0x1f: {  	s25 =	sshra.s32 s25, $0x2  }
0x20: {  	[tilespmem:s25+$0x3800] =	vst v0;
	s26 =	simm.s32 $0x0  }
0x21: {  	v1 =	vld [tilespmem:s26+$0x0];
	_ =	sdelay $0x4  }
0x22: {  	vm0 =	vgt.f32 v1, $5.000000000e-01  }
0x23: {  	v1 =	vsel vm0, $0x1, v0  }
0x24: {  	(xrf0) =	vadd.scan.msk.s32 $0xffff, v1;
	_ =	sdelay $0x5  }
0x25: {  	v1, _, _ =	vpop (xrf0)  }
0x26: {  	v2 =	vadd.s32 s23, v1  }
0x27: {  	v4 =	vld [tilespmem:s26+$0x800];
	v3 =	vadd.s32 $0xFFFFFFFF, v2;
	_ =	sdelay $0x4  }
0x28: {  	[tilespmem:v3+s15+$0x0] =	vst.idx.msk vm0, v4  }
0x29: {  	v62 =	vadd.s32 $0x80F, v2;
	v3 =	vld [tilespmem:s26+$0x1000];
	_ =	sdelay $0x4  }
0x2a: {  	[tilespmem:v62+s15+$0x0] =	vst.idx.msk vm0, v3  }
0x2b: {  	v63 =	vadd.s32 $0x101F, v2;
	v3 =	vld [tilespmem:s26+$0x1800];
	_ =	sdelay $0x1  }
0x2c: {  	(v2sf) =	vpush v1, $0xF;
	_ =	sdelay $0x2  }
0x2d: {  	[tilespmem:v63+s15+$0x0] =	vst.idx.msk vm0, v3  }
0x2e: {  	v3 =	vadd.s32 $0x182F, v2;
	v1 =	vld [tilespmem:s26+$0x2000];
	_ =	sdelay $0x4  }
0x2f: {  	[tilespmem:v3+s15+$0x0] =	vst.idx.msk vm0, v1  }
0x30: {  	v3 =	vadd.s32 $0x203F, v2;
	v1 =	vld [tilespmem:s26+$0x2800];
	_ =	sdelay $0x4  }
0x31: {  	s31 =	spop (v2sf);
	[tilespmem:v3+s15+$0x0] =	vst.idx.msk vm0, v1  }
0x32: {  	s24 =	simm.s32 $0x40;
	s25 =	simm.s32 $0x80;
	s23 =	sadd.s32 $0x0, s31;
	v2 =	vadd.s32 $0x284F, v2;
	v1 =	vld [tilespmem:s26+$0x3000]  }
.LBB2_5:
0x33: {  	_ =	sdelay $0x2  }
0x34: {  	p0 =	sne.s32 s25, $0x1FC0  }
0x35: {  	s26 =	sshra.s32 s24, $0x2;
	s24 =	smov.u32 s25;
	s25 =	sadd.s32 $0x40, s25;
	[tilespmem:v2+s15+$0x0] =	vst.idx.msk vm0, v1  }
0x36: {  	v1 =	vld [tilespmem:s26+$0x0];
	_ =	sdelay $0x4  }
0x37: {  	vm0 =	vgt.f32 v1, $5.000000000e-01  }
0x38: {  	v1 =	vsel vm0, $0x1, v0  }
0x39: {  	(xrf0) =	vadd.scan.msk.s32 $0xffff, v1;
	_ =	sdelay $0x5  }
0x3a: {  	v1, _, _ =	vpop (xrf0)  }
0x3b: {  	v2 =	vadd.s32 s23, v1;
	(v2sf) =	vpush v1, $0xF  }
0x3c: {  	v1 =	vadd.s32 $0xFFFFFFFF, v2;
	v3 =	vld [tilespmem:s26+$0x800];
	_ =	sdelay $0x4  }
0x3d: {  	[tilespmem:v1+s15+$0x0] =	vst.idx.msk vm0, v3  }
0x3e: {  	v3 =	vadd.s32 $0x80F, v2;
	v1 =	vld [tilespmem:s26+$0x1000];
	_ =	sdelay $0x4  }
0x3f: {  	[tilespmem:v3+s15+$0x0] =	vst.idx.msk vm0, v1  }
0x40: {  	v3 =	vadd.s32 $0x101F, v2;
	v1 =	vld [tilespmem:s26+$0x1800];
	_ =	sdelay $0x1  }
0x41: {  	s28 =	spop (v2sf)  }
0x42: {  	s23 =	sadd.s32 s23, s28;
	_ =	sdelay $0x1  }
0x43: {  	[tilespmem:v3+s15+$0x0] =	vst.idx.msk vm0, v1  }
0x44: {  	v3 =	vadd.s32 $0x182F, v2;
	v1 =	vld [tilespmem:s26+$0x2000];
	_ =	sdelay $0x4  }
0x45: {  	[tilespmem:v3+s15+$0x0] =	vst.idx.msk vm0, v1  }
0x46: {  	v3 =	vadd.s32 $0x203F, v2;
	v1 =	vld [tilespmem:s26+$0x2800];
	_ =	sdelay $0x1  }
.Ltmp2:
0x47: {  	(pc) =	sbr.rel @p0 .LBB2_5-.Ltmp2, $3  }
0x48: {  	_ =	sdelay $0x1  }
0x49: {  	[tilespmem:v3+s15+$0x0] =	vst.idx.msk vm0, v1  }
0x4a: {  	v2 =	vadd.s32 $0x284F, v2;
	v1 =	vld [tilespmem:s26+$0x3000]  }
0x4b: {  	_ =	sdelay $0x4  }
0x4c: {  	s24 =	sshra.s32 s24, $0x2;
	[tilespmem:v2+s15+$0x0] =	vst.idx.msk vm0, v1  }
0x4d: {  	v1 =	vld [tilespmem:s24+$0x0];
	_ =	sdelay $0x4  }
0x4e: {  	vm15 =	vgt.f32 v1, $5.000000000e-01  }
0x4f: {  	v1 =	vsel vm15, $0x1, v0  }
0x50: {  	(xrf0) =	vadd.scan.msk.s32 $0xffff, v1;
	_ =	sdelay $0x5  }
0x51: {  	v1, _, _ =	vpop (xrf0)  }
0x52: {  	v2 =	vadd.s32 s23, v1  }
0x53: {  	v4 =	vld [tilespmem:s24+$0x800];
	v3 =	vadd.s32 $0xFFFFFFFF, v2;
	_ =	sdelay $0x4  }
0x54: {  	[tilespmem:v3+s15+$0x0] =	vst.idx.msk vm15, v4  }
0x55: {  	v62 =	vadd.s32 $0x80F, v2;
	v3 =	vld [tilespmem:s24+$0x1000];
	_ =	sdelay $0x4  }
0x56: {  	[tilespmem:v62+s15+$0x0] =	vst.idx.msk vm15, v3  }
0x57: {  	v63 =	vadd.s32 $0x101F, v2;
	v3 =	vld [tilespmem:s24+$0x1800];
	_ =	sdelay $0x4  }
0x58: {  	[tilespmem:v63+s15+$0x0] =	vst.idx.msk vm15, v3  }
0x59: {  	(v2sf) =	vpush v1, $0xF;
	v3 =	vadd.s32 $0x182F, v2;
	v1 =	vld [tilespmem:s24+$0x2000];
	_ =	sdelay $0x4  }
0x5a: {  	[tilespmem:v3+s15+$0x0] =	vst.idx.msk vm15, v1  }
0x5b: {  	v3 =	vadd.s32 $0x203F, v2;
	v1 =	vld [tilespmem:s24+$0x2800];
	_ =	sdelay $0x4  }
0x5c: {  	[tilespmem:v3+s15+$0x0] =	vst.idx.msk vm15, v1  }
0x5d: {  	v2 =	vadd.s32 $0x284F, v2;
	v1 =	vld [tilespmem:s24+$0x3000];
	_ =	sdelay $0x2  }
0x5e: {  	s30 =	spop (v2sf)  }
0x5f: {  	s31 =	sadd.s32 s23, s30  }
0x60: {  	[tilespmem:v2+s15+$0x0] =	vst.idx.msk vm15, v1;
	v1 =	vmov s31  }
0x61: {  	[tilespmem:$0x6860] =	vst v1  }
0x62: {  	[hbm4b:s3+s2] =	stream.linear.scatter [tilespmem:s15], [sflag:$0x1], $0x800, $0x38;
	[tilespmem:$0x6870] =	vst v63  }
0x63: {  	_ =	swait.ge [sflag:s13], $0x800  }
0x64: {  	[sflag:s13] =	ssyncset.done $0x0  }
0x65: {  	[sflag:s13] =	ssyncadd.s32 $0xFFFFF800  }
0x66: {  	[hbm4b:s5+s2] =	stream.linear.scatter [tilespmem:s16], [sflag:$0x1], $0x800, $0x38;
	[tilespmem:$0x6870] =	vst v63  }
0x67: {  	_ =	swait.ge [sflag:s13], $0x800  }
0x68: {  	[sflag:s13] =	ssyncset.done $0x0  }
0x69: {  	[sflag:s13] =	ssyncadd.s32 $0xFFFFF800  }
0x6a: {  	[hbm4b:s6+s2] =	stream.linear.scatter [tilespmem:s17], [sflag:$0x1], $0x800, $0x38;
	[tilespmem:$0x6870] =	vst v63  }
0x6b: {  	_ =	swait.ge [sflag:s13], $0x800  }
0x6c: {  	[sflag:s13] =	ssyncset.done $0x0  }
0x6d: {  	[sflag:s13] =	ssyncadd.s32 $0xFFFFF800  }
0x6e: {  	[hbm4b:s7+s2] =	stream.linear.scatter [tilespmem:s18], [sflag:$0x1], $0x800, $0x38;
	[tilespmem:$0x6870] =	vst v63  }
0x6f: {  	_ =	swait.ge [sflag:s13], $0x800  }
0x70: {  	[sflag:s13] =	ssyncset.done $0x0  }
0x71: {  	[sflag:s13] =	ssyncadd.s32 $0xFFFFF800  }
0x72: {  	[hbm4b:s8+s2] =	stream.linear.scatter [tilespmem:s19], [sflag:$0x1], $0x800, $0x38;
	[tilespmem:$0x6870] =	vst v63  }
0x73: {  	_ =	swait.ge [sflag:s13], $0x800  }
0x74: {  	[sflag:s13] =	ssyncset.done $0x0  }
0x75: {  	[sflag:s13] =	ssyncadd.s32 $0xFFFFF800  }
0x76: {  	[hbm4b:s9+s2] =	stream.linear.scatter [tilespmem:s20], [sflag:$0x1], $0x800, $0x38;
	[tilespmem:$0x6870] =	vst v63  }
0x77: {  	s22 =	sadd.s32 $0x1, s22;
	_ =	swait.ge [sflag:s13], $0x800  }
0x78: {  	p0 =	sne.s32 s22, s12;
	[sflag:s13] =	ssyncset.done $0x0  }
.Ltmp3:
0x79: {  	[sflag:s13] =	ssyncadd.s32 $0xFFFFF800;
	(pc) =	sbr.rel @p0 .LBB2_2-.Ltmp3, $4  }
0x7a: {  	[hbm4b:s10+s2] =	stream.linear.scatter [tilespmem:s21], [sflag:$0x1], $0x10, $0x38;
	[tilespmem:$0x6870] =	vst v63  }
0x7b: {  	_ =	swait.ge [sflag:s13], $0x10  }
0x7c: {  	[sflag:s13] =	ssyncset.done $0x0  }
0x7d: {  	[sflag:s13] =	ssyncadd.s32 $0xFFFFFFF0  }
.LBB2_7:
0x7e: {  	_ =	sfence.sel $0x180000  }
0x7f: {  	[bflag:$0x0] =	sbarrier.arrive $0xFFFF  }
0x80: {  	p0 =	sne.s32 s1, $0x0;
	_ =	strace $0x90000047  }
0x81: {  	s0 =	sadd.s32 @!p0 $0x100000, s0;
	[bflag:$0x2] =	sbarrier.arrive $0xFFFF  }
0x82: {  	[sflag:s0] =	ssyncadd.tile.s32 @!p0 $0x1;
	_ =	shalt  }
.Lfunc_end2:
_tile_overlayer_lowered:
.L_overlay_start_2:
0x83: {  	(tag) =	ssettag $0x2  }
0x84: {  	s0 =	rddreg [dreg:$0x0];
	s2 =	stileid.u32  }
0x85: {  	s1 =	rddreg [dreg:$0x1];
	p0 =	sne.s32 s2, $0x0  }
0x86: {  	s3 =	rddreg [dreg:$0x2];
	[bflag:$0x3] =	sbarrier.arrive $0xFFFF;
	s2 =	simm.s32 @!p0 $0x1C01  }
0x87: {  	[timem:s3], [sflag:s2] =	dma.local @!p0 [hbm:s0], s1  }
0x88: {  	s0 =	simm.s32 @!p0 $0x1  }
0x89: {  	_ =	swait.ge @!p0 [sflag:s0], s1  }
0x8a: {  	s1 =	ssub.s32 @!p0 $0x0, s1;
	[sflag:s0] =	ssyncset.done @!p0 $0x0  }
0x8b: {  	[sflag:s0] =	ssyncadd.s32 @!p0 s1  }
0x8c: {  	[bflag:$0x3] =	sbarrier.arrive $0xFFFF  }
0x8d: {  	_ =	shalt  }

</sc_bundles>
